<compile_context>
chip_gen: v7x
topology: tpu7x:2x2x1
jax: 0.10.2.dev20260603
libtpu: 0.0.44.dev20260713+nightly
codegen_flags: <defaults>
</compile_context>

<pallas_src>
import jax
import jax.numpy as jnp
from jax import lax
from jax.experimental import pallas as pl
from jax.experimental.pallas import tpu as pltpu
from jax.experimental.pallas import tpu_sc as plsc

_SLOPE = (1.0 / 8.0 + 1.0 / 3.0) / 2.0
_EPS = 1e-5

_NC = 2
_NS = 16
_NW = _NC * _NS
_CH = 128


def _rrelu(v):
    return jnp.where(v >= 0, v, _SLOPE * v)


def _bd(blk, k):
    return jnp.kron(jnp.eye(k, dtype=blk.dtype), blk)


def _tile(v, k):
    return jnp.tile(v, k).reshape(1, -1)



def _sc_mesh():
    return plsc.VectorSubcoreMesh(core_axis_name="c", subcore_axis_name="s")


_SC_PARAMS = pltpu.CompilerParams(use_tc_tiling_on_sc=False)


def _build_gather(D, P, NPad):
    chunks = P // (_NW * _CH)
    per_w = chunks * _CH
    rpt = NPad // _NS

    def body(table, idx3, out, idx_v, rows_v, tab_sh, gsem):
        cid = lax.axis_index("c")
        sid = lax.axis_index("s")
        wid = sid * _NC + cid
        pltpu.async_copy(idx3.at[wid], idx_v, gsem)
        pltpu.sync_copy(table.at[pl.ds(sid * rpt, rpt)],
                        tab_sh.at[pl.ds(sid * rpt, rpt)])
        plsc.subcore_barrier()
        pltpu.make_async_copy(idx3.at[wid], idx_v, gsem).wait()

        def fire(j, c):
            pltpu.async_copy(tab_sh.at[idx_v.at[j]],
                             rows_v.at[pl.ds(j * _CH, _CH)], gsem)
            return c

        lax.fori_loop(0, chunks, fire, 0)

        def drain(j, c):
            pltpu.make_async_copy(tab_sh.at[idx_v.at[0]],
                                  rows_v.at[pl.ds(0, _CH)], gsem).wait()
            return c

        lax.fori_loop(0, chunks, drain, 0)
        pltpu.sync_copy(rows_v, out.at[pl.ds(wid * per_w, per_w)])

    return pl.kernel(
        body,
        out_type=jax.ShapeDtypeStruct((P, D), jnp.float32),
        mesh=_sc_mesh(),
        scratch_types=[
            pltpu.VMEM((chunks, _CH), jnp.int32),
            pltpu.VMEM((per_w, D), jnp.float32),
            pltpu.VMEM_SHARED((NPad, D), jnp.float32),
            pltpu.SemaphoreType.DMA,
        ],
        compiler_params=_SC_PARAMS,
    )


def _build_scatter(D, P, nacc):
    chunks = P // (_NW * _CH)
    per_w = chunks * _CH
    rpt = nacc // _NS

    def body(rows, idx3, zeros, out, idx_v, rows_v, acc_sh, lsem, asem):
        cid = lax.axis_index("c")
        sid = lax.axis_index("s")
        wid = sid * _NC + cid
        pltpu.async_copy(idx3.at[wid], idx_v, lsem)
        pltpu.async_copy(rows.at[pl.ds(wid * per_w, per_w)], rows_v, lsem)
        pltpu.sync_copy(zeros.at[pl.ds(sid * rpt, rpt)],
                        acc_sh.at[pl.ds(sid * rpt, rpt)])
        plsc.subcore_barrier()
        pltpu.make_async_copy(idx3.at[wid], idx_v, lsem).wait()
        pltpu.make_async_copy(rows.at[pl.ds(wid * per_w, per_w)], rows_v,
                              lsem).wait()

        def fire(j, c):
            pltpu.async_copy(rows_v.at[pl.ds(j * _CH, _CH)],
                             acc_sh.at[idx_v.at[j]], asem, add=True)
            return c

        lax.fori_loop(0, chunks, fire, 0)

        def drain(j, c):
            pltpu.make_async_copy(rows_v.at[pl.ds(0, _CH)],
                                  acc_sh.at[idx_v.at[0]], asem).wait()
            return c

        lax.fori_loop(0, chunks, drain, 0)
        plsc.subcore_barrier()
        pltpu.sync_copy(acc_sh.at[pl.ds(sid * rpt, rpt)],
                        out.at[cid, pl.ds(sid * rpt, rpt)])

    return pl.kernel(
        body,
        out_type=jax.ShapeDtypeStruct((_NC, nacc, D), jnp.float32),
        mesh=_sc_mesh(),
        scratch_types=[
            pltpu.VMEM((chunks, _CH), jnp.int32),
            pltpu.VMEM((per_w, D), jnp.float32),
            pltpu.VMEM_SHARED((nacc, D), jnp.float32),
            pltpu.SemaphoreType.DMA,
            pltpu.SemaphoreType.DMA,
        ],
        compiler_params=_SC_PARAMS,
    )


def _build_counts(P1, P2, nacc):
    chunks1 = P1 // (_NW * _CH)
    chunks2 = P2 // (_NW * _CH)
    rpt = nacc // _NS

    def body(idx3a, idx3b, ones16, ones32, zeros16, zeros32, out1, out2,
             idxa_v, idxb_v, onesa_v, onesb_v, acca_sh, accb_sh,
             lsem, asem):
        cid = lax.axis_index("c")
        sid = lax.axis_index("s")
        wid = sid * _NC + cid
        pltpu.async_copy(idx3a.at[wid], idxa_v, lsem)
        pltpu.async_copy(idx3b.at[wid], idxb_v, lsem)
        pltpu.sync_copy(ones16, onesa_v)
        pltpu.sync_copy(ones32, onesb_v)
        pltpu.sync_copy(zeros16.at[pl.ds(sid * rpt, rpt)],
                        acca_sh.at[pl.ds(sid * rpt, rpt)])
        pltpu.sync_copy(zeros32.at[pl.ds(sid * rpt, rpt)],
                        accb_sh.at[pl.ds(sid * rpt, rpt)])
        plsc.subcore_barrier()
        pltpu.make_async_copy(idx3a.at[wid], idxa_v, lsem).wait()
        pltpu.make_async_copy(idx3b.at[wid], idxb_v, lsem).wait()

        def fire_a(j, c):
            pltpu.async_copy(onesa_v, acca_sh.at[idxa_v.at[j]], asem,
                             add=True)
            return c

        def fire_b(j, c):
            pltpu.async_copy(onesb_v, accb_sh.at[idxb_v.at[j]], asem,
                             add=True)
            return c

        lax.fori_loop(0, chunks1, fire_a, 0)
        lax.fori_loop(0, chunks2, fire_b, 0)

        def drain_a(j, c):
            pltpu.make_async_copy(onesa_v, acca_sh.at[idxa_v.at[0]],
                                  asem).wait()
            return c

        def drain_b(j, c):
            pltpu.make_async_copy(onesb_v, accb_sh.at[idxb_v.at[0]],
                                  asem).wait()
            return c

        lax.fori_loop(0, chunks1, drain_a, 0)
        lax.fori_loop(0, chunks2, drain_b, 0)
        plsc.subcore_barrier()
        pltpu.sync_copy(acca_sh.at[pl.ds(sid * rpt, rpt)],
                        out1.at[cid, pl.ds(sid * rpt, rpt)])
        pltpu.sync_copy(accb_sh.at[pl.ds(sid * rpt, rpt)],
                        out2.at[cid, pl.ds(sid * rpt, rpt)])

    return pl.kernel(
        body,
        out_type=[jax.ShapeDtypeStruct((_NC, nacc, 16), jnp.float32),
                  jax.ShapeDtypeStruct((_NC, nacc, 32), jnp.float32)],
        mesh=_sc_mesh(),
        scratch_types=[
            pltpu.VMEM((chunks1, _CH), jnp.int32),
            pltpu.VMEM((chunks2, _CH), jnp.int32),
            pltpu.VMEM((_CH, 16), jnp.float32),
            pltpu.VMEM((_CH, 32), jnp.float32),
            pltpu.VMEM_SHARED((nacc, 16), jnp.float32),
            pltpu.VMEM_SHARED((nacc, 32), jnp.float32),
            pltpu.SemaphoreType.DMA,
            pltpu.SemaphoreType.DMA,
        ],
        compiler_params=_SC_PARAMS,
    )



def _full(shape):
    return pl.BlockSpec(shape, lambda *_: tuple(0 for _ in shape))


def _node_prologue(x_p, gx_t, bx_t, WnBD, bn_t):
    r = x_p.shape[0]

    def body(x_ref, g_ref, b_ref, w_ref, bn_ref, o_ref):
        xb = x_ref[...] * (g_ref[...] * (1.0 / jnp.sqrt(1.0 + _EPS))) \
            + b_ref[...]
        o_ref[...] = _rrelu(
            jnp.dot(xb, w_ref[...], preferred_element_type=jnp.float32)
            + bn_ref[...])

    return pl.pallas_call(
        body,
        grid=(1,),
        in_specs=[_full(x_p.shape), _full(gx_t.shape), _full(bx_t.shape),
                  _full(WnBD.shape), _full(bn_t.shape)],
        out_specs=pl.BlockSpec((r, 256), lambda i: (0, 0)),
        out_shape=jax.ShapeDtypeStruct((r, 256), jnp.float32),
    )(x_p, gx_t, bx_t, WnBD, bn_t)


def _edge_conv1(xj_p, eattr_p, WeExp, beExp, VallBD, CBD, br):
    rp = xj_p.shape[0]
    ka = eattr_p.shape[1]
    bf = jnp.bfloat16

    def body(x_ref, e_ref, w_ref, b_ref, v_ref, c_ref, o_ref):
        eaexp = _rrelu(jnp.dot(e_ref[...].astype(bf), w_ref[...],
                               preferred_element_type=jnp.float32)
                       + b_ref[...])
        proj = jnp.dot(x_ref[...].astype(bf), v_ref[...],
                       preferred_element_type=jnp.float32)
        o_ref[...] = jnp.dot((eaexp * proj).astype(bf), c_ref[...],
                             preferred_element_type=jnp.float32)

    return pl.pallas_call(
        body,
        grid=(rp // br,),
        in_specs=[
            pl.BlockSpec((br, 128), lambda i: (i, 0)),
            pl.BlockSpec((br, ka), lambda i: (i, 0)),
            _full(WeExp.shape), _full(beExp.shape),
            _full(VallBD.shape), _full(CBD.shape),
        ],
        out_specs=pl.BlockSpec((br, 128), lambda i: (i, 0)),
        out_shape=jax.ShapeDtypeStruct((rp, 128), jnp.float32),
    )(xj_p, eattr_p, WeExp.astype(bf), beExp.astype(bf),
      VallBD.astype(bf), CBD.astype(bf))


def _edge_conv2(xj_p, ea_p, BexpBD, VallBD, CBD, br):
    rp = xj_p.shape[0]
    ka = ea_p.shape[1]

    bf = jnp.bfloat16

    def body(x_ref, e_ref, bx_ref, v_ref, c_ref, o_ref):
        eaexp = jnp.dot(e_ref[...].astype(bf), bx_ref[...],
                        preferred_element_type=jnp.float32)
        proj = jnp.dot(x_ref[...].astype(bf), v_ref[...],
                       preferred_element_type=jnp.float32)
        o_ref[...] = jnp.dot((eaexp * proj).astype(bf), c_ref[...],
                             preferred_element_type=jnp.float32)

    return pl.pallas_call(
        body,
        grid=(rp // br,),
        in_specs=[
            pl.BlockSpec((br, 128), lambda i: (i, 0)),
            pl.BlockSpec((br, ka), lambda i: (i, 0)),
            _full(BexpBD.shape), _full(VallBD.shape), _full(CBD.shape),
        ],
        out_specs=pl.BlockSpec((br, 128), lambda i: (i, 0)),
        out_shape=jax.ShapeDtypeStruct((rp, 128), jnp.float32),
    )(xj_p, ea_p, BexpBD.astype(bf), VallBD.astype(bf), CBD.astype(bf))


def _gru_update(accp, cntp, h_p, cb_t, Wi_r, Wi_z, Wi_n, Wh_r, Wh_z, Wh_n,
                bi_t, bh_t, d, mlp=None):
    R, L = h_p.shape
    outL = 2 * L if mlp is not None else L
    if mlp is not None:
        g1_t, b1_t, Wl1BD, bl1_t, Wl2BD, bl2_t = mlp

    def body(*refs):
        if mlp is not None:
            (a_ref, c_ref, h_ref, cb_ref, wir, wiz, win, whr, whz, whn,
             bi_ref, bh_ref, g1r, b1r, w1r, b1br, w2r, b2br, o_ref) = refs
        else:
            (a_ref, c_ref, h_ref, cb_ref, wir, wiz, win, whr, whz, whn,
             bi_ref, bh_ref, o_ref) = refs
        acc = a_ref[0] + a_ref[1]
        cnt = c_ref[0] + c_ref[1]
        m = _rrelu(acc / jnp.maximum(cnt, 1.0) + cb_ref[...])
        hv = h_ref[...]

        def mm(a, w):
            return jnp.dot(a, w[...], preferred_element_type=jnp.float32)

        bi = bi_ref[...]
        bh = bh_ref[...]
        r = jax.nn.sigmoid(mm(m, wir) + bi[:, 0:L]
                           + mm(hv, whr) + bh[:, 0:L])
        z = jax.nn.sigmoid(mm(m, wiz) + bi[:, L:2 * L]
                           + mm(hv, whz) + bh[:, L:2 * L])
        nn = jnp.tanh(mm(m, win) + bi[:, 2 * L:]
                      + r * (mm(hv, whn) + bh[:, 2 * L:]))
        hnew = (1.0 - z) * nn + z * hv
        if mlp is not None:
            xb = hnew * (g1r[...] * (1.0 / jnp.sqrt(1.0 + _EPS))) + b1r[...]
            t = _rrelu(mm(xb, w1r) + b1br[...])
            o_ref[...] = _rrelu(mm(t, w2r) + b2br[...])
        else:
            o_ref[...] = hnew

    args = [accp, cntp, h_p, cb_t, Wi_r, Wi_z, Wi_n, Wh_r, Wh_z, Wh_n,
            bi_t, bh_t]
    if mlp is not None:
        args += [g1_t, b1_t, Wl1BD, bl1_t, Wl2BD, bl2_t]
    in_specs = ([pl.BlockSpec((_NC, R, L), lambda i: (0, 0, 0)),
                 pl.BlockSpec((_NC, R, L), lambda i: (0, 0, 0)),
                 _full(h_p.shape)]
                + [_full(a.shape) for a in args[3:]])
    return pl.pallas_call(
        body,
        grid=(1,),
        in_specs=in_specs,
        out_specs=pl.BlockSpec((R, outL), lambda i: (0, 0)),
        out_shape=jax.ShapeDtypeStruct((R, outL), jnp.float32),
    )(*args)


def _readout(rows_p, ea3_p, gparts, wparts, G, WlbBD, br):
    r3 = ea3_p.shape[0]
    gA, bA, gB, bB, gC, bC = gparts
    wA, wB, wC = wparts

    def body(t0_ref, t1_ref, e_ref, gar, bar, gbr, bbr, gcr, bcr,
             war, wbr, wcr, g_ref, wlb_ref, o_ref):
        t0 = t0_ref[...]
        t1 = t1_ref[...]
        s = 1.0 / jnp.sqrt(1.0 + _EPS)
        yA = (0.5 * (t0 + t1)) * (gar[...] * s) + bar[...]
        yB = (t0 * t1) * (gbr[...] * s) + bbr[...]
        yC = ((t0 - t1) ** 2) * (gcr[...] * s) + bcr[...]
        ev = e_ref[...]

        def mm(a, w):
            return jnp.dot(a, w[...], preferred_element_type=jnp.float32)

        acc = yA * mm(ev, war) + yB * mm(ev, wbr) + yC * mm(ev, wcr)
        o_ref[...] = mm(acc, g_ref) + mm(ev, wlb_ref)

    return pl.pallas_call(
        body,
        grid=(r3 // br,),
        in_specs=[
            pl.BlockSpec((br, 128), lambda i: (i, 0)),
            pl.BlockSpec((br, 128), lambda i, o=r3 // br: (i + o, 0)),
            pl.BlockSpec((br, 32), lambda i: (i, 0)),
            _full(gA.shape), _full(bA.shape), _full(gB.shape),
            _full(bB.shape), _full(gC.shape), _full(bC.shape),
            _full(wA.shape), _full(wB.shape), _full(wC.shape),
            _full(G.shape), _full(WlbBD.shape),
        ],
        out_specs=pl.BlockSpec((br, 4), lambda i: (i, 0)),
        out_shape=jax.ShapeDtypeStruct((r3, 4), jnp.float32),
    )(rows_p, rows_p, ea3_p, gA, bA, gB, bB, gC, bC, wA, wB, wC, G, WlbBD)



def _pad_to(n, mult):
    return ((n + mult - 1) // mult) * mult


def kernel(x, edge_index, edge_attr, edge_index3, edge_attr3, gx, bx, Wn,
           bn_, We, be, W1, c1b, Wih1, Whh1, bih1, bhh1, g1, b1, Wl1, bl1,
           Wl2, bl2, W2, c2b, Wih2, Whh2, bih2, bhh2, Wlw, Wlb, gN, bN):
    f32 = jnp.float32
    N = x.shape[0]
    E = edge_index.shape[1]
    E3 = edge_index3.shape[1]
    dim = Wn.shape[0]
    d2 = 2 * dim
    K1 = We.shape[0]
    K2 = edge_attr3.shape[1]
    EB = _NW * _CH

    P1 = _pad_to(E, EB)
    P2 = _pad_to(2 * E3, EB)
    NP = _pad_to(N, 128)
    nacc = _pad_to(NP + 8, 64)
    R1 = NP // 8
    RA1 = nacc * dim // 128
    RA2 = nacc * d2 // 128

    ei = edge_index.astype(jnp.int32)
    ei3 = edge_index3.astype(jnp.int32)
    ch1 = P1 // (_NW * _CH)
    ch2 = P2 // (_NW * _CH)
    src1 = jnp.pad(ei[0], (0, P1 - E)).reshape(_NW, ch1, _CH)
    dst1 = jnp.pad(ei[1], (0, P1 - E),
                   constant_values=NP).reshape(_NW, ch1, _CH)
    src2 = jnp.pad(jnp.concatenate([ei3[0], ei3[1]]),
                   (0, P2 - 2 * E3)).reshape(_NW, ch2, _CH)
    dst2 = jnp.pad(jnp.concatenate([ei3[1], ei3[0]]), (0, P2 - 2 * E3),
                   constant_values=NP).reshape(_NW, ch2, _CH)
    eattr_p = edge_attr.reshape(E // 8, 8 * edge_attr.shape[1])
    ea3_p = edge_attr3.reshape(E3 // 4, 4 * K2)
    ea3f_p = jnp.pad(jnp.concatenate([ea3_p, ea3_p], axis=0),
                     ((0, (P2 - 2 * E3) // 4), (0, 0)))
    x_p = jnp.pad(x, ((0, NP - N), (0, 0))).reshape(NP // 16, 16 * x.shape[1])

    zeros1 = jnp.zeros((nacc, dim), f32)
    zeros2 = jnp.zeros((nacc, d2), f32)
    ones16 = jnp.ones((_CH, 16), f32)
    ones32 = jnp.ones((_CH, 32), f32)

    WnBD = _bd(Wn.T, 16)
    gx_t = _tile(gx, 16)
    bx_t = _tile(bx, 16)
    bn_t = _tile(bn_, 16)
    WeT = jnp.pad(We.T, ((0, 0), (0, 16 - K1)))
    Vall1 = W1.reshape(dim, dim, K1).transpose(0, 2, 1).reshape(dim, K1 * dim)
    Vall2 = W2.reshape(d2, d2, K2).transpose(0, 2, 1).reshape(d2, K2 * d2)
    Bexp1 = (jnp.arange(16)[:, None] ==
             (jnp.arange(K1 * dim) // dim)[None, :]).astype(f32)
    Cred1 = ((jnp.arange(K1 * dim) % dim)[:, None] ==
             jnp.arange(dim)[None, :]).astype(f32)
    Cred2 = ((jnp.arange(K2 * d2) % d2)[:, None] ==
             jnp.arange(d2)[None, :]).astype(f32)
    WeExp = _bd(WeT @ Bexp1, 8)
    beExp = _tile(jnp.pad(be, (0, 16 - K1)) @ Bexp1, 8)
    VallBD1 = _bd(Vall1, 8)
    CBD1 = _bd(Cred1, 8)
    Bexp2s = (jnp.arange(K2)[:, None] ==
              (jnp.arange(K2 * d2) // d2)[None, :]).astype(f32)
    BexpBD2 = _bd(Bexp2s, 4)
    VallBD2 = _bd(Vall2, 4)
    CBD2 = _bd(Cred2, 4)

    def gate_bd(W, d, k):
        WT = W.T
        return (_bd(WT[:, 0:d], k), _bd(WT[:, d:2 * d], k),
                _bd(WT[:, 2 * d:], k))

    Wi1r, Wi1z, Wi1n = gate_bd(Wih1, dim, 8)
    Wh1r, Wh1z, Wh1n = gate_bd(Whh1, dim, 8)
    bi1_t = jnp.concatenate(
        [_tile(bih1[0:dim], 8), _tile(bih1[dim:2 * dim], 8),
         _tile(bih1[2 * dim:], 8)], axis=1)
    bh1_t = jnp.concatenate(
        [_tile(bhh1[0:dim], 8), _tile(bhh1[dim:2 * dim], 8),
         _tile(bhh1[2 * dim:], 8)], axis=1)
    c1b_t = _tile(c1b, 8)
    Wi2r, Wi2z, Wi2n = gate_bd(Wih2, d2, 4)
    Wh2r, Wh2z, Wh2n = gate_bd(Whh2, d2, 4)
    bi2_t = jnp.concatenate(
        [_tile(bih2[0:d2], 4), _tile(bih2[d2:2 * d2], 4),
         _tile(bih2[2 * d2:], 4)], axis=1)
    bh2_t = jnp.concatenate(
        [_tile(bhh2[0:d2], 4), _tile(bhh2[d2:2 * d2], 4),
         _tile(bhh2[2 * d2:], 4)], axis=1)
    c2b_t = _tile(c2b, 4)
    mlp_w = (_tile(g1, 8), _tile(b1, 8), _bd(Wl1.T, 8), _tile(bl1, 8),
             _bd(Wl2.T, 8), _tile(bl2, 8))
    gA_t = _tile(gN[0:d2], 4)
    bA_t = _tile(bN[0:d2], 4)
    gB_t = _tile(gN[d2:2 * d2], 4)
    bB_t = _tile(bN[d2:2 * d2], 4)
    gC_t = _tile(gN[2 * d2:], 4)
    bC_t = _tile(bN[2 * d2:], 4)
    WlwT = Wlw.T
    wA = _bd(WlwT[:, 0:d2], 4)
    wB = _bd(WlwT[:, d2:2 * d2], 4)
    wC = _bd(WlwT[:, 2 * d2:], 4)
    Gsum = ((jnp.arange(128) // 32)[:, None] ==
            jnp.arange(4)[None, :]).astype(f32)
    WlbBD = _bd(Wlb.T, 4)

    gather1 = _build_gather(dim, P1, NP)
    gather2 = _build_gather(d2, P2, NP)
    scatter1 = _build_scatter(dim, P1, nacc)
    scatter2 = _build_scatter(d2, P2, nacc)
    counts = _build_counts(P1, P2, nacc)

    h_p = _node_prologue(x_p, gx_t, bx_t, WnBD, bn_t)
    h_p = h_p.reshape(R1, 128)
    cnt1, cnt2 = counts(dst1, dst2, ones16, ones32, zeros1, zeros2)
    cnt1_p = cnt1.reshape(_NC, RA1, 128)
    cnt2_p = cnt2.reshape(_NC, RA2, 128)

    for it in range(2):
        xj = gather1(h_p.reshape(NP, dim), src1)
        m_p = _edge_conv1(xj.reshape(P1 // 8, 128), eattr_p, WeExp, beExp,
                          VallBD1, CBD1, 2048)
        accp = scatter1(m_p.reshape(P1, dim), dst1, zeros1)
        accp_p = accp.reshape(_NC, RA1, 128)
        mlp = mlp_w if it == 1 else None
        h_p = _gru_update(accp_p, cnt1_p, h_p, c1b_t, Wi1r, Wi1z, Wi1n,
                          Wh1r, Wh1z, Wh1n, bi1_t, bh1_t, dim, mlp=mlp)
    h_p = h_p.reshape(NP, d2).reshape(NP // 4, 128)

    for it in range(2):
        xj2 = gather2(h_p.reshape(NP, d2), src2)
        m2_p = _edge_conv2(xj2.reshape(P2 // 4, 128), ea3f_p,
                           BexpBD2, VallBD2, CBD2, 5120)
        accp2 = scatter2(m2_p.reshape(P2, d2), dst2, zeros2)
        accp2_p = accp2.reshape(_NC, RA2, 128)
        h_p = _gru_update(accp2_p, cnt2_p, h_p, c2b_t, Wi2r, Wi2z, Wi2n,
                          Wh2r, Wh2z, Wh2n, bi2_t, bh2_t, d2)

    rows = gather2(h_p.reshape(NP, d2), src2)
    res = _readout(rows.reshape(P2 // 4, 128), ea3_p,
                   (gA_t, bA_t, gB_t, bB_t, gC_t, bC_t),
                   (wA, wB, wC), Gsum, WlbBD, 1000)
    return res.reshape(E3)

# --- scband reference (transcript-rebuilt; emitter-appended) ---
"""Pipeline reference for scband-net-int-2-edges-20272245637595 (READ-ONLY COPY).

The authoritative reference and input builder live on the scoring server;
editing this copy changes nothing except your own understanding.
"""

import jax, jax.numpy as jnp
import numpy as np

SLOPE = (1.0 / 8.0 + 1.0 / 3.0) / 2.0
EPS = 1e-5

def rrelu(x):
    return jnp.where(x >= 0, x, SLOPE * x)

def bnorm(x, g, b):
    # eval-mode BatchNorm1d with running_mean=0, running_var=1
    return x / jnp.sqrt(1.0 + EPS) * g + b

def gru(x, h, Wih, Whh, bih, bhh):
    gi = x @ Wih.T + bih
    gh = h @ Whh.T + bhh
    ir, iz, inn = jnp.split(gi, 3, axis=1)
    hr, hz, hn = jnp.split(gh, 3, axis=1)
    r = jax.nn.sigmoid(ir + hr)
    z = jax.nn.sigmoid(iz + hz)
    n = jnp.tanh(inn + r * hn)
    return (1.0 - z) * n + z * h

def nnconv(x, ei, ea, W, bias, din, dout, N):
    w = (ea @ W.T).reshape(-1, din, dout)
    xj = x[ei[0]]
    m = jnp.einsum('ei,eio->eo', xj, w)
    s = jax.ops.segment_sum(m, ei[1], num_segments=N)
    cnt = jax.ops.segment_sum(jnp.ones((ei.shape[1],), jnp.float32), ei[1], num_segments=N)
    return s / jnp.maximum(cnt, 1.0)[:, None] + bias

def _forward(x, edge_index, edge_attr, edge_index3, edge_attr3, gx, bx, Wn, bn_, We, be, W1, c1b, Wih1, Whh1, bih1, bhh1, g1, b1, Wl1, bl1, Wl2, bl2, W2, c2b, Wih2, Whh2, bih2, bhh2, Wlw, Wlb, gN, bN):
    N = x.shape[0]
    dim = Wn.shape[0]
    out = rrelu(bnorm(x, gx, bx) @ Wn.T + bn_)
    ea = rrelu(edge_attr @ We.T + be)
    h = out
    ei3f = jnp.concatenate([edge_index3, edge_index3[::-1]], axis=1)
    ea3f = jnp.concatenate([edge_attr3, edge_attr3], axis=0)
    for _ in range(2):
        m = rrelu(nnconv(out, edge_index, ea, W1, c1b, dim, dim, N))
        h = gru(m, h, Wih1, Whh1, bih1, bhh1)
        out = h
    out = rrelu(rrelu(bnorm(out, g1, b1) @ Wl1.T + bl1) @ Wl2.T + bl2)
    h = out
    for _ in range(2):
        m = rrelu(nnconv(out, ei3f, ea3f, W2, c2b, 2 * dim, 2 * dim, N))
        h = gru(m, h, Wih2, Whh2, bih2, bhh2)
        out = h
    temp = out[edge_index3]
    yhat = jnp.concatenate([temp.mean(0), temp[0] * temp[1], (temp[0] - temp[1]) ** 2], axis=1)
    yhat = bnorm(yhat, gN, bN)
    w = edge_attr3 @ Wlw.T
    b = edge_attr3 @ Wlb.T
    return jnp.sum(yhat * w, axis=1) + b[:, 0]

def setup_inputs(seed: int = 0):
    key = jax.random.key(seed)
    ks = jax.random.split(key, 20)
    N, E, E3, dim = 10000, 160000, 20000, 16
    d = {}
    d['x'] = jax.random.normal(ks[0], (N, 8), jnp.float32)
    d['edge_index'] = jax.random.randint(ks[1], (2, E), 0, N, dtype=jnp.int64) if jax.config.jax_enable_x64 else jax.random.randint(ks[1], (2, E), 0, N)
    d['edge_attr'] = jax.random.normal(ks[2], (E, 19), jnp.float32)
    d['edge_index3'] = jax.random.randint(ks[3], (2, E3), 0, N)
    d['edge_attr3'] = jax.random.uniform(ks[4], (E3, 8), jnp.float32)
    def p(i, shape, scale=0.1):
        return jax.random.normal(ks[i], shape, jnp.float32) * scale
    d['gx'] = jnp.ones(8, jnp.float32); d['bx'] = jnp.zeros(8, jnp.float32)
    d['Wn'] = p(5, (dim, 8)); d['bn_'] = jnp.zeros(dim, jnp.float32)
    d['We'] = p(6, (12, 19)); d['be'] = jnp.zeros(12, jnp.float32)
    d['W1'] = p(7, (dim * dim, 12), 0.05)
    d['c1b'] = jnp.zeros(dim, jnp.float32)
    d['Wih1'] = p(8, (3 * dim, dim)); d['Whh1'] = p(9, (3 * dim, dim))
    d['bih1'] = jnp.zeros(3 * dim, jnp.float32); d['bhh1'] = jnp.zeros(3 * dim, jnp.float32)
    d['g1'] = jnp.ones(dim, jnp.float32); d['b1'] = jnp.zeros(dim, jnp.float32)
    d['Wl1'] = p(10, (2 * dim, dim)); d['bl1'] = jnp.zeros(2 * dim, jnp.float32)
    d['Wl2'] = p(11, (2 * dim, 2 * dim)); d['bl2'] = jnp.zeros(2 * dim, jnp.float32)
    d['W2'] = p(12, (4 * dim * dim, 8), 0.05)
    d['c2b'] = jnp.zeros(2 * dim, jnp.float32)
    d['Wih2'] = p(13, (6 * dim, 2 * dim)); d['Whh2'] = p(14, (6 * dim, 2 * dim))
    d['bih2'] = jnp.zeros(6 * dim, jnp.float32); d['bhh2'] = jnp.zeros(6 * dim, jnp.float32)
    d['Wlw'] = p(15, (6 * dim, 8)); d['Wlb'] = p(16, (1, 8))
    d['gN'] = jnp.ones(6 * dim, jnp.float32); d['bN'] = jnp.zeros(6 * dim, jnp.float32)
    return d

def reference(x, edge_index, edge_attr, edge_index3, edge_attr3, gx, bx, Wn, bn_, We, be, W1, c1b, Wih1, Whh1, bih1, bhh1, g1, b1, Wl1, bl1, Wl2, bl2, W2, c2b, Wih2, Whh2, bih2, bhh2, Wlw, Wlb, gN, bN):
    return _forward(x, edge_index, edge_attr, edge_index3, edge_attr3, gx, bx, Wn, bn_, We, be, W1, c1b, Wih1, Whh1, bih1, bhh1, g1, b1, Wl1, bl1, Wl2, bl2, W2, c2b, Wih2, Whh2, bih2, bhh2, Wlw, Wlb, gN, bN)

if __name__ == "__main__":
    import jax
    _d = setup_inputs()
    print(jax.jit(kernel)(*tuple(_d.values())))

</pallas_src>

<mosaic_0001>
#map = affine_map<(d0, d1) -> (0, 0)>
#map1 = affine_map<(d0, d1) -> (0, 0, 0)>
module attributes {stable_mosaic.version = 14 : i64} {
  func.func @body(%arg0: i32, %arg1: i32, %arg2: memref<10112x16xf32, #tpu.memory_space<hbm>>, %arg3: memref<32x40x128xi32, #tpu.memory_space<hbm>>, %arg4: memref<163840x16xf32, #tpu.memory_space<hbm>>, %arg5: memref<40x128xi32, #tpu.memory_space<vmem>>, %arg6: memref<5120x16xf32, #tpu.memory_space<vmem>>, %arg7: memref<10112x16xf32, #tpu.memory_space<vmem_shared>>, %arg8: memref<!tpu.dma_semaphore, #tpu.memory_space<semaphore_mem>>) attributes {dimension_semantics = [#tpu.dimension_semantics<core_parallel>, #tpu.dimension_semantics<subcore_parallel>], iteration_bounds = array<i64: 2, 16>, scalar_prefetch = 0 : i64, scratch_operands = 4 : i64, tpu.core_type = #tpu.core_type<sc_vector_subcore>, window_params = [{transform_indices = #map}, {transform_indices = #map1}, {transform_indices = #map}]} {
    %mul3A = arith.constant 2 : i32
    %mul3A_0 = arith.muli %arg1, %mul3A : i32
    %add3A = arith.addi %mul3A_0, %arg0 : i32
    %dma_start3A = arith.constant 0 : i32
    %dma_start3A_1 = arith.constant 0 : i32
    %dma_start3A_2 = tpu.memref_slice %arg3[%add3A, %dma_start3A, %dma_start3A_1] : memref<32x40x128xi32, #tpu.memory_space<hbm>> -> memref<1x40x128xi32, #tpu.memory_space<hbm>>
    %dma_start3A_3 = tpu.memref_squeeze %dma_start3A_2 : memref<1x40x128xi32, #tpu.memory_space<hbm>> -> memref<40x128xi32, #tpu.memory_space<hbm>>
    %dma_start3A_4 = arith.constant 0 : i32
    %dma_start3A_5 = arith.constant 0 : i32
    %dma_start3A_6 = tpu.memref_slice %arg3[%add3A, %dma_start3A_4, %dma_start3A_5] : memref<32x40x128xi32, #tpu.memory_space<hbm>> -> memref<1x40x128xi32, #tpu.memory_space<hbm>>
    %dma_start3A_7 = tpu.memref_squeeze %dma_start3A_6 : memref<1x40x128xi32, #tpu.memory_space<hbm>> -> memref<40x128xi32, #tpu.memory_space<hbm>>
    tpu.enqueue_dma source(%dma_start3A_7 : memref<40x128xi32, #tpu.memory_space<hbm>>) target(%arg5 : memref<40x128xi32, #tpu.memory_space<vmem>>) target_semaphore(%arg8 : memref<!tpu.dma_semaphore, #tpu.memory_space<semaphore_mem>>)
    %mul3A_8 = arith.constant 632 : i32
    %mul3A_9 = arith.muli %arg1, %mul3A_8 : i32
    %mul3A_10 = arith.constant 632 : i32
    %mul3A_11 = arith.muli %arg1, %mul3A_10 : i32
    "tpu.region"() ({
      %run_scoped3A = tpu.sem_alloc : memref<!tpu.dma_semaphore, #tpu.memory_space<semaphore_mem>>
      %dma_start3A_32 = arith.constant 0 : i32
      %dma_start3A_33 = tpu.memref_slice %arg7[%mul3A_11, %dma_start3A_32] : memref<10112x16xf32, #tpu.memory_space<vmem_shared>> -> memref<632x16xf32, #tpu.memory_space<vmem_shared>>
      %dma_start3A_34 = arith.constant 0 : i32
      %dma_start3A_35 = tpu.memref_slice %arg2[%mul3A_9, %dma_start3A_34] : memref<10112x16xf32, #tpu.memory_space<hbm>> -> memref<632x16xf32, #tpu.memory_space<hbm>>
      tpu.enqueue_dma source(%dma_start3A_35 : memref<632x16xf32, #tpu.memory_space<hbm>>) target(%dma_start3A_33 : memref<632x16xf32, #tpu.memory_space<vmem_shared>>) target_semaphore(%run_scoped3A : memref<!tpu.dma_semaphore, #tpu.memory_space<semaphore_mem>>)
      %dma_wait3A_36 = arith.constant 0 : i32
      %dma_wait3A_37 = tpu.memref_slice %arg7[%mul3A_11, %dma_wait3A_36] : memref<10112x16xf32, #tpu.memory_space<vmem_shared>> -> memref<632x16xf32, #tpu.memory_space<vmem_shared>>
      %dma_wait3A_38 = arith.constant 0 : i32
      %dma_wait3A_39 = tpu.memref_slice %arg2[%mul3A_9, %dma_wait3A_38] : memref<10112x16xf32, #tpu.memory_space<hbm>> -> memref<632x16xf32, #tpu.memory_space<hbm>>
      tpu.wait_dma2 semaphore(%run_scoped3A : memref<!tpu.dma_semaphore, #tpu.memory_space<semaphore_mem>>) src(%dma_wait3A_39 : memref<632x16xf32, #tpu.memory_space<hbm>>) dst(%dma_wait3A_37 : memref<632x16xf32, #tpu.memory_space<vmem_shared>>)
      tpu.yield
    }) : () -> ()
    %barrier3A = arith.constant 0 : index
    tpu.barrier barrier_id(%barrier3A)
    %dma_wait3A = arith.constant 0 : i32
    %dma_wait3A_12 = arith.constant 0 : i32
    %dma_wait3A_13 = tpu.memref_slice %arg3[%add3A, %dma_wait3A, %dma_wait3A_12] : memref<32x40x128xi32, #tpu.memory_space<hbm>> -> memref<1x40x128xi32, #tpu.memory_space<hbm>>
    %dma_wait3A_14 = tpu.memref_squeeze %dma_wait3A_13 : memref<1x40x128xi32, #tpu.memory_space<hbm>> -> memref<40x128xi32, #tpu.memory_space<hbm>>
    %dma_wait3A_15 = arith.constant 0 : i32
    %dma_wait3A_16 = arith.constant 0 : i32
    %dma_wait3A_17 = tpu.memref_slice %arg3[%add3A, %dma_wait3A_15, %dma_wait3A_16] : memref<32x40x128xi32, #tpu.memory_space<hbm>> -> memref<1x40x128xi32, #tpu.memory_space<hbm>>
    %dma_wait3A_18 = tpu.memref_squeeze %dma_wait3A_17 : memref<1x40x128xi32, #tpu.memory_space<hbm>> -> memref<40x128xi32, #tpu.memory_space<hbm>>
    tpu.wait_dma2 semaphore(%arg8 : memref<!tpu.dma_semaphore, #tpu.memory_space<semaphore_mem>>) src(%dma_wait3A_18 : memref<40x128xi32, #tpu.memory_space<hbm>>) dst(%arg5 : memref<40x128xi32, #tpu.memory_space<vmem>>)
    %scan3A = arith.constant 0 : i32
    %scan3A_19 = arith.constant 0 : i32
    %scan3A_20 = arith.constant 40 : i32
    %scan3A_21 = arith.addi %scan3A_19, %scan3A_20 : i32
    %scan3A_22 = arith.constant 1 : i32
    scf.for %scan3A_32 = %scan3A_19 to %scan3A_21 step %scan3A_22  : i32 {
      %mul3A_33 = arith.constant 128 : i32
      %mul3A_34 = arith.muli %scan3A_32, %mul3A_33 : i32
      %dma_start3A_35 = arith.constant 0 : i32
      %dma_start3A_36 = tpu.memref_slice %arg6[%mul3A_34, %dma_start3A_35] : memref<5120x16xf32, #tpu.memory_space<vmem>> -> memref<128x16xf32, #tpu.memory_space<vmem>>
      %dma_start3A_37 = arith.constant 0 : i32
      %dma_start3A_38 = tpu.memref_slice %arg5[%scan3A_32, %dma_start3A_37] : memref<40x128xi32, #tpu.memory_space<vmem>> -> memref<1x128xi32, #tpu.memory_space<vmem>>
      %dma_start3A_39 = tpu.memref_squeeze %dma_start3A_38 : memref<1x128xi32, #tpu.memory_space<vmem>> -> memref<128xi32, #tpu.memory_space<vmem>>
      %dma_start3A_40 = arith.constant 0 : i32
      %dma_start3A_41 = arith.constant 0 : i32
      %dma_start3A_42 = tpu.memref_slice %arg7[%dma_start3A_40, %dma_start3A_41] : memref<10112x16xf32, #tpu.memory_space<vmem_shared>> -> memref<10112x16xf32, #tpu.memory_space<vmem_shared>>
      tpu.enqueue_indirect_dma source(%dma_start3A_42 : memref<10112x16xf32, #tpu.memory_space<vmem_shared>>) target(%dma_start3A_36 : memref<128x16xf32, #tpu.memory_space<vmem>>) offsets(%dma_start3A_39 : memref<128xi32, #tpu.memory_space<vmem>>) semaphore(%arg8 : memref<!tpu.dma_semaphore, #tpu.memory_space<semaphore_mem>>)
    }
    %scan3A_23 = arith.constant 40 : i32
    %scan3A_24 = arith.constant 0 : i32
    %scan3A_25 = arith.constant 0 : i32
    %scan3A_26 = arith.constant 40 : i32
    %scan3A_27 = arith.addi %scan3A_25, %scan3A_26 : i32
    %scan3A_28 = arith.constant 1 : i32
    scf.for %scan3A_32 = %scan3A_25 to %scan3A_27 step %scan3A_28  : i32 {
      %dma_wait3A_33 = arith.constant 0 : i32
      %dma_wait3A_34 = arith.constant 0 : i32
      %dma_wait3A_35 = arith.constant 0 : i32
      %dma_wait3A_36 = tpu.memref_slice %arg6[%dma_wait3A_34, %dma_wait3A_35] : memref<5120x16xf32, #tpu.memory_space<vmem>> -> memref<128x16xf32, #tpu.memory_space<vmem>>
      %dma_wait3A_37 = arith.constant 0 : i32
      %dma_wait3A_38 = tpu.memref_slice %arg5[%dma_wait3A_33, %dma_wait3A_37] : memref<40x128xi32, #tpu.memory_space<vmem>> -> memref<1x128xi32, #tpu.memory_space<vmem>>
      %dma_wait3A_39 = tpu.memref_squeeze %dma_wait3A_38 : memref<1x128xi32, #tpu.memory_space<vmem>> -> memref<128xi32, #tpu.memory_space<vmem>>
      %dma_wait3A_40 = arith.constant 0 : i32
      %dma_wait3A_41 = arith.constant 0 : i32
      %dma_wait3A_42 = tpu.memref_slice %arg7[%dma_wait3A_40, %dma_wait3A_41] : memref<10112x16xf32, #tpu.memory_space<vmem_shared>> -> memref<10112x16xf32, #tpu.memory_space<vmem_shared>>
      tpu.wait_indirect_dma semaphore(%arg8 : memref<!tpu.dma_semaphore, #tpu.memory_space<semaphore_mem>>) src(%dma_wait3A_42 : memref<10112x16xf32, #tpu.memory_space<vmem_shared>>) dst(%dma_wait3A_36 : memref<128x16xf32, #tpu.memory_space<vmem>>)
    }
    %scan3A_29 = arith.constant 40 : i32
    %mul3A_30 = arith.constant 5120 : i32
    %mul3A_31 = arith.muli %add3A, %mul3A_30 : i32
    "tpu.region"() ({
      %run_scoped3A = tpu.sem_alloc : memref<!tpu.dma_semaphore, #tpu.memory_space<semaphore_mem>>
      %dma_start3A_32 = arith.constant 0 : i32
      %dma_start3A_33 = tpu.memref_slice %arg4[%mul3A_31, %dma_start3A_32] : memref<163840x16xf32, #tpu.memory_space<hbm>> -> memref<5120x16xf32, #tpu.memory_space<hbm>>
      %dma_start3A_34 = arith.constant 0 : i32
      %dma_start3A_35 = tpu.memref_slice %arg4[%mul3A_31, %dma_start3A_34] : memref<163840x16xf32, #tpu.memory_space<hbm>> -> memref<5120x16xf32, #tpu.memory_space<hbm>>
      tpu.enqueue_dma source(%arg6 : memref<5120x16xf32, #tpu.memory_space<vmem>>) target(%dma_start3A_35 : memref<5120x16xf32, #tpu.memory_space<hbm>>) target_semaphore(%run_scoped3A : memref<!tpu.dma_semaphore, #tpu.memory_space<semaphore_mem>>)
      %dma_wait3A_36 = arith.constant 0 : i32
      %dma_wait3A_37 = tpu.memref_slice %arg4[%mul3A_31, %dma_wait3A_36] : memref<163840x16xf32, #tpu.memory_space<hbm>> -> memref<5120x16xf32, #tpu.memory_space<hbm>>
      %dma_wait3A_38 = arith.constant 0 : i32
      %dma_wait3A_39 = tpu.memref_slice %arg4[%mul3A_31, %dma_wait3A_38] : memref<163840x16xf32, #tpu.memory_space<hbm>> -> memref<5120x16xf32, #tpu.memory_space<hbm>>
      tpu.wait_dma2 semaphore(%run_scoped3A : memref<!tpu.dma_semaphore, #tpu.memory_space<semaphore_mem>>) src(%arg6 : memref<5120x16xf32, #tpu.memory_space<vmem>>) dst(%dma_wait3A_39 : memref<5120x16xf32, #tpu.memory_space<hbm>>)
      tpu.yield
    }) : () -> ()
    return
  }
}

#map = affine_map<(d0, d1) -> (0, 0)>
#map1 = affine_map<(d0, d1) -> (0, 0, 0)>
module attributes {stable_mosaic.version = 14 : i64} {
  func.func @body(%arg0: i32, %arg1: i32, %arg2: memref<10112x16xf32, #tpu.memory_space<hbm>>, %arg3: memref<32x40x128xi32, #tpu.memory_space<hbm>>, %arg4: memref<163840x16xf32, #tpu.memory_space<hbm>>, %arg5: memref<40x128xi32, #tpu.memory_space<vmem>>, %arg6: memref<5120x16xf32, #tpu.memory_space<vmem>>, %arg7: memref<10112x16xf32, #tpu.memory_space<vmem_shared>>, %arg8: memref<!tpu.dma_semaphore, #tpu.memory_space<semaphore_mem>>) attributes {dimension_semantics = [#tpu.dimension_semantics<core_parallel>, #tpu.dimension_semantics<subcore_parallel>], iteration_bounds = array<i64: 2, 16>, scalar_prefetch = 0 : i64, scratch_operands = 4 : i64, tpu.core_type = #tpu.core_type<sc_vector_subcore>, window_params = [{transform_indices = #map}, {transform_indices = #map1}, {transform_indices = #map}]} {
    %mul3A = arith.constant 2 : i32
    %mul3A_0 = arith.muli %arg1, %mul3A : i32
    %add3A = arith.addi %mul3A_0, %arg0 : i32
    %dma_start3A = arith.constant 0 : i32
    %dma_start3A_1 = arith.constant 0 : i32
    %dma_start3A_2 = tpu.memref_slice %arg3[%add3A, %dma_start3A, %dma_start3A_1] : memref<32x40x128xi32, #tpu.memory_space<hbm>> -> memref<1x40x128xi32, #tpu.memory_space<hbm>>
    %dma_start3A_3 = tpu.memref_squeeze %dma_start3A_2 : memref<1x40x128xi32, #tpu.memory_space<hbm>> -> memref<40x128xi32, #tpu.memory_space<hbm>>
    %dma_start3A_4 = arith.constant 0 : i32
    %dma_start3A_5 = arith.constant 0 : i32
    %dma_start3A_6 = tpu.memref_slice %arg3[%add3A, %dma_start3A_4, %dma_start3A_5] : memref<32x40x128xi32, #tpu.memory_space<hbm>> -> memref<1x40x128xi32, #tpu.memory_space<hbm>>
    %dma_start3A_7 = tpu.memref_squeeze %dma_start3A_6 : memref<1x40x128xi32, #tpu.memory_space<hbm>> -> memref<40x128xi32, #tpu.memory_space<hbm>>
    tpu.enqueue_dma source(%dma_start3A_7 : memref<40x128xi32, #tpu.memory_space<hbm>>) target(%arg5 : memref<40x128xi32, #tpu.memory_space<vmem>>) target_semaphore(%arg8 : memref<!tpu.dma_semaphore, #tpu.memory_space<semaphore_mem>>)
    %mul3A_8 = arith.constant 632 : i32
    %mul3A_9 = arith.muli %arg1, %mul3A_8 : i32
    %mul3A_10 = arith.constant 632 : i32
    %mul3A_11 = arith.muli %arg1, %mul3A_10 : i32
    "tpu.region"() ({
      %run_scoped3A = tpu.sem_alloc : memref<!tpu.dma_semaphore, #tpu.memory_space<semaphore_mem>>
      %dma_start3A_32 = arith.constant 0 : i32
      %dma_start3A_33 = tpu.memref_slice %arg7[%mul3A_11, %dma_start3A_32] : memref<10112x16xf32, #tpu.memory_space<vmem_shared>> -> memref<632x16xf32, #tpu.memory_space<vmem_shared>>
      %dma_start3A_34 = arith.constant 0 : i32
      %dma_start3A_35 = tpu.memref_slice %arg2[%mul3A_9, %dma_start3A_34] : memref<10112x16xf32, #tpu.memory_space<hbm>> -> memref<632x16xf32, #tpu.memory_space<hbm>>
      tpu.enqueue_dma source(%dma_start3A_35 : memref<632x16xf32, #tpu.memory_space<hbm>>) target(%dma_start3A_33 : memref<632x16xf32, #tpu.memory_space<vmem_shared>>) target_semaphore(%run_scoped3A : memref<!tpu.dma_semaphore, #tpu.memory_space<semaphore_mem>>)
      %dma_wait3A_36 = arith.constant 0 : i32
      %dma_wait3A_37 = tpu.memref_slice %arg7[%mul3A_11, %dma_wait3A_36] : memref<10112x16xf32, #tpu.memory_space<vmem_shared>> -> memref<632x16xf32, #tpu.memory_space<vmem_shared>>
      %dma_wait3A_38 = arith.constant 0 : i32
      %dma_wait3A_39 = tpu.memref_slice %arg2[%mul3A_9, %dma_wait3A_38] : memref<10112x16xf32, #tpu.memory_space<hbm>> -> memref<632x16xf32, #tpu.memory_space<hbm>>
      tpu.wait_dma2 semaphore(%run_scoped3A : memref<!tpu.dma_semaphore, #tpu.memory_space<semaphore_mem>>) src(%dma_wait3A_39 : memref<632x16xf32, #tpu.memory_space<hbm>>) dst(%dma_wait3A_37 : memref<632x16xf32, #tpu.memory_space<vmem_shared>>)
      tpu.yield
    }) : () -> ()
    %barrier3A = arith.constant 0 : index
    tpu.barrier barrier_id(%barrier3A)
    %dma_wait3A = arith.constant 0 : i32
    %dma_wait3A_12 = arith.constant 0 : i32
    %dma_wait3A_13 = tpu.memref_slice %arg3[%add3A, %dma_wait3A, %dma_wait3A_12] : memref<32x40x128xi32, #tpu.memory_space<hbm>> -> memref<1x40x128xi32, #tpu.memory_space<hbm>>
    %dma_wait3A_14 = tpu.memref_squeeze %dma_wait3A_13 : memref<1x40x128xi32, #tpu.memory_space<hbm>> -> memref<40x128xi32, #tpu.memory_space<hbm>>
    %dma_wait3A_15 = arith.constant 0 : i32
    %dma_wait3A_16 = arith.constant 0 : i32
    %dma_wait3A_17 = tpu.memref_slice %arg3[%add3A, %dma_wait3A_15, %dma_wait3A_16] : memref<32x40x128xi32, #tpu.memory_space<hbm>> -> memref<1x40x128xi32, #tpu.memory_space<hbm>>
    %dma_wait3A_18 = tpu.memref_squeeze %dma_wait3A_17 : memref<1x40x128xi32, #tpu.memory_space<hbm>> -> memref<40x128xi32, #tpu.memory_space<hbm>>
    tpu.wait_dma2 semaphore(%arg8 : memref<!tpu.dma_semaphore, #tpu.memory_space<semaphore_mem>>) src(%dma_wait3A_18 : memref<40x128xi32, #tpu.memory_space<hbm>>) dst(%arg5 : memref<40x128xi32, #tpu.memory_space<vmem>>)
    %scan3A = arith.constant 0 : i32
    %scan3A_19 = arith.constant 0 : i32
    %scan3A_20 = arith.constant 40 : i32
    %scan3A_21 = arith.addi %scan3A_19, %scan3A_20 : i32
    %scan3A_22 = arith.constant 1 : i32
    scf.for %scan3A_32 = %scan3A_19 to %scan3A_21 step %scan3A_22  : i32 {
      %mul3A_33 = arith.constant 128 : i32
      %mul3A_34 = arith.muli %scan3A_32, %mul3A_33 : i32
      %dma_start3A_35 = arith.constant 0 : i32
      %dma_start3A_36 = tpu.memref_slice %arg6[%mul3A_34, %dma_start3A_35] : memref<5120x16xf32, #tpu.memory_space<vmem>> -> memref<128x16xf32, #tpu.memory_space<vmem>>
      %dma_start3A_37 = arith.constant 0 : i32
      %dma_start3A_38 = tpu.memref_slice %arg5[%scan3A_32, %dma_start3A_37] : memref<40x128xi32, #tpu.memory_space<vmem>> -> memref<1x128xi32, #tpu.memory_space<vmem>>
      %dma_start3A_39 = tpu.memref_squeeze %dma_start3A_38 : memref<1x128xi32, #tpu.memory_space<vmem>> -> memref<128xi32, #tpu.memory_space<vmem>>
      %dma_start3A_40 = arith.constant 0 : i32
      %dma_start3A_41 = arith.constant 0 : i32
      %dma_start3A_42 = tpu.memref_slice %arg7[%dma_start3A_40, %dma_start3A_41] : memref<10112x16xf32, #tpu.memory_space<vmem_shared>> -> memref<10112x16xf32, #tpu.memory_space<vmem_shared>>
      tpu.enqueue_indirect_dma source(%dma_start3A_42 : memref<10112x16xf32, #tpu.memory_space<vmem_shared>>) target(%dma_start3A_36 : memref<128x16xf32, #tpu.memory_space<vmem>>) offsets(%dma_start3A_39 : memref<128xi32, #tpu.memory_space<vmem>>) semaphore(%arg8 : memref<!tpu.dma_semaphore, #tpu.memory_space<semaphore_mem>>)
    }
    %scan3A_23 = arith.constant 40 : i32
    %scan3A_24 = arith.constant 0 : i32
    %scan3A_25 = arith.constant 0 : i32
    %scan3A_26 = arith.constant 40 : i32
    %scan3A_27 = arith.addi %scan3A_25, %scan3A_26 : i32
    %scan3A_28 = arith.constant 1 : i32
    scf.for %scan3A_32 = %scan3A_25 to %scan3A_27 step %scan3A_28  : i32 {
      %dma_wait3A_33 = arith.constant 0 : i32
      %dma_wait3A_34 = arith.constant 0 : i32
      %dma_wait3A_35 = arith.constant 0 : i32
      %dma_wait3A_36 = tpu.memref_slice %arg6[%dma_wait3A_34, %dma_wait3A_35] : memref<5120x16xf32, #tpu.memory_space<vmem>> -> memref<128x16xf32, #tpu.memory_space<vmem>>
      %dma_wait3A_37 = arith.constant 0 : i32
      %dma_wait3A_38 = tpu.memref_slice %arg5[%dma_wait3A_33, %dma_wait3A_37] : memref<40x128xi32, #tpu.memory_space<vmem>> -> memref<1x128xi32, #tpu.memory_space<vmem>>
      %dma_wait3A_39 = tpu.memref_squeeze %dma_wait3A_38 : memref<1x128xi32, #tpu.memory_space<vmem>> -> memref<128xi32, #tpu.memory_space<vmem>>
      %dma_wait3A_40 = arith.constant 0 : i32
      %dma_wait3A_41 = arith.constant 0 : i32
      %dma_wait3A_42 = tpu.memref_slice %arg7[%dma_wait3A_40, %dma_wait3A_41] : memref<10112x16xf32, #tpu.memory_space<vmem_shared>> -> memref<10112x16xf32, #tpu.memory_space<vmem_shared>>
      tpu.wait_indirect_dma semaphore(%arg8 : memref<!tpu.dma_semaphore, #tpu.memory_space<semaphore_mem>>) src(%dma_wait3A_42 : memref<10112x16xf32, #tpu.memory_space<vmem_shared>>) dst(%dma_wait3A_36 : memref<128x16xf32, #tpu.memory_space<vmem>>)
    }
    %scan3A_29 = arith.constant 40 : i32
    %mul3A_30 = arith.constant 5120 : i32
    %mul3A_31 = arith.muli %add3A, %mul3A_30 : i32
    "tpu.region"() ({
      %run_scoped3A = tpu.sem_alloc : memref<!tpu.dma_semaphore, #tpu.memory_space<semaphore_mem>>
      %dma_start3A_32 = arith.constant 0 : i32
      %dma_start3A_33 = tpu.memref_slice %arg4[%mul3A_31, %dma_start3A_32] : memref<163840x16xf32, #tpu.memory_space<hbm>> -> memref<5120x16xf32, #tpu.memory_space<hbm>>
      %dma_start3A_34 = arith.constant 0 : i32
      %dma_start3A_35 = tpu.memref_slice %arg4[%mul3A_31, %dma_start3A_34] : memref<163840x16xf32, #tpu.memory_space<hbm>> -> memref<5120x16xf32, #tpu.memory_space<hbm>>
      tpu.enqueue_dma source(%arg6 : memref<5120x16xf32, #tpu.memory_space<vmem>>) target(%dma_start3A_35 : memref<5120x16xf32, #tpu.memory_space<hbm>>) target_semaphore(%run_scoped3A : memref<!tpu.dma_semaphore, #tpu.memory_space<semaphore_mem>>)
      %dma_wait3A_36 = arith.constant 0 : i32
      %dma_wait3A_37 = tpu.memref_slice %arg4[%mul3A_31, %dma_wait3A_36] : memref<163840x16xf32, #tpu.memory_space<hbm>> -> memref<5120x16xf32, #tpu.memory_space<hbm>>
      %dma_wait3A_38 = arith.constant 0 : i32
      %dma_wait3A_39 = tpu.memref_slice %arg4[%mul3A_31, %dma_wait3A_38] : memref<163840x16xf32, #tpu.memory_space<hbm>> -> memref<5120x16xf32, #tpu.memory_space<hbm>>
      tpu.wait_dma2 semaphore(%run_scoped3A : memref<!tpu.dma_semaphore, #tpu.memory_space<semaphore_mem>>) src(%arg6 : memref<5120x16xf32, #tpu.memory_space<vmem>>) dst(%dma_wait3A_39 : memref<5120x16xf32, #tpu.memory_space<hbm>>)
      tpu.yield
    }) : () -> ()
    return
  }
}

#map = affine_map<(d0, d1) -> (0, 0)>
#map1 = affine_map<(d0, d1) -> (0, 0, 0)>
module attributes {stable_mosaic.version = 14 : i64} {
  func.func @body(%arg0: i32, %arg1: i32, %arg2: memref<163840x16xf32, #tpu.memory_space<hbm>>, %arg3: memref<32x40x128xi32, #tpu.memory_space<hbm>>, %arg4: memref<10176x16xf32, #tpu.memory_space<hbm>>, %arg5: memref<2x10176x16xf32, #tpu.memory_space<hbm>>, %arg6: memref<40x128xi32, #tpu.memory_space<vmem>>, %arg7: memref<5120x16xf32, #tpu.memory_space<vmem>>, %arg8: memref<10176x16xf32, #tpu.memory_space<vmem_shared>>, %arg9: memref<!tpu.dma_semaphore, #tpu.memory_space<semaphore_mem>>, %arg10: memref<!tpu.dma_semaphore, #tpu.memory_space<semaphore_mem>>) attributes {dimension_semantics = [#tpu.dimension_semantics<core_parallel>, #tpu.dimension_semantics<subcore_parallel>], iteration_bounds = array<i64: 2, 16>, scalar_prefetch = 0 : i64, scratch_operands = 5 : i64, tpu.core_type = #tpu.core_type<sc_vector_subcore>, window_params = [{transform_indices = #map}, {transform_indices = #map1}, {transform_indices = #map}, {transform_indices = #map1}]} {
    %mul3A = arith.constant 2 : i32
    %mul3A_0 = arith.muli %arg1, %mul3A : i32
    %add3A = arith.addi %mul3A_0, %arg0 : i32
    %dma_start3A = arith.constant 0 : i32
    %dma_start3A_1 = arith.constant 0 : i32
    %dma_start3A_2 = tpu.memref_slice %arg3[%add3A, %dma_start3A, %dma_start3A_1] : memref<32x40x128xi32, #tpu.memory_space<hbm>> -> memref<1x40x128xi32, #tpu.memory_space<hbm>>
    %dma_start3A_3 = tpu.memref_squeeze %dma_start3A_2 : memref<1x40x128xi32, #tpu.memory_space<hbm>> -> memref<40x128xi32, #tpu.memory_space<hbm>>
    %dma_start3A_4 = arith.constant 0 : i32
    %dma_start3A_5 = arith.constant 0 : i32
    %dma_start3A_6 = tpu.memref_slice %arg3[%add3A, %dma_start3A_4, %dma_start3A_5] : memref<32x40x128xi32, #tpu.memory_space<hbm>> -> memref<1x40x128xi32, #tpu.memory_space<hbm>>
    %dma_start3A_7 = tpu.memref_squeeze %dma_start3A_6 : memref<1x40x128xi32, #tpu.memory_space<hbm>> -> memref<40x128xi32, #tpu.memory_space<hbm>>
    tpu.enqueue_dma source(%dma_start3A_7 : memref<40x128xi32, #tpu.memory_space<hbm>>) target(%arg6 : memref<40x128xi32, #tpu.memory_space<vmem>>) target_semaphore(%arg9 : memref<!tpu.dma_semaphore, #tpu.memory_space<semaphore_mem>>)
    %mul3A_8 = arith.constant 5120 : i32
    %mul3A_9 = arith.muli %add3A, %mul3A_8 : i32
    %dma_start3A_10 = arith.constant 0 : i32
    %dma_start3A_11 = tpu.memref_slice %arg2[%mul3A_9, %dma_start3A_10] : memref<163840x16xf32, #tpu.memory_space<hbm>> -> memref<5120x16xf32, #tpu.memory_space<hbm>>
    %dma_start3A_12 = arith.constant 0 : i32
    %dma_start3A_13 = tpu.memref_slice %arg2[%mul3A_9, %dma_start3A_12] : memref<163840x16xf32, #tpu.memory_space<hbm>> -> memref<5120x16xf32, #tpu.memory_space<hbm>>
    tpu.enqueue_dma source(%dma_start3A_13 : memref<5120x16xf32, #tpu.memory_space<hbm>>) target(%arg7 : memref<5120x16xf32, #tpu.memory_space<vmem>>) target_semaphore(%arg9 : memref<!tpu.dma_semaphore, #tpu.memory_space<semaphore_mem>>)
    %mul3A_14 = arith.constant 636 : i32
    %mul3A_15 = arith.muli %arg1, %mul3A_14 : i32
    %mul3A_16 = arith.constant 636 : i32
    %mul3A_17 = arith.muli %arg1, %mul3A_16 : i32
    "tpu.region"() ({
      %run_scoped3A = tpu.sem_alloc : memref<!tpu.dma_semaphore, #tpu.memory_space<semaphore_mem>>
      %dma_start3A_47 = arith.constant 0 : i32
      %dma_start3A_48 = tpu.memref_slice %arg8[%mul3A_17, %dma_start3A_47] : memref<10176x16xf32, #tpu.memory_space<vmem_shared>> -> memref<636x16xf32, #tpu.memory_space<vmem_shared>>
      %dma_start3A_49 = arith.constant 0 : i32
      %dma_start3A_50 = tpu.memref_slice %arg4[%mul3A_15, %dma_start3A_49] : memref<10176x16xf32, #tpu.memory_space<hbm>> -> memref<636x16xf32, #tpu.memory_space<hbm>>
      tpu.enqueue_dma source(%dma_start3A_50 : memref<636x16xf32, #tpu.memory_space<hbm>>) target(%dma_start3A_48 : memref<636x16xf32, #tpu.memory_space<vmem_shared>>) target_semaphore(%run_scoped3A : memref<!tpu.dma_semaphore, #tpu.memory_space<semaphore_mem>>)
      %dma_wait3A_51 = arith.constant 0 : i32
      %dma_wait3A_52 = tpu.memref_slice %arg8[%mul3A_17, %dma_wait3A_51] : memref<10176x16xf32, #tpu.memory_space<vmem_shared>> -> memref<636x16xf32, #tpu.memory_space<vmem_shared>>
      %dma_wait3A_53 = arith.constant 0 : i32
      %dma_wait3A_54 = tpu.memref_slice %arg4[%mul3A_15, %dma_wait3A_53] : memref<10176x16xf32, #tpu.memory_space<hbm>> -> memref<636x16xf32, #tpu.memory_space<hbm>>
      tpu.wait_dma2 semaphore(%run_scoped3A : memref<!tpu.dma_semaphore, #tpu.memory_space<semaphore_mem>>) src(%dma_wait3A_54 : memref<636x16xf32, #tpu.memory_space<hbm>>) dst(%dma_wait3A_52 : memref<636x16xf32, #tpu.memory_space<vmem_shared>>)
      tpu.yield
    }) : () -> ()
    %barrier3A = arith.constant 0 : index
    tpu.barrier barrier_id(%barrier3A)
    %dma_wait3A = arith.constant 0 : i32
    %dma_wait3A_18 = arith.constant 0 : i32
    %dma_wait3A_19 = tpu.memref_slice %arg3[%add3A, %dma_wait3A, %dma_wait3A_18] : memref<32x40x128xi32, #tpu.memory_space<hbm>> -> memref<1x40x128xi32, #tpu.memory_space<hbm>>
    %dma_wait3A_20 = tpu.memref_squeeze %dma_wait3A_19 : memref<1x40x128xi32, #tpu.memory_space<hbm>> -> memref<40x128xi32, #tpu.memory_space<hbm>>
    %dma_wait3A_21 = arith.constant 0 : i32
    %dma_wait3A_22 = arith.constant 0 : i32
    %dma_wait3A_23 = tpu.memref_slice %arg3[%add3A, %dma_wait3A_21, %dma_wait3A_22] : memref<32x40x128xi32, #tpu.memory_space<hbm>> -> memref<1x40x128xi32, #tpu.memory_space<hbm>>
    %dma_wait3A_24 = tpu.memref_squeeze %dma_wait3A_23 : memref<1x40x128xi32, #tpu.memory_space<hbm>> -> memref<40x128xi32, #tpu.memory_space<hbm>>
    tpu.wait_dma2 semaphore(%arg9 : memref<!tpu.dma_semaphore, #tpu.memory_space<semaphore_mem>>) src(%dma_wait3A_24 : memref<40x128xi32, #tpu.memory_space<hbm>>) dst(%arg6 : memref<40x128xi32, #tpu.memory_space<vmem>>)
    %mul3A_25 = arith.constant 5120 : i32
    %mul3A_26 = arith.muli %add3A, %mul3A_25 : i32
    %dma_wait3A_27 = arith.constant 0 : i32
    %dma_wait3A_28 = tpu.memref_slice %arg2[%mul3A_26, %dma_wait3A_27] : memref<163840x16xf32, #tpu.memory_space<hbm>> -> memref<5120x16xf32, #tpu.memory_space<hbm>>
    %dma_wait3A_29 = arith.constant 0 : i32
    %dma_wait3A_30 = tpu.memref_slice %arg2[%mul3A_26, %dma_wait3A_29] : memref<163840x16xf32, #tpu.memory_space<hbm>> -> memref<5120x16xf32, #tpu.memory_space<hbm>>
    tpu.wait_dma2 semaphore(%arg9 : memref<!tpu.dma_semaphore, #tpu.memory_space<semaphore_mem>>) src(%dma_wait3A_30 : memref<5120x16xf32, #tpu.memory_space<hbm>>) dst(%arg7 : memref<5120x16xf32, #tpu.memory_space<vmem>>)
    %scan3A = arith.constant 0 : i32
    %scan3A_31 = arith.constant 0 : i32
    %scan3A_32 = arith.constant 40 : i32
    %scan3A_33 = arith.addi %scan3A_31, %scan3A_32 : i32
    %scan3A_34 = arith.constant 1 : i32
    scf.for %scan3A_47 = %scan3A_31 to %scan3A_33 step %scan3A_34  : i32 {
      %mul3A_48 = arith.constant 128 : i32
      %mul3A_49 = arith.muli %scan3A_47, %mul3A_48 : i32
      %dma_start3A_50 = arith.constant 0 : i32
      %dma_start3A_51 = tpu.memref_slice %arg7[%mul3A_49, %dma_start3A_50] : memref<5120x16xf32, #tpu.memory_space<vmem>> -> memref<128x16xf32, #tpu.memory_space<vmem>>
      %dma_start3A_52 = arith.constant 0 : i32
      %dma_start3A_53 = tpu.memref_slice %arg6[%scan3A_47, %dma_start3A_52] : memref<40x128xi32, #tpu.memory_space<vmem>> -> memref<1x128xi32, #tpu.memory_space<vmem>>
      %dma_start3A_54 = tpu.memref_squeeze %dma_start3A_53 : memref<1x128xi32, #tpu.memory_space<vmem>> -> memref<128xi32, #tpu.memory_space<vmem>>
      %dma_start3A_55 = arith.constant 0 : i32
      %dma_start3A_56 = arith.constant 0 : i32
      %dma_start3A_57 = tpu.memref_slice %arg8[%dma_start3A_55, %dma_start3A_56] : memref<10176x16xf32, #tpu.memory_space<vmem_shared>> -> memref<10176x16xf32, #tpu.memory_space<vmem_shared>>
      tpu.enqueue_indirect_dma source(%dma_start3A_51 : memref<128x16xf32, #tpu.memory_space<vmem>>) target(%dma_start3A_57 : memref<10176x16xf32, #tpu.memory_space<vmem_shared>>) offsets(%dma_start3A_54 : memref<128xi32, #tpu.memory_space<vmem>>) semaphore(%arg10 : memref<!tpu.dma_semaphore, #tpu.memory_space<semaphore_mem>>) {add = true}
    }
    %scan3A_35 = arith.constant 40 : i32
    %scan3A_36 = arith.constant 0 : i32
    %scan3A_37 = arith.constant 0 : i32
    %scan3A_38 = arith.constant 40 : i32
    %scan3A_39 = arith.addi %scan3A_37, %scan3A_38 : i32
    %scan3A_40 = arith.constant 1 : i32
    scf.for %scan3A_47 = %scan3A_37 to %scan3A_39 step %scan3A_40  : i32 {
      %dma_wait3A_48 = arith.constant 0 : i32
      %dma_wait3A_49 = arith.constant 0 : i32
      %dma_wait3A_50 = arith.constant 0 : i32
      %dma_wait3A_51 = tpu.memref_slice %arg7[%dma_wait3A_49, %dma_wait3A_50] : memref<5120x16xf32, #tpu.memory_space<vmem>> -> memref<128x16xf32, #tpu.memory_space<vmem>>
      %dma_wait3A_52 = arith.constant 0 : i32
      %dma_wait3A_53 = tpu.memref_slice %arg6[%dma_wait3A_48, %dma_wait3A_52] : memref<40x128xi32, #tpu.memory_space<vmem>> -> memref<1x128xi32, #tpu.memory_space<vmem>>
      %dma_wait3A_54 = tpu.memref_squeeze %dma_wait3A_53 : memref<1x128xi32, #tpu.memory_space<vmem>> -> memref<128xi32, #tpu.memory_space<vmem>>
      %dma_wait3A_55 = arith.constant 0 : i32
      %dma_wait3A_56 = arith.constant 0 : i32
      %dma_wait3A_57 = tpu.memref_slice %arg8[%dma_wait3A_55, %dma_wait3A_56] : memref<10176x16xf32, #tpu.memory_space<vmem_shared>> -> memref<10176x16xf32, #tpu.memory_space<vmem_shared>>
      tpu.wait_indirect_dma semaphore(%arg10 : memref<!tpu.dma_semaphore, #tpu.memory_space<semaphore_mem>>) src(%dma_wait3A_51 : memref<128x16xf32, #tpu.memory_space<vmem>>) dst(%dma_wait3A_57 : memref<10176x16xf32, #tpu.memory_space<vmem_shared>>)
    }
    %scan3A_41 = arith.constant 40 : i32
    %barrier3A_42 = arith.constant 0 : index
    tpu.barrier barrier_id(%barrier3A_42)
    %mul3A_43 = arith.constant 636 : i32
    %mul3A_44 = arith.muli %arg1, %mul3A_43 : i32
    %mul3A_45 = arith.constant 636 : i32
    %mul3A_46 = arith.muli %arg1, %mul3A_45 : i32
    "tpu.region"() ({
      %run_scoped3A = tpu.sem_alloc : memref<!tpu.dma_semaphore, #tpu.memory_space<semaphore_mem>>
      %dma_start3A_47 = arith.constant 0 : i32
      %dma_start3A_48 = tpu.memref_slice %arg5[%arg0, %mul3A_46, %dma_start3A_47] : memref<2x10176x16xf32, #tpu.memory_space<hbm>> -> memref<1x636x16xf32, #tpu.memory_space<hbm>>
      %dma_start3A_49 = tpu.memref_squeeze %dma_start3A_48 : memref<1x636x16xf32, #tpu.memory_space<hbm>> -> memref<636x16xf32, #tpu.memory_space<hbm>>
      %dma_start3A_50 = arith.constant 0 : i32
      %dma_start3A_51 = tpu.memref_slice %arg8[%mul3A_44, %dma_start3A_50] : memref<10176x16xf32, #tpu.memory_space<vmem_shared>> -> memref<636x16xf32, #tpu.memory_space<vmem_shared>>
      tpu.enqueue_dma source(%dma_start3A_51 : memref<636x16xf32, #tpu.memory_space<vmem_shared>>) target(%dma_start3A_49 : memref<636x16xf32, #tpu.memory_space<hbm>>) target_semaphore(%run_scoped3A : memref<!tpu.dma_semaphore, #tpu.memory_space<semaphore_mem>>)
      %dma_wait3A_52 = arith.constant 0 : i32
      %dma_wait3A_53 = tpu.memref_slice %arg5[%arg0, %mul3A_46, %dma_wait3A_52] : memref<2x10176x16xf32, #tpu.memory_space<hbm>> -> memref<1x636x16xf32, #tpu.memory_space<hbm>>
      %dma_wait3A_54 = tpu.memref_squeeze %dma_wait3A_53 : memref<1x636x16xf32, #tpu.memory_space<hbm>> -> memref<636x16xf32, #tpu.memory_space<hbm>>
      %dma_wait3A_55 = arith.constant 0 : i32
      %dma_wait3A_56 = tpu.memref_slice %arg8[%mul3A_44, %dma_wait3A_55] : memref<10176x16xf32, #tpu.memory_space<vmem_shared>> -> memref<636x16xf32, #tpu.memory_space<vmem_shared>>
      tpu.wait_dma2 semaphore(%run_scoped3A : memref<!tpu.dma_semaphore, #tpu.memory_space<semaphore_mem>>) src(%dma_wait3A_56 : memref<636x16xf32, #tpu.memory_space<vmem_shared>>) dst(%dma_wait3A_54 : memref<636x16xf32, #tpu.memory_space<hbm>>)
      tpu.yield
    }) : () -> ()
    return
  }
}

#map = affine_map<(d0, d1) -> (0, 0, 0)>
#map1 = affine_map<(d0, d1) -> (0, 0)>
module attributes {stable_mosaic.version = 14 : i64} {
  func.func @body(%arg0: i32, %arg1: i32, %arg2: memref<32x40x128xi32, #tpu.memory_space<hbm>>, %arg3: memref<32x10x128xi32, #tpu.memory_space<hbm>>, %arg4: memref<128x16xf32, #tpu.memory_space<hbm>>, %arg5: memref<128x32xf32, #tpu.memory_space<hbm>>, %arg6: memref<10176x16xf32, #tpu.memory_space<hbm>>, %arg7: memref<10176x32xf32, #tpu.memory_space<hbm>>, %arg8: memref<2x10176x16xf32, #tpu.memory_space<hbm>>, %arg9: memref<2x10176x32xf32, #tpu.memory_space<hbm>>, %arg10: memref<40x128xi32, #tpu.memory_space<vmem>>, %arg11: memref<10x128xi32, #tpu.memory_space<vmem>>, %arg12: memref<128x16xf32, #tpu.memory_space<vmem>>, %arg13: memref<128x32xf32, #tpu.memory_space<vmem>>, %arg14: memref<10176x16xf32, #tpu.memory_space<vmem_shared>>, %arg15: memref<10176x32xf32, #tpu.memory_space<vmem_shared>>, %arg16: memref<!tpu.dma_semaphore, #tpu.memory_space<semaphore_mem>>, %arg17: memref<!tpu.dma_semaphore, #tpu.memory_space<semaphore_mem>>) attributes {dimension_semantics = [#tpu.dimension_semantics<core_parallel>, #tpu.dimension_semantics<subcore_parallel>], iteration_bounds = array<i64: 2, 16>, scalar_prefetch = 0 : i64, scratch_operands = 8 : i64, tpu.core_type = #tpu.core_type<sc_vector_subcore>, window_params = [{transform_indices = #map}, {transform_indices = #map}, {transform_indices = #map1}, {transform_indices = #map1}, {transform_indices = #map1}, {transform_indices = #map1}, {transform_indices = #map}, {transform_indices = #map}]} {
    %mul3A = arith.constant 2 : i32
    %mul3A_0 = arith.muli %arg1, %mul3A : i32
    %add3A = arith.addi %mul3A_0, %arg0 : i32
    %dma_start3A = arith.constant 0 : i32
    %dma_start3A_1 = arith.constant 0 : i32
    %dma_start3A_2 = tpu.memref_slice %arg2[%add3A, %dma_start3A, %dma_start3A_1] : memref<32x40x128xi32, #tpu.memory_space<hbm>> -> memref<1x40x128xi32, #tpu.memory_space<hbm>>
    %dma_start3A_3 = tpu.memref_squeeze %dma_start3A_2 : memref<1x40x128xi32, #tpu.memory_space<hbm>> -> memref<40x128xi32, #tpu.memory_space<hbm>>
    %dma_start3A_4 = arith.constant 0 : i32
    %dma_start3A_5 = arith.constant 0 : i32
    %dma_start3A_6 = tpu.memref_slice %arg2[%add3A, %dma_start3A_4, %dma_start3A_5] : memref<32x40x128xi32, #tpu.memory_space<hbm>> -> memref<1x40x128xi32, #tpu.memory_space<hbm>>
    %dma_start3A_7 = tpu.memref_squeeze %dma_start3A_6 : memref<1x40x128xi32, #tpu.memory_space<hbm>> -> memref<40x128xi32, #tpu.memory_space<hbm>>
    tpu.enqueue_dma source(%dma_start3A_7 : memref<40x128xi32, #tpu.memory_space<hbm>>) target(%arg10 : memref<40x128xi32, #tpu.memory_space<vmem>>) target_semaphore(%arg16 : memref<!tpu.dma_semaphore, #tpu.memory_space<semaphore_mem>>)
    %dma_start3A_8 = arith.constant 0 : i32
    %dma_start3A_9 = arith.constant 0 : i32
    %dma_start3A_10 = tpu.memref_slice %arg3[%add3A, %dma_start3A_8, %dma_start3A_9] : memref<32x10x128xi32, #tpu.memory_space<hbm>> -> memref<1x10x128xi32, #tpu.memory_space<hbm>>
    %dma_start3A_11 = tpu.memref_squeeze %dma_start3A_10 : memref<1x10x128xi32, #tpu.memory_space<hbm>> -> memref<10x128xi32, #tpu.memory_space<hbm>>
    %dma_start3A_12 = arith.constant 0 : i32
    %dma_start3A_13 = arith.constant 0 : i32
    %dma_start3A_14 = tpu.memref_slice %arg3[%add3A, %dma_start3A_12, %dma_start3A_13] : memref<32x10x128xi32, #tpu.memory_space<hbm>> -> memref<1x10x128xi32, #tpu.memory_space<hbm>>
    %dma_start3A_15 = tpu.memref_squeeze %dma_start3A_14 : memref<1x10x128xi32, #tpu.memory_space<hbm>> -> memref<10x128xi32, #tpu.memory_space<hbm>>
    tpu.enqueue_dma source(%dma_start3A_15 : memref<10x128xi32, #tpu.memory_space<hbm>>) target(%arg11 : memref<10x128xi32, #tpu.memory_space<vmem>>) target_semaphore(%arg16 : memref<!tpu.dma_semaphore, #tpu.memory_space<semaphore_mem>>)
    "tpu.region"() ({
      %run_scoped3A = tpu.sem_alloc : memref<!tpu.dma_semaphore, #tpu.memory_space<semaphore_mem>>
      tpu.enqueue_dma source(%arg4 : memref<128x16xf32, #tpu.memory_space<hbm>>) target(%arg12 : memref<128x16xf32, #tpu.memory_space<vmem>>) target_semaphore(%run_scoped3A : memref<!tpu.dma_semaphore, #tpu.memory_space<semaphore_mem>>)
      tpu.wait_dma2 semaphore(%run_scoped3A : memref<!tpu.dma_semaphore, #tpu.memory_space<semaphore_mem>>) src(%arg4 : memref<128x16xf32, #tpu.memory_space<hbm>>) dst(%arg12 : memref<128x16xf32, #tpu.memory_space<vmem>>)
      tpu.yield
    }) : () -> ()
    "tpu.region"() ({
      %run_scoped3A = tpu.sem_alloc : memref<!tpu.dma_semaphore, #tpu.memory_space<semaphore_mem>>
      tpu.enqueue_dma source(%arg5 : memref<128x32xf32, #tpu.memory_space<hbm>>) target(%arg13 : memref<128x32xf32, #tpu.memory_space<vmem>>) target_semaphore(%run_scoped3A : memref<!tpu.dma_semaphore, #tpu.memory_space<semaphore_mem>>)
      tpu.wait_dma2 semaphore(%run_scoped3A : memref<!tpu.dma_semaphore, #tpu.memory_space<semaphore_mem>>) src(%arg5 : memref<128x32xf32, #tpu.memory_space<hbm>>) dst(%arg13 : memref<128x32xf32, #tpu.memory_space<vmem>>)
      tpu.yield
    }) : () -> ()
    %mul3A_16 = arith.constant 636 : i32
    %mul3A_17 = arith.muli %arg1, %mul3A_16 : i32
    %mul3A_18 = arith.constant 636 : i32
    %mul3A_19 = arith.muli %arg1, %mul3A_18 : i32
    "tpu.region"() ({
      %run_scoped3A = tpu.sem_alloc : memref<!tpu.dma_semaphore, #tpu.memory_space<semaphore_mem>>
      %dma_start3A_71 = arith.constant 0 : i32
      %dma_start3A_72 = tpu.memref_slice %arg14[%mul3A_19, %dma_start3A_71] : memref<10176x16xf32, #tpu.memory_space<vmem_shared>> -> memref<636x16xf32, #tpu.memory_space<vmem_shared>>
      %dma_start3A_73 = arith.constant 0 : i32
      %dma_start3A_74 = tpu.memref_slice %arg6[%mul3A_17, %dma_start3A_73] : memref<10176x16xf32, #tpu.memory_space<hbm>> -> memref<636x16xf32, #tpu.memory_space<hbm>>
      tpu.enqueue_dma source(%dma_start3A_74 : memref<636x16xf32, #tpu.memory_space<hbm>>) target(%dma_start3A_72 : memref<636x16xf32, #tpu.memory_space<vmem_shared>>) target_semaphore(%run_scoped3A : memref<!tpu.dma_semaphore, #tpu.memory_space<semaphore_mem>>)
      %dma_wait3A_75 = arith.constant 0 : i32
      %dma_wait3A_76 = tpu.memref_slice %arg14[%mul3A_19, %dma_wait3A_75] : memref<10176x16xf32, #tpu.memory_space<vmem_shared>> -> memref<636x16xf32, #tpu.memory_space<vmem_shared>>
      %dma_wait3A_77 = arith.constant 0 : i32
      %dma_wait3A_78 = tpu.memref_slice %arg6[%mul3A_17, %dma_wait3A_77] : memref<10176x16xf32, #tpu.memory_space<hbm>> -> memref<636x16xf32, #tpu.memory_space<hbm>>
      tpu.wait_dma2 semaphore(%run_scoped3A : memref<!tpu.dma_semaphore, #tpu.memory_space<semaphore_mem>>) src(%dma_wait3A_78 : memref<636x16xf32, #tpu.memory_space<hbm>>) dst(%dma_wait3A_76 : memref<636x16xf32, #tpu.memory_space<vmem_shared>>)
      tpu.yield
    }) : () -> ()
    %mul3A_20 = arith.constant 636 : i32
    %mul3A_21 = arith.muli %arg1, %mul3A_20 : i32
    %mul3A_22 = arith.constant 636 : i32
    %mul3A_23 = arith.muli %arg1, %mul3A_22 : i32
    "tpu.region"() ({
      %run_scoped3A = tpu.sem_alloc : memref<!tpu.dma_semaphore, #tpu.memory_space<semaphore_mem>>
      %dma_start3A_71 = arith.constant 0 : i32
      %dma_start3A_72 = tpu.memref_slice %arg15[%mul3A_23, %dma_start3A_71] : memref<10176x32xf32, #tpu.memory_space<vmem_shared>> -> memref<636x32xf32, #tpu.memory_space<vmem_shared>>
      %dma_start3A_73 = arith.constant 0 : i32
      %dma_start3A_74 = tpu.memref_slice %arg7[%mul3A_21, %dma_start3A_73] : memref<10176x32xf32, #tpu.memory_space<hbm>> -> memref<636x32xf32, #tpu.memory_space<hbm>>
      tpu.enqueue_dma source(%dma_start3A_74 : memref<636x32xf32, #tpu.memory_space<hbm>>) target(%dma_start3A_72 : memref<636x32xf32, #tpu.memory_space<vmem_shared>>) target_semaphore(%run_scoped3A : memref<!tpu.dma_semaphore, #tpu.memory_space<semaphore_mem>>)
      %dma_wait3A_75 = arith.constant 0 : i32
      %dma_wait3A_76 = tpu.memref_slice %arg15[%mul3A_23, %dma_wait3A_75] : memref<10176x32xf32, #tpu.memory_space<vmem_shared>> -> memref<636x32xf32, #tpu.memory_space<vmem_shared>>
      %dma_wait3A_77 = arith.constant 0 : i32
      %dma_wait3A_78 = tpu.memref_slice %arg7[%mul3A_21, %dma_wait3A_77] : memref<10176x32xf32, #tpu.memory_space<hbm>> -> memref<636x32xf32, #tpu.memory_space<hbm>>
      tpu.wait_dma2 semaphore(%run_scoped3A : memref<!tpu.dma_semaphore, #tpu.memory_space<semaphore_mem>>) src(%dma_wait3A_78 : memref<636x32xf32, #tpu.memory_space<hbm>>) dst(%dma_wait3A_76 : memref<636x32xf32, #tpu.memory_space<vmem_shared>>)
      tpu.yield
    }) : () -> ()
    %barrier3A = arith.constant 0 : index
    tpu.barrier barrier_id(%barrier3A)
    %dma_wait3A = arith.constant 0 : i32
    %dma_wait3A_24 = arith.constant 0 : i32
    %dma_wait3A_25 = tpu.memref_slice %arg2[%add3A, %dma_wait3A, %dma_wait3A_24] : memref<32x40x128xi32, #tpu.memory_space<hbm>> -> memref<1x40x128xi32, #tpu.memory_space<hbm>>
    %dma_wait3A_26 = tpu.memref_squeeze %dma_wait3A_25 : memref<1x40x128xi32, #tpu.memory_space<hbm>> -> memref<40x128xi32, #tpu.memory_space<hbm>>
    %dma_wait3A_27 = arith.constant 0 : i32
    %dma_wait3A_28 = arith.constant 0 : i32
    %dma_wait3A_29 = tpu.memref_slice %arg2[%add3A, %dma_wait3A_27, %dma_wait3A_28] : memref<32x40x128xi32, #tpu.memory_space<hbm>> -> memref<1x40x128xi32, #tpu.memory_space<hbm>>
    %dma_wait3A_30 = tpu.memref_squeeze %dma_wait3A_29 : memref<1x40x128xi32, #tpu.memory_space<hbm>> -> memref<40x128xi32, #tpu.memory_space<hbm>>
    tpu.wait_dma2 semaphore(%arg16 : memref<!tpu.dma_semaphore, #tpu.memory_space<semaphore_mem>>) src(%dma_wait3A_30 : memref<40x128xi32, #tpu.memory_space<hbm>>) dst(%arg10 : memref<40x128xi32, #tpu.memory_space<vmem>>)
    %dma_wait3A_31 = arith.constant 0 : i32
    %dma_wait3A_32 = arith.constant 0 : i32
    %dma_wait3A_33 = tpu.memref_slice %arg3[%add3A, %dma_wait3A_31, %dma_wait3A_32] : memref<32x10x128xi32, #tpu.memory_space<hbm>> -> memref<1x10x128xi32, #tpu.memory_space<hbm>>
    %dma_wait3A_34 = tpu.memref_squeeze %dma_wait3A_33 : memref<1x10x128xi32, #tpu.memory_space<hbm>> -> memref<10x128xi32, #tpu.memory_space<hbm>>
    %dma_wait3A_35 = arith.constant 0 : i32
    %dma_wait3A_36 = arith.constant 0 : i32
    %dma_wait3A_37 = tpu.memref_slice %arg3[%add3A, %dma_wait3A_35, %dma_wait3A_36] : memref<32x10x128xi32, #tpu.memory_space<hbm>> -> memref<1x10x128xi32, #tpu.memory_space<hbm>>
    %dma_wait3A_38 = tpu.memref_squeeze %dma_wait3A_37 : memref<1x10x128xi32, #tpu.memory_space<hbm>> -> memref<10x128xi32, #tpu.memory_space<hbm>>
    tpu.wait_dma2 semaphore(%arg16 : memref<!tpu.dma_semaphore, #tpu.memory_space<semaphore_mem>>) src(%dma_wait3A_38 : memref<10x128xi32, #tpu.memory_space<hbm>>) dst(%arg11 : memref<10x128xi32, #tpu.memory_space<vmem>>)
    %scan3A = arith.constant 0 : i32
    %scan3A_39 = arith.constant 0 : i32
    %scan3A_40 = arith.constant 40 : i32
    %scan3A_41 = arith.addi %scan3A_39, %scan3A_40 : i32
    %scan3A_42 = arith.constant 1 : i32
    scf.for %scan3A_71 = %scan3A_39 to %scan3A_41 step %scan3A_42  : i32 {
      %dma_start3A_72 = arith.constant 0 : i32
      %dma_start3A_73 = tpu.memref_slice %arg10[%scan3A_71, %dma_start3A_72] : memref<40x128xi32, #tpu.memory_space<vmem>> -> memref<1x128xi32, #tpu.memory_space<vmem>>
      %dma_start3A_74 = tpu.memref_squeeze %dma_start3A_73 : memref<1x128xi32, #tpu.memory_space<vmem>> -> memref<128xi32, #tpu.memory_space<vmem>>
      %dma_start3A_75 = arith.constant 0 : i32
      %dma_start3A_76 = arith.constant 0 : i32
      %dma_start3A_77 = tpu.memref_slice %arg14[%dma_start3A_75, %dma_start3A_76] : memref<10176x16xf32, #tpu.memory_space<vmem_shared>> -> memref<10176x16xf32, #tpu.memory_space<vmem_shared>>
      tpu.enqueue_indirect_dma source(%arg12 : memref<128x16xf32, #tpu.memory_space<vmem>>) target(%dma_start3A_77 : memref<10176x16xf32, #tpu.memory_space<vmem_shared>>) offsets(%dma_start3A_74 : memref<128xi32, #tpu.memory_space<vmem>>) semaphore(%arg17 : memref<!tpu.dma_semaphore, #tpu.memory_space<semaphore_mem>>) {add = true}
    }
    %scan3A_43 = arith.constant 40 : i32
    %scan3A_44 = arith.constant 0 : i32
    %scan3A_45 = arith.constant 0 : i32
    %scan3A_46 = arith.constant 10 : i32
    %scan3A_47 = arith.addi %scan3A_45, %scan3A_46 : i32
    %scan3A_48 = arith.constant 1 : i32
    scf.for %scan3A_71 = %scan3A_45 to %scan3A_47 step %scan3A_48  : i32 {
      %dma_start3A_72 = arith.constant 0 : i32
      %dma_start3A_73 = tpu.memref_slice %arg11[%scan3A_71, %dma_start3A_72] : memref<10x128xi32, #tpu.memory_space<vmem>> -> memref<1x128xi32, #tpu.memory_space<vmem>>
      %dma_start3A_74 = tpu.memref_squeeze %dma_start3A_73 : memref<1x128xi32, #tpu.memory_space<vmem>> -> memref<128xi32, #tpu.memory_space<vmem>>
      %dma_start3A_75 = arith.constant 0 : i32
      %dma_start3A_76 = arith.constant 0 : i32
      %dma_start3A_77 = tpu.memref_slice %arg15[%dma_start3A_75, %dma_start3A_76] : memref<10176x32xf32, #tpu.memory_space<vmem_shared>> -> memref<10176x32xf32, #tpu.memory_space<vmem_shared>>
      tpu.enqueue_indirect_dma source(%arg13 : memref<128x32xf32, #tpu.memory_space<vmem>>) target(%dma_start3A_77 : memref<10176x32xf32, #tpu.memory_space<vmem_shared>>) offsets(%dma_start3A_74 : memref<128xi32, #tpu.memory_space<vmem>>) semaphore(%arg17 : memref<!tpu.dma_semaphore, #tpu.memory_space<semaphore_mem>>) {add = true}
    }
    %scan3A_49 = arith.constant 10 : i32
    %scan3A_50 = arith.constant 0 : i32
    %scan3A_51 = arith.constant 0 : i32
    %scan3A_52 = arith.constant 40 : i32
    %scan3A_53 = arith.addi %scan3A_51, %scan3A_52 : i32
    %scan3A_54 = arith.constant 1 : i32
    scf.for %scan3A_71 = %scan3A_51 to %scan3A_53 step %scan3A_54  : i32 {
      %dma_wait3A_72 = arith.constant 0 : i32
      %dma_wait3A_73 = arith.constant 0 : i32
      %dma_wait3A_74 = tpu.memref_slice %arg10[%dma_wait3A_72, %dma_wait3A_73] : memref<40x128xi32, #tpu.memory_space<vmem>> -> memref<1x128xi32, #tpu.memory_space<vmem>>
      %dma_wait3A_75 = tpu.memref_squeeze %dma_wait3A_74 : memref<1x128xi32, #tpu.memory_space<vmem>> -> memref<128xi32, #tpu.memory_space<vmem>>
      %dma_wait3A_76 = arith.constant 0 : i32
      %dma_wait3A_77 = arith.constant 0 : i32
      %dma_wait3A_78 = tpu.memref_slice %arg14[%dma_wait3A_76, %dma_wait3A_77] : memref<10176x16xf32, #tpu.memory_space<vmem_shared>> -> memref<10176x16xf32, #tpu.memory_space<vmem_shared>>
      tpu.wait_indirect_dma semaphore(%arg17 : memref<!tpu.dma_semaphore, #tpu.memory_space<semaphore_mem>>) src(%arg12 : memref<128x16xf32, #tpu.memory_space<vmem>>) dst(%dma_wait3A_78 : memref<10176x16xf32, #tpu.memory_space<vmem_shared>>)
    }
    %scan3A_55 = arith.constant 40 : i32
    %scan3A_56 = arith.constant 0 : i32
    %scan3A_57 = arith.constant 0 : i32
    %scan3A_58 = arith.constant 10 : i32
    %scan3A_59 = arith.addi %scan3A_57, %scan3A_58 : i32
    %scan3A_60 = arith.constant 1 : i32
    scf.for %scan3A_71 = %scan3A_57 to %scan3A_59 step %scan3A_60  : i32 {
      %dma_wait3A_72 = arith.constant 0 : i32
      %dma_wait3A_73 = arith.constant 0 : i32
      %dma_wait3A_74 = tpu.memref_slice %arg11[%dma_wait3A_72, %dma_wait3A_73] : memref<10x128xi32, #tpu.memory_space<vmem>> -> memref<1x128xi32, #tpu.memory_space<vmem>>
      %dma_wait3A_75 = tpu.memref_squeeze %dma_wait3A_74 : memref<1x128xi32, #tpu.memory_space<vmem>> -> memref<128xi32, #tpu.memory_space<vmem>>
      %dma_wait3A_76 = arith.constant 0 : i32
      %dma_wait3A_77 = arith.constant 0 : i32
      %dma_wait3A_78 = tpu.memref_slice %arg15[%dma_wait3A_76, %dma_wait3A_77] : memref<10176x32xf32, #tpu.memory_space<vmem_shared>> -> memref<10176x32xf32, #tpu.memory_space<vmem_shared>>
      tpu.wait_indirect_dma semaphore(%arg17 : memref<!tpu.dma_semaphore, #tpu.memory_space<semaphore_mem>>) src(%arg13 : memref<128x32xf32, #tpu.memory_space<vmem>>) dst(%dma_wait3A_78 : memref<10176x32xf32, #tpu.memory_space<vmem_shared>>)
    }
    %scan3A_61 = arith.constant 10 : i32
    %barrier3A_62 = arith.constant 0 : index
    tpu.barrier barrier_id(%barrier3A_62)
    %mul3A_63 = arith.constant 636 : i32
    %mul3A_64 = arith.muli %arg1, %mul3A_63 : i32
    %mul3A_65 = arith.constant 636 : i32
    %mul3A_66 = arith.muli %arg1, %mul3A_65 : i32
    "tpu.region"() ({
      %run_scoped3A = tpu.sem_alloc : memref<!tpu.dma_semaphore, #tpu.memory_space<semaphore_mem>>
      %dma_start3A_71 = arith.constant 0 : i32
      %dma_start3A_72 = tpu.memref_slice %arg8[%arg0, %mul3A_66, %dma_start3A_71] : memref<2x10176x16xf32, #tpu.memory_space<hbm>> -> memref<1x636x16xf32, #tpu.memory_space<hbm>>
      %dma_start3A_73 = tpu.memref_squeeze %dma_start3A_72 : memref<1x636x16xf32, #tpu.memory_space<hbm>> -> memref<636x16xf32, #tpu.memory_space<hbm>>
      %dma_start3A_74 = arith.constant 0 : i32
      %dma_start3A_75 = tpu.memref_slice %arg14[%mul3A_64, %dma_start3A_74] : memref<10176x16xf32, #tpu.memory_space<vmem_shared>> -> memref<636x16xf32, #tpu.memory_space<vmem_shared>>
      tpu.enqueue_dma source(%dma_start3A_75 : memref<636x16xf32, #tpu.memory_space<vmem_shared>>) target(%dma_start3A_73 : memref<636x16xf32, #tpu.memory_space<hbm>>) target_semaphore(%run_scoped3A : memref<!tpu.dma_semaphore, #tpu.memory_space<semaphore_mem>>)
      %dma_wait3A_76 = arith.constant 0 : i32
      %dma_wait3A_77 = tpu.memref_slice %arg8[%arg0, %mul3A_66, %dma_wait3A_76] : memref<2x10176x16xf32, #tpu.memory_space<hbm>> -> memref<1x636x16xf32, #tpu.memory_space<hbm>>
      %dma_wait3A_78 = tpu.memref_squeeze %dma_wait3A_77 : memref<1x636x16xf32, #tpu.memory_space<hbm>> -> memref<636x16xf32, #tpu.memory_space<hbm>>
      %dma_wait3A_79 = arith.constant 0 : i32
      %dma_wait3A_80 = tpu.memref_slice %arg14[%mul3A_64, %dma_wait3A_79] : memref<10176x16xf32, #tpu.memory_space<vmem_shared>> -> memref<636x16xf32, #tpu.memory_space<vmem_shared>>
      tpu.wait_dma2 semaphore(%run_scoped3A : memref<!tpu.dma_semaphore, #tpu.memory_space<semaphore_mem>>) src(%dma_wait3A_80 : memref<636x16xf32, #tpu.memory_space<vmem_shared>>) dst(%dma_wait3A_78 : memref<636x16xf32, #tpu.memory_space<hbm>>)
      tpu.yield
    }) : () -> ()
    %mul3A_67 = arith.constant 636 : i32
    %mul3A_68 = arith.muli %arg1, %mul3A_67 : i32
    %mul3A_69 = arith.constant 636 : i32
    %mul3A_70 = arith.muli %arg1, %mul3A_69 : i32
    "tpu.region"() ({
      %run_scoped3A = tpu.sem_alloc : memref<!tpu.dma_semaphore, #tpu.memory_space<semaphore_mem>>
      %dma_start3A_71 = arith.constant 0 : i32
      %dma_start3A_72 = tpu.memref_slice %arg9[%arg0, %mul3A_70, %dma_start3A_71] : memref<2x10176x32xf32, #tpu.memory_space<hbm>> -> memref<1x636x32xf32, #tpu.memory_space<hbm>>
      %dma_start3A_73 = tpu.memref_squeeze %dma_start3A_72 : memref<1x636x32xf32, #tpu.memory_space<hbm>> -> memref<636x32xf32, #tpu.memory_space<hbm>>
      %dma_start3A_74 = arith.constant 0 : i32
      %dma_start3A_75 = tpu.memref_slice %arg15[%mul3A_68, %dma_start3A_74] : memref<10176x32xf32, #tpu.memory_space<vmem_shared>> -> memref<636x32xf32, #tpu.memory_space<vmem_shared>>
      tpu.enqueue_dma source(%dma_start3A_75 : memref<636x32xf32, #tpu.memory_space<vmem_shared>>) target(%dma_start3A_73 : memref<636x32xf32, #tpu.memory_space<hbm>>) target_semaphore(%run_scoped3A : memref<!tpu.dma_semaphore, #tpu.memory_space<semaphore_mem>>)
      %dma_wait3A_76 = arith.constant 0 : i32
      %dma_wait3A_77 = tpu.memref_slice %arg9[%arg0, %mul3A_70, %dma_wait3A_76] : memref<2x10176x32xf32, #tpu.memory_space<hbm>> -> memref<1x636x32xf32, #tpu.memory_space<hbm>>
      %dma_wait3A_78 = tpu.memref_squeeze %dma_wait3A_77 : memref<1x636x32xf32, #tpu.memory_space<hbm>> -> memref<636x32xf32, #tpu.memory_space<hbm>>
      %dma_wait3A_79 = arith.constant 0 : i32
      %dma_wait3A_80 = tpu.memref_slice %arg15[%mul3A_68, %dma_wait3A_79] : memref<10176x32xf32, #tpu.memory_space<vmem_shared>> -> memref<636x32xf32, #tpu.memory_space<vmem_shared>>
      tpu.wait_dma2 semaphore(%run_scoped3A : memref<!tpu.dma_semaphore, #tpu.memory_space<semaphore_mem>>) src(%dma_wait3A_80 : memref<636x32xf32, #tpu.memory_space<vmem_shared>>) dst(%dma_wait3A_78 : memref<636x32xf32, #tpu.memory_space<hbm>>)
      tpu.yield
    }) : () -> ()
    return
  }
}

#map = affine_map<(d0, d1) -> (0, 0)>
#map1 = affine_map<(d0, d1) -> (0, 0, 0)>
module attributes {stable_mosaic.version = 14 : i64} {
  func.func @body(%arg0: i32, %arg1: i32, %arg2: memref<163840x16xf32, #tpu.memory_space<hbm>>, %arg3: memref<32x40x128xi32, #tpu.memory_space<hbm>>, %arg4: memref<10176x16xf32, #tpu.memory_space<hbm>>, %arg5: memref<2x10176x16xf32, #tpu.memory_space<hbm>>, %arg6: memref<40x128xi32, #tpu.memory_space<vmem>>, %arg7: memref<5120x16xf32, #tpu.memory_space<vmem>>, %arg8: memref<10176x16xf32, #tpu.memory_space<vmem_shared>>, %arg9: memref<!tpu.dma_semaphore, #tpu.memory_space<semaphore_mem>>, %arg10: memref<!tpu.dma_semaphore, #tpu.memory_space<semaphore_mem>>) attributes {dimension_semantics = [#tpu.dimension_semantics<core_parallel>, #tpu.dimension_semantics<subcore_parallel>], iteration_bounds = array<i64: 2, 16>, scalar_prefetch = 0 : i64, scratch_operands = 5 : i64, tpu.core_type = #tpu.core_type<sc_vector_subcore>, window_params = [{transform_indices = #map}, {transform_indices = #map1}, {transform_indices = #map}, {transform_indices = #map1}]} {
    %mul3A = arith.constant 2 : i32
    %mul3A_0 = arith.muli %arg1, %mul3A : i32
    %add3A = arith.addi %mul3A_0, %arg0 : i32
    %dma_start3A = arith.constant 0 : i32
    %dma_start3A_1 = arith.constant 0 : i32
    %dma_start3A_2 = tpu.memref_slice %arg3[%add3A, %dma_start3A, %dma_start3A_1] : memref<32x40x128xi32, #tpu.memory_space<hbm>> -> memref<1x40x128xi32, #tpu.memory_space<hbm>>
    %dma_start3A_3 = tpu.memref_squeeze %dma_start3A_2 : memref<1x40x128xi32, #tpu.memory_space<hbm>> -> memref<40x128xi32, #tpu.memory_space<hbm>>
    %dma_start3A_4 = arith.constant 0 : i32
    %dma_start3A_5 = arith.constant 0 : i32
    %dma_start3A_6 = tpu.memref_slice %arg3[%add3A, %dma_start3A_4, %dma_start3A_5] : memref<32x40x128xi32, #tpu.memory_space<hbm>> -> memref<1x40x128xi32, #tpu.memory_space<hbm>>
    %dma_start3A_7 = tpu.memref_squeeze %dma_start3A_6 : memref<1x40x128xi32, #tpu.memory_space<hbm>> -> memref<40x128xi32, #tpu.memory_space<hbm>>
    tpu.enqueue_dma source(%dma_start3A_7 : memref<40x128xi32, #tpu.memory_space<hbm>>) target(%arg6 : memref<40x128xi32, #tpu.memory_space<vmem>>) target_semaphore(%arg9 : memref<!tpu.dma_semaphore, #tpu.memory_space<semaphore_mem>>)
    %mul3A_8 = arith.constant 5120 : i32
    %mul3A_9 = arith.muli %add3A, %mul3A_8 : i32
    %dma_start3A_10 = arith.constant 0 : i32
    %dma_start3A_11 = tpu.memref_slice %arg2[%mul3A_9, %dma_start3A_10] : memref<163840x16xf32, #tpu.memory_space<hbm>> -> memref<5120x16xf32, #tpu.memory_space<hbm>>
    %dma_start3A_12 = arith.constant 0 : i32
    %dma_start3A_13 = tpu.memref_slice %arg2[%mul3A_9, %dma_start3A_12] : memref<163840x16xf32, #tpu.memory_space<hbm>> -> memref<5120x16xf32, #tpu.memory_space<hbm>>
    tpu.enqueue_dma source(%dma_start3A_13 : memref<5120x16xf32, #tpu.memory_space<hbm>>) target(%arg7 : memref<5120x16xf32, #tpu.memory_space<vmem>>) target_semaphore(%arg9 : memref<!tpu.dma_semaphore, #tpu.memory_space<semaphore_mem>>)
    %mul3A_14 = arith.constant 636 : i32
    %mul3A_15 = arith.muli %arg1, %mul3A_14 : i32
    %mul3A_16 = arith.constant 636 : i32
    %mul3A_17 = arith.muli %arg1, %mul3A_16 : i32
    "tpu.region"() ({
      %run_scoped3A = tpu.sem_alloc : memref<!tpu.dma_semaphore, #tpu.memory_space<semaphore_mem>>
      %dma_start3A_47 = arith.constant 0 : i32
      %dma_start3A_48 = tpu.memref_slice %arg8[%mul3A_17, %dma_start3A_47] : memref<10176x16xf32, #tpu.memory_space<vmem_shared>> -> memref<636x16xf32, #tpu.memory_space<vmem_shared>>
      %dma_start3A_49 = arith.constant 0 : i32
      %dma_start3A_50 = tpu.memref_slice %arg4[%mul3A_15, %dma_start3A_49] : memref<10176x16xf32, #tpu.memory_space<hbm>> -> memref<636x16xf32, #tpu.memory_space<hbm>>
      tpu.enqueue_dma source(%dma_start3A_50 : memref<636x16xf32, #tpu.memory_space<hbm>>) target(%dma_start3A_48 : memref<636x16xf32, #tpu.memory_space<vmem_shared>>) target_semaphore(%run_scoped3A : memref<!tpu.dma_semaphore, #tpu.memory_space<semaphore_mem>>)
      %dma_wait3A_51 = arith.constant 0 : i32
      %dma_wait3A_52 = tpu.memref_slice %arg8[%mul3A_17, %dma_wait3A_51] : memref<10176x16xf32, #tpu.memory_space<vmem_shared>> -> memref<636x16xf32, #tpu.memory_space<vmem_shared>>
      %dma_wait3A_53 = arith.constant 0 : i32
      %dma_wait3A_54 = tpu.memref_slice %arg4[%mul3A_15, %dma_wait3A_53] : memref<10176x16xf32, #tpu.memory_space<hbm>> -> memref<636x16xf32, #tpu.memory_space<hbm>>
      tpu.wait_dma2 semaphore(%run_scoped3A : memref<!tpu.dma_semaphore, #tpu.memory_space<semaphore_mem>>) src(%dma_wait3A_54 : memref<636x16xf32, #tpu.memory_space<hbm>>) dst(%dma_wait3A_52 : memref<636x16xf32, #tpu.memory_space<vmem_shared>>)
      tpu.yield
    }) : () -> ()
    %barrier3A = arith.constant 0 : index
    tpu.barrier barrier_id(%barrier3A)
    %dma_wait3A = arith.constant 0 : i32
    %dma_wait3A_18 = arith.constant 0 : i32
    %dma_wait3A_19 = tpu.memref_slice %arg3[%add3A, %dma_wait3A, %dma_wait3A_18] : memref<32x40x128xi32, #tpu.memory_space<hbm>> -> memref<1x40x128xi32, #tpu.memory_space<hbm>>
    %dma_wait3A_20 = tpu.memref_squeeze %dma_wait3A_19 : memref<1x40x128xi32, #tpu.memory_space<hbm>> -> memref<40x128xi32, #tpu.memory_space<hbm>>
    %dma_wait3A_21 = arith.constant 0 : i32
    %dma_wait3A_22 = arith.constant 0 : i32
    %dma_wait3A_23 = tpu.memref_slice %arg3[%add3A, %dma_wait3A_21, %dma_wait3A_22] : memref<32x40x128xi32, #tpu.memory_space<hbm>> -> memref<1x40x128xi32, #tpu.memory_space<hbm>>
    %dma_wait3A_24 = tpu.memref_squeeze %dma_wait3A_23 : memref<1x40x128xi32, #tpu.memory_space<hbm>> -> memref<40x128xi32, #tpu.memory_space<hbm>>
    tpu.wait_dma2 semaphore(%arg9 : memref<!tpu.dma_semaphore, #tpu.memory_space<semaphore_mem>>) src(%dma_wait3A_24 : memref<40x128xi32, #tpu.memory_space<hbm>>) dst(%arg6 : memref<40x128xi32, #tpu.memory_space<vmem>>)
    %mul3A_25 = arith.constant 5120 : i32
    %mul3A_26 = arith.muli %add3A, %mul3A_25 : i32
    %dma_wait3A_27 = arith.constant 0 : i32
    %dma_wait3A_28 = tpu.memref_slice %arg2[%mul3A_26, %dma_wait3A_27] : memref<163840x16xf32, #tpu.memory_space<hbm>> -> memref<5120x16xf32, #tpu.memory_space<hbm>>
    %dma_wait3A_29 = arith.constant 0 : i32
    %dma_wait3A_30 = tpu.memref_slice %arg2[%mul3A_26, %dma_wait3A_29] : memref<163840x16xf32, #tpu.memory_space<hbm>> -> memref<5120x16xf32, #tpu.memory_space<hbm>>
    tpu.wait_dma2 semaphore(%arg9 : memref<!tpu.dma_semaphore, #tpu.memory_space<semaphore_mem>>) src(%dma_wait3A_30 : memref<5120x16xf32, #tpu.memory_space<hbm>>) dst(%arg7 : memref<5120x16xf32, #tpu.memory_space<vmem>>)
    %scan3A = arith.constant 0 : i32
    %scan3A_31 = arith.constant 0 : i32
    %scan3A_32 = arith.constant 40 : i32
    %scan3A_33 = arith.addi %scan3A_31, %scan3A_32 : i32
    %scan3A_34 = arith.constant 1 : i32
    scf.for %scan3A_47 = %scan3A_31 to %scan3A_33 step %scan3A_34  : i32 {
      %mul3A_48 = arith.constant 128 : i32
      %mul3A_49 = arith.muli %scan3A_47, %mul3A_48 : i32
      %dma_start3A_50 = arith.constant 0 : i32
      %dma_start3A_51 = tpu.memref_slice %arg7[%mul3A_49, %dma_start3A_50] : memref<5120x16xf32, #tpu.memory_space<vmem>> -> memref<128x16xf32, #tpu.memory_space<vmem>>
      %dma_start3A_52 = arith.constant 0 : i32
      %dma_start3A_53 = tpu.memref_slice %arg6[%scan3A_47, %dma_start3A_52] : memref<40x128xi32, #tpu.memory_space<vmem>> -> memref<1x128xi32, #tpu.memory_space<vmem>>
      %dma_start3A_54 = tpu.memref_squeeze %dma_start3A_53 : memref<1x128xi32, #tpu.memory_space<vmem>> -> memref<128xi32, #tpu.memory_space<vmem>>
      %dma_start3A_55 = arith.constant 0 : i32
      %dma_start3A_56 = arith.constant 0 : i32
      %dma_start3A_57 = tpu.memref_slice %arg8[%dma_start3A_55, %dma_start3A_56] : memref<10176x16xf32, #tpu.memory_space<vmem_shared>> -> memref<10176x16xf32, #tpu.memory_space<vmem_shared>>
      tpu.enqueue_indirect_dma source(%dma_start3A_51 : memref<128x16xf32, #tpu.memory_space<vmem>>) target(%dma_start3A_57 : memref<10176x16xf32, #tpu.memory_space<vmem_shared>>) offsets(%dma_start3A_54 : memref<128xi32, #tpu.memory_space<vmem>>) semaphore(%arg10 : memref<!tpu.dma_semaphore, #tpu.memory_space<semaphore_mem>>) {add = true}
    }
    %scan3A_35 = arith.constant 40 : i32
    %scan3A_36 = arith.constant 0 : i32
    %scan3A_37 = arith.constant 0 : i32
    %scan3A_38 = arith.constant 40 : i32
    %scan3A_39 = arith.addi %scan3A_37, %scan3A_38 : i32
    %scan3A_40 = arith.constant 1 : i32
    scf.for %scan3A_47 = %scan3A_37 to %scan3A_39 step %scan3A_40  : i32 {
      %dma_wait3A_48 = arith.constant 0 : i32
      %dma_wait3A_49 = arith.constant 0 : i32
      %dma_wait3A_50 = arith.constant 0 : i32
      %dma_wait3A_51 = tpu.memref_slice %arg7[%dma_wait3A_49, %dma_wait3A_50] : memref<5120x16xf32, #tpu.memory_space<vmem>> -> memref<128x16xf32, #tpu.memory_space<vmem>>
      %dma_wait3A_52 = arith.constant 0 : i32
      %dma_wait3A_53 = tpu.memref_slice %arg6[%dma_wait3A_48, %dma_wait3A_52] : memref<40x128xi32, #tpu.memory_space<vmem>> -> memref<1x128xi32, #tpu.memory_space<vmem>>
      %dma_wait3A_54 = tpu.memref_squeeze %dma_wait3A_53 : memref<1x128xi32, #tpu.memory_space<vmem>> -> memref<128xi32, #tpu.memory_space<vmem>>
      %dma_wait3A_55 = arith.constant 0 : i32
      %dma_wait3A_56 = arith.constant 0 : i32
      %dma_wait3A_57 = tpu.memref_slice %arg8[%dma_wait3A_55, %dma_wait3A_56] : memref<10176x16xf32, #tpu.memory_space<vmem_shared>> -> memref<10176x16xf32, #tpu.memory_space<vmem_shared>>
      tpu.wait_indirect_dma semaphore(%arg10 : memref<!tpu.dma_semaphore, #tpu.memory_space<semaphore_mem>>) src(%dma_wait3A_51 : memref<128x16xf32, #tpu.memory_space<vmem>>) dst(%dma_wait3A_57 : memref<10176x16xf32, #tpu.memory_space<vmem_shared>>)
    }
    %scan3A_41 = arith.constant 40 : i32
    %barrier3A_42 = arith.constant 0 : index
    tpu.barrier barrier_id(%barrier3A_42)
    %mul3A_43 = arith.constant 636 : i32
    %mul3A_44 = arith.muli %arg1, %mul3A_43 : i32
    %mul3A_45 = arith.constant 636 : i32
    %mul3A_46 = arith.muli %arg1, %mul3A_45 : i32
    "tpu.region"() ({
      %run_scoped3A = tpu.sem_alloc : memref<!tpu.dma_semaphore, #tpu.memory_space<semaphore_mem>>
      %dma_start3A_47 = arith.constant 0 : i32
      %dma_start3A_48 = tpu.memref_slice %arg5[%arg0, %mul3A_46, %dma_start3A_47] : memref<2x10176x16xf32, #tpu.memory_space<hbm>> -> memref<1x636x16xf32, #tpu.memory_space<hbm>>
      %dma_start3A_49 = tpu.memref_squeeze %dma_start3A_48 : memref<1x636x16xf32, #tpu.memory_space<hbm>> -> memref<636x16xf32, #tpu.memory_space<hbm>>
      %dma_start3A_50 = arith.constant 0 : i32
      %dma_start3A_51 = tpu.memref_slice %arg8[%mul3A_44, %dma_start3A_50] : memref<10176x16xf32, #tpu.memory_space<vmem_shared>> -> memref<636x16xf32, #tpu.memory_space<vmem_shared>>
      tpu.enqueue_dma source(%dma_start3A_51 : memref<636x16xf32, #tpu.memory_space<vmem_shared>>) target(%dma_start3A_49 : memref<636x16xf32, #tpu.memory_space<hbm>>) target_semaphore(%run_scoped3A : memref<!tpu.dma_semaphore, #tpu.memory_space<semaphore_mem>>)
      %dma_wait3A_52 = arith.constant 0 : i32
      %dma_wait3A_53 = tpu.memref_slice %arg5[%arg0, %mul3A_46, %dma_wait3A_52] : memref<2x10176x16xf32, #tpu.memory_space<hbm>> -> memref<1x636x16xf32, #tpu.memory_space<hbm>>
      %dma_wait3A_54 = tpu.memref_squeeze %dma_wait3A_53 : memref<1x636x16xf32, #tpu.memory_space<hbm>> -> memref<636x16xf32, #tpu.memory_space<hbm>>
      %dma_wait3A_55 = arith.constant 0 : i32
      %dma_wait3A_56 = tpu.memref_slice %arg8[%mul3A_44, %dma_wait3A_55] : memref<10176x16xf32, #tpu.memory_space<vmem_shared>> -> memref<636x16xf32, #tpu.memory_space<vmem_shared>>
      tpu.wait_dma2 semaphore(%run_scoped3A : memref<!tpu.dma_semaphore, #tpu.memory_space<semaphore_mem>>) src(%dma_wait3A_56 : memref<636x16xf32, #tpu.memory_space<vmem_shared>>) dst(%dma_wait3A_54 : memref<636x16xf32, #tpu.memory_space<hbm>>)
      tpu.yield
    }) : () -> ()
    return
  }
}

#map = affine_map<(d0, d1) -> (0, 0)>
#map1 = affine_map<(d0, d1) -> (0, 0, 0)>
module attributes {stable_mosaic.version = 14 : i64} {
  func.func @body(%arg0: i32, %arg1: i32, %arg2: memref<10112x32xf32, #tpu.memory_space<hbm>>, %arg3: memref<32x10x128xi32, #tpu.memory_space<hbm>>, %arg4: memref<40960x32xf32, #tpu.memory_space<hbm>>, %arg5: memref<10x128xi32, #tpu.memory_space<vmem>>, %arg6: memref<1280x32xf32, #tpu.memory_space<vmem>>, %arg7: memref<10112x32xf32, #tpu.memory_space<vmem_shared>>, %arg8: memref<!tpu.dma_semaphore, #tpu.memory_space<semaphore_mem>>) attributes {dimension_semantics = [#tpu.dimension_semantics<core_parallel>, #tpu.dimension_semantics<subcore_parallel>], iteration_bounds = array<i64: 2, 16>, scalar_prefetch = 0 : i64, scratch_operands = 4 : i64, tpu.core_type = #tpu.core_type<sc_vector_subcore>, window_params = [{transform_indices = #map}, {transform_indices = #map1}, {transform_indices = #map}]} {
    %mul3A = arith.constant 2 : i32
    %mul3A_0 = arith.muli %arg1, %mul3A : i32
    %add3A = arith.addi %mul3A_0, %arg0 : i32
    %dma_start3A = arith.constant 0 : i32
    %dma_start3A_1 = arith.constant 0 : i32
    %dma_start3A_2 = tpu.memref_slice %arg3[%add3A, %dma_start3A, %dma_start3A_1] : memref<32x10x128xi32, #tpu.memory_space<hbm>> -> memref<1x10x128xi32, #tpu.memory_space<hbm>>
    %dma_start3A_3 = tpu.memref_squeeze %dma_start3A_2 : memref<1x10x128xi32, #tpu.memory_space<hbm>> -> memref<10x128xi32, #tpu.memory_space<hbm>>
    %dma_start3A_4 = arith.constant 0 : i32
    %dma_start3A_5 = arith.constant 0 : i32
    %dma_start3A_6 = tpu.memref_slice %arg3[%add3A, %dma_start3A_4, %dma_start3A_5] : memref<32x10x128xi32, #tpu.memory_space<hbm>> -> memref<1x10x128xi32, #tpu.memory_space<hbm>>
    %dma_start3A_7 = tpu.memref_squeeze %dma_start3A_6 : memref<1x10x128xi32, #tpu.memory_space<hbm>> -> memref<10x128xi32, #tpu.memory_space<hbm>>
    tpu.enqueue_dma source(%dma_start3A_7 : memref<10x128xi32, #tpu.memory_space<hbm>>) target(%arg5 : memref<10x128xi32, #tpu.memory_space<vmem>>) target_semaphore(%arg8 : memref<!tpu.dma_semaphore, #tpu.memory_space<semaphore_mem>>)
    %mul3A_8 = arith.constant 632 : i32
    %mul3A_9 = arith.muli %arg1, %mul3A_8 : i32
    %mul3A_10 = arith.constant 632 : i32
    %mul3A_11 = arith.muli %arg1, %mul3A_10 : i32
    "tpu.region"() ({
      %run_scoped3A = tpu.sem_alloc : memref<!tpu.dma_semaphore, #tpu.memory_space<semaphore_mem>>
      %dma_start3A_32 = arith.constant 0 : i32
      %dma_start3A_33 = tpu.memref_slice %arg7[%mul3A_11, %dma_start3A_32] : memref<10112x32xf32, #tpu.memory_space<vmem_shared>> -> memref<632x32xf32, #tpu.memory_space<vmem_shared>>
      %dma_start3A_34 = arith.constant 0 : i32
      %dma_start3A_35 = tpu.memref_slice %arg2[%mul3A_9, %dma_start3A_34] : memref<10112x32xf32, #tpu.memory_space<hbm>> -> memref<632x32xf32, #tpu.memory_space<hbm>>
      tpu.enqueue_dma source(%dma_start3A_35 : memref<632x32xf32, #tpu.memory_space<hbm>>) target(%dma_start3A_33 : memref<632x32xf32, #tpu.memory_space<vmem_shared>>) target_semaphore(%run_scoped3A : memref<!tpu.dma_semaphore, #tpu.memory_space<semaphore_mem>>)
      %dma_wait3A_36 = arith.constant 0 : i32
      %dma_wait3A_37 = tpu.memref_slice %arg7[%mul3A_11, %dma_wait3A_36] : memref<10112x32xf32, #tpu.memory_space<vmem_shared>> -> memref<632x32xf32, #tpu.memory_space<vmem_shared>>
      %dma_wait3A_38 = arith.constant 0 : i32
      %dma_wait3A_39 = tpu.memref_slice %arg2[%mul3A_9, %dma_wait3A_38] : memref<10112x32xf32, #tpu.memory_space<hbm>> -> memref<632x32xf32, #tpu.memory_space<hbm>>
      tpu.wait_dma2 semaphore(%run_scoped3A : memref<!tpu.dma_semaphore, #tpu.memory_space<semaphore_mem>>) src(%dma_wait3A_39 : memref<632x32xf32, #tpu.memory_space<hbm>>) dst(%dma_wait3A_37 : memref<632x32xf32, #tpu.memory_space<vmem_shared>>)
      tpu.yield
    }) : () -> ()
    %barrier3A = arith.constant 0 : index
    tpu.barrier barrier_id(%barrier3A)
    %dma_wait3A = arith.constant 0 : i32
    %dma_wait3A_12 = arith.constant 0 : i32
    %dma_wait3A_13 = tpu.memref_slice %arg3[%add3A, %dma_wait3A, %dma_wait3A_12] : memref<32x10x128xi32, #tpu.memory_space<hbm>> -> memref<1x10x128xi32, #tpu.memory_space<hbm>>
    %dma_wait3A_14 = tpu.memref_squeeze %dma_wait3A_13 : memref<1x10x128xi32, #tpu.memory_space<hbm>> -> memref<10x128xi32, #tpu.memory_space<hbm>>
    %dma_wait3A_15 = arith.constant 0 : i32
    %dma_wait3A_16 = arith.constant 0 : i32
    %dma_wait3A_17 = tpu.memref_slice %arg3[%add3A, %dma_wait3A_15, %dma_wait3A_16] : memref<32x10x128xi32, #tpu.memory_space<hbm>> -> memref<1x10x128xi32, #tpu.memory_space<hbm>>
    %dma_wait3A_18 = tpu.memref_squeeze %dma_wait3A_17 : memref<1x10x128xi32, #tpu.memory_space<hbm>> -> memref<10x128xi32, #tpu.memory_space<hbm>>
    tpu.wait_dma2 semaphore(%arg8 : memref<!tpu.dma_semaphore, #tpu.memory_space<semaphore_mem>>) src(%dma_wait3A_18 : memref<10x128xi32, #tpu.memory_space<hbm>>) dst(%arg5 : memref<10x128xi32, #tpu.memory_space<vmem>>)
    %scan3A = arith.constant 0 : i32
    %scan3A_19 = arith.constant 0 : i32
    %scan3A_20 = arith.constant 10 : i32
    %scan3A_21 = arith.addi %scan3A_19, %scan3A_20 : i32
    %scan3A_22 = arith.constant 1 : i32
    scf.for %scan3A_32 = %scan3A_19 to %scan3A_21 step %scan3A_22  : i32 {
      %mul3A_33 = arith.constant 128 : i32
      %mul3A_34 = arith.muli %scan3A_32, %mul3A_33 : i32
      %dma_start3A_35 = arith.constant 0 : i32
      %dma_start3A_36 = tpu.memref_slice %arg6[%mul3A_34, %dma_start3A_35] : memref<1280x32xf32, #tpu.memory_space<vmem>> -> memref<128x32xf32, #tpu.memory_space<vmem>>
      %dma_start3A_37 = arith.constant 0 : i32
      %dma_start3A_38 = tpu.memref_slice %arg5[%scan3A_32, %dma_start3A_37] : memref<10x128xi32, #tpu.memory_space<vmem>> -> memref<1x128xi32, #tpu.memory_space<vmem>>
      %dma_start3A_39 = tpu.memref_squeeze %dma_start3A_38 : memref<1x128xi32, #tpu.memory_space<vmem>> -> memref<128xi32, #tpu.memory_space<vmem>>
      %dma_start3A_40 = arith.constant 0 : i32
      %dma_start3A_41 = arith.constant 0 : i32
      %dma_start3A_42 = tpu.memref_slice %arg7[%dma_start3A_40, %dma_start3A_41] : memref<10112x32xf32, #tpu.memory_space<vmem_shared>> -> memref<10112x32xf32, #tpu.memory_space<vmem_shared>>
      tpu.enqueue_indirect_dma source(%dma_start3A_42 : memref<10112x32xf32, #tpu.memory_space<vmem_shared>>) target(%dma_start3A_36 : memref<128x32xf32, #tpu.memory_space<vmem>>) offsets(%dma_start3A_39 : memref<128xi32, #tpu.memory_space<vmem>>) semaphore(%arg8 : memref<!tpu.dma_semaphore, #tpu.memory_space<semaphore_mem>>)
    }
    %scan3A_23 = arith.constant 10 : i32
    %scan3A_24 = arith.constant 0 : i32
    %scan3A_25 = arith.constant 0 : i32
    %scan3A_26 = arith.constant 10 : i32
    %scan3A_27 = arith.addi %scan3A_25, %scan3A_26 : i32
    %scan3A_28 = arith.constant 1 : i32
    scf.for %scan3A_32 = %scan3A_25 to %scan3A_27 step %scan3A_28  : i32 {
      %dma_wait3A_33 = arith.constant 0 : i32
      %dma_wait3A_34 = arith.constant 0 : i32
      %dma_wait3A_35 = arith.constant 0 : i32
      %dma_wait3A_36 = tpu.memref_slice %arg6[%dma_wait3A_34, %dma_wait3A_35] : memref<1280x32xf32, #tpu.memory_space<vmem>> -> memref<128x32xf32, #tpu.memory_space<vmem>>
      %dma_wait3A_37 = arith.constant 0 : i32
      %dma_wait3A_38 = tpu.memref_slice %arg5[%dma_wait3A_33, %dma_wait3A_37] : memref<10x128xi32, #tpu.memory_space<vmem>> -> memref<1x128xi32, #tpu.memory_space<vmem>>
      %dma_wait3A_39 = tpu.memref_squeeze %dma_wait3A_38 : memref<1x128xi32, #tpu.memory_space<vmem>> -> memref<128xi32, #tpu.memory_space<vmem>>
      %dma_wait3A_40 = arith.constant 0 : i32
      %dma_wait3A_41 = arith.constant 0 : i32
      %dma_wait3A_42 = tpu.memref_slice %arg7[%dma_wait3A_40, %dma_wait3A_41] : memref<10112x32xf32, #tpu.memory_space<vmem_shared>> -> memref<10112x32xf32, #tpu.memory_space<vmem_shared>>
      tpu.wait_indirect_dma semaphore(%arg8 : memref<!tpu.dma_semaphore, #tpu.memory_space<semaphore_mem>>) src(%dma_wait3A_42 : memref<10112x32xf32, #tpu.memory_space<vmem_shared>>) dst(%dma_wait3A_36 : memref<128x32xf32, #tpu.memory_space<vmem>>)
    }
    %scan3A_29 = arith.constant 10 : i32
    %mul3A_30 = arith.constant 1280 : i32
    %mul3A_31 = arith.muli %add3A, %mul3A_30 : i32
    "tpu.region"() ({
      %run_scoped3A = tpu.sem_alloc : memref<!tpu.dma_semaphore, #tpu.memory_space<semaphore_mem>>
      %dma_start3A_32 = arith.constant 0 : i32
      %dma_start3A_33 = tpu.memref_slice %arg4[%mul3A_31, %dma_start3A_32] : memref<40960x32xf32, #tpu.memory_space<hbm>> -> memref<1280x32xf32, #tpu.memory_space<hbm>>
      %dma_start3A_34 = arith.constant 0 : i32
      %dma_start3A_35 = tpu.memref_slice %arg4[%mul3A_31, %dma_start3A_34] : memref<40960x32xf32, #tpu.memory_space<hbm>> -> memref<1280x32xf32, #tpu.memory_space<hbm>>
      tpu.enqueue_dma source(%arg6 : memref<1280x32xf32, #tpu.memory_space<vmem>>) target(%dma_start3A_35 : memref<1280x32xf32, #tpu.memory_space<hbm>>) target_semaphore(%run_scoped3A : memref<!tpu.dma_semaphore, #tpu.memory_space<semaphore_mem>>)
      %dma_wait3A_36 = arith.constant 0 : i32
      %dma_wait3A_37 = tpu.memref_slice %arg4[%mul3A_31, %dma_wait3A_36] : memref<40960x32xf32, #tpu.memory_space<hbm>> -> memref<1280x32xf32, #tpu.memory_space<hbm>>
      %dma_wait3A_38 = arith.constant 0 : i32
      %dma_wait3A_39 = tpu.memref_slice %arg4[%mul3A_31, %dma_wait3A_38] : memref<40960x32xf32, #tpu.memory_space<hbm>> -> memref<1280x32xf32, #tpu.memory_space<hbm>>
      tpu.wait_dma2 semaphore(%run_scoped3A : memref<!tpu.dma_semaphore, #tpu.memory_space<semaphore_mem>>) src(%arg6 : memref<1280x32xf32, #tpu.memory_space<vmem>>) dst(%dma_wait3A_39 : memref<1280x32xf32, #tpu.memory_space<hbm>>)
      tpu.yield
    }) : () -> ()
    return
  }
}

#map = affine_map<(d0, d1) -> (0, 0)>
#map1 = affine_map<(d0, d1) -> (0, 0, 0)>
module attributes {stable_mosaic.version = 14 : i64} {
  func.func @body(%arg0: i32, %arg1: i32, %arg2: memref<40960x32xf32, #tpu.memory_space<hbm>>, %arg3: memref<32x10x128xi32, #tpu.memory_space<hbm>>, %arg4: memref<10176x32xf32, #tpu.memory_space<hbm>>, %arg5: memref<2x10176x32xf32, #tpu.memory_space<hbm>>, %arg6: memref<10x128xi32, #tpu.memory_space<vmem>>, %arg7: memref<1280x32xf32, #tpu.memory_space<vmem>>, %arg8: memref<10176x32xf32, #tpu.memory_space<vmem_shared>>, %arg9: memref<!tpu.dma_semaphore, #tpu.memory_space<semaphore_mem>>, %arg10: memref<!tpu.dma_semaphore, #tpu.memory_space<semaphore_mem>>) attributes {dimension_semantics = [#tpu.dimension_semantics<core_parallel>, #tpu.dimension_semantics<subcore_parallel>], iteration_bounds = array<i64: 2, 16>, scalar_prefetch = 0 : i64, scratch_operands = 5 : i64, tpu.core_type = #tpu.core_type<sc_vector_subcore>, window_params = [{transform_indices = #map}, {transform_indices = #map1}, {transform_indices = #map}, {transform_indices = #map1}]} {
    %mul3A = arith.constant 2 : i32
    %mul3A_0 = arith.muli %arg1, %mul3A : i32
    %add3A = arith.addi %mul3A_0, %arg0 : i32
    %dma_start3A = arith.constant 0 : i32
    %dma_start3A_1 = arith.constant 0 : i32
    %dma_start3A_2 = tpu.memref_slice %arg3[%add3A, %dma_start3A, %dma_start3A_1] : memref<32x10x128xi32, #tpu.memory_space<hbm>> -> memref<1x10x128xi32, #tpu.memory_space<hbm>>
    %dma_start3A_3 = tpu.memref_squeeze %dma_start3A_2 : memref<1x10x128xi32, #tpu.memory_space<hbm>> -> memref<10x128xi32, #tpu.memory_space<hbm>>
    %dma_start3A_4 = arith.constant 0 : i32
    %dma_start3A_5 = arith.constant 0 : i32
    %dma_start3A_6 = tpu.memref_slice %arg3[%add3A, %dma_start3A_4, %dma_start3A_5] : memref<32x10x128xi32, #tpu.memory_space<hbm>> -> memref<1x10x128xi32, #tpu.memory_space<hbm>>
    %dma_start3A_7 = tpu.memref_squeeze %dma_start3A_6 : memref<1x10x128xi32, #tpu.memory_space<hbm>> -> memref<10x128xi32, #tpu.memory_space<hbm>>
    tpu.enqueue_dma source(%dma_start3A_7 : memref<10x128xi32, #tpu.memory_space<hbm>>) target(%arg6 : memref<10x128xi32, #tpu.memory_space<vmem>>) target_semaphore(%arg9 : memref<!tpu.dma_semaphore, #tpu.memory_space<semaphore_mem>>)
    %mul3A_8 = arith.constant 1280 : i32
    %mul3A_9 = arith.muli %add3A, %mul3A_8 : i32
    %dma_start3A_10 = arith.constant 0 : i32
    %dma_start3A_11 = tpu.memref_slice %arg2[%mul3A_9, %dma_start3A_10] : memref<40960x32xf32, #tpu.memory_space<hbm>> -> memref<1280x32xf32, #tpu.memory_space<hbm>>
    %dma_start3A_12 = arith.constant 0 : i32
    %dma_start3A_13 = tpu.memref_slice %arg2[%mul3A_9, %dma_start3A_12] : memref<40960x32xf32, #tpu.memory_space<hbm>> -> memref<1280x32xf32, #tpu.memory_space<hbm>>
    tpu.enqueue_dma source(%dma_start3A_13 : memref<1280x32xf32, #tpu.memory_space<hbm>>) target(%arg7 : memref<1280x32xf32, #tpu.memory_space<vmem>>) target_semaphore(%arg9 : memref<!tpu.dma_semaphore, #tpu.memory_space<semaphore_mem>>)
    %mul3A_14 = arith.constant 636 : i32
    %mul3A_15 = arith.muli %arg1, %mul3A_14 : i32
    %mul3A_16 = arith.constant 636 : i32
    %mul3A_17 = arith.muli %arg1, %mul3A_16 : i32
    "tpu.region"() ({
      %run_scoped3A = tpu.sem_alloc : memref<!tpu.dma_semaphore, #tpu.memory_space<semaphore_mem>>
      %dma_start3A_47 = arith.constant 0 : i32
      %dma_start3A_48 = tpu.memref_slice %arg8[%mul3A_17, %dma_start3A_47] : memref<10176x32xf32, #tpu.memory_space<vmem_shared>> -> memref<636x32xf32, #tpu.memory_space<vmem_shared>>
      %dma_start3A_49 = arith.constant 0 : i32
      %dma_start3A_50 = tpu.memref_slice %arg4[%mul3A_15, %dma_start3A_49] : memref<10176x32xf32, #tpu.memory_space<hbm>> -> memref<636x32xf32, #tpu.memory_space<hbm>>
      tpu.enqueue_dma source(%dma_start3A_50 : memref<636x32xf32, #tpu.memory_space<hbm>>) target(%dma_start3A_48 : memref<636x32xf32, #tpu.memory_space<vmem_shared>>) target_semaphore(%run_scoped3A : memref<!tpu.dma_semaphore, #tpu.memory_space<semaphore_mem>>)
      %dma_wait3A_51 = arith.constant 0 : i32
      %dma_wait3A_52 = tpu.memref_slice %arg8[%mul3A_17, %dma_wait3A_51] : memref<10176x32xf32, #tpu.memory_space<vmem_shared>> -> memref<636x32xf32, #tpu.memory_space<vmem_shared>>
      %dma_wait3A_53 = arith.constant 0 : i32
      %dma_wait3A_54 = tpu.memref_slice %arg4[%mul3A_15, %dma_wait3A_53] : memref<10176x32xf32, #tpu.memory_space<hbm>> -> memref<636x32xf32, #tpu.memory_space<hbm>>
      tpu.wait_dma2 semaphore(%run_scoped3A : memref<!tpu.dma_semaphore, #tpu.memory_space<semaphore_mem>>) src(%dma_wait3A_54 : memref<636x32xf32, #tpu.memory_space<hbm>>) dst(%dma_wait3A_52 : memref<636x32xf32, #tpu.memory_space<vmem_shared>>)
      tpu.yield
    }) : () -> ()
    %barrier3A = arith.constant 0 : index
    tpu.barrier barrier_id(%barrier3A)
    %dma_wait3A = arith.constant 0 : i32
    %dma_wait3A_18 = arith.constant 0 : i32
    %dma_wait3A_19 = tpu.memref_slice %arg3[%add3A, %dma_wait3A, %dma_wait3A_18] : memref<32x10x128xi32, #tpu.memory_space<hbm>> -> memref<1x10x128xi32, #tpu.memory_space<hbm>>
    %dma_wait3A_20 = tpu.memref_squeeze %dma_wait3A_19 : memref<1x10x128xi32, #tpu.memory_space<hbm>> -> memref<10x128xi32, #tpu.memory_space<hbm>>
    %dma_wait3A_21 = arith.constant 0 : i32
    %dma_wait3A_22 = arith.constant 0 : i32
    %dma_wait3A_23 = tpu.memref_slice %arg3[%add3A, %dma_wait3A_21, %dma_wait3A_22] : memref<32x10x128xi32, #tpu.memory_space<hbm>> -> memref<1x10x128xi32, #tpu.memory_space<hbm>>
    %dma_wait3A_24 = tpu.memref_squeeze %dma_wait3A_23 : memref<1x10x128xi32, #tpu.memory_space<hbm>> -> memref<10x128xi32, #tpu.memory_space<hbm>>
    tpu.wait_dma2 semaphore(%arg9 : memref<!tpu.dma_semaphore, #tpu.memory_space<semaphore_mem>>) src(%dma_wait3A_24 : memref<10x128xi32, #tpu.memory_space<hbm>>) dst(%arg6 : memref<10x128xi32, #tpu.memory_space<vmem>>)
    %mul3A_25 = arith.constant 1280 : i32
    %mul3A_26 = arith.muli %add3A, %mul3A_25 : i32
    %dma_wait3A_27 = arith.constant 0 : i32
    %dma_wait3A_28 = tpu.memref_slice %arg2[%mul3A_26, %dma_wait3A_27] : memref<40960x32xf32, #tpu.memory_space<hbm>> -> memref<1280x32xf32, #tpu.memory_space<hbm>>
    %dma_wait3A_29 = arith.constant 0 : i32
    %dma_wait3A_30 = tpu.memref_slice %arg2[%mul3A_26, %dma_wait3A_29] : memref<40960x32xf32, #tpu.memory_space<hbm>> -> memref<1280x32xf32, #tpu.memory_space<hbm>>
    tpu.wait_dma2 semaphore(%arg9 : memref<!tpu.dma_semaphore, #tpu.memory_space<semaphore_mem>>) src(%dma_wait3A_30 : memref<1280x32xf32, #tpu.memory_space<hbm>>) dst(%arg7 : memref<1280x32xf32, #tpu.memory_space<vmem>>)
    %scan3A = arith.constant 0 : i32
    %scan3A_31 = arith.constant 0 : i32
    %scan3A_32 = arith.constant 10 : i32
    %scan3A_33 = arith.addi %scan3A_31, %scan3A_32 : i32
    %scan3A_34 = arith.constant 1 : i32
    scf.for %scan3A_47 = %scan3A_31 to %scan3A_33 step %scan3A_34  : i32 {
      %mul3A_48 = arith.constant 128 : i32
      %mul3A_49 = arith.muli %scan3A_47, %mul3A_48 : i32
      %dma_start3A_50 = arith.constant 0 : i32
      %dma_start3A_51 = tpu.memref_slice %arg7[%mul3A_49, %dma_start3A_50] : memref<1280x32xf32, #tpu.memory_space<vmem>> -> memref<128x32xf32, #tpu.memory_space<vmem>>
      %dma_start3A_52 = arith.constant 0 : i32
      %dma_start3A_53 = tpu.memref_slice %arg6[%scan3A_47, %dma_start3A_52] : memref<10x128xi32, #tpu.memory_space<vmem>> -> memref<1x128xi32, #tpu.memory_space<vmem>>
      %dma_start3A_54 = tpu.memref_squeeze %dma_start3A_53 : memref<1x128xi32, #tpu.memory_space<vmem>> -> memref<128xi32, #tpu.memory_space<vmem>>
      %dma_start3A_55 = arith.constant 0 : i32
      %dma_start3A_56 = arith.constant 0 : i32
      %dma_start3A_57 = tpu.memref_slice %arg8[%dma_start3A_55, %dma_start3A_56] : memref<10176x32xf32, #tpu.memory_space<vmem_shared>> -> memref<10176x32xf32, #tpu.memory_space<vmem_shared>>
      tpu.enqueue_indirect_dma source(%dma_start3A_51 : memref<128x32xf32, #tpu.memory_space<vmem>>) target(%dma_start3A_57 : memref<10176x32xf32, #tpu.memory_space<vmem_shared>>) offsets(%dma_start3A_54 : memref<128xi32, #tpu.memory_space<vmem>>) semaphore(%arg10 : memref<!tpu.dma_semaphore, #tpu.memory_space<semaphore_mem>>) {add = true}
    }
    %scan3A_35 = arith.constant 10 : i32
    %scan3A_36 = arith.constant 0 : i32
    %scan3A_37 = arith.constant 0 : i32
    %scan3A_38 = arith.constant 10 : i32
    %scan3A_39 = arith.addi %scan3A_37, %scan3A_38 : i32
    %scan3A_40 = arith.constant 1 : i32
    scf.for %scan3A_47 = %scan3A_37 to %scan3A_39 step %scan3A_40  : i32 {
      %dma_wait3A_48 = arith.constant 0 : i32
      %dma_wait3A_49 = arith.constant 0 : i32
      %dma_wait3A_50 = arith.constant 0 : i32
      %dma_wait3A_51 = tpu.memref_slice %arg7[%dma_wait3A_49, %dma_wait3A_50] : memref<1280x32xf32, #tpu.memory_space<vmem>> -> memref<128x32xf32, #tpu.memory_space<vmem>>
      %dma_wait3A_52 = arith.constant 0 : i32
      %dma_wait3A_53 = tpu.memref_slice %arg6[%dma_wait3A_48, %dma_wait3A_52] : memref<10x128xi32, #tpu.memory_space<vmem>> -> memref<1x128xi32, #tpu.memory_space<vmem>>
      %dma_wait3A_54 = tpu.memref_squeeze %dma_wait3A_53 : memref<1x128xi32, #tpu.memory_space<vmem>> -> memref<128xi32, #tpu.memory_space<vmem>>
      %dma_wait3A_55 = arith.constant 0 : i32
      %dma_wait3A_56 = arith.constant 0 : i32
      %dma_wait3A_57 = tpu.memref_slice %arg8[%dma_wait3A_55, %dma_wait3A_56] : memref<10176x32xf32, #tpu.memory_space<vmem_shared>> -> memref<10176x32xf32, #tpu.memory_space<vmem_shared>>
      tpu.wait_indirect_dma semaphore(%arg10 : memref<!tpu.dma_semaphore, #tpu.memory_space<semaphore_mem>>) src(%dma_wait3A_51 : memref<128x32xf32, #tpu.memory_space<vmem>>) dst(%dma_wait3A_57 : memref<10176x32xf32, #tpu.memory_space<vmem_shared>>)
    }
    %scan3A_41 = arith.constant 10 : i32
    %barrier3A_42 = arith.constant 0 : index
    tpu.barrier barrier_id(%barrier3A_42)
    %mul3A_43 = arith.constant 636 : i32
    %mul3A_44 = arith.muli %arg1, %mul3A_43 : i32
    %mul3A_45 = arith.constant 636 : i32
    %mul3A_46 = arith.muli %arg1, %mul3A_45 : i32
    "tpu.region"() ({
      %run_scoped3A = tpu.sem_alloc : memref<!tpu.dma_semaphore, #tpu.memory_space<semaphore_mem>>
      %dma_start3A_47 = arith.constant 0 : i32
      %dma_start3A_48 = tpu.memref_slice %arg5[%arg0, %mul3A_46, %dma_start3A_47] : memref<2x10176x32xf32, #tpu.memory_space<hbm>> -> memref<1x636x32xf32, #tpu.memory_space<hbm>>
      %dma_start3A_49 = tpu.memref_squeeze %dma_start3A_48 : memref<1x636x32xf32, #tpu.memory_space<hbm>> -> memref<636x32xf32, #tpu.memory_space<hbm>>
      %dma_start3A_50 = arith.constant 0 : i32
      %dma_start3A_51 = tpu.memref_slice %arg8[%mul3A_44, %dma_start3A_50] : memref<10176x32xf32, #tpu.memory_space<vmem_shared>> -> memref<636x32xf32, #tpu.memory_space<vmem_shared>>
      tpu.enqueue_dma source(%dma_start3A_51 : memref<636x32xf32, #tpu.memory_space<vmem_shared>>) target(%dma_start3A_49 : memref<636x32xf32, #tpu.memory_space<hbm>>) target_semaphore(%run_scoped3A : memref<!tpu.dma_semaphore, #tpu.memory_space<semaphore_mem>>)
      %dma_wait3A_52 = arith.constant 0 : i32
      %dma_wait3A_53 = tpu.memref_slice %arg5[%arg0, %mul3A_46, %dma_wait3A_52] : memref<2x10176x32xf32, #tpu.memory_space<hbm>> -> memref<1x636x32xf32, #tpu.memory_space<hbm>>
      %dma_wait3A_54 = tpu.memref_squeeze %dma_wait3A_53 : memref<1x636x32xf32, #tpu.memory_space<hbm>> -> memref<636x32xf32, #tpu.memory_space<hbm>>
      %dma_wait3A_55 = arith.constant 0 : i32
      %dma_wait3A_56 = tpu.memref_slice %arg8[%mul3A_44, %dma_wait3A_55] : memref<10176x32xf32, #tpu.memory_space<vmem_shared>> -> memref<636x32xf32, #tpu.memory_space<vmem_shared>>
      tpu.wait_dma2 semaphore(%run_scoped3A : memref<!tpu.dma_semaphore, #tpu.memory_space<semaphore_mem>>) src(%dma_wait3A_56 : memref<636x32xf32, #tpu.memory_space<vmem_shared>>) dst(%dma_wait3A_54 : memref<636x32xf32, #tpu.memory_space<hbm>>)
      tpu.yield
    }) : () -> ()
    return
  }
}

#map = affine_map<(d0, d1) -> (0, 0)>
#map1 = affine_map<(d0, d1) -> (0, 0, 0)>
module attributes {stable_mosaic.version = 14 : i64} {
  func.func @body(%arg0: i32, %arg1: i32, %arg2: memref<10112x32xf32, #tpu.memory_space<hbm>>, %arg3: memref<32x10x128xi32, #tpu.memory_space<hbm>>, %arg4: memref<40960x32xf32, #tpu.memory_space<hbm>>, %arg5: memref<10x128xi32, #tpu.memory_space<vmem>>, %arg6: memref<1280x32xf32, #tpu.memory_space<vmem>>, %arg7: memref<10112x32xf32, #tpu.memory_space<vmem_shared>>, %arg8: memref<!tpu.dma_semaphore, #tpu.memory_space<semaphore_mem>>) attributes {dimension_semantics = [#tpu.dimension_semantics<core_parallel>, #tpu.dimension_semantics<subcore_parallel>], iteration_bounds = array<i64: 2, 16>, scalar_prefetch = 0 : i64, scratch_operands = 4 : i64, tpu.core_type = #tpu.core_type<sc_vector_subcore>, window_params = [{transform_indices = #map}, {transform_indices = #map1}, {transform_indices = #map}]} {
    %mul3A = arith.constant 2 : i32
    %mul3A_0 = arith.muli %arg1, %mul3A : i32
    %add3A = arith.addi %mul3A_0, %arg0 : i32
    %dma_start3A = arith.constant 0 : i32
    %dma_start3A_1 = arith.constant 0 : i32
    %dma_start3A_2 = tpu.memref_slice %arg3[%add3A, %dma_start3A, %dma_start3A_1] : memref<32x10x128xi32, #tpu.memory_space<hbm>> -> memref<1x10x128xi32, #tpu.memory_space<hbm>>
    %dma_start3A_3 = tpu.memref_squeeze %dma_start3A_2 : memref<1x10x128xi32, #tpu.memory_space<hbm>> -> memref<10x128xi32, #tpu.memory_space<hbm>>
    %dma_start3A_4 = arith.constant 0 : i32
    %dma_start3A_5 = arith.constant 0 : i32
    %dma_start3A_6 = tpu.memref_slice %arg3[%add3A, %dma_start3A_4, %dma_start3A_5] : memref<32x10x128xi32, #tpu.memory_space<hbm>> -> memref<1x10x128xi32, #tpu.memory_space<hbm>>
    %dma_start3A_7 = tpu.memref_squeeze %dma_start3A_6 : memref<1x10x128xi32, #tpu.memory_space<hbm>> -> memref<10x128xi32, #tpu.memory_space<hbm>>
    tpu.enqueue_dma source(%dma_start3A_7 : memref<10x128xi32, #tpu.memory_space<hbm>>) target(%arg5 : memref<10x128xi32, #tpu.memory_space<vmem>>) target_semaphore(%arg8 : memref<!tpu.dma_semaphore, #tpu.memory_space<semaphore_mem>>)
    %mul3A_8 = arith.constant 632 : i32
    %mul3A_9 = arith.muli %arg1, %mul3A_8 : i32
    %mul3A_10 = arith.constant 632 : i32
    %mul3A_11 = arith.muli %arg1, %mul3A_10 : i32
    "tpu.region"() ({
      %run_scoped3A = tpu.sem_alloc : memref<!tpu.dma_semaphore, #tpu.memory_space<semaphore_mem>>
      %dma_start3A_32 = arith.constant 0 : i32
      %dma_start3A_33 = tpu.memref_slice %arg7[%mul3A_11, %dma_start3A_32] : memref<10112x32xf32, #tpu.memory_space<vmem_shared>> -> memref<632x32xf32, #tpu.memory_space<vmem_shared>>
      %dma_start3A_34 = arith.constant 0 : i32
      %dma_start3A_35 = tpu.memref_slice %arg2[%mul3A_9, %dma_start3A_34] : memref<10112x32xf32, #tpu.memory_space<hbm>> -> memref<632x32xf32, #tpu.memory_space<hbm>>
      tpu.enqueue_dma source(%dma_start3A_35 : memref<632x32xf32, #tpu.memory_space<hbm>>) target(%dma_start3A_33 : memref<632x32xf32, #tpu.memory_space<vmem_shared>>) target_semaphore(%run_scoped3A : memref<!tpu.dma_semaphore, #tpu.memory_space<semaphore_mem>>)
      %dma_wait3A_36 = arith.constant 0 : i32
      %dma_wait3A_37 = tpu.memref_slice %arg7[%mul3A_11, %dma_wait3A_36] : memref<10112x32xf32, #tpu.memory_space<vmem_shared>> -> memref<632x32xf32, #tpu.memory_space<vmem_shared>>
      %dma_wait3A_38 = arith.constant 0 : i32
      %dma_wait3A_39 = tpu.memref_slice %arg2[%mul3A_9, %dma_wait3A_38] : memref<10112x32xf32, #tpu.memory_space<hbm>> -> memref<632x32xf32, #tpu.memory_space<hbm>>
      tpu.wait_dma2 semaphore(%run_scoped3A : memref<!tpu.dma_semaphore, #tpu.memory_space<semaphore_mem>>) src(%dma_wait3A_39 : memref<632x32xf32, #tpu.memory_space<hbm>>) dst(%dma_wait3A_37 : memref<632x32xf32, #tpu.memory_space<vmem_shared>>)
      tpu.yield
    }) : () -> ()
    %barrier3A = arith.constant 0 : index
    tpu.barrier barrier_id(%barrier3A)
    %dma_wait3A = arith.constant 0 : i32
    %dma_wait3A_12 = arith.constant 0 : i32
    %dma_wait3A_13 = tpu.memref_slice %arg3[%add3A, %dma_wait3A, %dma_wait3A_12] : memref<32x10x128xi32, #tpu.memory_space<hbm>> -> memref<1x10x128xi32, #tpu.memory_space<hbm>>
    %dma_wait3A_14 = tpu.memref_squeeze %dma_wait3A_13 : memref<1x10x128xi32, #tpu.memory_space<hbm>> -> memref<10x128xi32, #tpu.memory_space<hbm>>
    %dma_wait3A_15 = arith.constant 0 : i32
    %dma_wait3A_16 = arith.constant 0 : i32
    %dma_wait3A_17 = tpu.memref_slice %arg3[%add3A, %dma_wait3A_15, %dma_wait3A_16] : memref<32x10x128xi32, #tpu.memory_space<hbm>> -> memref<1x10x128xi32, #tpu.memory_space<hbm>>
    %dma_wait3A_18 = tpu.memref_squeeze %dma_wait3A_17 : memref<1x10x128xi32, #tpu.memory_space<hbm>> -> memref<10x128xi32, #tpu.memory_space<hbm>>
    tpu.wait_dma2 semaphore(%arg8 : memref<!tpu.dma_semaphore, #tpu.memory_space<semaphore_mem>>) src(%dma_wait3A_18 : memref<10x128xi32, #tpu.memory_space<hbm>>) dst(%arg5 : memref<10x128xi32, #tpu.memory_space<vmem>>)
    %scan3A = arith.constant 0 : i32
    %scan3A_19 = arith.constant 0 : i32
    %scan3A_20 = arith.constant 10 : i32
    %scan3A_21 = arith.addi %scan3A_19, %scan3A_20 : i32
    %scan3A_22 = arith.constant 1 : i32
    scf.for %scan3A_32 = %scan3A_19 to %scan3A_21 step %scan3A_22  : i32 {
      %mul3A_33 = arith.constant 128 : i32
      %mul3A_34 = arith.muli %scan3A_32, %mul3A_33 : i32
      %dma_start3A_35 = arith.constant 0 : i32
      %dma_start3A_36 = tpu.memref_slice %arg6[%mul3A_34, %dma_start3A_35] : memref<1280x32xf32, #tpu.memory_space<vmem>> -> memref<128x32xf32, #tpu.memory_space<vmem>>
      %dma_start3A_37 = arith.constant 0 : i32
      %dma_start3A_38 = tpu.memref_slice %arg5[%scan3A_32, %dma_start3A_37] : memref<10x128xi32, #tpu.memory_space<vmem>> -> memref<1x128xi32, #tpu.memory_space<vmem>>
      %dma_start3A_39 = tpu.memref_squeeze %dma_start3A_38 : memref<1x128xi32, #tpu.memory_space<vmem>> -> memref<128xi32, #tpu.memory_space<vmem>>
      %dma_start3A_40 = arith.constant 0 : i32
      %dma_start3A_41 = arith.constant 0 : i32
      %dma_start3A_42 = tpu.memref_slice %arg7[%dma_start3A_40, %dma_start3A_41] : memref<10112x32xf32, #tpu.memory_space<vmem_shared>> -> memref<10112x32xf32, #tpu.memory_space<vmem_shared>>
      tpu.enqueue_indirect_dma source(%dma_start3A_42 : memref<10112x32xf32, #tpu.memory_space<vmem_shared>>) target(%dma_start3A_36 : memref<128x32xf32, #tpu.memory_space<vmem>>) offsets(%dma_start3A_39 : memref<128xi32, #tpu.memory_space<vmem>>) semaphore(%arg8 : memref<!tpu.dma_semaphore, #tpu.memory_space<semaphore_mem>>)
    }
    %scan3A_23 = arith.constant 10 : i32
    %scan3A_24 = arith.constant 0 : i32
    %scan3A_25 = arith.constant 0 : i32
    %scan3A_26 = arith.constant 10 : i32
    %scan3A_27 = arith.addi %scan3A_25, %scan3A_26 : i32
    %scan3A_28 = arith.constant 1 : i32
    scf.for %scan3A_32 = %scan3A_25 to %scan3A_27 step %scan3A_28  : i32 {
      %dma_wait3A_33 = arith.constant 0 : i32
      %dma_wait3A_34 = arith.constant 0 : i32
      %dma_wait3A_35 = arith.constant 0 : i32
      %dma_wait3A_36 = tpu.memref_slice %arg6[%dma_wait3A_34, %dma_wait3A_35] : memref<1280x32xf32, #tpu.memory_space<vmem>> -> memref<128x32xf32, #tpu.memory_space<vmem>>
      %dma_wait3A_37 = arith.constant 0 : i32
      %dma_wait3A_38 = tpu.memref_slice %arg5[%dma_wait3A_33, %dma_wait3A_37] : memref<10x128xi32, #tpu.memory_space<vmem>> -> memref<1x128xi32, #tpu.memory_space<vmem>>
      %dma_wait3A_39 = tpu.memref_squeeze %dma_wait3A_38 : memref<1x128xi32, #tpu.memory_space<vmem>> -> memref<128xi32, #tpu.memory_space<vmem>>
      %dma_wait3A_40 = arith.constant 0 : i32
      %dma_wait3A_41 = arith.constant 0 : i32
      %dma_wait3A_42 = tpu.memref_slice %arg7[%dma_wait3A_40, %dma_wait3A_41] : memref<10112x32xf32, #tpu.memory_space<vmem_shared>> -> memref<10112x32xf32, #tpu.memory_space<vmem_shared>>
      tpu.wait_indirect_dma semaphore(%arg8 : memref<!tpu.dma_semaphore, #tpu.memory_space<semaphore_mem>>) src(%dma_wait3A_42 : memref<10112x32xf32, #tpu.memory_space<vmem_shared>>) dst(%dma_wait3A_36 : memref<128x32xf32, #tpu.memory_space<vmem>>)
    }
    %scan3A_29 = arith.constant 10 : i32
    %mul3A_30 = arith.constant 1280 : i32
    %mul3A_31 = arith.muli %add3A, %mul3A_30 : i32
    "tpu.region"() ({
      %run_scoped3A = tpu.sem_alloc : memref<!tpu.dma_semaphore, #tpu.memory_space<semaphore_mem>>
      %dma_start3A_32 = arith.constant 0 : i32
      %dma_start3A_33 = tpu.memref_slice %arg4[%mul3A_31, %dma_start3A_32] : memref<40960x32xf32, #tpu.memory_space<hbm>> -> memref<1280x32xf32, #tpu.memory_space<hbm>>
      %dma_start3A_34 = arith.constant 0 : i32
      %dma_start3A_35 = tpu.memref_slice %arg4[%mul3A_31, %dma_start3A_34] : memref<40960x32xf32, #tpu.memory_space<hbm>> -> memref<1280x32xf32, #tpu.memory_space<hbm>>
      tpu.enqueue_dma source(%arg6 : memref<1280x32xf32, #tpu.memory_space<vmem>>) target(%dma_start3A_35 : memref<1280x32xf32, #tpu.memory_space<hbm>>) target_semaphore(%run_scoped3A : memref<!tpu.dma_semaphore, #tpu.memory_space<semaphore_mem>>)
      %dma_wait3A_36 = arith.constant 0 : i32
      %dma_wait3A_37 = tpu.memref_slice %arg4[%mul3A_31, %dma_wait3A_36] : memref<40960x32xf32, #tpu.memory_space<hbm>> -> memref<1280x32xf32, #tpu.memory_space<hbm>>
      %dma_wait3A_38 = arith.constant 0 : i32
      %dma_wait3A_39 = tpu.memref_slice %arg4[%mul3A_31, %dma_wait3A_38] : memref<40960x32xf32, #tpu.memory_space<hbm>> -> memref<1280x32xf32, #tpu.memory_space<hbm>>
      tpu.wait_dma2 semaphore(%run_scoped3A : memref<!tpu.dma_semaphore, #tpu.memory_space<semaphore_mem>>) src(%arg6 : memref<1280x32xf32, #tpu.memory_space<vmem>>) dst(%dma_wait3A_39 : memref<1280x32xf32, #tpu.memory_space<hbm>>)
      tpu.yield
    }) : () -> ()
    return
  }
}

#map = affine_map<(d0, d1) -> (0, 0)>
#map1 = affine_map<(d0, d1) -> (0, 0, 0)>
module attributes {stable_mosaic.version = 14 : i64} {
  func.func @body(%arg0: i32, %arg1: i32, %arg2: memref<40960x32xf32, #tpu.memory_space<hbm>>, %arg3: memref<32x10x128xi32, #tpu.memory_space<hbm>>, %arg4: memref<10176x32xf32, #tpu.memory_space<hbm>>, %arg5: memref<2x10176x32xf32, #tpu.memory_space<hbm>>, %arg6: memref<10x128xi32, #tpu.memory_space<vmem>>, %arg7: memref<1280x32xf32, #tpu.memory_space<vmem>>, %arg8: memref<10176x32xf32, #tpu.memory_space<vmem_shared>>, %arg9: memref<!tpu.dma_semaphore, #tpu.memory_space<semaphore_mem>>, %arg10: memref<!tpu.dma_semaphore, #tpu.memory_space<semaphore_mem>>) attributes {dimension_semantics = [#tpu.dimension_semantics<core_parallel>, #tpu.dimension_semantics<subcore_parallel>], iteration_bounds = array<i64: 2, 16>, scalar_prefetch = 0 : i64, scratch_operands = 5 : i64, tpu.core_type = #tpu.core_type<sc_vector_subcore>, window_params = [{transform_indices = #map}, {transform_indices = #map1}, {transform_indices = #map}, {transform_indices = #map1}]} {
    %mul3A = arith.constant 2 : i32
    %mul3A_0 = arith.muli %arg1, %mul3A : i32
    %add3A = arith.addi %mul3A_0, %arg0 : i32
    %dma_start3A = arith.constant 0 : i32
    %dma_start3A_1 = arith.constant 0 : i32
    %dma_start3A_2 = tpu.memref_slice %arg3[%add3A, %dma_start3A, %dma_start3A_1] : memref<32x10x128xi32, #tpu.memory_space<hbm>> -> memref<1x10x128xi32, #tpu.memory_space<hbm>>
    %dma_start3A_3 = tpu.memref_squeeze %dma_start3A_2 : memref<1x10x128xi32, #tpu.memory_space<hbm>> -> memref<10x128xi32, #tpu.memory_space<hbm>>
    %dma_start3A_4 = arith.constant 0 : i32
    %dma_start3A_5 = arith.constant 0 : i32
    %dma_start3A_6 = tpu.memref_slice %arg3[%add3A, %dma_start3A_4, %dma_start3A_5] : memref<32x10x128xi32, #tpu.memory_space<hbm>> -> memref<1x10x128xi32, #tpu.memory_space<hbm>>
    %dma_start3A_7 = tpu.memref_squeeze %dma_start3A_6 : memref<1x10x128xi32, #tpu.memory_space<hbm>> -> memref<10x128xi32, #tpu.memory_space<hbm>>
    tpu.enqueue_dma source(%dma_start3A_7 : memref<10x128xi32, #tpu.memory_space<hbm>>) target(%arg6 : memref<10x128xi32, #tpu.memory_space<vmem>>) target_semaphore(%arg9 : memref<!tpu.dma_semaphore, #tpu.memory_space<semaphore_mem>>)
    %mul3A_8 = arith.constant 1280 : i32
    %mul3A_9 = arith.muli %add3A, %mul3A_8 : i32
    %dma_start3A_10 = arith.constant 0 : i32
    %dma_start3A_11 = tpu.memref_slice %arg2[%mul3A_9, %dma_start3A_10] : memref<40960x32xf32, #tpu.memory_space<hbm>> -> memref<1280x32xf32, #tpu.memory_space<hbm>>
    %dma_start3A_12 = arith.constant 0 : i32
    %dma_start3A_13 = tpu.memref_slice %arg2[%mul3A_9, %dma_start3A_12] : memref<40960x32xf32, #tpu.memory_space<hbm>> -> memref<1280x32xf32, #tpu.memory_space<hbm>>
    tpu.enqueue_dma source(%dma_start3A_13 : memref<1280x32xf32, #tpu.memory_space<hbm>>) target(%arg7 : memref<1280x32xf32, #tpu.memory_space<vmem>>) target_semaphore(%arg9 : memref<!tpu.dma_semaphore, #tpu.memory_space<semaphore_mem>>)
    %mul3A_14 = arith.constant 636 : i32
    %mul3A_15 = arith.muli %arg1, %mul3A_14 : i32
    %mul3A_16 = arith.constant 636 : i32
    %mul3A_17 = arith.muli %arg1, %mul3A_16 : i32
    "tpu.region"() ({
      %run_scoped3A = tpu.sem_alloc : memref<!tpu.dma_semaphore, #tpu.memory_space<semaphore_mem>>
      %dma_start3A_47 = arith.constant 0 : i32
      %dma_start3A_48 = tpu.memref_slice %arg8[%mul3A_17, %dma_start3A_47] : memref<10176x32xf32, #tpu.memory_space<vmem_shared>> -> memref<636x32xf32, #tpu.memory_space<vmem_shared>>
      %dma_start3A_49 = arith.constant 0 : i32
      %dma_start3A_50 = tpu.memref_slice %arg4[%mul3A_15, %dma_start3A_49] : memref<10176x32xf32, #tpu.memory_space<hbm>> -> memref<636x32xf32, #tpu.memory_space<hbm>>
      tpu.enqueue_dma source(%dma_start3A_50 : memref<636x32xf32, #tpu.memory_space<hbm>>) target(%dma_start3A_48 : memref<636x32xf32, #tpu.memory_space<vmem_shared>>) target_semaphore(%run_scoped3A : memref<!tpu.dma_semaphore, #tpu.memory_space<semaphore_mem>>)
      %dma_wait3A_51 = arith.constant 0 : i32
      %dma_wait3A_52 = tpu.memref_slice %arg8[%mul3A_17, %dma_wait3A_51] : memref<10176x32xf32, #tpu.memory_space<vmem_shared>> -> memref<636x32xf32, #tpu.memory_space<vmem_shared>>
      %dma_wait3A_53 = arith.constant 0 : i32
      %dma_wait3A_54 = tpu.memref_slice %arg4[%mul3A_15, %dma_wait3A_53] : memref<10176x32xf32, #tpu.memory_space<hbm>> -> memref<636x32xf32, #tpu.memory_space<hbm>>
      tpu.wait_dma2 semaphore(%run_scoped3A : memref<!tpu.dma_semaphore, #tpu.memory_space<semaphore_mem>>) src(%dma_wait3A_54 : memref<636x32xf32, #tpu.memory_space<hbm>>) dst(%dma_wait3A_52 : memref<636x32xf32, #tpu.memory_space<vmem_shared>>)
      tpu.yield
    }) : () -> ()
    %barrier3A = arith.constant 0 : index
    tpu.barrier barrier_id(%barrier3A)
    %dma_wait3A = arith.constant 0 : i32
    %dma_wait3A_18 = arith.constant 0 : i32
    %dma_wait3A_19 = tpu.memref_slice %arg3[%add3A, %dma_wait3A, %dma_wait3A_18] : memref<32x10x128xi32, #tpu.memory_space<hbm>> -> memref<1x10x128xi32, #tpu.memory_space<hbm>>
    %dma_wait3A_20 = tpu.memref_squeeze %dma_wait3A_19 : memref<1x10x128xi32, #tpu.memory_space<hbm>> -> memref<10x128xi32, #tpu.memory_space<hbm>>
    %dma_wait3A_21 = arith.constant 0 : i32
    %dma_wait3A_22 = arith.constant 0 : i32
    %dma_wait3A_23 = tpu.memref_slice %arg3[%add3A, %dma_wait3A_21, %dma_wait3A_22] : memref<32x10x128xi32, #tpu.memory_space<hbm>> -> memref<1x10x128xi32, #tpu.memory_space<hbm>>
    %dma_wait3A_24 = tpu.memref_squeeze %dma_wait3A_23 : memref<1x10x128xi32, #tpu.memory_space<hbm>> -> memref<10x128xi32, #tpu.memory_space<hbm>>
    tpu.wait_dma2 semaphore(%arg9 : memref<!tpu.dma_semaphore, #tpu.memory_space<semaphore_mem>>) src(%dma_wait3A_24 : memref<10x128xi32, #tpu.memory_space<hbm>>) dst(%arg6 : memref<10x128xi32, #tpu.memory_space<vmem>>)
    %mul3A_25 = arith.constant 1280 : i32
    %mul3A_26 = arith.muli %add3A, %mul3A_25 : i32
    %dma_wait3A_27 = arith.constant 0 : i32
    %dma_wait3A_28 = tpu.memref_slice %arg2[%mul3A_26, %dma_wait3A_27] : memref<40960x32xf32, #tpu.memory_space<hbm>> -> memref<1280x32xf32, #tpu.memory_space<hbm>>
    %dma_wait3A_29 = arith.constant 0 : i32
    %dma_wait3A_30 = tpu.memref_slice %arg2[%mul3A_26, %dma_wait3A_29] : memref<40960x32xf32, #tpu.memory_space<hbm>> -> memref<1280x32xf32, #tpu.memory_space<hbm>>
    tpu.wait_dma2 semaphore(%arg9 : memref<!tpu.dma_semaphore, #tpu.memory_space<semaphore_mem>>) src(%dma_wait3A_30 : memref<1280x32xf32, #tpu.memory_space<hbm>>) dst(%arg7 : memref<1280x32xf32, #tpu.memory_space<vmem>>)
    %scan3A = arith.constant 0 : i32
    %scan3A_31 = arith.constant 0 : i32
    %scan3A_32 = arith.constant 10 : i32
    %scan3A_33 = arith.addi %scan3A_31, %scan3A_32 : i32
    %scan3A_34 = arith.constant 1 : i32
    scf.for %scan3A_47 = %scan3A_31 to %scan3A_33 step %scan3A_34  : i32 {
      %mul3A_48 = arith.constant 128 : i32
      %mul3A_49 = arith.muli %scan3A_47, %mul3A_48 : i32
      %dma_start3A_50 = arith.constant 0 : i32
      %dma_start3A_51 = tpu.memref_slice %arg7[%mul3A_49, %dma_start3A_50] : memref<1280x32xf32, #tpu.memory_space<vmem>> -> memref<128x32xf32, #tpu.memory_space<vmem>>
      %dma_start3A_52 = arith.constant 0 : i32
      %dma_start3A_53 = tpu.memref_slice %arg6[%scan3A_47, %dma_start3A_52] : memref<10x128xi32, #tpu.memory_space<vmem>> -> memref<1x128xi32, #tpu.memory_space<vmem>>
      %dma_start3A_54 = tpu.memref_squeeze %dma_start3A_53 : memref<1x128xi32, #tpu.memory_space<vmem>> -> memref<128xi32, #tpu.memory_space<vmem>>
      %dma_start3A_55 = arith.constant 0 : i32
      %dma_start3A_56 = arith.constant 0 : i32
      %dma_start3A_57 = tpu.memref_slice %arg8[%dma_start3A_55, %dma_start3A_56] : memref<10176x32xf32, #tpu.memory_space<vmem_shared>> -> memref<10176x32xf32, #tpu.memory_space<vmem_shared>>
      tpu.enqueue_indirect_dma source(%dma_start3A_51 : memref<128x32xf32, #tpu.memory_space<vmem>>) target(%dma_start3A_57 : memref<10176x32xf32, #tpu.memory_space<vmem_shared>>) offsets(%dma_start3A_54 : memref<128xi32, #tpu.memory_space<vmem>>) semaphore(%arg10 : memref<!tpu.dma_semaphore, #tpu.memory_space<semaphore_mem>>) {add = true}
    }
    %scan3A_35 = arith.constant 10 : i32
    %scan3A_36 = arith.constant 0 : i32
    %scan3A_37 = arith.constant 0 : i32
    %scan3A_38 = arith.constant 10 : i32
    %scan3A_39 = arith.addi %scan3A_37, %scan3A_38 : i32
    %scan3A_40 = arith.constant 1 : i32
    scf.for %scan3A_47 = %scan3A_37 to %scan3A_39 step %scan3A_40  : i32 {
      %dma_wait3A_48 = arith.constant 0 : i32
      %dma_wait3A_49 = arith.constant 0 : i32
      %dma_wait3A_50 = arith.constant 0 : i32
      %dma_wait3A_51 = tpu.memref_slice %arg7[%dma_wait3A_49, %dma_wait3A_50] : memref<1280x32xf32, #tpu.memory_space<vmem>> -> memref<128x32xf32, #tpu.memory_space<vmem>>
      %dma_wait3A_52 = arith.constant 0 : i32
      %dma_wait3A_53 = tpu.memref_slice %arg6[%dma_wait3A_48, %dma_wait3A_52] : memref<10x128xi32, #tpu.memory_space<vmem>> -> memref<1x128xi32, #tpu.memory_space<vmem>>
      %dma_wait3A_54 = tpu.memref_squeeze %dma_wait3A_53 : memref<1x128xi32, #tpu.memory_space<vmem>> -> memref<128xi32, #tpu.memory_space<vmem>>
      %dma_wait3A_55 = arith.constant 0 : i32
      %dma_wait3A_56 = arith.constant 0 : i32
      %dma_wait3A_57 = tpu.memref_slice %arg8[%dma_wait3A_55, %dma_wait3A_56] : memref<10176x32xf32, #tpu.memory_space<vmem_shared>> -> memref<10176x32xf32, #tpu.memory_space<vmem_shared>>
      tpu.wait_indirect_dma semaphore(%arg10 : memref<!tpu.dma_semaphore, #tpu.memory_space<semaphore_mem>>) src(%dma_wait3A_51 : memref<128x32xf32, #tpu.memory_space<vmem>>) dst(%dma_wait3A_57 : memref<10176x32xf32, #tpu.memory_space<vmem_shared>>)
    }
    %scan3A_41 = arith.constant 10 : i32
    %barrier3A_42 = arith.constant 0 : index
    tpu.barrier barrier_id(%barrier3A_42)
    %mul3A_43 = arith.constant 636 : i32
    %mul3A_44 = arith.muli %arg1, %mul3A_43 : i32
    %mul3A_45 = arith.constant 636 : i32
    %mul3A_46 = arith.muli %arg1, %mul3A_45 : i32
    "tpu.region"() ({
      %run_scoped3A = tpu.sem_alloc : memref<!tpu.dma_semaphore, #tpu.memory_space<semaphore_mem>>
      %dma_start3A_47 = arith.constant 0 : i32
      %dma_start3A_48 = tpu.memref_slice %arg5[%arg0, %mul3A_46, %dma_start3A_47] : memref<2x10176x32xf32, #tpu.memory_space<hbm>> -> memref<1x636x32xf32, #tpu.memory_space<hbm>>
      %dma_start3A_49 = tpu.memref_squeeze %dma_start3A_48 : memref<1x636x32xf32, #tpu.memory_space<hbm>> -> memref<636x32xf32, #tpu.memory_space<hbm>>
      %dma_start3A_50 = arith.constant 0 : i32
      %dma_start3A_51 = tpu.memref_slice %arg8[%mul3A_44, %dma_start3A_50] : memref<10176x32xf32, #tpu.memory_space<vmem_shared>> -> memref<636x32xf32, #tpu.memory_space<vmem_shared>>
      tpu.enqueue_dma source(%dma_start3A_51 : memref<636x32xf32, #tpu.memory_space<vmem_shared>>) target(%dma_start3A_49 : memref<636x32xf32, #tpu.memory_space<hbm>>) target_semaphore(%run_scoped3A : memref<!tpu.dma_semaphore, #tpu.memory_space<semaphore_mem>>)
      %dma_wait3A_52 = arith.constant 0 : i32
      %dma_wait3A_53 = tpu.memref_slice %arg5[%arg0, %mul3A_46, %dma_wait3A_52] : memref<2x10176x32xf32, #tpu.memory_space<hbm>> -> memref<1x636x32xf32, #tpu.memory_space<hbm>>
      %dma_wait3A_54 = tpu.memref_squeeze %dma_wait3A_53 : memref<1x636x32xf32, #tpu.memory_space<hbm>> -> memref<636x32xf32, #tpu.memory_space<hbm>>
      %dma_wait3A_55 = arith.constant 0 : i32
      %dma_wait3A_56 = tpu.memref_slice %arg8[%mul3A_44, %dma_wait3A_55] : memref<10176x32xf32, #tpu.memory_space<vmem_shared>> -> memref<636x32xf32, #tpu.memory_space<vmem_shared>>
      tpu.wait_dma2 semaphore(%run_scoped3A : memref<!tpu.dma_semaphore, #tpu.memory_space<semaphore_mem>>) src(%dma_wait3A_56 : memref<636x32xf32, #tpu.memory_space<vmem_shared>>) dst(%dma_wait3A_54 : memref<636x32xf32, #tpu.memory_space<hbm>>)
      tpu.yield
    }) : () -> ()
    return
  }
}

#map = affine_map<(d0, d1) -> (0, 0)>
#map1 = affine_map<(d0, d1) -> (0, 0, 0)>
module attributes {stable_mosaic.version = 14 : i64} {
  func.func @body(%arg0: i32, %arg1: i32, %arg2: memref<10112x32xf32, #tpu.memory_space<hbm>>, %arg3: memref<32x10x128xi32, #tpu.memory_space<hbm>>, %arg4: memref<40960x32xf32, #tpu.memory_space<hbm>>, %arg5: memref<10x128xi32, #tpu.memory_space<vmem>>, %arg6: memref<1280x32xf32, #tpu.memory_space<vmem>>, %arg7: memref<10112x32xf32, #tpu.memory_space<vmem_shared>>, %arg8: memref<!tpu.dma_semaphore, #tpu.memory_space<semaphore_mem>>) attributes {dimension_semantics = [#tpu.dimension_semantics<core_parallel>, #tpu.dimension_semantics<subcore_parallel>], iteration_bounds = array<i64: 2, 16>, scalar_prefetch = 0 : i64, scratch_operands = 4 : i64, tpu.core_type = #tpu.core_type<sc_vector_subcore>, window_params = [{transform_indices = #map}, {transform_indices = #map1}, {transform_indices = #map}]} {
    %mul3A = arith.constant 2 : i32
    %mul3A_0 = arith.muli %arg1, %mul3A : i32
    %add3A = arith.addi %mul3A_0, %arg0 : i32
    %dma_start3A = arith.constant 0 : i32
    %dma_start3A_1 = arith.constant 0 : i32
    %dma_start3A_2 = tpu.memref_slice %arg3[%add3A, %dma_start3A, %dma_start3A_1] : memref<32x10x128xi32, #tpu.memory_space<hbm>> -> memref<1x10x128xi32, #tpu.memory_space<hbm>>
    %dma_start3A_3 = tpu.memref_squeeze %dma_start3A_2 : memref<1x10x128xi32, #tpu.memory_space<hbm>> -> memref<10x128xi32, #tpu.memory_space<hbm>>
    %dma_start3A_4 = arith.constant 0 : i32
    %dma_start3A_5 = arith.constant 0 : i32
    %dma_start3A_6 = tpu.memref_slice %arg3[%add3A, %dma_start3A_4, %dma_start3A_5] : memref<32x10x128xi32, #tpu.memory_space<hbm>> -> memref<1x10x128xi32, #tpu.memory_space<hbm>>
    %dma_start3A_7 = tpu.memref_squeeze %dma_start3A_6 : memref<1x10x128xi32, #tpu.memory_space<hbm>> -> memref<10x128xi32, #tpu.memory_space<hbm>>
    tpu.enqueue_dma source(%dma_start3A_7 : memref<10x128xi32, #tpu.memory_space<hbm>>) target(%arg5 : memref<10x128xi32, #tpu.memory_space<vmem>>) target_semaphore(%arg8 : memref<!tpu.dma_semaphore, #tpu.memory_space<semaphore_mem>>)
    %mul3A_8 = arith.constant 632 : i32
    %mul3A_9 = arith.muli %arg1, %mul3A_8 : i32
    %mul3A_10 = arith.constant 632 : i32
    %mul3A_11 = arith.muli %arg1, %mul3A_10 : i32
    "tpu.region"() ({
      %run_scoped3A = tpu.sem_alloc : memref<!tpu.dma_semaphore, #tpu.memory_space<semaphore_mem>>
      %dma_start3A_32 = arith.constant 0 : i32
      %dma_start3A_33 = tpu.memref_slice %arg7[%mul3A_11, %dma_start3A_32] : memref<10112x32xf32, #tpu.memory_space<vmem_shared>> -> memref<632x32xf32, #tpu.memory_space<vmem_shared>>
      %dma_start3A_34 = arith.constant 0 : i32
      %dma_start3A_35 = tpu.memref_slice %arg2[%mul3A_9, %dma_start3A_34] : memref<10112x32xf32, #tpu.memory_space<hbm>> -> memref<632x32xf32, #tpu.memory_space<hbm>>
      tpu.enqueue_dma source(%dma_start3A_35 : memref<632x32xf32, #tpu.memory_space<hbm>>) target(%dma_start3A_33 : memref<632x32xf32, #tpu.memory_space<vmem_shared>>) target_semaphore(%run_scoped3A : memref<!tpu.dma_semaphore, #tpu.memory_space<semaphore_mem>>)
      %dma_wait3A_36 = arith.constant 0 : i32
      %dma_wait3A_37 = tpu.memref_slice %arg7[%mul3A_11, %dma_wait3A_36] : memref<10112x32xf32, #tpu.memory_space<vmem_shared>> -> memref<632x32xf32, #tpu.memory_space<vmem_shared>>
      %dma_wait3A_38 = arith.constant 0 : i32
      %dma_wait3A_39 = tpu.memref_slice %arg2[%mul3A_9, %dma_wait3A_38] : memref<10112x32xf32, #tpu.memory_space<hbm>> -> memref<632x32xf32, #tpu.memory_space<hbm>>
      tpu.wait_dma2 semaphore(%run_scoped3A : memref<!tpu.dma_semaphore, #tpu.memory_space<semaphore_mem>>) src(%dma_wait3A_39 : memref<632x32xf32, #tpu.memory_space<hbm>>) dst(%dma_wait3A_37 : memref<632x32xf32, #tpu.memory_space<vmem_shared>>)
      tpu.yield
    }) : () -> ()
    %barrier3A = arith.constant 0 : index
    tpu.barrier barrier_id(%barrier3A)
    %dma_wait3A = arith.constant 0 : i32
    %dma_wait3A_12 = arith.constant 0 : i32
    %dma_wait3A_13 = tpu.memref_slice %arg3[%add3A, %dma_wait3A, %dma_wait3A_12] : memref<32x10x128xi32, #tpu.memory_space<hbm>> -> memref<1x10x128xi32, #tpu.memory_space<hbm>>
    %dma_wait3A_14 = tpu.memref_squeeze %dma_wait3A_13 : memref<1x10x128xi32, #tpu.memory_space<hbm>> -> memref<10x128xi32, #tpu.memory_space<hbm>>
    %dma_wait3A_15 = arith.constant 0 : i32
    %dma_wait3A_16 = arith.constant 0 : i32
    %dma_wait3A_17 = tpu.memref_slice %arg3[%add3A, %dma_wait3A_15, %dma_wait3A_16] : memref<32x10x128xi32, #tpu.memory_space<hbm>> -> memref<1x10x128xi32, #tpu.memory_space<hbm>>
    %dma_wait3A_18 = tpu.memref_squeeze %dma_wait3A_17 : memref<1x10x128xi32, #tpu.memory_space<hbm>> -> memref<10x128xi32, #tpu.memory_space<hbm>>
    tpu.wait_dma2 semaphore(%arg8 : memref<!tpu.dma_semaphore, #tpu.memory_space<semaphore_mem>>) src(%dma_wait3A_18 : memref<10x128xi32, #tpu.memory_space<hbm>>) dst(%arg5 : memref<10x128xi32, #tpu.memory_space<vmem>>)
    %scan3A = arith.constant 0 : i32
    %scan3A_19 = arith.constant 0 : i32
    %scan3A_20 = arith.constant 10 : i32
    %scan3A_21 = arith.addi %scan3A_19, %scan3A_20 : i32
    %scan3A_22 = arith.constant 1 : i32
    scf.for %scan3A_32 = %scan3A_19 to %scan3A_21 step %scan3A_22  : i32 {
      %mul3A_33 = arith.constant 128 : i32
      %mul3A_34 = arith.muli %scan3A_32, %mul3A_33 : i32
      %dma_start3A_35 = arith.constant 0 : i32
      %dma_start3A_36 = tpu.memref_slice %arg6[%mul3A_34, %dma_start3A_35] : memref<1280x32xf32, #tpu.memory_space<vmem>> -> memref<128x32xf32, #tpu.memory_space<vmem>>
      %dma_start3A_37 = arith.constant 0 : i32
      %dma_start3A_38 = tpu.memref_slice %arg5[%scan3A_32, %dma_start3A_37] : memref<10x128xi32, #tpu.memory_space<vmem>> -> memref<1x128xi32, #tpu.memory_space<vmem>>
      %dma_start3A_39 = tpu.memref_squeeze %dma_start3A_38 : memref<1x128xi32, #tpu.memory_space<vmem>> -> memref<128xi32, #tpu.memory_space<vmem>>
      %dma_start3A_40 = arith.constant 0 : i32
      %dma_start3A_41 = arith.constant 0 : i32
      %dma_start3A_42 = tpu.memref_slice %arg7[%dma_start3A_40, %dma_start3A_41] : memref<10112x32xf32, #tpu.memory_space<vmem_shared>> -> memref<10112x32xf32, #tpu.memory_space<vmem_shared>>
      tpu.enqueue_indirect_dma source(%dma_start3A_42 : memref<10112x32xf32, #tpu.memory_space<vmem_shared>>) target(%dma_start3A_36 : memref<128x32xf32, #tpu.memory_space<vmem>>) offsets(%dma_start3A_39 : memref<128xi32, #tpu.memory_space<vmem>>) semaphore(%arg8 : memref<!tpu.dma_semaphore, #tpu.memory_space<semaphore_mem>>)
    }
    %scan3A_23 = arith.constant 10 : i32
    %scan3A_24 = arith.constant 0 : i32
    %scan3A_25 = arith.constant 0 : i32
    %scan3A_26 = arith.constant 10 : i32
    %scan3A_27 = arith.addi %scan3A_25, %scan3A_26 : i32
    %scan3A_28 = arith.constant 1 : i32
    scf.for %scan3A_32 = %scan3A_25 to %scan3A_27 step %scan3A_28  : i32 {
      %dma_wait3A_33 = arith.constant 0 : i32
      %dma_wait3A_34 = arith.constant 0 : i32
      %dma_wait3A_35 = arith.constant 0 : i32
      %dma_wait3A_36 = tpu.memref_slice %arg6[%dma_wait3A_34, %dma_wait3A_35] : memref<1280x32xf32, #tpu.memory_space<vmem>> -> memref<128x32xf32, #tpu.memory_space<vmem>>
      %dma_wait3A_37 = arith.constant 0 : i32
      %dma_wait3A_38 = tpu.memref_slice %arg5[%dma_wait3A_33, %dma_wait3A_37] : memref<10x128xi32, #tpu.memory_space<vmem>> -> memref<1x128xi32, #tpu.memory_space<vmem>>
      %dma_wait3A_39 = tpu.memref_squeeze %dma_wait3A_38 : memref<1x128xi32, #tpu.memory_space<vmem>> -> memref<128xi32, #tpu.memory_space<vmem>>
      %dma_wait3A_40 = arith.constant 0 : i32
      %dma_wait3A_41 = arith.constant 0 : i32
      %dma_wait3A_42 = tpu.memref_slice %arg7[%dma_wait3A_40, %dma_wait3A_41] : memref<10112x32xf32, #tpu.memory_space<vmem_shared>> -> memref<10112x32xf32, #tpu.memory_space<vmem_shared>>
      tpu.wait_indirect_dma semaphore(%arg8 : memref<!tpu.dma_semaphore, #tpu.memory_space<semaphore_mem>>) src(%dma_wait3A_42 : memref<10112x32xf32, #tpu.memory_space<vmem_shared>>) dst(%dma_wait3A_36 : memref<128x32xf32, #tpu.memory_space<vmem>>)
    }
    %scan3A_29 = arith.constant 10 : i32
    %mul3A_30 = arith.constant 1280 : i32
    %mul3A_31 = arith.muli %add3A, %mul3A_30 : i32
    "tpu.region"() ({
      %run_scoped3A = tpu.sem_alloc : memref<!tpu.dma_semaphore, #tpu.memory_space<semaphore_mem>>
      %dma_start3A_32 = arith.constant 0 : i32
      %dma_start3A_33 = tpu.memref_slice %arg4[%mul3A_31, %dma_start3A_32] : memref<40960x32xf32, #tpu.memory_space<hbm>> -> memref<1280x32xf32, #tpu.memory_space<hbm>>
      %dma_start3A_34 = arith.constant 0 : i32
      %dma_start3A_35 = tpu.memref_slice %arg4[%mul3A_31, %dma_start3A_34] : memref<40960x32xf32, #tpu.memory_space<hbm>> -> memref<1280x32xf32, #tpu.memory_space<hbm>>
      tpu.enqueue_dma source(%arg6 : memref<1280x32xf32, #tpu.memory_space<vmem>>) target(%dma_start3A_35 : memref<1280x32xf32, #tpu.memory_space<hbm>>) target_semaphore(%run_scoped3A : memref<!tpu.dma_semaphore, #tpu.memory_space<semaphore_mem>>)
      %dma_wait3A_36 = arith.constant 0 : i32
      %dma_wait3A_37 = tpu.memref_slice %arg4[%mul3A_31, %dma_wait3A_36] : memref<40960x32xf32, #tpu.memory_space<hbm>> -> memref<1280x32xf32, #tpu.memory_space<hbm>>
      %dma_wait3A_38 = arith.constant 0 : i32
      %dma_wait3A_39 = tpu.memref_slice %arg4[%mul3A_31, %dma_wait3A_38] : memref<40960x32xf32, #tpu.memory_space<hbm>> -> memref<1280x32xf32, #tpu.memory_space<hbm>>
      tpu.wait_dma2 semaphore(%run_scoped3A : memref<!tpu.dma_semaphore, #tpu.memory_space<semaphore_mem>>) src(%arg6 : memref<1280x32xf32, #tpu.memory_space<vmem>>) dst(%dma_wait3A_39 : memref<1280x32xf32, #tpu.memory_space<hbm>>)
      tpu.yield
    }) : () -> ()
    return
  }
}

module attributes {stable_mosaic.version = 14 : i64} {
  func.func @body(%arg0: i32, %arg1: memref<632x128xf32, #tpu.memory_space<vmem>>, %arg2: memref<1x128xf32, #tpu.memory_space<vmem>>, %arg3: memref<1x128xf32, #tpu.memory_space<vmem>>, %arg4: memref<128x256xf32, #tpu.memory_space<vmem>>, %arg5: memref<1x256xf32, #tpu.memory_space<vmem>>, %arg6: memref<632x256xf32, #tpu.memory_space<vmem>>) attributes {dimension_semantics = [#tpu.dimension_semantics<arbitrary>], iteration_bounds = array<i64: 1>, scalar_prefetch = 0 : i64, scratch_operands = 0 : i64, tpu.core_type = #tpu.core_type<tc>, window_params = [{pipeline_mode = #tpu.pipeline_mode<synchronous>, transform_indices = @transform_0, window_bounds = array<i64: 632, 128>}, {pipeline_mode = #tpu.pipeline_mode<synchronous>, transform_indices = @transform_1, window_bounds = array<i64: 1, 128>}, {pipeline_mode = #tpu.pipeline_mode<synchronous>, transform_indices = @transform_2, window_bounds = array<i64: 1, 128>}, {pipeline_mode = #tpu.pipeline_mode<synchronous>, transform_indices = @transform_3, window_bounds = array<i64: 128, 256>}, {pipeline_mode = #tpu.pipeline_mode<synchronous>, transform_indices = @transform_4, window_bounds = array<i64: 1, 256>}, {pipeline_mode = #tpu.pipeline_mode<synchronous>, transform_indices = @transform_5, window_bounds = array<i64: 632, 256>}]} {
    %get3A = arith.constant 0 : index
    %get3A_0 = arith.constant 0 : index
    %get3A_1 = vector.load %arg1[%get3A, %get3A_0] : memref<632x128xf32, #tpu.memory_space<vmem>>, vector<632x128xf32>
    %get3A_2 = arith.constant 0 : index
    %get3A_3 = arith.constant 0 : index
    %get3A_4 = vector.load %arg2[%get3A_2, %get3A_3] : memref<1x128xf32, #tpu.memory_space<vmem>>, vector<1x128xf32>
    %sqrt3A = arith.constant 1.000010e+00 : f32
    %sqrt3A_5 = math.sqrt %sqrt3A : f32
    %div3A = arith.constant 1.000000e+00 : f32
    %div3A_6 = arith.divf %div3A, %sqrt3A_5 : f32
    %mul3A = vector.broadcast %div3A_6 : f32 to vector<1x128xf32>
    %mul3A_7 = arith.mulf %get3A_4, %mul3A : vector<1x128xf32>
    %mul3A_8 = vector.broadcast %mul3A_7 : vector<1x128xf32> to vector<632x128xf32>
    %mul3A_9 = arith.mulf %get3A_1, %mul3A_8 : vector<632x128xf32>
    %get3A_10 = arith.constant 0 : index
    %get3A_11 = arith.constant 0 : index
    %get3A_12 = vector.load %arg3[%get3A_10, %get3A_11] : memref<1x128xf32, #tpu.memory_space<vmem>>, vector<1x128xf32>
    %add3A = vector.broadcast %get3A_12 : vector<1x128xf32> to vector<632x128xf32>
    %add3A_13 = arith.addf %mul3A_9, %add3A : vector<632x128xf32>
    %get3A_14 = arith.constant 0 : index
    %get3A_15 = arith.constant 0 : index
    %get3A_16 = vector.load %arg4[%get3A_14, %get3A_15] : memref<128x256xf32, #tpu.memory_space<vmem>>, vector<128x256xf32>
    %dot_general3A = arith.constant dense<0.000000e+00> : vector<632x256xf32>
    %dot_general3A_17 = tpu.matmul %add3A_13, %get3A_16, %dot_general3A {dimension_numbers = #tpu.dot_dimension_numbers<[1], [0], [0], [1], [0, 0, 1, 1], [], []>, transpose_lhs_hint = false} : vector<632x128xf32>, vector<128x256xf32>, vector<632x256xf32> -> vector<632x256xf32>
    %get3A_18 = arith.constant 0 : index
    %get3A_19 = arith.constant 0 : index
    %get3A_20 = vector.load %arg5[%get3A_18, %get3A_19] : memref<1x256xf32, #tpu.memory_space<vmem>>, vector<1x256xf32>
    %add3A_21 = vector.broadcast %get3A_20 : vector<1x256xf32> to vector<632x256xf32>
    %add3A_22 = arith.addf %dot_general3A_17, %add3A_21 : vector<632x256xf32>
    %ge3A = arith.constant 0.000000e+00 : f32
    %ge3A_23 = vector.broadcast %ge3A : f32 to vector<632x256xf32>
    %ge3A_24 = arith.cmpf oge, %add3A_22, %ge3A_23 : vector<632x256xf32>
    %mul3A_25 = arith.constant 0.229166672 : f32
    %mul3A_26 = vector.broadcast %mul3A_25 : f32 to vector<632x256xf32>
    %mul3A_27 = arith.mulf %mul3A_26, %add3A_22 : vector<632x256xf32>
    %select_n3A = arith.select %ge3A_24, %add3A_22, %mul3A_27 : vector<632x256xi1>, vector<632x256xf32>
    %swap3A = arith.constant 0 : index
    %swap3A_28 = arith.constant 0 : index
    %swap3A_29 = vector.load %arg6[%swap3A, %swap3A_28] : memref<632x256xf32, #tpu.memory_space<vmem>>, vector<632x256xf32>
    tpu.vector_store %arg6[%swap3A, %swap3A_28], %select_n3A {strides = array<i32>} : memref<632x256xf32, #tpu.memory_space<vmem>>, vector<632x256xf32>,
    return
  }
  func.func @transform_0(%arg0: i32) -> (i32, i32) {
    %c0_i32 = arith.constant 0 : i32
    %c0_i32_0 = arith.constant 0 : i32
    %c0_i32_1 = arith.constant 0 : i32
    return %c0_i32, %c0_i32_0 : i32, i32
  }
  func.func @transform_1(%arg0: i32) -> (i32, i32) {
    %c0_i32 = arith.constant 0 : i32
    %c0_i32_0 = arith.constant 0 : i32
    %c0_i32_1 = arith.constant 0 : i32
    return %c0_i32, %c0_i32_0 : i32, i32
  }
  func.func @transform_2(%arg0: i32) -> (i32, i32) {
    %c0_i32 = arith.constant 0 : i32
    %c0_i32_0 = arith.constant 0 : i32
    %c0_i32_1 = arith.constant 0 : i32
    return %c0_i32, %c0_i32_0 : i32, i32
  }
  func.func @transform_3(%arg0: i32) -> (i32, i32) {
    %c0_i32 = arith.constant 0 : i32
    %c0_i32_0 = arith.constant 0 : i32
    %c0_i32_1 = arith.constant 0 : i32
    return %c0_i32, %c0_i32_0 : i32, i32
  }
  func.func @transform_4(%arg0: i32) -> (i32, i32) {
    %c0_i32 = arith.constant 0 : i32
    %c0_i32_0 = arith.constant 0 : i32
    %c0_i32_1 = arith.constant 0 : i32
    return %c0_i32, %c0_i32_0 : i32, i32
  }
  func.func @transform_5(%arg0: i32) -> (i32, i32) {
    %c0_i32 = arith.constant 0 : i32
    %c0_i32_0 = arith.constant 0 : i32
    %c0_i32_1 = arith.constant 0 : i32
    return %c0_i32, %c0_i32_0 : i32, i32
  }
}

module attributes {stable_mosaic.version = 14 : i64} {
  func.func @body(%arg0: i32, %arg1: memref<2048x128xf32, #tpu.memory_space<vmem>>, %arg2: memref<2048x152xf32, #tpu.memory_space<vmem>>, %arg3: memref<152x1536xbf16, #tpu.memory_space<vmem>>, %arg4: memref<1x1536xbf16, #tpu.memory_space<vmem>>, %arg5: memref<128x1536xbf16, #tpu.memory_space<vmem>>, %arg6: memref<1536x128xbf16, #tpu.memory_space<vmem>>, %arg7: memref<2048x128xf32, #tpu.memory_space<vmem>>) attributes {dimension_semantics = [#tpu.dimension_semantics<arbitrary>], iteration_bounds = array<i64: 10>, scalar_prefetch = 0 : i64, scratch_operands = 0 : i64, tpu.core_type = #tpu.core_type<tc>, window_params = [{transform_indices = @transform_0, window_bounds = array<i64: 2048, 128>}, {transform_indices = @transform_1, window_bounds = array<i64: 2048, 152>}, {pipeline_mode = #tpu.pipeline_mode<synchronous>, transform_indices = @transform_2, window_bounds = array<i64: 152, 1536>}, {pipeline_mode = #tpu.pipeline_mode<synchronous>, transform_indices = @transform_3, window_bounds = array<i64: 1, 1536>}, {pipeline_mode = #tpu.pipeline_mode<synchronous>, transform_indices = @transform_4, window_bounds = array<i64: 128, 1536>}, {pipeline_mode = #tpu.pipeline_mode<synchronous>, transform_indices = @transform_5, window_bounds = array<i64: 1536, 128>}, {transform_indices = @transform_6, window_bounds = array<i64: 2048, 128>}]} {
    %get3A = arith.constant 0 : index
    %get3A_0 = arith.constant 0 : index
    %get3A_1 = vector.load %arg2[%get3A, %get3A_0] : memref<2048x152xf32, #tpu.memory_space<vmem>>, vector<2048x152xf32>
    %convert_element_type3A = arith.truncf %get3A_1 : vector<2048x152xf32> to vector<2048x152xbf16>
    %get3A_2 = arith.constant 0 : index
    %get3A_3 = arith.constant 0 : index
    %get3A_4 = vector.load %arg3[%get3A_2, %get3A_3] : memref<152x1536xbf16, #tpu.memory_space<vmem>>, vector<152x1536xbf16>
    %dot_general3A = arith.constant dense<0.000000e+00> : vector<2048x1536xf32>
    %dot_general3A_5 = tpu.matmul %convert_element_type3A, %get3A_4, %dot_general3A {dimension_numbers = #tpu.dot_dimension_numbers<[1], [0], [0], [1], [0, 0, 1, 1], [], []>, transpose_lhs_hint = false} : vector<2048x152xbf16>, vector<152x1536xbf16>, vector<2048x1536xf32> -> vector<2048x1536xf32>
    %get3A_6 = arith.constant 0 : index
    %get3A_7 = arith.constant 0 : index
    %get3A_8 = vector.load %arg4[%get3A_6, %get3A_7] : memref<1x1536xbf16, #tpu.memory_space<vmem>>, vector<1x1536xbf16>
    %convert_element_type3A_9 = arith.extf %get3A_8 : vector<1x1536xbf16> to vector<1x1536xf32>
    %add3A = vector.broadcast %convert_element_type3A_9 : vector<1x1536xf32> to vector<2048x1536xf32>
    %add3A_10 = arith.addf %dot_general3A_5, %add3A : vector<2048x1536xf32>
    %ge3A = arith.constant 0.000000e+00 : f32
    %ge3A_11 = vector.broadcast %ge3A : f32 to vector<2048x1536xf32>
    %ge3A_12 = arith.cmpf oge, %add3A_10, %ge3A_11 : vector<2048x1536xf32>
    %mul3A = arith.constant 0.229166672 : f32
    %mul3A_13 = vector.broadcast %mul3A : f32 to vector<2048x1536xf32>
    %mul3A_14 = arith.mulf %mul3A_13, %add3A_10 : vector<2048x1536xf32>
    %select_n3A = arith.select %ge3A_12, %add3A_10, %mul3A_14 : vector<2048x1536xi1>, vector<2048x1536xf32>
    %get3A_15 = arith.constant 0 : index
    %get3A_16 = arith.constant 0 : index
    %get3A_17 = vector.load %arg1[%get3A_15, %get3A_16] : memref<2048x128xf32, #tpu.memory_space<vmem>>, vector<2048x128xf32>
    %convert_element_type3A_18 = arith.truncf %get3A_17 : vector<2048x128xf32> to vector<2048x128xbf16>
    %get3A_19 = arith.constant 0 : index
    %get3A_20 = arith.constant 0 : index
    %get3A_21 = vector.load %arg5[%get3A_19, %get3A_20] : memref<128x1536xbf16, #tpu.memory_space<vmem>>, vector<128x1536xbf16>
    %dot_general3A_22 = arith.constant dense<0.000000e+00> : vector<2048x1536xf32>
    %dot_general3A_23 = tpu.matmul %convert_element_type3A_18, %get3A_21, %dot_general3A_22 {dimension_numbers = #tpu.dot_dimension_numbers<[1], [0], [0], [1], [0, 0, 1, 1], [], []>, transpose_lhs_hint = false} : vector<2048x128xbf16>, vector<128x1536xbf16>, vector<2048x1536xf32> -> vector<2048x1536xf32>
    %mul3A_24 = arith.mulf %select_n3A, %dot_general3A_23 : vector<2048x1536xf32>
    %convert_element_type3A_25 = arith.truncf %mul3A_24 : vector<2048x1536xf32> to vector<2048x1536xbf16>
    %get3A_26 = arith.constant 0 : index
    %get3A_27 = arith.constant 0 : index
    %get3A_28 = vector.load %arg6[%get3A_26, %get3A_27] : memref<1536x128xbf16, #tpu.memory_space<vmem>>, vector<1536x128xbf16>
    %dot_general3A_29 = arith.constant dense<0.000000e+00> : vector<2048x128xf32>
    %dot_general3A_30 = tpu.matmul %convert_element_type3A_25, %get3A_28, %dot_general3A_29 {dimension_numbers = #tpu.dot_dimension_numbers<[1], [0], [0], [1], [0, 0, 1, 1], [], []>, transpose_lhs_hint = false} : vector<2048x1536xbf16>, vector<1536x128xbf16>, vector<2048x128xf32> -> vector<2048x128xf32>
    %swap3A = arith.constant 0 : index
    %swap3A_31 = arith.constant 0 : index
    %swap3A_32 = vector.load %arg7[%swap3A, %swap3A_31] : memref<2048x128xf32, #tpu.memory_space<vmem>>, vector<2048x128xf32>
    tpu.vector_store %arg7[%swap3A, %swap3A_31], %dot_general3A_30 {strides = array<i32>} : memref<2048x128xf32, #tpu.memory_space<vmem>>, vector<2048x128xf32>,
    return
  }
  func.func @transform_0(%arg0: i32) -> (i32, i32) {
    %c0_i32 = arith.constant 0 : i32
    %c0_i32_0 = arith.constant 0 : i32
    return %arg0, %c0_i32 : i32, i32
  }
  func.func @transform_1(%arg0: i32) -> (i32, i32) {
    %c0_i32 = arith.constant 0 : i32
    %c0_i32_0 = arith.constant 0 : i32
    return %arg0, %c0_i32 : i32, i32
  }
  func.func @transform_2(%arg0: i32) -> (i32, i32) {
    %c0_i32 = arith.constant 0 : i32
    %c0_i32_0 = arith.constant 0 : i32
    %c0_i32_1 = arith.constant 0 : i32
    return %c0_i32, %c0_i32_0 : i32, i32
  }
  func.func @transform_3(%arg0: i32) -> (i32, i32) {
    %c0_i32 = arith.constant 0 : i32
    %c0_i32_0 = arith.constant 0 : i32
    %c0_i32_1 = arith.constant 0 : i32
    return %c0_i32, %c0_i32_0 : i32, i32
  }
  func.func @transform_4(%arg0: i32) -> (i32, i32) {
    %c0_i32 = arith.constant 0 : i32
    %c0_i32_0 = arith.constant 0 : i32
    %c0_i32_1 = arith.constant 0 : i32
    return %c0_i32, %c0_i32_0 : i32, i32
  }
  func.func @transform_5(%arg0: i32) -> (i32, i32) {
    %c0_i32 = arith.constant 0 : i32
    %c0_i32_0 = arith.constant 0 : i32
    %c0_i32_1 = arith.constant 0 : i32
    return %c0_i32, %c0_i32_0 : i32, i32
  }
  func.func @transform_6(%arg0: i32) -> (i32, i32) {
    %c0_i32 = arith.constant 0 : i32
    %c0_i32_0 = arith.constant 0 : i32
    return %arg0, %c0_i32 : i32, i32
  }
}

module attributes {stable_mosaic.version = 14 : i64} {
  func.func @body(%arg0: i32, %arg1: memref<2x1264x128xf32, #tpu.memory_space<vmem>>, %arg2: memref<2x1264x128xf32, #tpu.memory_space<vmem>>, %arg3: memref<1264x128xf32, #tpu.memory_space<vmem>>, %arg4: memref<1x128xf32, #tpu.memory_space<vmem>>, %arg5: memref<128x128xf32, #tpu.memory_space<vmem>>, %arg6: memref<128x128xf32, #tpu.memory_space<vmem>>, %arg7: memref<128x128xf32, #tpu.memory_space<vmem>>, %arg8: memref<128x128xf32, #tpu.memory_space<vmem>>, %arg9: memref<128x128xf32, #tpu.memory_space<vmem>>, %arg10: memref<128x128xf32, #tpu.memory_space<vmem>>, %arg11: memref<1x384xf32, #tpu.memory_space<vmem>>, %arg12: memref<1x384xf32, #tpu.memory_space<vmem>>, %arg13: memref<1264x128xf32, #tpu.memory_space<vmem>>) attributes {dimension_semantics = [#tpu.dimension_semantics<arbitrary>], iteration_bounds = array<i64: 1>, scalar_prefetch = 0 : i64, scratch_operands = 0 : i64, tpu.core_type = #tpu.core_type<tc>, window_params = [{transform_indices = @transform_0, window_bounds = array<i64: 2, 1264, 128>}, {transform_indices = @transform_1, window_bounds = array<i64: 2, 1264, 128>}, {pipeline_mode = #tpu.pipeline_mode<synchronous>, transform_indices = @transform_2, window_bounds = array<i64: 1264, 128>}, {pipeline_mode = #tpu.pipeline_mode<synchronous>, transform_indices = @transform_3, window_bounds = array<i64: 1, 128>}, {pipeline_mode = #tpu.pipeline_mode<synchronous>, transform_indices = @transform_4, window_bounds = array<i64: 128, 128>}, {pipeline_mode = #tpu.pipeline_mode<synchronous>, transform_indices = @transform_5, window_bounds = array<i64: 128, 128>}, {pipeline_mode = #tpu.pipeline_mode<synchronous>, transform_indices = @transform_6, window_bounds = array<i64: 128, 128>}, {pipeline_mode = #tpu.pipeline_mode<synchronous>, transform_indices = @transform_7, window_bounds = array<i64: 128, 128>}, {pipeline_mode = #tpu.pipeline_mode<synchronous>, transform_indices = @transform_8, window_bounds = array<i64: 128, 128>}, {pipeline_mode = #tpu.pipeline_mode<synchronous>, transform_indices = @transform_9, window_bounds = array<i64: 128, 128>}, {pipeline_mode = #tpu.pipeline_mode<synchronous>, transform_indices = @transform_10, window_bounds = array<i64: 1, 384>}, {pipeline_mode = #tpu.pipeline_mode<synchronous>, transform_indices = @transform_11, window_bounds = array<i64: 1, 384>}, {pipeline_mode = #tpu.pipeline_mode<synchronous>, transform_indices = @transform_12, window_bounds = array<i64: 1264, 128>}]} {
    %get3A = arith.constant 0 : index
    %get3A_0 = arith.constant 0 : index
    %get3A_1 = arith.constant 0 : index
    %get3A_2 = vector.load %arg1[%get3A, %get3A_0, %get3A_1] : memref<2x1264x128xf32, #tpu.memory_space<vmem>>, vector<1x1264x128xf32>
    %get3A_3 = vector.shape_cast %get3A_2 : vector<1x1264x128xf32> to vector<1264x128xf32>
    %get3A_4 = arith.constant 1 : index
    %get3A_5 = arith.constant 0 : index
    %get3A_6 = arith.constant 0 : index
    %get3A_7 = vector.load %arg1[%get3A_4, %get3A_5, %get3A_6] : memref<2x1264x128xf32, #tpu.memory_space<vmem>>, vector<1x1264x128xf32>
    %get3A_8 = vector.shape_cast %get3A_7 : vector<1x1264x128xf32> to vector<1264x128xf32>
    %add3A = arith.addf %get3A_3, %get3A_8 : vector<1264x128xf32>
    %get3A_9 = arith.constant 0 : index
    %get3A_10 = arith.constant 0 : index
    %get3A_11 = arith.constant 0 : index
    %get3A_12 = vector.load %arg2[%get3A_9, %get3A_10, %get3A_11] : memref<2x1264x128xf32, #tpu.memory_space<vmem>>, vector<1x1264x128xf32>
    %get3A_13 = vector.shape_cast %get3A_12 : vector<1x1264x128xf32> to vector<1264x128xf32>
    %get3A_14 = arith.constant 1 : index
    %get3A_15 = arith.constant 0 : index
    %get3A_16 = arith.constant 0 : index
    %get3A_17 = vector.load %arg2[%get3A_14, %get3A_15, %get3A_16] : memref<2x1264x128xf32, #tpu.memory_space<vmem>>, vector<1x1264x128xf32>
    %get3A_18 = vector.shape_cast %get3A_17 : vector<1x1264x128xf32> to vector<1264x128xf32>
    %add3A_19 = arith.addf %get3A_13, %get3A_18 : vector<1264x128xf32>
    %max3A = arith.constant 1.000000e+00 : f32
    %max3A_20 = vector.broadcast %max3A : f32 to vector<1264x128xf32>
    %max3A_21 = arith.maximumf %add3A_19, %max3A_20 : vector<1264x128xf32>
    %div3A = arith.divf %add3A, %max3A_21 : vector<1264x128xf32>
    %get3A_22 = arith.constant 0 : index
    %get3A_23 = arith.constant 0 : index
    %get3A_24 = vector.load %arg4[%get3A_22, %get3A_23] : memref<1x128xf32, #tpu.memory_space<vmem>>, vector<1x128xf32>
    %add3A_25 = vector.broadcast %get3A_24 : vector<1x128xf32> to vector<1264x128xf32>
    %add3A_26 = arith.addf %div3A, %add3A_25 : vector<1264x128xf32>
    %ge3A = arith.constant 0.000000e+00 : f32
    %ge3A_27 = vector.broadcast %ge3A : f32 to vector<1264x128xf32>
    %ge3A_28 = arith.cmpf oge, %add3A_26, %ge3A_27 : vector<1264x128xf32>
    %mul3A = arith.constant 0.229166672 : f32
    %mul3A_29 = vector.broadcast %mul3A : f32 to vector<1264x128xf32>
    %mul3A_30 = arith.mulf %mul3A_29, %add3A_26 : vector<1264x128xf32>
    %select_n3A = arith.select %ge3A_28, %add3A_26, %mul3A_30 : vector<1264x128xi1>, vector<1264x128xf32>
    %get3A_31 = arith.constant 0 : index
    %get3A_32 = arith.constant 0 : index
    %get3A_33 = vector.load %arg3[%get3A_31, %get3A_32] : memref<1264x128xf32, #tpu.memory_space<vmem>>, vector<1264x128xf32>
    %get3A_34 = arith.constant 0 : index
    %get3A_35 = arith.constant 0 : index
    %get3A_36 = vector.load %arg11[%get3A_34, %get3A_35] : memref<1x384xf32, #tpu.memory_space<vmem>>, vector<1x384xf32>
    %get3A_37 = arith.constant 0 : index
    %get3A_38 = arith.constant 0 : index
    %get3A_39 = vector.load %arg12[%get3A_37, %get3A_38] : memref<1x384xf32, #tpu.memory_space<vmem>>, vector<1x384xf32>
    %get3A_40 = arith.constant 0 : index
    %get3A_41 = arith.constant 0 : index
    %get3A_42 = vector.load %arg5[%get3A_40, %get3A_41] : memref<128x128xf32, #tpu.memory_space<vmem>>, vector<128x128xf32>
    %dot_general3A = arith.constant dense<0.000000e+00> : vector<1264x128xf32>
    %dot_general3A_43 = tpu.matmul %select_n3A, %get3A_42, %dot_general3A {dimension_numbers = #tpu.dot_dimension_numbers<[1], [0], [0], [1], [0, 0, 1, 1], [], []>, transpose_lhs_hint = false} : vector<1264x128xf32>, vector<128x128xf32>, vector<1264x128xf32> -> vector<1264x128xf32>
    %slice3A = vector.extract_strided_slice %get3A_36 {offsets = [0, 0], sizes = [1, 128], strides = [1, 1]} : vector<1x384xf32> to vector<1x128xf32>
    %add3A_44 = vector.broadcast %slice3A : vector<1x128xf32> to vector<1264x128xf32>
    %add3A_45 = arith.addf %dot_general3A_43, %add3A_44 : vector<1264x128xf32>
    %get3A_46 = arith.constant 0 : index
    %get3A_47 = arith.constant 0 : index
    %get3A_48 = vector.load %arg8[%get3A_46, %get3A_47] : memref<128x128xf32, #tpu.memory_space<vmem>>, vector<128x128xf32>
    %dot_general3A_49 = arith.constant dense<0.000000e+00> : vector<1264x128xf32>
    %dot_general3A_50 = tpu.matmul %get3A_33, %get3A_48, %dot_general3A_49 {dimension_numbers = #tpu.dot_dimension_numbers<[1], [0], [0], [1], [0, 0, 1, 1], [], []>, transpose_lhs_hint = false} : vector<1264x128xf32>, vector<128x128xf32>, vector<1264x128xf32> -> vector<1264x128xf32>
    %add3A_51 = arith.addf %add3A_45, %dot_general3A_50 : vector<1264x128xf32>
    %slice3A_52 = vector.extract_strided_slice %get3A_39 {offsets = [0, 0], sizes = [1, 128], strides = [1, 1]} : vector<1x384xf32> to vector<1x128xf32>
    %add3A_53 = vector.broadcast %slice3A_52 : vector<1x128xf32> to vector<1264x128xf32>
    %add3A_54 = arith.addf %add3A_51, %add3A_53 : vector<1264x128xf32>
    %logistic3A = arith.negf %add3A_54 : vector<1264x128xf32>
    %logistic3A_55 = math.exp %logistic3A : vector<1264x128xf32>
    %logistic3A_56 = arith.constant 1.000000e+00 : f32
    %logistic3A_57 = vector.broadcast %logistic3A_56 : f32 to vector<1264x128xf32>
    %logistic3A_58 = arith.addf %logistic3A_57, %logistic3A_55 : vector<1264x128xf32>
    %logistic3A_59 = arith.divf %logistic3A_57, %logistic3A_58 : vector<1264x128xf32>
    %get3A_60 = arith.constant 0 : index
    %get3A_61 = arith.constant 0 : index
    %get3A_62 = vector.load %arg6[%get3A_60, %get3A_61] : memref<128x128xf32, #tpu.memory_space<vmem>>, vector<128x128xf32>
    %dot_general3A_63 = arith.constant dense<0.000000e+00> : vector<1264x128xf32>
    %dot_general3A_64 = tpu.matmul %select_n3A, %get3A_62, %dot_general3A_63 {dimension_numbers = #tpu.dot_dimension_numbers<[1], [0], [0], [1], [0, 0, 1, 1], [], []>, transpose_lhs_hint = false} : vector<1264x128xf32>, vector<128x128xf32>, vector<1264x128xf32> -> vector<1264x128xf32>
    %slice3A_65 = vector.extract_strided_slice %get3A_36 {offsets = [0, 128], sizes = [1, 128], strides = [1, 1]} : vector<1x384xf32> to vector<1x128xf32>
    %add3A_66 = vector.broadcast %slice3A_65 : vector<1x128xf32> to vector<1264x128xf32>
    %add3A_67 = arith.addf %dot_general3A_64, %add3A_66 : vector<1264x128xf32>
    %get3A_68 = arith.constant 0 : index
    %get3A_69 = arith.constant 0 : index
    %get3A_70 = vector.load %arg9[%get3A_68, %get3A_69] : memref<128x128xf32, #tpu.memory_space<vmem>>, vector<128x128xf32>
    %dot_general3A_71 = arith.constant dense<0.000000e+00> : vector<1264x128xf32>
    %dot_general3A_72 = tpu.matmul %get3A_33, %get3A_70, %dot_general3A_71 {dimension_numbers = #tpu.dot_dimension_numbers<[1], [0], [0], [1], [0, 0, 1, 1], [], []>, transpose_lhs_hint = false} : vector<1264x128xf32>, vector<128x128xf32>, vector<1264x128xf32> -> vector<1264x128xf32>
    %add3A_73 = arith.addf %add3A_67, %dot_general3A_72 : vector<1264x128xf32>
    %slice3A_74 = vector.extract_strided_slice %get3A_39 {offsets = [0, 128], sizes = [1, 128], strides = [1, 1]} : vector<1x384xf32> to vector<1x128xf32>
    %add3A_75 = vector.broadcast %slice3A_74 : vector<1x128xf32> to vector<1264x128xf32>
    %add3A_76 = arith.addf %add3A_73, %add3A_75 : vector<1264x128xf32>
    %logistic3A_77 = arith.negf %add3A_76 : vector<1264x128xf32>
    %logistic3A_78 = math.exp %logistic3A_77 : vector<1264x128xf32>
    %logistic3A_79 = arith.constant 1.000000e+00 : f32
    %logistic3A_80 = vector.broadcast %logistic3A_79 : f32 to vector<1264x128xf32>
    %logistic3A_81 = arith.addf %logistic3A_80, %logistic3A_78 : vector<1264x128xf32>
    %logistic3A_82 = arith.divf %logistic3A_80, %logistic3A_81 : vector<1264x128xf32>
    %get3A_83 = arith.constant 0 : index
    %get3A_84 = arith.constant 0 : index
    %get3A_85 = vector.load %arg7[%get3A_83, %get3A_84] : memref<128x128xf32, #tpu.memory_space<vmem>>, vector<128x128xf32>
    %dot_general3A_86 = arith.constant dense<0.000000e+00> : vector<1264x128xf32>
    %dot_general3A_87 = tpu.matmul %select_n3A, %get3A_85, %dot_general3A_86 {dimension_numbers = #tpu.dot_dimension_numbers<[1], [0], [0], [1], [0, 0, 1, 1], [], []>, transpose_lhs_hint = false} : vector<1264x128xf32>, vector<128x128xf32>, vector<1264x128xf32> -> vector<1264x128xf32>
    %slice3A_88 = vector.extract_strided_slice %get3A_36 {offsets = [0, 256], sizes = [1, 128], strides = [1, 1]} : vector<1x384xf32> to vector<1x128xf32>
    %add3A_89 = vector.broadcast %slice3A_88 : vector<1x128xf32> to vector<1264x128xf32>
    %add3A_90 = arith.addf %dot_general3A_87, %add3A_89 : vector<1264x128xf32>
    %get3A_91 = arith.constant 0 : index
    %get3A_92 = arith.constant 0 : index
    %get3A_93 = vector.load %arg10[%get3A_91, %get3A_92] : memref<128x128xf32, #tpu.memory_space<vmem>>, vector<128x128xf32>
    %dot_general3A_94 = arith.constant dense<0.000000e+00> : vector<1264x128xf32>
    %dot_general3A_95 = tpu.matmul %get3A_33, %get3A_93, %dot_general3A_94 {dimension_numbers = #tpu.dot_dimension_numbers<[1], [0], [0], [1], [0, 0, 1, 1], [], []>, transpose_lhs_hint = false} : vector<1264x128xf32>, vector<128x128xf32>, vector<1264x128xf32> -> vector<1264x128xf32>
    %slice3A_96 = vector.extract_strided_slice %get3A_39 {offsets = [0, 256], sizes = [1, 128], strides = [1, 1]} : vector<1x384xf32> to vector<1x128xf32>
    %add3A_97 = vector.broadcast %slice3A_96 : vector<1x128xf32> to vector<1264x128xf32>
    %add3A_98 = arith.addf %dot_general3A_95, %add3A_97 : vector<1264x128xf32>
    %mul3A_99 = arith.mulf %logistic3A_59, %add3A_98 : vector<1264x128xf32>
    %add3A_100 = arith.addf %add3A_90, %mul3A_99 : vector<1264x128xf32>
    %tanh3A = math.tanh %add3A_100 : vector<1264x128xf32>
    %sub3A = arith.constant 1.000000e+00 : f32
    %sub3A_101 = vector.broadcast %sub3A : f32 to vector<1264x128xf32>
    %sub3A_102 = arith.subf %sub3A_101, %logistic3A_82 : vector<1264x128xf32>
    %mul3A_103 = arith.mulf %sub3A_102, %tanh3A : vector<1264x128xf32>
    %mul3A_104 = arith.mulf %logistic3A_82, %get3A_33 : vector<1264x128xf32>
    %add3A_105 = arith.addf %mul3A_103, %mul3A_104 : vector<1264x128xf32>
    %swap3A = arith.constant 0 : index
    %swap3A_106 = arith.constant 0 : index
    %swap3A_107 = vector.load %arg13[%swap3A, %swap3A_106] : memref<1264x128xf32, #tpu.memory_space<vmem>>, vector<1264x128xf32>
    tpu.vector_store %arg13[%swap3A, %swap3A_106], %add3A_105 {strides = array<i32>} : memref<1264x128xf32, #tpu.memory_space<vmem>>, vector<1264x128xf32>,
    return
  }
  func.func @transform_0(%arg0: i32) -> (i32, i32, i32) {
    %c0_i32 = arith.constant 0 : i32
    %c0_i32_0 = arith.constant 0 : i32
    %c0_i32_1 = arith.constant 0 : i32
    %c0_i32_2 = arith.constant 0 : i32
    return %c0_i32, %c0_i32_0, %c0_i32_1 : i32, i32, i32
  }
  func.func @transform_1(%arg0: i32) -> (i32, i32, i32) {
    %c0_i32 = arith.constant 0 : i32
    %c0_i32_0 = arith.constant 0 : i32
    %c0_i32_1 = arith.constant 0 : i32
    %c0_i32_2 = arith.constant 0 : i32
    return %c0_i32, %c0_i32_0, %c0_i32_1 : i32, i32, i32
  }
  func.func @transform_2(%arg0: i32) -> (i32, i32) {
    %c0_i32 = arith.constant 0 : i32
    %c0_i32_0 = arith.constant 0 : i32
    %c0_i32_1 = arith.constant 0 : i32
    return %c0_i32, %c0_i32_0 : i32, i32
  }
  func.func @transform_3(%arg0: i32) -> (i32, i32) {
    %c0_i32 = arith.constant 0 : i32
    %c0_i32_0 = arith.constant 0 : i32
    %c0_i32_1 = arith.constant 0 : i32
    return %c0_i32, %c0_i32_0 : i32, i32
  }
  func.func @transform_4(%arg0: i32) -> (i32, i32) {
    %c0_i32 = arith.constant 0 : i32
    %c0_i32_0 = arith.constant 0 : i32
    %c0_i32_1 = arith.constant 0 : i32
    return %c0_i32, %c0_i32_0 : i32, i32
  }
  func.func @transform_5(%arg0: i32) -> (i32, i32) {
    %c0_i32 = arith.constant 0 : i32
    %c0_i32_0 = arith.constant 0 : i32
    %c0_i32_1 = arith.constant 0 : i32
    return %c0_i32, %c0_i32_0 : i32, i32
  }
  func.func @transform_6(%arg0: i32) -> (i32, i32) {
    %c0_i32 = arith.constant 0 : i32
    %c0_i32_0 = arith.constant 0 : i32
    %c0_i32_1 = arith.constant 0 : i32
    return %c0_i32, %c0_i32_0 : i32, i32
  }
  func.func @transform_7(%arg0: i32) -> (i32, i32) {
    %c0_i32 = arith.constant 0 : i32
    %c0_i32_0 = arith.constant 0 : i32
    %c0_i32_1 = arith.constant 0 : i32
    return %c0_i32, %c0_i32_0 : i32, i32
  }
  func.func @transform_8(%arg0: i32) -> (i32, i32) {
    %c0_i32 = arith.constant 0 : i32
    %c0_i32_0 = arith.constant 0 : i32
    %c0_i32_1 = arith.constant 0 : i32
    return %c0_i32, %c0_i32_0 : i32, i32
  }
  func.func @transform_9(%arg0: i32) -> (i32, i32) {
    %c0_i32 = arith.constant 0 : i32
    %c0_i32_0 = arith.constant 0 : i32
    %c0_i32_1 = arith.constant 0 : i32
    return %c0_i32, %c0_i32_0 : i32, i32
  }
  func.func @transform_10(%arg0: i32) -> (i32, i32) {
    %c0_i32 = arith.constant 0 : i32
    %c0_i32_0 = arith.constant 0 : i32
    %c0_i32_1 = arith.constant 0 : i32
    return %c0_i32, %c0_i32_0 : i32, i32
  }
  func.func @transform_11(%arg0: i32) -> (i32, i32) {
    %c0_i32 = arith.constant 0 : i32
    %c0_i32_0 = arith.constant 0 : i32
    %c0_i32_1 = arith.constant 0 : i32
    return %c0_i32, %c0_i32_0 : i32, i32
  }
  func.func @transform_12(%arg0: i32) -> (i32, i32) {
    %c0_i32 = arith.constant 0 : i32
    %c0_i32_0 = arith.constant 0 : i32
    %c0_i32_1 = arith.constant 0 : i32
    return %c0_i32, %c0_i32_0 : i32, i32
  }
}

module attributes {stable_mosaic.version = 14 : i64} {
  func.func @body(%arg0: i32, %arg1: memref<2x1264x128xf32, #tpu.memory_space<vmem>>, %arg2: memref<2x1264x128xf32, #tpu.memory_space<vmem>>, %arg3: memref<1264x128xf32, #tpu.memory_space<vmem>>, %arg4: memref<1x128xf32, #tpu.memory_space<vmem>>, %arg5: memref<128x128xf32, #tpu.memory_space<vmem>>, %arg6: memref<128x128xf32, #tpu.memory_space<vmem>>, %arg7: memref<128x128xf32, #tpu.memory_space<vmem>>, %arg8: memref<128x128xf32, #tpu.memory_space<vmem>>, %arg9: memref<128x128xf32, #tpu.memory_space<vmem>>, %arg10: memref<128x128xf32, #tpu.memory_space<vmem>>, %arg11: memref<1x384xf32, #tpu.memory_space<vmem>>, %arg12: memref<1x384xf32, #tpu.memory_space<vmem>>, %arg13: memref<1x128xf32, #tpu.memory_space<vmem>>, %arg14: memref<1x128xf32, #tpu.memory_space<vmem>>, %arg15: memref<128x256xf32, #tpu.memory_space<vmem>>, %arg16: memref<1x256xf32, #tpu.memory_space<vmem>>, %arg17: memref<256x256xf32, #tpu.memory_space<vmem>>, %arg18: memref<1x256xf32, #tpu.memory_space<vmem>>, %arg19: memref<1264x256xf32, #tpu.memory_space<vmem>>) attributes {dimension_semantics = [#tpu.dimension_semantics<arbitrary>], iteration_bounds = array<i64: 1>, scalar_prefetch = 0 : i64, scratch_operands = 0 : i64, tpu.core_type = #tpu.core_type<tc>, window_params = [{transform_indices = @transform_0, window_bounds = array<i64: 2, 1264, 128>}, {transform_indices = @transform_1, window_bounds = array<i64: 2, 1264, 128>}, {pipeline_mode = #tpu.pipeline_mode<synchronous>, transform_indices = @transform_2, window_bounds = array<i64: 1264, 128>}, {pipeline_mode = #tpu.pipeline_mode<synchronous>, transform_indices = @transform_3, window_bounds = array<i64: 1, 128>}, {pipeline_mode = #tpu.pipeline_mode<synchronous>, transform_indices = @transform_4, window_bounds = array<i64: 128, 128>}, {pipeline_mode = #tpu.pipeline_mode<synchronous>, transform_indices = @transform_5, window_bounds = array<i64: 128, 128>}, {pipeline_mode = #tpu.pipeline_mode<synchronous>, transform_indices = @transform_6, window_bounds = array<i64: 128, 128>}, {pipeline_mode = #tpu.pipeline_mode<synchronous>, transform_indices = @transform_7, window_bounds = array<i64: 128, 128>}, {pipeline_mode = #tpu.pipeline_mode<synchronous>, transform_indices = @transform_8, window_bounds = array<i64: 128, 128>}, {pipeline_mode = #tpu.pipeline_mode<synchronous>, transform_indices = @transform_9, window_bounds = array<i64: 128, 128>}, {pipeline_mode = #tpu.pipeline_mode<synchronous>, transform_indices = @transform_10, window_bounds = array<i64: 1, 384>}, {pipeline_mode = #tpu.pipeline_mode<synchronous>, transform_indices = @transform_11, window_bounds = array<i64: 1, 384>}, {pipeline_mode = #tpu.pipeline_mode<synchronous>, transform_indices = @transform_12, window_bounds = array<i64: 1, 128>}, {pipeline_mode = #tpu.pipeline_mode<synchronous>, transform_indices = @transform_13, window_bounds = array<i64: 1, 128>}, {pipeline_mode = #tpu.pipeline_mode<synchronous>, transform_indices = @transform_14, window_bounds = array<i64: 128, 256>}, {pipeline_mode = #tpu.pipeline_mode<synchronous>, transform_indices = @transform_15, window_bounds = array<i64: 1, 256>}, {pipeline_mode = #tpu.pipeline_mode<synchronous>, transform_indices = @transform_16, window_bounds = array<i64: 256, 256>}, {pipeline_mode = #tpu.pipeline_mode<synchronous>, transform_indices = @transform_17, window_bounds = array<i64: 1, 256>}, {pipeline_mode = #tpu.pipeline_mode<synchronous>, transform_indices = @transform_18, window_bounds = array<i64: 1264, 256>}]} {
    %get3A = arith.constant 0 : index
    %get3A_0 = arith.constant 0 : index
    %get3A_1 = arith.constant 0 : index
    %get3A_2 = vector.load %arg1[%get3A, %get3A_0, %get3A_1] : memref<2x1264x128xf32, #tpu.memory_space<vmem>>, vector<1x1264x128xf32>
    %get3A_3 = vector.shape_cast %get3A_2 : vector<1x1264x128xf32> to vector<1264x128xf32>
    %get3A_4 = arith.constant 1 : index
    %get3A_5 = arith.constant 0 : index
    %get3A_6 = arith.constant 0 : index
    %get3A_7 = vector.load %arg1[%get3A_4, %get3A_5, %get3A_6] : memref<2x1264x128xf32, #tpu.memory_space<vmem>>, vector<1x1264x128xf32>
    %get3A_8 = vector.shape_cast %get3A_7 : vector<1x1264x128xf32> to vector<1264x128xf32>
    %add3A = arith.addf %get3A_3, %get3A_8 : vector<1264x128xf32>
    %get3A_9 = arith.constant 0 : index
    %get3A_10 = arith.constant 0 : index
    %get3A_11 = arith.constant 0 : index
    %get3A_12 = vector.load %arg2[%get3A_9, %get3A_10, %get3A_11] : memref<2x1264x128xf32, #tpu.memory_space<vmem>>, vector<1x1264x128xf32>
    %get3A_13 = vector.shape_cast %get3A_12 : vector<1x1264x128xf32> to vector<1264x128xf32>
    %get3A_14 = arith.constant 1 : index
    %get3A_15 = arith.constant 0 : index
    %get3A_16 = arith.constant 0 : index
    %get3A_17 = vector.load %arg2[%get3A_14, %get3A_15, %get3A_16] : memref<2x1264x128xf32, #tpu.memory_space<vmem>>, vector<1x1264x128xf32>
    %get3A_18 = vector.shape_cast %get3A_17 : vector<1x1264x128xf32> to vector<1264x128xf32>
    %add3A_19 = arith.addf %get3A_13, %get3A_18 : vector<1264x128xf32>
    %max3A = arith.constant 1.000000e+00 : f32
    %max3A_20 = vector.broadcast %max3A : f32 to vector<1264x128xf32>
    %max3A_21 = arith.maximumf %add3A_19, %max3A_20 : vector<1264x128xf32>
    %div3A = arith.divf %add3A, %max3A_21 : vector<1264x128xf32>
    %get3A_22 = arith.constant 0 : index
    %get3A_23 = arith.constant 0 : index
    %get3A_24 = vector.load %arg4[%get3A_22, %get3A_23] : memref<1x128xf32, #tpu.memory_space<vmem>>, vector<1x128xf32>
    %add3A_25 = vector.broadcast %get3A_24 : vector<1x128xf32> to vector<1264x128xf32>
    %add3A_26 = arith.addf %div3A, %add3A_25 : vector<1264x128xf32>
    %ge3A = arith.constant 0.000000e+00 : f32
    %ge3A_27 = vector.broadcast %ge3A : f32 to vector<1264x128xf32>
    %ge3A_28 = arith.cmpf oge, %add3A_26, %ge3A_27 : vector<1264x128xf32>
    %mul3A = arith.constant 0.229166672 : f32
    %mul3A_29 = vector.broadcast %mul3A : f32 to vector<1264x128xf32>
    %mul3A_30 = arith.mulf %mul3A_29, %add3A_26 : vector<1264x128xf32>
    %select_n3A = arith.select %ge3A_28, %add3A_26, %mul3A_30 : vector<1264x128xi1>, vector<1264x128xf32>
    %get3A_31 = arith.constant 0 : index
    %get3A_32 = arith.constant 0 : index
    %get3A_33 = vector.load %arg3[%get3A_31, %get3A_32] : memref<1264x128xf32, #tpu.memory_space<vmem>>, vector<1264x128xf32>
    %get3A_34 = arith.constant 0 : index
    %get3A_35 = arith.constant 0 : index
    %get3A_36 = vector.load %arg11[%get3A_34, %get3A_35] : memref<1x384xf32, #tpu.memory_space<vmem>>, vector<1x384xf32>
    %get3A_37 = arith.constant 0 : index
    %get3A_38 = arith.constant 0 : index
    %get3A_39 = vector.load %arg12[%get3A_37, %get3A_38] : memref<1x384xf32, #tpu.memory_space<vmem>>, vector<1x384xf32>
    %get3A_40 = arith.constant 0 : index
    %get3A_41 = arith.constant 0 : index
    %get3A_42 = vector.load %arg5[%get3A_40, %get3A_41] : memref<128x128xf32, #tpu.memory_space<vmem>>, vector<128x128xf32>
    %dot_general3A = arith.constant dense<0.000000e+00> : vector<1264x128xf32>
    %dot_general3A_43 = tpu.matmul %select_n3A, %get3A_42, %dot_general3A {dimension_numbers = #tpu.dot_dimension_numbers<[1], [0], [0], [1], [0, 0, 1, 1], [], []>, transpose_lhs_hint = false} : vector<1264x128xf32>, vector<128x128xf32>, vector<1264x128xf32> -> vector<1264x128xf32>
    %slice3A = vector.extract_strided_slice %get3A_36 {offsets = [0, 0], sizes = [1, 128], strides = [1, 1]} : vector<1x384xf32> to vector<1x128xf32>
    %add3A_44 = vector.broadcast %slice3A : vector<1x128xf32> to vector<1264x128xf32>
    %add3A_45 = arith.addf %dot_general3A_43, %add3A_44 : vector<1264x128xf32>
    %get3A_46 = arith.constant 0 : index
    %get3A_47 = arith.constant 0 : index
    %get3A_48 = vector.load %arg8[%get3A_46, %get3A_47] : memref<128x128xf32, #tpu.memory_space<vmem>>, vector<128x128xf32>
    %dot_general3A_49 = arith.constant dense<0.000000e+00> : vector<1264x128xf32>
    %dot_general3A_50 = tpu.matmul %get3A_33, %get3A_48, %dot_general3A_49 {dimension_numbers = #tpu.dot_dimension_numbers<[1], [0], [0], [1], [0, 0, 1, 1], [], []>, transpose_lhs_hint = false} : vector<1264x128xf32>, vector<128x128xf32>, vector<1264x128xf32> -> vector<1264x128xf32>
    %add3A_51 = arith.addf %add3A_45, %dot_general3A_50 : vector<1264x128xf32>
    %slice3A_52 = vector.extract_strided_slice %get3A_39 {offsets = [0, 0], sizes = [1, 128], strides = [1, 1]} : vector<1x384xf32> to vector<1x128xf32>
    %add3A_53 = vector.broadcast %slice3A_52 : vector<1x128xf32> to vector<1264x128xf32>
    %add3A_54 = arith.addf %add3A_51, %add3A_53 : vector<1264x128xf32>
    %logistic3A = arith.negf %add3A_54 : vector<1264x128xf32>
    %logistic3A_55 = math.exp %logistic3A : vector<1264x128xf32>
    %logistic3A_56 = arith.constant 1.000000e+00 : f32
    %logistic3A_57 = vector.broadcast %logistic3A_56 : f32 to vector<1264x128xf32>
    %logistic3A_58 = arith.addf %logistic3A_57, %logistic3A_55 : vector<1264x128xf32>
    %logistic3A_59 = arith.divf %logistic3A_57, %logistic3A_58 : vector<1264x128xf32>
    %get3A_60 = arith.constant 0 : index
    %get3A_61 = arith.constant 0 : index
    %get3A_62 = vector.load %arg6[%get3A_60, %get3A_61] : memref<128x128xf32, #tpu.memory_space<vmem>>, vector<128x128xf32>
    %dot_general3A_63 = arith.constant dense<0.000000e+00> : vector<1264x128xf32>
    %dot_general3A_64 = tpu.matmul %select_n3A, %get3A_62, %dot_general3A_63 {dimension_numbers = #tpu.dot_dimension_numbers<[1], [0], [0], [1], [0, 0, 1, 1], [], []>, transpose_lhs_hint = false} : vector<1264x128xf32>, vector<128x128xf32>, vector<1264x128xf32> -> vector<1264x128xf32>
    %slice3A_65 = vector.extract_strided_slice %get3A_36 {offsets = [0, 128], sizes = [1, 128], strides = [1, 1]} : vector<1x384xf32> to vector<1x128xf32>
    %add3A_66 = vector.broadcast %slice3A_65 : vector<1x128xf32> to vector<1264x128xf32>
    %add3A_67 = arith.addf %dot_general3A_64, %add3A_66 : vector<1264x128xf32>
    %get3A_68 = arith.constant 0 : index
    %get3A_69 = arith.constant 0 : index
    %get3A_70 = vector.load %arg9[%get3A_68, %get3A_69] : memref<128x128xf32, #tpu.memory_space<vmem>>, vector<128x128xf32>
    %dot_general3A_71 = arith.constant dense<0.000000e+00> : vector<1264x128xf32>
    %dot_general3A_72 = tpu.matmul %get3A_33, %get3A_70, %dot_general3A_71 {dimension_numbers = #tpu.dot_dimension_numbers<[1], [0], [0], [1], [0, 0, 1, 1], [], []>, transpose_lhs_hint = false} : vector<1264x128xf32>, vector<128x128xf32>, vector<1264x128xf32> -> vector<1264x128xf32>
    %add3A_73 = arith.addf %add3A_67, %dot_general3A_72 : vector<1264x128xf32>
    %slice3A_74 = vector.extract_strided_slice %get3A_39 {offsets = [0, 128], sizes = [1, 128], strides = [1, 1]} : vector<1x384xf32> to vector<1x128xf32>
    %add3A_75 = vector.broadcast %slice3A_74 : vector<1x128xf32> to vector<1264x128xf32>
    %add3A_76 = arith.addf %add3A_73, %add3A_75 : vector<1264x128xf32>
    %logistic3A_77 = arith.negf %add3A_76 : vector<1264x128xf32>
    %logistic3A_78 = math.exp %logistic3A_77 : vector<1264x128xf32>
    %logistic3A_79 = arith.constant 1.000000e+00 : f32
    %logistic3A_80 = vector.broadcast %logistic3A_79 : f32 to vector<1264x128xf32>
    %logistic3A_81 = arith.addf %logistic3A_80, %logistic3A_78 : vector<1264x128xf32>
    %logistic3A_82 = arith.divf %logistic3A_80, %logistic3A_81 : vector<1264x128xf32>
    %get3A_83 = arith.constant 0 : index
    %get3A_84 = arith.constant 0 : index
    %get3A_85 = vector.load %arg7[%get3A_83, %get3A_84] : memref<128x128xf32, #tpu.memory_space<vmem>>, vector<128x128xf32>
    %dot_general3A_86 = arith.constant dense<0.000000e+00> : vector<1264x128xf32>
    %dot_general3A_87 = tpu.matmul %select_n3A, %get3A_85, %dot_general3A_86 {dimension_numbers = #tpu.dot_dimension_numbers<[1], [0], [0], [1], [0, 0, 1, 1], [], []>, transpose_lhs_hint = false} : vector<1264x128xf32>, vector<128x128xf32>, vector<1264x128xf32> -> vector<1264x128xf32>
    %slice3A_88 = vector.extract_strided_slice %get3A_36 {offsets = [0, 256], sizes = [1, 128], strides = [1, 1]} : vector<1x384xf32> to vector<1x128xf32>
    %add3A_89 = vector.broadcast %slice3A_88 : vector<1x128xf32> to vector<1264x128xf32>
    %add3A_90 = arith.addf %dot_general3A_87, %add3A_89 : vector<1264x128xf32>
    %get3A_91 = arith.constant 0 : index
    %get3A_92 = arith.constant 0 : index
    %get3A_93 = vector.load %arg10[%get3A_91, %get3A_92] : memref<128x128xf32, #tpu.memory_space<vmem>>, vector<128x128xf32>
    %dot_general3A_94 = arith.constant dense<0.000000e+00> : vector<1264x128xf32>
    %dot_general3A_95 = tpu.matmul %get3A_33, %get3A_93, %dot_general3A_94 {dimension_numbers = #tpu.dot_dimension_numbers<[1], [0], [0], [1], [0, 0, 1, 1], [], []>, transpose_lhs_hint = false} : vector<1264x128xf32>, vector<128x128xf32>, vector<1264x128xf32> -> vector<1264x128xf32>
    %slice3A_96 = vector.extract_strided_slice %get3A_39 {offsets = [0, 256], sizes = [1, 128], strides = [1, 1]} : vector<1x384xf32> to vector<1x128xf32>
    %add3A_97 = vector.broadcast %slice3A_96 : vector<1x128xf32> to vector<1264x128xf32>
    %add3A_98 = arith.addf %dot_general3A_95, %add3A_97 : vector<1264x128xf32>
    %mul3A_99 = arith.mulf %logistic3A_59, %add3A_98 : vector<1264x128xf32>
    %add3A_100 = arith.addf %add3A_90, %mul3A_99 : vector<1264x128xf32>
    %tanh3A = math.tanh %add3A_100 : vector<1264x128xf32>
    %sub3A = arith.constant 1.000000e+00 : f32
    %sub3A_101 = vector.broadcast %sub3A : f32 to vector<1264x128xf32>
    %sub3A_102 = arith.subf %sub3A_101, %logistic3A_82 : vector<1264x128xf32>
    %mul3A_103 = arith.mulf %sub3A_102, %tanh3A : vector<1264x128xf32>
    %mul3A_104 = arith.mulf %logistic3A_82, %get3A_33 : vector<1264x128xf32>
    %add3A_105 = arith.addf %mul3A_103, %mul3A_104 : vector<1264x128xf32>
    %get3A_106 = arith.constant 0 : index
    %get3A_107 = arith.constant 0 : index
    %get3A_108 = vector.load %arg13[%get3A_106, %get3A_107] : memref<1x128xf32, #tpu.memory_space<vmem>>, vector<1x128xf32>
    %sqrt3A = arith.constant 1.000010e+00 : f32
    %sqrt3A_109 = math.sqrt %sqrt3A : f32
    %div3A_110 = arith.constant 1.000000e+00 : f32
    %div3A_111 = arith.divf %div3A_110, %sqrt3A_109 : f32
    %mul3A_112 = vector.broadcast %div3A_111 : f32 to vector<1x128xf32>
    %mul3A_113 = arith.mulf %get3A_108, %mul3A_112 : vector<1x128xf32>
    %mul3A_114 = vector.broadcast %mul3A_113 : vector<1x128xf32> to vector<1264x128xf32>
    %mul3A_115 = arith.mulf %add3A_105, %mul3A_114 : vector<1264x128xf32>
    %get3A_116 = arith.constant 0 : index
    %get3A_117 = arith.constant 0 : index
    %get3A_118 = vector.load %arg14[%get3A_116, %get3A_117] : memref<1x128xf32, #tpu.memory_space<vmem>>, vector<1x128xf32>
    %add3A_119 = vector.broadcast %get3A_118 : vector<1x128xf32> to vector<1264x128xf32>
    %add3A_120 = arith.addf %mul3A_115, %add3A_119 : vector<1264x128xf32>
    %get3A_121 = arith.constant 0 : index
    %get3A_122 = arith.constant 0 : index
    %get3A_123 = vector.load %arg15[%get3A_121, %get3A_122] : memref<128x256xf32, #tpu.memory_space<vmem>>, vector<128x256xf32>
    %dot_general3A_124 = arith.constant dense<0.000000e+00> : vector<1264x256xf32>
    %dot_general3A_125 = tpu.matmul %add3A_120, %get3A_123, %dot_general3A_124 {dimension_numbers = #tpu.dot_dimension_numbers<[1], [0], [0], [1], [0, 0, 1, 1], [], []>, transpose_lhs_hint = false} : vector<1264x128xf32>, vector<128x256xf32>, vector<1264x256xf32> -> vector<1264x256xf32>
    %get3A_126 = arith.constant 0 : index
    %get3A_127 = arith.constant 0 : index
    %get3A_128 = vector.load %arg16[%get3A_126, %get3A_127] : memref<1x256xf32, #tpu.memory_space<vmem>>, vector<1x256xf32>
    %add3A_129 = vector.broadcast %get3A_128 : vector<1x256xf32> to vector<1264x256xf32>
    %add3A_130 = arith.addf %dot_general3A_125, %add3A_129 : vector<1264x256xf32>
    %ge3A_131 = arith.constant 0.000000e+00 : f32
    %ge3A_132 = vector.broadcast %ge3A_131 : f32 to vector<1264x256xf32>
    %ge3A_133 = arith.cmpf oge, %add3A_130, %ge3A_132 : vector<1264x256xf32>
    %mul3A_134 = arith.constant 0.229166672 : f32
    %mul3A_135 = vector.broadcast %mul3A_134 : f32 to vector<1264x256xf32>
    %mul3A_136 = arith.mulf %mul3A_135, %add3A_130 : vector<1264x256xf32>
    %select_n3A_137 = arith.select %ge3A_133, %add3A_130, %mul3A_136 : vector<1264x256xi1>, vector<1264x256xf32>
    %get3A_138 = arith.constant 0 : index
    %get3A_139 = arith.constant 0 : index
    %get3A_140 = vector.load %arg17[%get3A_138, %get3A_139] : memref<256x256xf32, #tpu.memory_space<vmem>>, vector<256x256xf32>
    %dot_general3A_141 = arith.constant dense<0.000000e+00> : vector<1264x256xf32>
    %dot_general3A_142 = tpu.matmul %select_n3A_137, %get3A_140, %dot_general3A_141 {dimension_numbers = #tpu.dot_dimension_numbers<[1], [0], [0], [1], [0, 0, 1, 1], [], []>, transpose_lhs_hint = false} : vector<1264x256xf32>, vector<256x256xf32>, vector<1264x256xf32> -> vector<1264x256xf32>
    %get3A_143 = arith.constant 0 : index
    %get3A_144 = arith.constant 0 : index
    %get3A_145 = vector.load %arg18[%get3A_143, %get3A_144] : memref<1x256xf32, #tpu.memory_space<vmem>>, vector<1x256xf32>
    %add3A_146 = vector.broadcast %get3A_145 : vector<1x256xf32> to vector<1264x256xf32>
    %add3A_147 = arith.addf %dot_general3A_142, %add3A_146 : vector<1264x256xf32>
    %ge3A_148 = arith.constant 0.000000e+00 : f32
    %ge3A_149 = vector.broadcast %ge3A_148 : f32 to vector<1264x256xf32>
    %ge3A_150 = arith.cmpf oge, %add3A_147, %ge3A_149 : vector<1264x256xf32>
    %mul3A_151 = arith.constant 0.229166672 : f32
    %mul3A_152 = vector.broadcast %mul3A_151 : f32 to vector<1264x256xf32>
    %mul3A_153 = arith.mulf %mul3A_152, %add3A_147 : vector<1264x256xf32>
    %select_n3A_154 = arith.select %ge3A_150, %add3A_147, %mul3A_153 : vector<1264x256xi1>, vector<1264x256xf32>
    %swap3A = arith.constant 0 : index
    %swap3A_155 = arith.constant 0 : index
    %swap3A_156 = vector.load %arg19[%swap3A, %swap3A_155] : memref<1264x256xf32, #tpu.memory_space<vmem>>, vector<1264x256xf32>
    tpu.vector_store %arg19[%swap3A, %swap3A_155], %select_n3A_154 {strides = array<i32>} : memref<1264x256xf32, #tpu.memory_space<vmem>>, vector<1264x256xf32>,
    return
  }
  func.func @transform_0(%arg0: i32) -> (i32, i32, i32) {
    %c0_i32 = arith.constant 0 : i32
    %c0_i32_0 = arith.constant 0 : i32
    %c0_i32_1 = arith.constant 0 : i32
    %c0_i32_2 = arith.constant 0 : i32
    return %c0_i32, %c0_i32_0, %c0_i32_1 : i32, i32, i32
  }
  func.func @transform_1(%arg0: i32) -> (i32, i32, i32) {
    %c0_i32 = arith.constant 0 : i32
    %c0_i32_0 = arith.constant 0 : i32
    %c0_i32_1 = arith.constant 0 : i32
    %c0_i32_2 = arith.constant 0 : i32
    return %c0_i32, %c0_i32_0, %c0_i32_1 : i32, i32, i32
  }
  func.func @transform_2(%arg0: i32) -> (i32, i32) {
    %c0_i32 = arith.constant 0 : i32
    %c0_i32_0 = arith.constant 0 : i32
    %c0_i32_1 = arith.constant 0 : i32
    return %c0_i32, %c0_i32_0 : i32, i32
  }
  func.func @transform_3(%arg0: i32) -> (i32, i32) {
    %c0_i32 = arith.constant 0 : i32
    %c0_i32_0 = arith.constant 0 : i32
    %c0_i32_1 = arith.constant 0 : i32
    return %c0_i32, %c0_i32_0 : i32, i32
  }
  func.func @transform_4(%arg0: i32) -> (i32, i32) {
    %c0_i32 = arith.constant 0 : i32
    %c0_i32_0 = arith.constant 0 : i32
    %c0_i32_1 = arith.constant 0 : i32
    return %c0_i32, %c0_i32_0 : i32, i32
  }
  func.func @transform_5(%arg0: i32) -> (i32, i32) {
    %c0_i32 = arith.constant 0 : i32
    %c0_i32_0 = arith.constant 0 : i32
    %c0_i32_1 = arith.constant 0 : i32
    return %c0_i32, %c0_i32_0 : i32, i32
  }
  func.func @transform_6(%arg0: i32) -> (i32, i32) {
    %c0_i32 = arith.constant 0 : i32
    %c0_i32_0 = arith.constant 0 : i32
    %c0_i32_1 = arith.constant 0 : i32
    return %c0_i32, %c0_i32_0 : i32, i32
  }
  func.func @transform_7(%arg0: i32) -> (i32, i32) {
    %c0_i32 = arith.constant 0 : i32
    %c0_i32_0 = arith.constant 0 : i32
    %c0_i32_1 = arith.constant 0 : i32
    return %c0_i32, %c0_i32_0 : i32, i32
  }
  func.func @transform_8(%arg0: i32) -> (i32, i32) {
    %c0_i32 = arith.constant 0 : i32
    %c0_i32_0 = arith.constant 0 : i32
    %c0_i32_1 = arith.constant 0 : i32
    return %c0_i32, %c0_i32_0 : i32, i32
  }
  func.func @transform_9(%arg0: i32) -> (i32, i32) {
    %c0_i32 = arith.constant 0 : i32
    %c0_i32_0 = arith.constant 0 : i32
    %c0_i32_1 = arith.constant 0 : i32
    return %c0_i32, %c0_i32_0 : i32, i32
  }
  func.func @transform_10(%arg0: i32) -> (i32, i32) {
    %c0_i32 = arith.constant 0 : i32
    %c0_i32_0 = arith.constant 0 : i32
    %c0_i32_1 = arith.constant 0 : i32
    return %c0_i32, %c0_i32_0 : i32, i32
  }
  func.func @transform_11(%arg0: i32) -> (i32, i32) {
    %c0_i32 = arith.constant 0 : i32
    %c0_i32_0 = arith.constant 0 : i32
    %c0_i32_1 = arith.constant 0 : i32
    return %c0_i32, %c0_i32_0 : i32, i32
  }
  func.func @transform_12(%arg0: i32) -> (i32, i32) {
    %c0_i32 = arith.constant 0 : i32
    %c0_i32_0 = arith.constant 0 : i32
    %c0_i32_1 = arith.constant 0 : i32
    return %c0_i32, %c0_i32_0 : i32, i32
  }
  func.func @transform_13(%arg0: i32) -> (i32, i32) {
    %c0_i32 = arith.constant 0 : i32
    %c0_i32_0 = arith.constant 0 : i32
    %c0_i32_1 = arith.constant 0 : i32
    return %c0_i32, %c0_i32_0 : i32, i32
  }
  func.func @transform_14(%arg0: i32) -> (i32, i32) {
    %c0_i32 = arith.constant 0 : i32
    %c0_i32_0 = arith.constant 0 : i32
    %c0_i32_1 = arith.constant 0 : i32
    return %c0_i32, %c0_i32_0 : i32, i32
  }
  func.func @transform_15(%arg0: i32) -> (i32, i32) {
    %c0_i32 = arith.constant 0 : i32
    %c0_i32_0 = arith.constant 0 : i32
    %c0_i32_1 = arith.constant 0 : i32
    return %c0_i32, %c0_i32_0 : i32, i32
  }
  func.func @transform_16(%arg0: i32) -> (i32, i32) {
    %c0_i32 = arith.constant 0 : i32
    %c0_i32_0 = arith.constant 0 : i32
    %c0_i32_1 = arith.constant 0 : i32
    return %c0_i32, %c0_i32_0 : i32, i32
  }
  func.func @transform_17(%arg0: i32) -> (i32, i32) {
    %c0_i32 = arith.constant 0 : i32
    %c0_i32_0 = arith.constant 0 : i32
    %c0_i32_1 = arith.constant 0 : i32
    return %c0_i32, %c0_i32_0 : i32, i32
  }
  func.func @transform_18(%arg0: i32) -> (i32, i32) {
    %c0_i32 = arith.constant 0 : i32
    %c0_i32_0 = arith.constant 0 : i32
    %c0_i32_1 = arith.constant 0 : i32
    return %c0_i32, %c0_i32_0 : i32, i32
  }
}

module attributes {stable_mosaic.version = 14 : i64} {
  func.func @body(%arg0: i32, %arg1: memref<5120x128xf32, #tpu.memory_space<vmem>>, %arg2: memref<5120x32xf32, #tpu.memory_space<vmem>>, %arg3: memref<32x1024xbf16, #tpu.memory_space<vmem>>, %arg4: memref<128x1024xbf16, #tpu.memory_space<vmem>>, %arg5: memref<1024x128xbf16, #tpu.memory_space<vmem>>, %arg6: memref<5120x128xf32, #tpu.memory_space<vmem>>) attributes {dimension_semantics = [#tpu.dimension_semantics<arbitrary>], iteration_bounds = array<i64: 2>, scalar_prefetch = 0 : i64, scratch_operands = 0 : i64, tpu.core_type = #tpu.core_type<tc>, window_params = [{transform_indices = @transform_0, window_bounds = array<i64: 5120, 128>}, {transform_indices = @transform_1, window_bounds = array<i64: 5120, 32>}, {pipeline_mode = #tpu.pipeline_mode<synchronous>, transform_indices = @transform_2, window_bounds = array<i64: 32, 1024>}, {pipeline_mode = #tpu.pipeline_mode<synchronous>, transform_indices = @transform_3, window_bounds = array<i64: 128, 1024>}, {pipeline_mode = #tpu.pipeline_mode<synchronous>, transform_indices = @transform_4, window_bounds = array<i64: 1024, 128>}, {transform_indices = @transform_5, window_bounds = array<i64: 5120, 128>}]} {
    %get3A = arith.constant 0 : index
    %get3A_0 = arith.constant 0 : index
    %get3A_1 = vector.load %arg2[%get3A, %get3A_0] : memref<5120x32xf32, #tpu.memory_space<vmem>>, vector<5120x32xf32>
    %convert_element_type3A = arith.truncf %get3A_1 : vector<5120x32xf32> to vector<5120x32xbf16>
    %get3A_2 = arith.constant 0 : index
    %get3A_3 = arith.constant 0 : index
    %get3A_4 = vector.load %arg3[%get3A_2, %get3A_3] : memref<32x1024xbf16, #tpu.memory_space<vmem>>, vector<32x1024xbf16>
    %dot_general3A = arith.constant dense<0.000000e+00> : vector<5120x1024xf32>
    %dot_general3A_5 = tpu.matmul %convert_element_type3A, %get3A_4, %dot_general3A {dimension_numbers = #tpu.dot_dimension_numbers<[1], [0], [0], [1], [0, 0, 1, 1], [], []>, transpose_lhs_hint = false} : vector<5120x32xbf16>, vector<32x1024xbf16>, vector<5120x1024xf32> -> vector<5120x1024xf32>
    %get3A_6 = arith.constant 0 : index
    %get3A_7 = arith.constant 0 : index
    %get3A_8 = vector.load %arg1[%get3A_6, %get3A_7] : memref<5120x128xf32, #tpu.memory_space<vmem>>, vector<5120x128xf32>
    %convert_element_type3A_9 = arith.truncf %get3A_8 : vector<5120x128xf32> to vector<5120x128xbf16>
    %get3A_10 = arith.constant 0 : index
    %get3A_11 = arith.constant 0 : index
    %get3A_12 = vector.load %arg4[%get3A_10, %get3A_11] : memref<128x1024xbf16, #tpu.memory_space<vmem>>, vector<128x1024xbf16>
    %dot_general3A_13 = arith.constant dense<0.000000e+00> : vector<5120x1024xf32>
    %dot_general3A_14 = tpu.matmul %convert_element_type3A_9, %get3A_12, %dot_general3A_13 {dimension_numbers = #tpu.dot_dimension_numbers<[1], [0], [0], [1], [0, 0, 1, 1], [], []>, transpose_lhs_hint = false} : vector<5120x128xbf16>, vector<128x1024xbf16>, vector<5120x1024xf32> -> vector<5120x1024xf32>
    %mul3A = arith.mulf %dot_general3A_5, %dot_general3A_14 : vector<5120x1024xf32>
    %convert_element_type3A_15 = arith.truncf %mul3A : vector<5120x1024xf32> to vector<5120x1024xbf16>
    %get3A_16 = arith.constant 0 : index
    %get3A_17 = arith.constant 0 : index
    %get3A_18 = vector.load %arg5[%get3A_16, %get3A_17] : memref<1024x128xbf16, #tpu.memory_space<vmem>>, vector<1024x128xbf16>
    %dot_general3A_19 = arith.constant dense<0.000000e+00> : vector<5120x128xf32>
    %dot_general3A_20 = tpu.matmul %convert_element_type3A_15, %get3A_18, %dot_general3A_19 {dimension_numbers = #tpu.dot_dimension_numbers<[1], [0], [0], [1], [0, 0, 1, 1], [], []>, transpose_lhs_hint = false} : vector<5120x1024xbf16>, vector<1024x128xbf16>, vector<5120x128xf32> -> vector<5120x128xf32>
    %swap3A = arith.constant 0 : index
    %swap3A_21 = arith.constant 0 : index
    %swap3A_22 = vector.load %arg6[%swap3A, %swap3A_21] : memref<5120x128xf32, #tpu.memory_space<vmem>>, vector<5120x128xf32>
    tpu.vector_store %arg6[%swap3A, %swap3A_21], %dot_general3A_20 {strides = array<i32>} : memref<5120x128xf32, #tpu.memory_space<vmem>>, vector<5120x128xf32>,
    return
  }
  func.func @transform_0(%arg0: i32) -> (i32, i32) {
    %c0_i32 = arith.constant 0 : i32
    %c0_i32_0 = arith.constant 0 : i32
    return %arg0, %c0_i32 : i32, i32
  }
  func.func @transform_1(%arg0: i32) -> (i32, i32) {
    %c0_i32 = arith.constant 0 : i32
    %c0_i32_0 = arith.constant 0 : i32
    return %arg0, %c0_i32 : i32, i32
  }
  func.func @transform_2(%arg0: i32) -> (i32, i32) {
    %c0_i32 = arith.constant 0 : i32
    %c0_i32_0 = arith.constant 0 : i32
    %c0_i32_1 = arith.constant 0 : i32
    return %c0_i32, %c0_i32_0 : i32, i32
  }
  func.func @transform_3(%arg0: i32) -> (i32, i32) {
    %c0_i32 = arith.constant 0 : i32
    %c0_i32_0 = arith.constant 0 : i32
    %c0_i32_1 = arith.constant 0 : i32
    return %c0_i32, %c0_i32_0 : i32, i32
  }
  func.func @transform_4(%arg0: i32) -> (i32, i32) {
    %c0_i32 = arith.constant 0 : i32
    %c0_i32_0 = arith.constant 0 : i32
    %c0_i32_1 = arith.constant 0 : i32
    return %c0_i32, %c0_i32_0 : i32, i32
  }
  func.func @transform_5(%arg0: i32) -> (i32, i32) {
    %c0_i32 = arith.constant 0 : i32
    %c0_i32_0 = arith.constant 0 : i32
    return %arg0, %c0_i32 : i32, i32
  }
}

module attributes {stable_mosaic.version = 14 : i64} {
  func.func @body(%arg0: i32, %arg1: memref<2x2528x128xf32, #tpu.memory_space<vmem>>, %arg2: memref<2x2528x128xf32, #tpu.memory_space<vmem>>, %arg3: memref<2528x128xf32, #tpu.memory_space<vmem>>, %arg4: memref<1x128xf32, #tpu.memory_space<vmem>>, %arg5: memref<128x128xf32, #tpu.memory_space<vmem>>, %arg6: memref<128x128xf32, #tpu.memory_space<vmem>>, %arg7: memref<128x128xf32, #tpu.memory_space<vmem>>, %arg8: memref<128x128xf32, #tpu.memory_space<vmem>>, %arg9: memref<128x128xf32, #tpu.memory_space<vmem>>, %arg10: memref<128x128xf32, #tpu.memory_space<vmem>>, %arg11: memref<1x384xf32, #tpu.memory_space<vmem>>, %arg12: memref<1x384xf32, #tpu.memory_space<vmem>>, %arg13: memref<2528x128xf32, #tpu.memory_space<vmem>>) attributes {dimension_semantics = [#tpu.dimension_semantics<arbitrary>], iteration_bounds = array<i64: 1>, scalar_prefetch = 0 : i64, scratch_operands = 0 : i64, tpu.core_type = #tpu.core_type<tc>, window_params = [{transform_indices = @transform_0, window_bounds = array<i64: 2, 2528, 128>}, {transform_indices = @transform_1, window_bounds = array<i64: 2, 2528, 128>}, {pipeline_mode = #tpu.pipeline_mode<synchronous>, transform_indices = @transform_2, window_bounds = array<i64: 2528, 128>}, {pipeline_mode = #tpu.pipeline_mode<synchronous>, transform_indices = @transform_3, window_bounds = array<i64: 1, 128>}, {pipeline_mode = #tpu.pipeline_mode<synchronous>, transform_indices = @transform_4, window_bounds = array<i64: 128, 128>}, {pipeline_mode = #tpu.pipeline_mode<synchronous>, transform_indices = @transform_5, window_bounds = array<i64: 128, 128>}, {pipeline_mode = #tpu.pipeline_mode<synchronous>, transform_indices = @transform_6, window_bounds = array<i64: 128, 128>}, {pipeline_mode = #tpu.pipeline_mode<synchronous>, transform_indices = @transform_7, window_bounds = array<i64: 128, 128>}, {pipeline_mode = #tpu.pipeline_mode<synchronous>, transform_indices = @transform_8, window_bounds = array<i64: 128, 128>}, {pipeline_mode = #tpu.pipeline_mode<synchronous>, transform_indices = @transform_9, window_bounds = array<i64: 128, 128>}, {pipeline_mode = #tpu.pipeline_mode<synchronous>, transform_indices = @transform_10, window_bounds = array<i64: 1, 384>}, {pipeline_mode = #tpu.pipeline_mode<synchronous>, transform_indices = @transform_11, window_bounds = array<i64: 1, 384>}, {pipeline_mode = #tpu.pipeline_mode<synchronous>, transform_indices = @transform_12, window_bounds = array<i64: 2528, 128>}]} {
    %get3A = arith.constant 0 : index
    %get3A_0 = arith.constant 0 : index
    %get3A_1 = arith.constant 0 : index
    %get3A_2 = vector.load %arg1[%get3A, %get3A_0, %get3A_1] : memref<2x2528x128xf32, #tpu.memory_space<vmem>>, vector<1x2528x128xf32>
    %get3A_3 = vector.shape_cast %get3A_2 : vector<1x2528x128xf32> to vector<2528x128xf32>
    %get3A_4 = arith.constant 1 : index
    %get3A_5 = arith.constant 0 : index
    %get3A_6 = arith.constant 0 : index
    %get3A_7 = vector.load %arg1[%get3A_4, %get3A_5, %get3A_6] : memref<2x2528x128xf32, #tpu.memory_space<vmem>>, vector<1x2528x128xf32>
    %get3A_8 = vector.shape_cast %get3A_7 : vector<1x2528x128xf32> to vector<2528x128xf32>
    %add3A = arith.addf %get3A_3, %get3A_8 : vector<2528x128xf32>
    %get3A_9 = arith.constant 0 : index
    %get3A_10 = arith.constant 0 : index
    %get3A_11 = arith.constant 0 : index
    %get3A_12 = vector.load %arg2[%get3A_9, %get3A_10, %get3A_11] : memref<2x2528x128xf32, #tpu.memory_space<vmem>>, vector<1x2528x128xf32>
    %get3A_13 = vector.shape_cast %get3A_12 : vector<1x2528x128xf32> to vector<2528x128xf32>
    %get3A_14 = arith.constant 1 : index
    %get3A_15 = arith.constant 0 : index
    %get3A_16 = arith.constant 0 : index
    %get3A_17 = vector.load %arg2[%get3A_14, %get3A_15, %get3A_16] : memref<2x2528x128xf32, #tpu.memory_space<vmem>>, vector<1x2528x128xf32>
    %get3A_18 = vector.shape_cast %get3A_17 : vector<1x2528x128xf32> to vector<2528x128xf32>
    %add3A_19 = arith.addf %get3A_13, %get3A_18 : vector<2528x128xf32>
    %max3A = arith.constant 1.000000e+00 : f32
    %max3A_20 = vector.broadcast %max3A : f32 to vector<2528x128xf32>
    %max3A_21 = arith.maximumf %add3A_19, %max3A_20 : vector<2528x128xf32>
    %div3A = arith.divf %add3A, %max3A_21 : vector<2528x128xf32>
    %get3A_22 = arith.constant 0 : index
    %get3A_23 = arith.constant 0 : index
    %get3A_24 = vector.load %arg4[%get3A_22, %get3A_23] : memref<1x128xf32, #tpu.memory_space<vmem>>, vector<1x128xf32>
    %add3A_25 = vector.broadcast %get3A_24 : vector<1x128xf32> to vector<2528x128xf32>
    %add3A_26 = arith.addf %div3A, %add3A_25 : vector<2528x128xf32>
    %ge3A = arith.constant 0.000000e+00 : f32
    %ge3A_27 = vector.broadcast %ge3A : f32 to vector<2528x128xf32>
    %ge3A_28 = arith.cmpf oge, %add3A_26, %ge3A_27 : vector<2528x128xf32>
    %mul3A = arith.constant 0.229166672 : f32
    %mul3A_29 = vector.broadcast %mul3A : f32 to vector<2528x128xf32>
    %mul3A_30 = arith.mulf %mul3A_29, %add3A_26 : vector<2528x128xf32>
    %select_n3A = arith.select %ge3A_28, %add3A_26, %mul3A_30 : vector<2528x128xi1>, vector<2528x128xf32>
    %get3A_31 = arith.constant 0 : index
    %get3A_32 = arith.constant 0 : index
    %get3A_33 = vector.load %arg3[%get3A_31, %get3A_32] : memref<2528x128xf32, #tpu.memory_space<vmem>>, vector<2528x128xf32>
    %get3A_34 = arith.constant 0 : index
    %get3A_35 = arith.constant 0 : index
    %get3A_36 = vector.load %arg11[%get3A_34, %get3A_35] : memref<1x384xf32, #tpu.memory_space<vmem>>, vector<1x384xf32>
    %get3A_37 = arith.constant 0 : index
    %get3A_38 = arith.constant 0 : index
    %get3A_39 = vector.load %arg12[%get3A_37, %get3A_38] : memref<1x384xf32, #tpu.memory_space<vmem>>, vector<1x384xf32>
    %get3A_40 = arith.constant 0 : index
    %get3A_41 = arith.constant 0 : index
    %get3A_42 = vector.load %arg5[%get3A_40, %get3A_41] : memref<128x128xf32, #tpu.memory_space<vmem>>, vector<128x128xf32>
    %dot_general3A = arith.constant dense<0.000000e+00> : vector<2528x128xf32>
    %dot_general3A_43 = tpu.matmul %select_n3A, %get3A_42, %dot_general3A {dimension_numbers = #tpu.dot_dimension_numbers<[1], [0], [0], [1], [0, 0, 1, 1], [], []>, transpose_lhs_hint = false} : vector<2528x128xf32>, vector<128x128xf32>, vector<2528x128xf32> -> vector<2528x128xf32>
    %slice3A = vector.extract_strided_slice %get3A_36 {offsets = [0, 0], sizes = [1, 128], strides = [1, 1]} : vector<1x384xf32> to vector<1x128xf32>
    %add3A_44 = vector.broadcast %slice3A : vector<1x128xf32> to vector<2528x128xf32>
    %add3A_45 = arith.addf %dot_general3A_43, %add3A_44 : vector<2528x128xf32>
    %get3A_46 = arith.constant 0 : index
    %get3A_47 = arith.constant 0 : index
    %get3A_48 = vector.load %arg8[%get3A_46, %get3A_47] : memref<128x128xf32, #tpu.memory_space<vmem>>, vector<128x128xf32>
    %dot_general3A_49 = arith.constant dense<0.000000e+00> : vector<2528x128xf32>
    %dot_general3A_50 = tpu.matmul %get3A_33, %get3A_48, %dot_general3A_49 {dimension_numbers = #tpu.dot_dimension_numbers<[1], [0], [0], [1], [0, 0, 1, 1], [], []>, transpose_lhs_hint = false} : vector<2528x128xf32>, vector<128x128xf32>, vector<2528x128xf32> -> vector<2528x128xf32>
    %add3A_51 = arith.addf %add3A_45, %dot_general3A_50 : vector<2528x128xf32>
    %slice3A_52 = vector.extract_strided_slice %get3A_39 {offsets = [0, 0], sizes = [1, 128], strides = [1, 1]} : vector<1x384xf32> to vector<1x128xf32>
    %add3A_53 = vector.broadcast %slice3A_52 : vector<1x128xf32> to vector<2528x128xf32>
    %add3A_54 = arith.addf %add3A_51, %add3A_53 : vector<2528x128xf32>
    %logistic3A = arith.negf %add3A_54 : vector<2528x128xf32>
    %logistic3A_55 = math.exp %logistic3A : vector<2528x128xf32>
    %logistic3A_56 = arith.constant 1.000000e+00 : f32
    %logistic3A_57 = vector.broadcast %logistic3A_56 : f32 to vector<2528x128xf32>
    %logistic3A_58 = arith.addf %logistic3A_57, %logistic3A_55 : vector<2528x128xf32>
    %logistic3A_59 = arith.divf %logistic3A_57, %logistic3A_58 : vector<2528x128xf32>
    %get3A_60 = arith.constant 0 : index
    %get3A_61 = arith.constant 0 : index
    %get3A_62 = vector.load %arg6[%get3A_60, %get3A_61] : memref<128x128xf32, #tpu.memory_space<vmem>>, vector<128x128xf32>
    %dot_general3A_63 = arith.constant dense<0.000000e+00> : vector<2528x128xf32>
    %dot_general3A_64 = tpu.matmul %select_n3A, %get3A_62, %dot_general3A_63 {dimension_numbers = #tpu.dot_dimension_numbers<[1], [0], [0], [1], [0, 0, 1, 1], [], []>, transpose_lhs_hint = false} : vector<2528x128xf32>, vector<128x128xf32>, vector<2528x128xf32> -> vector<2528x128xf32>
    %slice3A_65 = vector.extract_strided_slice %get3A_36 {offsets = [0, 128], sizes = [1, 128], strides = [1, 1]} : vector<1x384xf32> to vector<1x128xf32>
    %add3A_66 = vector.broadcast %slice3A_65 : vector<1x128xf32> to vector<2528x128xf32>
    %add3A_67 = arith.addf %dot_general3A_64, %add3A_66 : vector<2528x128xf32>
    %get3A_68 = arith.constant 0 : index
    %get3A_69 = arith.constant 0 : index
    %get3A_70 = vector.load %arg9[%get3A_68, %get3A_69] : memref<128x128xf32, #tpu.memory_space<vmem>>, vector<128x128xf32>
    %dot_general3A_71 = arith.constant dense<0.000000e+00> : vector<2528x128xf32>
    %dot_general3A_72 = tpu.matmul %get3A_33, %get3A_70, %dot_general3A_71 {dimension_numbers = #tpu.dot_dimension_numbers<[1], [0], [0], [1], [0, 0, 1, 1], [], []>, transpose_lhs_hint = false} : vector<2528x128xf32>, vector<128x128xf32>, vector<2528x128xf32> -> vector<2528x128xf32>
    %add3A_73 = arith.addf %add3A_67, %dot_general3A_72 : vector<2528x128xf32>
    %slice3A_74 = vector.extract_strided_slice %get3A_39 {offsets = [0, 128], sizes = [1, 128], strides = [1, 1]} : vector<1x384xf32> to vector<1x128xf32>
    %add3A_75 = vector.broadcast %slice3A_74 : vector<1x128xf32> to vector<2528x128xf32>
    %add3A_76 = arith.addf %add3A_73, %add3A_75 : vector<2528x128xf32>
    %logistic3A_77 = arith.negf %add3A_76 : vector<2528x128xf32>
    %logistic3A_78 = math.exp %logistic3A_77 : vector<2528x128xf32>
    %logistic3A_79 = arith.constant 1.000000e+00 : f32
    %logistic3A_80 = vector.broadcast %logistic3A_79 : f32 to vector<2528x128xf32>
    %logistic3A_81 = arith.addf %logistic3A_80, %logistic3A_78 : vector<2528x128xf32>
    %logistic3A_82 = arith.divf %logistic3A_80, %logistic3A_81 : vector<2528x128xf32>
    %get3A_83 = arith.constant 0 : index
    %get3A_84 = arith.constant 0 : index
    %get3A_85 = vector.load %arg7[%get3A_83, %get3A_84] : memref<128x128xf32, #tpu.memory_space<vmem>>, vector<128x128xf32>
    %dot_general3A_86 = arith.constant dense<0.000000e+00> : vector<2528x128xf32>
    %dot_general3A_87 = tpu.matmul %select_n3A, %get3A_85, %dot_general3A_86 {dimension_numbers = #tpu.dot_dimension_numbers<[1], [0], [0], [1], [0, 0, 1, 1], [], []>, transpose_lhs_hint = false} : vector<2528x128xf32>, vector<128x128xf32>, vector<2528x128xf32> -> vector<2528x128xf32>
    %slice3A_88 = vector.extract_strided_slice %get3A_36 {offsets = [0, 256], sizes = [1, 128], strides = [1, 1]} : vector<1x384xf32> to vector<1x128xf32>
    %add3A_89 = vector.broadcast %slice3A_88 : vector<1x128xf32> to vector<2528x128xf32>
    %add3A_90 = arith.addf %dot_general3A_87, %add3A_89 : vector<2528x128xf32>
    %get3A_91 = arith.constant 0 : index
    %get3A_92 = arith.constant 0 : index
    %get3A_93 = vector.load %arg10[%get3A_91, %get3A_92] : memref<128x128xf32, #tpu.memory_space<vmem>>, vector<128x128xf32>
    %dot_general3A_94 = arith.constant dense<0.000000e+00> : vector<2528x128xf32>
    %dot_general3A_95 = tpu.matmul %get3A_33, %get3A_93, %dot_general3A_94 {dimension_numbers = #tpu.dot_dimension_numbers<[1], [0], [0], [1], [0, 0, 1, 1], [], []>, transpose_lhs_hint = false} : vector<2528x128xf32>, vector<128x128xf32>, vector<2528x128xf32> -> vector<2528x128xf32>
    %slice3A_96 = vector.extract_strided_slice %get3A_39 {offsets = [0, 256], sizes = [1, 128], strides = [1, 1]} : vector<1x384xf32> to vector<1x128xf32>
    %add3A_97 = vector.broadcast %slice3A_96 : vector<1x128xf32> to vector<2528x128xf32>
    %add3A_98 = arith.addf %dot_general3A_95, %add3A_97 : vector<2528x128xf32>
    %mul3A_99 = arith.mulf %logistic3A_59, %add3A_98 : vector<2528x128xf32>
    %add3A_100 = arith.addf %add3A_90, %mul3A_99 : vector<2528x128xf32>
    %tanh3A = math.tanh %add3A_100 : vector<2528x128xf32>
    %sub3A = arith.constant 1.000000e+00 : f32
    %sub3A_101 = vector.broadcast %sub3A : f32 to vector<2528x128xf32>
    %sub3A_102 = arith.subf %sub3A_101, %logistic3A_82 : vector<2528x128xf32>
    %mul3A_103 = arith.mulf %sub3A_102, %tanh3A : vector<2528x128xf32>
    %mul3A_104 = arith.mulf %logistic3A_82, %get3A_33 : vector<2528x128xf32>
    %add3A_105 = arith.addf %mul3A_103, %mul3A_104 : vector<2528x128xf32>
    %swap3A = arith.constant 0 : index
    %swap3A_106 = arith.constant 0 : index
    %swap3A_107 = vector.load %arg13[%swap3A, %swap3A_106] : memref<2528x128xf32, #tpu.memory_space<vmem>>, vector<2528x128xf32>
    tpu.vector_store %arg13[%swap3A, %swap3A_106], %add3A_105 {strides = array<i32>} : memref<2528x128xf32, #tpu.memory_space<vmem>>, vector<2528x128xf32>,
    return
  }
  func.func @transform_0(%arg0: i32) -> (i32, i32, i32) {
    %c0_i32 = arith.constant 0 : i32
    %c0_i32_0 = arith.constant 0 : i32
    %c0_i32_1 = arith.constant 0 : i32
    %c0_i32_2 = arith.constant 0 : i32
    return %c0_i32, %c0_i32_0, %c0_i32_1 : i32, i32, i32
  }
  func.func @transform_1(%arg0: i32) -> (i32, i32, i32) {
    %c0_i32 = arith.constant 0 : i32
    %c0_i32_0 = arith.constant 0 : i32
    %c0_i32_1 = arith.constant 0 : i32
    %c0_i32_2 = arith.constant 0 : i32
    return %c0_i32, %c0_i32_0, %c0_i32_1 : i32, i32, i32
  }
  func.func @transform_2(%arg0: i32) -> (i32, i32) {
    %c0_i32 = arith.constant 0 : i32
    %c0_i32_0 = arith.constant 0 : i32
    %c0_i32_1 = arith.constant 0 : i32
    return %c0_i32, %c0_i32_0 : i32, i32
  }
  func.func @transform_3(%arg0: i32) -> (i32, i32) {
    %c0_i32 = arith.constant 0 : i32
    %c0_i32_0 = arith.constant 0 : i32
    %c0_i32_1 = arith.constant 0 : i32
    return %c0_i32, %c0_i32_0 : i32, i32
  }
  func.func @transform_4(%arg0: i32) -> (i32, i32) {
    %c0_i32 = arith.constant 0 : i32
    %c0_i32_0 = arith.constant 0 : i32
    %c0_i32_1 = arith.constant 0 : i32
    return %c0_i32, %c0_i32_0 : i32, i32
  }
  func.func @transform_5(%arg0: i32) -> (i32, i32) {
    %c0_i32 = arith.constant 0 : i32
    %c0_i32_0 = arith.constant 0 : i32
    %c0_i32_1 = arith.constant 0 : i32
    return %c0_i32, %c0_i32_0 : i32, i32
  }
  func.func @transform_6(%arg0: i32) -> (i32, i32) {
    %c0_i32 = arith.constant 0 : i32
    %c0_i32_0 = arith.constant 0 : i32
    %c0_i32_1 = arith.constant 0 : i32
    return %c0_i32, %c0_i32_0 : i32, i32
  }
  func.func @transform_7(%arg0: i32) -> (i32, i32) {
    %c0_i32 = arith.constant 0 : i32
    %c0_i32_0 = arith.constant 0 : i32
    %c0_i32_1 = arith.constant 0 : i32
    return %c0_i32, %c0_i32_0 : i32, i32
  }
  func.func @transform_8(%arg0: i32) -> (i32, i32) {
    %c0_i32 = arith.constant 0 : i32
    %c0_i32_0 = arith.constant 0 : i32
    %c0_i32_1 = arith.constant 0 : i32
    return %c0_i32, %c0_i32_0 : i32, i32
  }
  func.func @transform_9(%arg0: i32) -> (i32, i32) {
    %c0_i32 = arith.constant 0 : i32
    %c0_i32_0 = arith.constant 0 : i32
    %c0_i32_1 = arith.constant 0 : i32
    return %c0_i32, %c0_i32_0 : i32, i32
  }
  func.func @transform_10(%arg0: i32) -> (i32, i32) {
    %c0_i32 = arith.constant 0 : i32
    %c0_i32_0 = arith.constant 0 : i32
    %c0_i32_1 = arith.constant 0 : i32
    return %c0_i32, %c0_i32_0 : i32, i32
  }
  func.func @transform_11(%arg0: i32) -> (i32, i32) {
    %c0_i32 = arith.constant 0 : i32
    %c0_i32_0 = arith.constant 0 : i32
    %c0_i32_1 = arith.constant 0 : i32
    return %c0_i32, %c0_i32_0 : i32, i32
  }
  func.func @transform_12(%arg0: i32) -> (i32, i32) {
    %c0_i32 = arith.constant 0 : i32
    %c0_i32_0 = arith.constant 0 : i32
    %c0_i32_1 = arith.constant 0 : i32
    return %c0_i32, %c0_i32_0 : i32, i32
  }
}

module attributes {stable_mosaic.version = 14 : i64} {
  func.func @body(%arg0: i32, %arg1: memref<1000x128xf32, #tpu.memory_space<vmem>>, %arg2: memref<1000x128xf32, #tpu.memory_space<vmem>>, %arg3: memref<1000x32xf32, #tpu.memory_space<vmem>>, %arg4: memref<1x128xf32, #tpu.memory_space<vmem>>, %arg5: memref<1x128xf32, #tpu.memory_space<vmem>>, %arg6: memref<1x128xf32, #tpu.memory_space<vmem>>, %arg7: memref<1x128xf32, #tpu.memory_space<vmem>>, %arg8: memref<1x128xf32, #tpu.memory_space<vmem>>, %arg9: memref<1x128xf32, #tpu.memory_space<vmem>>, %arg10: memref<32x128xf32, #tpu.memory_space<vmem>>, %arg11: memref<32x128xf32, #tpu.memory_space<vmem>>, %arg12: memref<32x128xf32, #tpu.memory_space<vmem>>, %arg13: memref<128x4xf32, #tpu.memory_space<vmem>>, %arg14: memref<32x4xf32, #tpu.memory_space<vmem>>, %arg15: memref<1000x4xf32, #tpu.memory_space<vmem>>) attributes {dimension_semantics = [#tpu.dimension_semantics<arbitrary>], iteration_bounds = array<i64: 5>, scalar_prefetch = 0 : i64, scratch_operands = 0 : i64, tpu.core_type = #tpu.core_type<tc>, window_params = [{transform_indices = @transform_0, window_bounds = array<i64: 1000, 128>}, {transform_indices = @transform_1, window_bounds = array<i64: 1000, 128>}, {transform_indices = @transform_2, window_bounds = array<i64: 1000, 32>}, {pipeline_mode = #tpu.pipeline_mode<synchronous>, transform_indices = @transform_3, window_bounds = array<i64: 1, 128>}, {pipeline_mode = #tpu.pipeline_mode<synchronous>, transform_indices = @transform_4, window_bounds = array<i64: 1, 128>}, {pipeline_mode = #tpu.pipeline_mode<synchronous>, transform_indices = @transform_5, window_bounds = array<i64: 1, 128>}, {pipeline_mode = #tpu.pipeline_mode<synchronous>, transform_indices = @transform_6, window_bounds = array<i64: 1, 128>}, {pipeline_mode = #tpu.pipeline_mode<synchronous>, transform_indices = @transform_7, window_bounds = array<i64: 1, 128>}, {pipeline_mode = #tpu.pipeline_mode<synchronous>, transform_indices = @transform_8, window_bounds = array<i64: 1, 128>}, {pipeline_mode = #tpu.pipeline_mode<synchronous>, transform_indices = @transform_9, window_bounds = array<i64: 32, 128>}, {pipeline_mode = #tpu.pipeline_mode<synchronous>, transform_indices = @transform_10, window_bounds = array<i64: 32, 128>}, {pipeline_mode = #tpu.pipeline_mode<synchronous>, transform_indices = @transform_11, window_bounds = array<i64: 32, 128>}, {pipeline_mode = #tpu.pipeline_mode<synchronous>, transform_indices = @transform_12, window_bounds = array<i64: 128, 4>}, {pipeline_mode = #tpu.pipeline_mode<synchronous>, transform_indices = @transform_13, window_bounds = array<i64: 32, 4>}, {transform_indices = @transform_14, window_bounds = array<i64: 1000, 4>}]} {
    %get3A = arith.constant 0 : index
    %get3A_0 = arith.constant 0 : index
    %get3A_1 = vector.load %arg1[%get3A, %get3A_0] : memref<1000x128xf32, #tpu.memory_space<vmem>>, vector<1000x128xf32>
    %get3A_2 = arith.constant 0 : index
    %get3A_3 = arith.constant 0 : index
    %get3A_4 = vector.load %arg2[%get3A_2, %get3A_3] : memref<1000x128xf32, #tpu.memory_space<vmem>>, vector<1000x128xf32>
    %sqrt3A = arith.constant 1.000010e+00 : f32
    %sqrt3A_5 = math.sqrt %sqrt3A : f32
    %div3A = arith.constant 1.000000e+00 : f32
    %div3A_6 = arith.divf %div3A, %sqrt3A_5 : f32
    %add3A = arith.addf %get3A_1, %get3A_4 : vector<1000x128xf32>
    %mul3A = arith.constant 5.000000e-01 : f32
    %mul3A_7 = vector.broadcast %mul3A : f32 to vector<1000x128xf32>
    %mul3A_8 = arith.mulf %mul3A_7, %add3A : vector<1000x128xf32>
    %get3A_9 = arith.constant 0 : index
    %get3A_10 = arith.constant 0 : index
    %get3A_11 = vector.load %arg4[%get3A_9, %get3A_10] : memref<1x128xf32, #tpu.memory_space<vmem>>, vector<1x128xf32>
    %mul3A_12 = vector.broadcast %div3A_6 : f32 to vector<1x128xf32>
    %mul3A_13 = arith.mulf %get3A_11, %mul3A_12 : vector<1x128xf32>
    %mul3A_14 = vector.broadcast %mul3A_13 : vector<1x128xf32> to vector<1000x128xf32>
    %mul3A_15 = arith.mulf %mul3A_8, %mul3A_14 : vector<1000x128xf32>
    %get3A_16 = arith.constant 0 : index
    %get3A_17 = arith.constant 0 : index
    %get3A_18 = vector.load %arg5[%get3A_16, %get3A_17] : memref<1x128xf32, #tpu.memory_space<vmem>>, vector<1x128xf32>
    %add3A_19 = vector.broadcast %get3A_18 : vector<1x128xf32> to vector<1000x128xf32>
    %add3A_20 = arith.addf %mul3A_15, %add3A_19 : vector<1000x128xf32>
    %mul3A_21 = arith.mulf %get3A_1, %get3A_4 : vector<1000x128xf32>
    %get3A_22 = arith.constant 0 : index
    %get3A_23 = arith.constant 0 : index
    %get3A_24 = vector.load %arg6[%get3A_22, %get3A_23] : memref<1x128xf32, #tpu.memory_space<vmem>>, vector<1x128xf32>
    %mul3A_25 = vector.broadcast %div3A_6 : f32 to vector<1x128xf32>
    %mul3A_26 = arith.mulf %get3A_24, %mul3A_25 : vector<1x128xf32>
    %mul3A_27 = vector.broadcast %mul3A_26 : vector<1x128xf32> to vector<1000x128xf32>
    %mul3A_28 = arith.mulf %mul3A_21, %mul3A_27 : vector<1000x128xf32>
    %get3A_29 = arith.constant 0 : index
    %get3A_30 = arith.constant 0 : index
    %get3A_31 = vector.load %arg7[%get3A_29, %get3A_30] : memref<1x128xf32, #tpu.memory_space<vmem>>, vector<1x128xf32>
    %add3A_32 = vector.broadcast %get3A_31 : vector<1x128xf32> to vector<1000x128xf32>
    %add3A_33 = arith.addf %mul3A_28, %add3A_32 : vector<1000x128xf32>
    %sub3A = arith.subf %get3A_1, %get3A_4 : vector<1000x128xf32>
    %integer_pow3A = arith.mulf %sub3A, %sub3A : vector<1000x128xf32>
    %get3A_34 = arith.constant 0 : index
    %get3A_35 = arith.constant 0 : index
    %get3A_36 = vector.load %arg8[%get3A_34, %get3A_35] : memref<1x128xf32, #tpu.memory_space<vmem>>, vector<1x128xf32>
    %mul3A_37 = vector.broadcast %div3A_6 : f32 to vector<1x128xf32>
    %mul3A_38 = arith.mulf %get3A_36, %mul3A_37 : vector<1x128xf32>
    %mul3A_39 = vector.broadcast %mul3A_38 : vector<1x128xf32> to vector<1000x128xf32>
    %mul3A_40 = arith.mulf %integer_pow3A, %mul3A_39 : vector<1000x128xf32>
    %get3A_41 = arith.constant 0 : index
    %get3A_42 = arith.constant 0 : index
    %get3A_43 = vector.load %arg9[%get3A_41, %get3A_42] : memref<1x128xf32, #tpu.memory_space<vmem>>, vector<1x128xf32>
    %add3A_44 = vector.broadcast %get3A_43 : vector<1x128xf32> to vector<1000x128xf32>
    %add3A_45 = arith.addf %mul3A_40, %add3A_44 : vector<1000x128xf32>
    %get3A_46 = arith.constant 0 : index
    %get3A_47 = arith.constant 0 : index
    %get3A_48 = vector.load %arg3[%get3A_46, %get3A_47] : memref<1000x32xf32, #tpu.memory_space<vmem>>, vector<1000x32xf32>
    %get3A_49 = arith.constant 0 : index
    %get3A_50 = arith.constant 0 : index
    %get3A_51 = vector.load %arg10[%get3A_49, %get3A_50] : memref<32x128xf32, #tpu.memory_space<vmem>>, vector<32x128xf32>
    %dot_general3A = arith.constant dense<0.000000e+00> : vector<1000x128xf32>
    %dot_general3A_52 = tpu.matmul %get3A_48, %get3A_51, %dot_general3A {dimension_numbers = #tpu.dot_dimension_numbers<[1], [0], [0], [1], [0, 0, 1, 1], [], []>, transpose_lhs_hint = false} : vector<1000x32xf32>, vector<32x128xf32>, vector<1000x128xf32> -> vector<1000x128xf32>
    %mul3A_53 = arith.mulf %add3A_20, %dot_general3A_52 : vector<1000x128xf32>
    %get3A_54 = arith.constant 0 : index
    %get3A_55 = arith.constant 0 : index
    %get3A_56 = vector.load %arg11[%get3A_54, %get3A_55] : memref<32x128xf32, #tpu.memory_space<vmem>>, vector<32x128xf32>
    %dot_general3A_57 = arith.constant dense<0.000000e+00> : vector<1000x128xf32>
    %dot_general3A_58 = tpu.matmul %get3A_48, %get3A_56, %dot_general3A_57 {dimension_numbers = #tpu.dot_dimension_numbers<[1], [0], [0], [1], [0, 0, 1, 1], [], []>, transpose_lhs_hint = false} : vector<1000x32xf32>, vector<32x128xf32>, vector<1000x128xf32> -> vector<1000x128xf32>
    %mul3A_59 = arith.mulf %add3A_33, %dot_general3A_58 : vector<1000x128xf32>
    %add3A_60 = arith.addf %mul3A_53, %mul3A_59 : vector<1000x128xf32>
    %get3A_61 = arith.constant 0 : index
    %get3A_62 = arith.constant 0 : index
    %get3A_63 = vector.load %arg12[%get3A_61, %get3A_62] : memref<32x128xf32, #tpu.memory_space<vmem>>, vector<32x128xf32>
    %dot_general3A_64 = arith.constant dense<0.000000e+00> : vector<1000x128xf32>
    %dot_general3A_65 = tpu.matmul %get3A_48, %get3A_63, %dot_general3A_64 {dimension_numbers = #tpu.dot_dimension_numbers<[1], [0], [0], [1], [0, 0, 1, 1], [], []>, transpose_lhs_hint = false} : vector<1000x32xf32>, vector<32x128xf32>, vector<1000x128xf32> -> vector<1000x128xf32>
    %mul3A_66 = arith.mulf %add3A_45, %dot_general3A_65 : vector<1000x128xf32>
    %add3A_67 = arith.addf %add3A_60, %mul3A_66 : vector<1000x128xf32>
    %get3A_68 = arith.constant 0 : index
    %get3A_69 = arith.constant 0 : index
    %get3A_70 = vector.load %arg13[%get3A_68, %get3A_69] : memref<128x4xf32, #tpu.memory_space<vmem>>, vector<128x4xf32>
    %dot_general3A_71 = arith.constant dense<0.000000e+00> : vector<1000x4xf32>
    %dot_general3A_72 = tpu.matmul %add3A_67, %get3A_70, %dot_general3A_71 {dimension_numbers = #tpu.dot_dimension_numbers<[1], [0], [0], [1], [0, 0, 1, 1], [], []>, transpose_lhs_hint = false} : vector<1000x128xf32>, vector<128x4xf32>, vector<1000x4xf32> -> vector<1000x4xf32>
    %get3A_73 = arith.constant 0 : index
    %get3A_74 = arith.constant 0 : index
    %get3A_75 = vector.load %arg14[%get3A_73, %get3A_74] : memref<32x4xf32, #tpu.memory_space<vmem>>, vector<32x4xf32>
    %dot_general3A_76 = arith.constant dense<0.000000e+00> : vector<1000x4xf32>
    %dot_general3A_77 = tpu.matmul %get3A_48, %get3A_75, %dot_general3A_76 {dimension_numbers = #tpu.dot_dimension_numbers<[1], [0], [0], [1], [0, 0, 1, 1], [], []>, transpose_lhs_hint = false} : vector<1000x32xf32>, vector<32x4xf32>, vector<1000x4xf32> -> vector<1000x4xf32>
    %add3A_78 = arith.addf %dot_general3A_72, %dot_general3A_77 : vector<1000x4xf32>
    %swap3A = arith.constant 0 : index
    %swap3A_79 = arith.constant 0 : index
    %swap3A_80 = vector.load %arg15[%swap3A, %swap3A_79] : memref<1000x4xf32, #tpu.memory_space<vmem>>, vector<1000x4xf32>
    tpu.vector_store %arg15[%swap3A, %swap3A_79], %add3A_78 {strides = array<i32>} : memref<1000x4xf32, #tpu.memory_space<vmem>>, vector<1000x4xf32>,
    return
  }
  func.func @transform_0(%arg0: i32) -> (i32, i32) {
    %c0_i32 = arith.constant 0 : i32
    %c0_i32_0 = arith.constant 0 : i32
    return %arg0, %c0_i32 : i32, i32
  }
  func.func @transform_1(%arg0: i32) -> (i32, i32) {
    %add3A = arith.constant 5 : i32
    %add3A_0 = arith.addi %arg0, %add3A : i32
    %c0_i32 = arith.constant 0 : i32
    %c0_i32_1 = arith.constant 0 : i32
    return %add3A_0, %c0_i32 : i32, i32
  }
  func.func @transform_2(%arg0: i32) -> (i32, i32) {
    %c0_i32 = arith.constant 0 : i32
    %c0_i32_0 = arith.constant 0 : i32
    return %arg0, %c0_i32 : i32, i32
  }
  func.func @transform_3(%arg0: i32) -> (i32, i32) {
    %c0_i32 = arith.constant 0 : i32
    %c0_i32_0 = arith.constant 0 : i32
    %c0_i32_1 = arith.constant 0 : i32
    return %c0_i32, %c0_i32_0 : i32, i32
  }
  func.func @transform_4(%arg0: i32) -> (i32, i32) {
    %c0_i32 = arith.constant 0 : i32
    %c0_i32_0 = arith.constant 0 : i32
    %c0_i32_1 = arith.constant 0 : i32
    return %c0_i32, %c0_i32_0 : i32, i32
  }
  func.func @transform_5(%arg0: i32) -> (i32, i32) {
    %c0_i32 = arith.constant 0 : i32
    %c0_i32_0 = arith.constant 0 : i32
    %c0_i32_1 = arith.constant 0 : i32
    return %c0_i32, %c0_i32_0 : i32, i32
  }
  func.func @transform_6(%arg0: i32) -> (i32, i32) {
    %c0_i32 = arith.constant 0 : i32
    %c0_i32_0 = arith.constant 0 : i32
    %c0_i32_1 = arith.constant 0 : i32
    return %c0_i32, %c0_i32_0 : i32, i32
  }
  func.func @transform_7(%arg0: i32) -> (i32, i32) {
    %c0_i32 = arith.constant 0 : i32
    %c0_i32_0 = arith.constant 0 : i32
    %c0_i32_1 = arith.constant 0 : i32
    return %c0_i32, %c0_i32_0 : i32, i32
  }
  func.func @transform_8(%arg0: i32) -> (i32, i32) {
    %c0_i32 = arith.constant 0 : i32
    %c0_i32_0 = arith.constant 0 : i32
    %c0_i32_1 = arith.constant 0 : i32
    return %c0_i32, %c0_i32_0 : i32, i32
  }
  func.func @transform_9(%arg0: i32) -> (i32, i32) {
    %c0_i32 = arith.constant 0 : i32
    %c0_i32_0 = arith.constant 0 : i32
    %c0_i32_1 = arith.constant 0 : i32
    return %c0_i32, %c0_i32_0 : i32, i32
  }
  func.func @transform_10(%arg0: i32) -> (i32, i32) {
    %c0_i32 = arith.constant 0 : i32
    %c0_i32_0 = arith.constant 0 : i32
    %c0_i32_1 = arith.constant 0 : i32
    return %c0_i32, %c0_i32_0 : i32, i32
  }
  func.func @transform_11(%arg0: i32) -> (i32, i32) {
    %c0_i32 = arith.constant 0 : i32
    %c0_i32_0 = arith.constant 0 : i32
    %c0_i32_1 = arith.constant 0 : i32
    return %c0_i32, %c0_i32_0 : i32, i32
  }
  func.func @transform_12(%arg0: i32) -> (i32, i32) {
    %c0_i32 = arith.constant 0 : i32
    %c0_i32_0 = arith.constant 0 : i32
    %c0_i32_1 = arith.constant 0 : i32
    return %c0_i32, %c0_i32_0 : i32, i32
  }
  func.func @transform_13(%arg0: i32) -> (i32, i32) {
    %c0_i32 = arith.constant 0 : i32
    %c0_i32_0 = arith.constant 0 : i32
    %c0_i32_1 = arith.constant 0 : i32
    return %c0_i32, %c0_i32_0 : i32, i32
  }
  func.func @transform_14(%arg0: i32) -> (i32, i32) {
    %c0_i32 = arith.constant 0 : i32
    %c0_i32_0 = arith.constant 0 : i32
    return %arg0, %c0_i32 : i32, i32
  }
}

</mosaic_0001>

<sc_bundles>
// kernel: kernel.22.cloned.1.call-start
scs
__scs_entry_jumppad:
0x0: {  	(pc) =	sbr.rel $0x88, $3  }
0x1: {  	(tag) =	ssettag $0x0;
	lr =	simm.s32 $0x1  }
0x2: {  	[smem:$0x3F80] =	sst lr;
	_ =	strace $0xD0000000  }
0x3: {  	_ = 	snop  }
0x4: {  	_ = 	snop  }
0x5: {  	_ = 	snop  }
0x6: {  	_ = 	snop  }
0x7: {  	_ = 	snop  }
__scs_overlays_trampoline_lowered:
0x8: {  	[smem:$0x3F8F] =	sst s0  }
0x9: {  	[smem:$0x3F90] =	sst s1  }
0xa: {  	[smem:$0x3F91] =	sst s2  }
0xb: {  	[smem:$0x3F92] =	sst s3  }
0xc: {  	[smem:$0x3F93] =	sst s4  }
0xd: {  	[smem:$0x3F94] =	sst s5  }
0xe: {  	[smem:$0x3F95] =	sst s6  }
0xf: {  	[smem:$0x3F96] =	sst s7  }
0x10: {  	[smem:$0x3F97] =	sst s8  }
0x11: {  	[smem:$0x3F98] =	sst s9;
	s0 =	simm.s32 @!p0 $0x0  }
0x12: {  	s1 =	sld [smem:$0x3F7E];
	s0 =	simm.s32 @p0 $0x1  }
0x13: {  	[smem:$0x3F99] =	sst s0;
	s0 =	simm.s32 @!p1 $0x0  }
0x14: {  	s2 =	sld [smem:$0x3F7D];
	s0 =	simm.s32 @p1 $0x1  }
0x15: {  	[smem:$0x3F9A] =	sst s0;
	s0 =	simm.s32 @!p2 $0x0  }
0x16: {  	s3 =	sld [smem:$0x3FDB];
	s0 =	simm.s32 @p2 $0x1  }
0x17: {  	s4 =	simm.s32 $0x1BF5;
	[smem:$0x3F9C] =	sst s0  }
0x18: {  	s0 =	sld [smem:$0x3F7F];
	_ =	swait.ge [sflag:s4], $0x0  }
0x19: {  	s7 =	sld [smem:$0x3F80]  }
0x1a: {  	s8 =	sadd.s32 $0xFFFFE003, lr  }
0x1b: {  	s9 =	sadd.s32 $0xFFFFFEF7, lr;
	s5 =	simm.s32 $0xFFFFFFFF;
	p2 =	slt.u32 s8, $0xFFFFF086  }
0x1c: {  	p1 =	slt.u32 s9, $0xF7A;
	s5 =	simm.s32 @!p2 $0x0  }
0x1d: {  	s5 =	simm.s32 @p1 $0x1;
	p0 =	seq.s32 s7, s2  }
0x1e: {  	s7 =	smul.u32 @!p0 $0xF7A, s2;
	p2 =	seq.s32 @!p0 s5, $0x0  }
0x1f: {  	s9 =	smul.u32 $0xF7A, s1;
	s8 =	simm.s32 @!p0 $0x1BF5;
	p2 =	por !p2, p0  }
0x20: {  	[sflag:s8] =	ssyncset.s32 @!p0 $0xFFFFF086;
	s6 =	sadd.s32 @!p0 s3, s7;
	s7 =	simm.s32 @!p0 $0x108  }
0x21: {  	s3 =	sadd.s32 s3, s9;
	s6 =	sadd.s32 @!p0 $0x88, s6;
	s7 =	simm.s32 @p2 $0x1082  }
0x22: {  	[simem:s7], [sflag:s8] =	dma.local @!p0 [hbm:s6], $0xF7A  }
0x23: {  	s9 =	sor.u32 $0xD0000000, s2;
	s6 =	simm.s32 $0x108;
	_ =	swait.ge @!p0 [sflag:s8], $0x0  }
0x24: {  	s3 =	sadd.s32 $0x88, s3;
	s6 =	simm.s32 @!p1 $0x1082;
	[sflag:s4] =	ssyncset.s32 $0xFFFFF086  }
0x25: {  	[simem:s6], [sflag:s4] =	dma.local [hbm:s3], $0xF7A  }
0x26: {  	[smem:$0x3F80] =	sst s1;
	(tag) =	ssettag s2;
	_ =	strace s9  }
0x27: {  	s1 =	sld [smem:$0x3F90]  }
0x28: {  	s2 =	sld [smem:$0x3F91]  }
0x29: {  	s4 =	sld [smem:$0x3F93]  }
0x2a: {  	p0 =	seq.s32 s5, $0x0;
	s5 =	sld [smem:$0x3F94]  }
0x2b: {  	s6 =	sld [smem:$0x3F95]  }
0x2c: {  	s7 =	sld [smem:$0x3F96]  }
0x2d: {  	s3 =	simm.s32 $0x108;
	s8 =	sld [smem:$0x3F97]  }
0x2e: {  	s3 =	simm.s32 @!p0 $0x1082;
	s9 =	sld [smem:$0x3F98]  }
0x2f: {  	lr =	sadd.s32 s0, s3;
	s0 =	sld [smem:$0x3F8F]  }
0x30: {  	s3 =	sld [smem:$0x3F92]  }
0x31: {  	[smem:$0x3F9B] =	sst s10  }
0x32: {  	s10 =	sld [smem:$0x3F99];
	_ =	sdelay $0x3  }
0x33: {  	p0 =	seq.s32 s10, $0x1;
	s10 =	sld [smem:$0x3F9B];
	_ =	sdelay $0x3  }
0x34: {  	[smem:$0x3F9B] =	sst s10  }
0x35: {  	s10 =	sld [smem:$0x3F9A];
	_ =	sdelay $0x3  }
0x36: {  	p1 =	seq.s32 s10, $0x1;
	s10 =	sld [smem:$0x3F9B];
	_ =	sdelay $0x3  }
0x37: {  	[smem:$0x3F9B] =	sst s10  }
0x38: {  	s10 =	sld [smem:$0x3F9C]  }
0x39: {  	_ = 	snop;
	(pc) =	sbr.ind lr, $3  }
0x3a: {  	_ = 	snop  }
0x3b: {  	_ = 	snop  }
0x3c: {  	p2 =	seq.s32 s10, $0x1;
	s10 =	sld [smem:$0x3F9B]  }
0x3d: {  	_ =	shalt  }
0x3e: {  	_ =	shalt  }
0x3f: {  	_ =	shalt  }
0x40: {  	_ =	shalt  }
0x41: {  	_ =	shalt  }
0x42: {  	_ =	shalt  }
0x43: {  	_ =	shalt  }
0x44: {  	_ =	shalt  }
0x45: {  	_ =	shalt  }
0x46: {  	_ =	shalt  }
0x47: {  	_ =	shalt  }
0x48: {  	_ =	shalt  }
0x49: {  	_ =	shalt  }
0x4a: {  	_ =	shalt  }
0x4b: {  	_ =	shalt  }
0x4c: {  	_ =	shalt  }
0x4d: {  	_ =	shalt  }
0x4e: {  	_ =	shalt  }
0x4f: {  	_ =	shalt  }
0x50: {  	_ =	shalt  }
0x51: {  	_ =	shalt  }
0x52: {  	_ =	shalt  }
0x53: {  	_ =	shalt  }
0x54: {  	_ =	shalt  }
0x55: {  	_ =	shalt  }
0x56: {  	_ =	shalt  }
0x57: {  	_ =	shalt  }
0x58: {  	_ =	shalt  }
0x59: {  	_ =	shalt  }
0x5a: {  	_ =	shalt  }
0x5b: {  	_ =	shalt  }
0x5c: {  	_ =	shalt  }
0x5d: {  	_ =	shalt  }
0x5e: {  	_ =	shalt  }
0x5f: {  	_ =	shalt  }
0x60: {  	_ =	shalt  }
0x61: {  	_ =	shalt  }
0x62: {  	_ =	shalt  }
0x63: {  	_ =	shalt  }
0x64: {  	_ =	shalt  }
0x65: {  	_ =	shalt  }
0x66: {  	_ =	shalt  }
0x67: {  	_ =	shalt  }
0x68: {  	_ =	shalt  }
0x69: {  	_ =	shalt  }
0x6a: {  	_ =	shalt  }
0x6b: {  	_ =	shalt  }
0x6c: {  	_ =	shalt  }
0x6d: {  	_ =	shalt  }
0x6e: {  	_ =	shalt  }
0x6f: {  	_ =	shalt  }
0x70: {  	_ =	shalt  }
0x71: {  	_ =	shalt  }
0x72: {  	_ =	shalt  }
0x73: {  	_ =	shalt  }
0x74: {  	_ =	shalt  }
0x75: {  	_ =	shalt  }
0x76: {  	_ =	shalt  }
0x77: {  	_ =	shalt  }
0x78: {  	_ =	shalt  }
0x79: {  	_ =	shalt  }
0x7a: {  	_ =	shalt  }
0x7b: {  	_ =	shalt  }
0x7c: {  	_ =	shalt  }
0x7d: {  	_ =	shalt  }
0x7e: {  	_ =	shalt  }
0x7f: {  	_ =	shalt  }
0x80: {  	_ =	shalt  }
0x81: {  	_ =	shalt  }
0x82: {  	_ =	shalt  }
0x83: {  	_ =	shalt  }
0x84: {  	_ =	shalt  }
0x85: {  	_ =	shalt  }
0x86: {  	_ =	shalt  }
0x87: {  	_ =	shalt  }
.Lfunc_end0:
.L_simem_size_0:
called_computation_lowered:
.L_overlay_start_0:
0x88: {  	s2 =	sld [smem:$0x3FD9]  }
0x89: {  	s3 =	sld [smem:$0x3FFE];
	_ =	sdelay $0x1  }
0x8a: {  	s1 =	srdreg.scid  }
0x8b: {  	s0 =	sand.u32 $0x1, s1  }
0x8c: {  	s17 =	sshll.u32 s0, $0xA;
	s2 =	sadd.s32 s3, s2  }
0x8d: {  	s2 =	sadd.s32 s2, s17  }
0x8e: {  	[smem:$0x3FA7] =	sst s2  }
0x8f: {  	_ = 	snop  }
0x90: {  	s18 =	sld [smem:$0x3FD0];
	(tm) =	ssettm $0x1  }
0x91: {  	s19 =	sld [smem:$0x3FFB];
	_ =	sdelay $0x3  }
0x92: {  	_ =	strace s19  }
0x93: {  	s2 =	sld [smem:$0x3FFC];
	_ =	sdelay $0x3  }
0x94: {  	_ =	strace s2  }
0x95: {  	s2 =	sld [smem:$0x3FFD];
	_ =	sdelay $0x3  }
0x96: {  	_ =	strace s2  }
0x97: {  	_ =	strace $0x8FFFFFFF  }
0x98: {  	s20 =	sld [smem:$0x3FDB];
	_ =	sdelay $0x1  }
0x99: {  	s4 =	simm.s32 $_scs_section_size  }
0x9a: {  	s5 =	simm.s32 $_size__tile_overlayer_lowered;
	s6 =	simm.s32 $_tile_overlayer_lowered  }
0x9b: {  	s7 =	simm.s32 $0x1BFF;
	s21 =	sshll.u32 s6, $0x1;
	s4 =	sadd.s32 s4, s20  }
0x9c: {  	s22 =	simm.s32 $0x0;
	s5 =	sshll.u32 s5, $0x1;
	s6 =	sadd.s32 s21, s4  }
0x9d: {  	[timem:s22], [sflag:s7] =	dma.local [hbm:s6], s5  }
0x9e: {  	_ =	swait.ge [sflag:s7], s5  }
0x9f: {  	s5 =	ssub.s32 $0x0, s5;
	[sflag:s7] =	ssyncset.done $0x0  }
0xa0: {  	[sflag:s7] =	ssyncadd.s32 s5;
	_ =	sdelay $0x1  }
0xa1: {  	s23 =	simm.s32 $0x1B8B  }
0xa2: {  	_ =	swait.ge [sflag:s23], $0x1  }
0xa3: {  	[sflag:s23] =	ssyncset.done $0x0  }
0xa4: {  	[sflag:s23] =	ssyncadd.s32 $0xFFFFFFFF  }
0xa5: {  	s5 =	sld [smem:$0x0]  }
0xa6: {  	s6 =	sand.u32 $0xFFFFFFFE, s1  }
0xa7: {  	p0 =	sne.s32 s1, s6  }
0xa8: {  	s6 =	sshll.u32 @p0 s6, $0xE  }
0xa9: {  	s6 =	sadd.s32 @p0 $0x11B8D, s6;
	s7 =	sshll.u32 @p0 s5, $0x11  }
0xaa: {  	s6 =	sor.u32 @p0 s7, s6  }
0xab: {  	[sflag:s6] =	ssyncadd.remote.s32 @p0 $0x1;
	_ =	sdelay $0x1  }
0xac: {  	s6 =	simm.s32 @p0 $0x1B8D  }
0xad: {  	_ =	swait.eq @p0 [sflag:s6], $0x1  }
0xae: {  	[sflag:s6] =	ssyncadd.s32 @p0 $0xFFFFFFFF  }
0xaf: {  	s7 =	sshll.u32 @!p0 s1, $0xE  }
0xb0: {  	s7 =	sor.u32 @!p0 $0x4000, s7;
	s6 =	simm.s32 @!p0 $0x1B8D  }
0xb1: {  	s5 =	sshll.u32 @!p0 s5, $0x11;
	s7 =	sadd.s32 @!p0 $0x11B8D, s7;
	_ =	swait.eq @!p0 [sflag:s6], $0x1  }
0xb2: {  	s5 =	sor.u32 @!p0 s5, s7;
	[sflag:s6] =	ssyncadd.s32 @!p0 $0xFFFFFFFF  }
0xb3: {  	s25 =	simm.s32 $0x1B8E;
	s24 =	sld [smem:$0x3FFE];
	[sflag:s5] =	ssyncadd.remote.s32 @!p0 $0x1  }
0xb4: {  	s26 =	simm.s32 $execute0_lowered;
	[smem:$0x3FD2] =	sst s25  }
0xb5: {  	s6 =	sshll.u32 s26, $0x1;
	_ =	strace $0x80000049;
	[dreg:$0x1] =	wrdreg $0xFFFFFFFF  }
0xb6: {  	s28 =	simm.s32 $_size_execute0_lowered;
	s4 =	sadd.s32 s4, s6;
	[dreg:$0x0] =	wrdreg $0x0  }
0xb7: {  	s6 =	sshll.u32 s28, $0x1;
	[dreg:$0x2] =	wrdreg s4  }
0xb8: {  	[dreg:$0x3] =	wrdreg s6  }
0xb9: {  	[dreg:$0x4] =	wrdreg $0xC0  }
0xba: {  	_ =	task [dreg:s22], $0x5FFFF  }
0xbb: {  	[dreg:$0x1] =	wrdreg $0xFFFFFFFF  }
0xbc: {  	[dreg:$0x0] =	wrdreg $0x60  }
0xbd: {  	[dreg:$0x2] =	wrdreg s24  }
0xbe: {  	[dreg:$0x3] =	wrdreg s18  }
0xbf: {  	[dreg:$0x4] =	wrdreg $0x31000  }
0xc0: {  	[dreg:$0x5] =	wrdreg $0x58C00  }
0xc1: {  	[dreg:$0x6] =	wrdreg $0x9  }
0xc2: {  	_ =	task.clear_ibuf [dreg:s22], $0x7FFFF;
	_ =	strace $0x90000049  }
0xc3: {  	s29 =	simm.s32 $0x9;
	_ =	strace $0x8000004B  }
0xc4: {  	_ =	swait.ge [sflag:s29], $0x1  }
0xc5: {  	[sflag:s29] =	ssyncadd.s32 $0xFFFFFFFF  }
0xc6: {  	_ =	strace $0x9000004B  }
0xc7: {  	_ =	sfence  }
0xc8: {  	s30 =	sld [smem:$0x0];
	_ =	sdelay $0x2  }
0xc9: {  	s31 =	sshll.u32 s1, $0xD;
	s1 =	sshrl.u32 s1, $0x2  }
0xca: {  	s4 =	sand.u32 $0x4000, s31;
	s1 =	sadd.s32 s1, s30  }
0xcb: {  	s0 =	sor.u32 s4, s0;
	s1 =	sshll.u32 s1, $0x11  }
0xcc: {  	s0 =	sor.u32 s1, s0  }
0xcd: {  	s0 =	sadd.s32 $0x8F2B, s0  }
0xce: {  	[sflag:s0] =	ssyncadd.remote.s32 $0x1  }
0xcf: {  	_ =	sfence.sel $0xFFFF  }
0xd0: {  	[dreg:$0x0] =	wrdreg $0xFFFFFFFF;
	(pc) =	sbr.abs _section_cstart, $3  }
0xd1: {  	[dreg:$0x1] =	wrdreg $0xFFFFFFFF  }
0xd2: {  	_ =	task.clear_ibuf [dreg:s22], $0x2FFFF;
	_ =	strace $0x9FFFFFFF  }
0xd3: {  	(tm) =	ssettm $0x7FFFFFFF  }
tec
execute0_lowered:
.L_overlay_start_1:
0x0: {  	(tag) =	ssettag $0x1  }
0x1: {  	s1 =	rddreg [dreg:$0x0]  }
0x2: {  	s0 =	srdreg.scid;
	s3 =	rddreg [dreg:$0x2]  }
0x3: {  	s18 =	stileid.u32;
	s4 =	rddreg [dreg:$0x3]  }
0x4: {  	s5 =	simm.s32 $0x0;
	s15 =	simm.s32 $0x1900;
	s16 =	simm.s32 $0x3  }
0x5: {  	s17 =	simm.s32 $0x2100;
	s21 =	simm.s32 $0x1;
	s22 =	simm.s32 $0x80  }
0x6: {  	s30 =	simm.s32 $0x1500;
	s31 =	simm.s32 $0x1580;
	s23 =	simm.s32 $0x1780  }
0x7: {  	s24 =	simm.s32 $0x1800;
	s28 =	simm.s32 $0x0;
	s9 =	smul.u32 $0x27C0, s18  }
0x8: {  	s0 =	sand.u32 $0x1, s0;
	s2 =	sshll.u32 s18, $0x1;
	s10 =	smul.u32 $0x4F80, s18  }
0x9: {  	[smem:$0x7FF] =	sst s5;
	s29 =	sshll.u32 s18, $0x6;
	s8 =	smul.u32 $0x27C00, s0  }
0xa: {  	s2 =	sor.u32 s0, s2;
	_ =	strace $0x8000004A;
	s12 =	smul.u32 $0x4F800, s0  }
0xb: {  	s0 =	ssub.s32 $0x2, s0;
	s18 =	sor.u32 $0x1C03, s29;
	s6 =	smul.u32 $0x280, s2  }
0xc: {  	s2 =	smul.u32 $0xA0, s2;
	s11 =	sshrl.u32 s9, $0x3;
	s13 =	sshrl.u32 s10, $0x3  }
0xd: {  	s25 =	sshrl.u32 s0, $0x1;
	s26 =	sadd.s32 s9, s3;
	s20 =	sadd.s32 s10, s4  }
0xe: {  	s11 =	sadd.s32 s11, s1;
	s13 =	sadd.s32 s13, s1;
	s8 =	sadd.s32 s9, s8  }
0xf: {  	s12 =	sadd.s32 s10, s12;
	s0 =	ssub.s32 s0, s25;
	s19 =	sshrl.u32 s26, $0x3  }
0x10: {  	s20 =	sshrl.u32 s20, $0x3;
	s25 =	simm.s32 $0x1880;
	s26 =	simm.s32 $0x2  }
0x11: {  	s7 =	sadd.s32 s6, s1;
	s2 =	sadd.s32 s2, s1;
	s6 =	sadd.s32 $0x70400, s1  }
0x12: {  	s8 =	sshrl.u32 s8, $0x3;
	s12 =	sshrl.u32 s12, $0x3;
	s9 =	sadd.s32 $0x6B400, s11  }
0x13: {  	s10 =	sadd.s32 $0x70600, s13;
	s13 =	smax.u32 s0, $0x1;
	s0 =	simm.s32 $0x1680  }
0x14: {  	s14 =	sadd.s32 s8, s1;
	s1 =	sadd.s32 s12, s1;
	s7 =	sadd.s32 $0x65000, s7  }
0x15: {  	s8 =	sadd.s32 $0x6A000, s2;
	s2 =	simm.s32 $0x1700;
	s11 =	sadd.s32 $0x7A600, s14  }
0x16: {  	s12 =	sadd.s32 $0x84600, s1;
	s14 =	simm.s32 $0x1400;
	s1 =	simm.s32 $0x1600  }
.LBB2_1:
0x17: {  	[tilespmem:s5], [sflag:$0x1] =	stream.linear.gather [hbm4b:s7+s5], $0x1400, $0x38;
	[tilespmem:$0xA840] =	vst v63  }
0x18: {  	_ = 	snop  }
0x19: {  	[tilespmem:s14], [sflag:$0x1] =	stream.linear.gather [hbm4b:s8+s5], $0x500, $0x38;
	[tilespmem:$0xA840] =	vst v63  }
0x1a: {  	_ = 	snop  }
0x1b: {  	[tilespmem:s15], [sflag:$0x3] =	stream.linear.gather [hbm4b:s6+s5], $0x800, $0x38;
	[tilespmem:$0xA840] =	vst v63  }
0x1c: {  	_ =	swait.ge [sflag:s16], $0x800  }
0x1d: {  	[sflag:s16] =	ssyncset.done $0x0  }
0x1e: {  	[sflag:s16] =	ssyncadd.s32 $0xFFFFF800  }
0x1f: {  	s29 =	rddreg [dreg:$0x1]  }
0x20: {  	[tilespmem:s17], [sflag:$0x3] =	stream.linear.gather [hbm4b:s29+s5], $0x1000, $0x38;
	[tilespmem:$0xA840] =	vst v63  }
0x21: {  	_ =	swait.ge [sflag:s16], $0x1000  }
0x22: {  	[sflag:s16] =	ssyncset.done $0x0  }
0x23: {  	[sflag:s16] =	ssyncadd.s32 $0xFFFFF000  }
0x24: {  	[spmem:s19], [sflag:s18] =	dma.local [hbm:s9], $0x4F8  }
0x25: {  	_ =	swait.ge [sflag:s16], $0x4F8  }
0x26: {  	[sflag:s16] =	ssyncset.done $0x0  }
0x27: {  	[sflag:s16] =	ssyncadd.s32 $0xFFFFFB08  }
0x28: {  	[spmem:s20], [sflag:s18] =	dma.local [hbm:s10], $0x9F0  }
0x29: {  	_ =	swait.ge [sflag:s16], $0x9F0  }
0x2a: {  	[sflag:s16] =	ssyncset.done $0x0  }
0x2b: {  	[sflag:s16] =	ssyncadd.s32 $0xFFFFF610  }
0x2c: {  	[bflag:$0x0] =	sbarrier.arrive $0xFFFF  }
0x2d: {  	_ =	swait.ge [sflag:s21], $0x1400  }
0x2e: {  	[sflag:s21] =	ssyncset.done $0x0  }
0x2f: {  	[sflag:s21] =	ssyncadd.s32 $0xFFFFEC00  }
0x30: {  	_ =	swait.ge [sflag:s21], $0x500  }
0x31: {  	[sflag:s21] =	ssyncset.done $0x0  }
0x32: {  	[sflag:s21] =	ssyncadd.s32 $0xFFFFFB00  }
0x33: {  	[spmem:s3] =	stream.indirect.scatter.add.f32 [tilespmem:s15], [sflag:$0x2], $0x10, s5, s22, $0xb8;
	[tilespmem:$0xA840] =	vst v63  }
0x34: {  	_ = 	snop  }
0x35: {  	[spmem:s3] =	stream.indirect.scatter.add.f32 [tilespmem:s15], [sflag:$0x2], $0x10, s22, s22, $0xb8;
	[tilespmem:$0xA840] =	vst v63  }
0x36: {  	s29 =	simm.s32 $0x100  }
0x37: {  	[spmem:s3] =	stream.indirect.scatter.add.f32 [tilespmem:s15], [sflag:$0x2], $0x10, s29, s22, $0xb8;
	[tilespmem:$0xA840] =	vst v63  }
0x38: {  	s29 =	simm.s32 $0x180  }
0x39: {  	[spmem:s3] =	stream.indirect.scatter.add.f32 [tilespmem:s15], [sflag:$0x2], $0x10, s29, s22, $0xb8;
	[tilespmem:$0xA840] =	vst v63  }
0x3a: {  	s29 =	simm.s32 $0x200  }
0x3b: {  	[spmem:s3] =	stream.indirect.scatter.add.f32 [tilespmem:s15], [sflag:$0x2], $0x10, s29, s22, $0xb8;
	[tilespmem:$0xA840] =	vst v63  }
0x3c: {  	s29 =	simm.s32 $0x280  }
0x3d: {  	[spmem:s3] =	stream.indirect.scatter.add.f32 [tilespmem:s15], [sflag:$0x2], $0x10, s29, s22, $0xb8;
	[tilespmem:$0xA840] =	vst v63  }
0x3e: {  	s29 =	simm.s32 $0x300  }
0x3f: {  	[spmem:s3] =	stream.indirect.scatter.add.f32 [tilespmem:s15], [sflag:$0x2], $0x10, s29, s22, $0xb8;
	[tilespmem:$0xA840] =	vst v63  }
0x40: {  	s29 =	simm.s32 $0x380  }
0x41: {  	[spmem:s3] =	stream.indirect.scatter.add.f32 [tilespmem:s15], [sflag:$0x2], $0x10, s29, s22, $0xb8;
	[tilespmem:$0xA840] =	vst v63  }
0x42: {  	s29 =	simm.s32 $0x400  }
0x43: {  	[spmem:s3] =	stream.indirect.scatter.add.f32 [tilespmem:s15], [sflag:$0x2], $0x10, s29, s22, $0xb8;
	[tilespmem:$0xA840] =	vst v63  }
0x44: {  	s29 =	simm.s32 $0x480  }
0x45: {  	[spmem:s3] =	stream.indirect.scatter.add.f32 [tilespmem:s15], [sflag:$0x2], $0x10, s29, s22, $0xb8;
	[tilespmem:$0xA840] =	vst v63  }
0x46: {  	s29 =	simm.s32 $0x500  }
0x47: {  	[spmem:s3] =	stream.indirect.scatter.add.f32 [tilespmem:s15], [sflag:$0x2], $0x10, s29, s22, $0xb8;
	[tilespmem:$0xA840] =	vst v63  }
0x48: {  	s29 =	simm.s32 $0x580  }
0x49: {  	[spmem:s3] =	stream.indirect.scatter.add.f32 [tilespmem:s15], [sflag:$0x2], $0x10, s29, s22, $0xb8;
	[tilespmem:$0xA840] =	vst v63  }
0x4a: {  	s29 =	simm.s32 $0x600  }
0x4b: {  	[spmem:s3] =	stream.indirect.scatter.add.f32 [tilespmem:s15], [sflag:$0x2], $0x10, s29, s22, $0xb8;
	[tilespmem:$0xA840] =	vst v63  }
0x4c: {  	s29 =	simm.s32 $0x680  }
0x4d: {  	[spmem:s3] =	stream.indirect.scatter.add.f32 [tilespmem:s15], [sflag:$0x2], $0x10, s29, s22, $0xb8;
	[tilespmem:$0xA840] =	vst v63  }
0x4e: {  	s29 =	simm.s32 $0x700  }
0x4f: {  	[spmem:s3] =	stream.indirect.scatter.add.f32 [tilespmem:s15], [sflag:$0x2], $0x10, s29, s22, $0xb8;
	[tilespmem:$0xA840] =	vst v63  }
0x50: {  	s29 =	simm.s32 $0x780  }
0x51: {  	[spmem:s3] =	stream.indirect.scatter.add.f32 [tilespmem:s15], [sflag:$0x2], $0x10, s29, s22, $0xb8;
	[tilespmem:$0xA840] =	vst v63  }
0x52: {  	s29 =	simm.s32 $0x800  }
0x53: {  	[spmem:s3] =	stream.indirect.scatter.add.f32 [tilespmem:s15], [sflag:$0x2], $0x10, s29, s22, $0xb8;
	[tilespmem:$0xA840] =	vst v63  }
0x54: {  	s29 =	simm.s32 $0x880  }
0x55: {  	[spmem:s3] =	stream.indirect.scatter.add.f32 [tilespmem:s15], [sflag:$0x2], $0x10, s29, s22, $0xb8;
	[tilespmem:$0xA840] =	vst v63  }
0x56: {  	s29 =	simm.s32 $0x900  }
0x57: {  	[spmem:s3] =	stream.indirect.scatter.add.f32 [tilespmem:s15], [sflag:$0x2], $0x10, s29, s22, $0xb8;
	[tilespmem:$0xA840] =	vst v63  }
0x58: {  	s29 =	simm.s32 $0x980  }
0x59: {  	[spmem:s3] =	stream.indirect.scatter.add.f32 [tilespmem:s15], [sflag:$0x2], $0x10, s29, s22, $0xb8;
	[tilespmem:$0xA840] =	vst v63  }
0x5a: {  	s29 =	simm.s32 $0xA00  }
0x5b: {  	[spmem:s3] =	stream.indirect.scatter.add.f32 [tilespmem:s15], [sflag:$0x2], $0x10, s29, s22, $0xb8;
	[tilespmem:$0xA840] =	vst v63  }
0x5c: {  	s29 =	simm.s32 $0xA80  }
0x5d: {  	[spmem:s3] =	stream.indirect.scatter.add.f32 [tilespmem:s15], [sflag:$0x2], $0x10, s29, s22, $0xb8;
	[tilespmem:$0xA840] =	vst v63  }
0x5e: {  	s29 =	simm.s32 $0xB00  }
0x5f: {  	[spmem:s3] =	stream.indirect.scatter.add.f32 [tilespmem:s15], [sflag:$0x2], $0x10, s29, s22, $0xb8;
	[tilespmem:$0xA840] =	vst v63  }
0x60: {  	s29 =	simm.s32 $0xB80  }
0x61: {  	[spmem:s3] =	stream.indirect.scatter.add.f32 [tilespmem:s15], [sflag:$0x2], $0x10, s29, s22, $0xb8;
	[tilespmem:$0xA840] =	vst v63  }
0x62: {  	s29 =	simm.s32 $0xC00  }
0x63: {  	[spmem:s3] =	stream.indirect.scatter.add.f32 [tilespmem:s15], [sflag:$0x2], $0x10, s29, s22, $0xb8;
	[tilespmem:$0xA840] =	vst v63  }
0x64: {  	s29 =	simm.s32 $0xC80  }
0x65: {  	[spmem:s3] =	stream.indirect.scatter.add.f32 [tilespmem:s15], [sflag:$0x2], $0x10, s29, s22, $0xb8;
	[tilespmem:$0xA840] =	vst v63  }
0x66: {  	s29 =	simm.s32 $0xD00  }
0x67: {  	[spmem:s3] =	stream.indirect.scatter.add.f32 [tilespmem:s15], [sflag:$0x2], $0x10, s29, s22, $0xb8;
	[tilespmem:$0xA840] =	vst v63  }
0x68: {  	s29 =	simm.s32 $0xD80  }
0x69: {  	[spmem:s3] =	stream.indirect.scatter.add.f32 [tilespmem:s15], [sflag:$0x2], $0x10, s29, s22, $0xb8;
	[tilespmem:$0xA840] =	vst v63  }
0x6a: {  	s29 =	simm.s32 $0xE00  }
0x6b: {  	[spmem:s3] =	stream.indirect.scatter.add.f32 [tilespmem:s15], [sflag:$0x2], $0x10, s29, s22, $0xb8;
	[tilespmem:$0xA840] =	vst v63  }
0x6c: {  	s29 =	simm.s32 $0xE80  }
0x6d: {  	[spmem:s3] =	stream.indirect.scatter.add.f32 [tilespmem:s15], [sflag:$0x2], $0x10, s29, s22, $0xb8;
	[tilespmem:$0xA840] =	vst v63  }
0x6e: {  	s29 =	simm.s32 $0xF00  }
0x6f: {  	[spmem:s3] =	stream.indirect.scatter.add.f32 [tilespmem:s15], [sflag:$0x2], $0x10, s29, s22, $0xb8;
	[tilespmem:$0xA840] =	vst v63  }
0x70: {  	s29 =	simm.s32 $0xF80  }
0x71: {  	[spmem:s3] =	stream.indirect.scatter.add.f32 [tilespmem:s15], [sflag:$0x2], $0x10, s29, s22, $0xb8;
	[tilespmem:$0xA840] =	vst v63  }
0x72: {  	s29 =	simm.s32 $0x1000  }
0x73: {  	[spmem:s3] =	stream.indirect.scatter.add.f32 [tilespmem:s15], [sflag:$0x2], $0x10, s29, s22, $0xb8;
	[tilespmem:$0xA840] =	vst v63  }
0x74: {  	s29 =	simm.s32 $0x1080  }
0x75: {  	[spmem:s3] =	stream.indirect.scatter.add.f32 [tilespmem:s15], [sflag:$0x2], $0x10, s29, s22, $0xb8;
	[tilespmem:$0xA840] =	vst v63  }
0x76: {  	s29 =	simm.s32 $0x1100  }
0x77: {  	[spmem:s3] =	stream.indirect.scatter.add.f32 [tilespmem:s15], [sflag:$0x2], $0x10, s29, s22, $0xb8;
	[tilespmem:$0xA840] =	vst v63  }
0x78: {  	s29 =	simm.s32 $0x1180  }
0x79: {  	[spmem:s3] =	stream.indirect.scatter.add.f32 [tilespmem:s15], [sflag:$0x2], $0x10, s29, s22, $0xb8;
	[tilespmem:$0xA840] =	vst v63  }
0x7a: {  	s29 =	simm.s32 $0x1200  }
0x7b: {  	[spmem:s3] =	stream.indirect.scatter.add.f32 [tilespmem:s15], [sflag:$0x2], $0x10, s29, s22, $0xb8;
	[tilespmem:$0xA840] =	vst v63  }
0x7c: {  	s29 =	simm.s32 $0x1280  }
0x7d: {  	[spmem:s3] =	stream.indirect.scatter.add.f32 [tilespmem:s15], [sflag:$0x2], $0x10, s29, s22, $0xb8;
	[tilespmem:$0xA840] =	vst v63  }
0x7e: {  	s29 =	simm.s32 $0x1300  }
0x7f: {  	[spmem:s3] =	stream.indirect.scatter.add.f32 [tilespmem:s15], [sflag:$0x2], $0x10, s29, s22, $0xb8;
	[tilespmem:$0xA840] =	vst v63  }
0x80: {  	s29 =	simm.s32 $0x1380  }
0x81: {  	[spmem:s3] =	stream.indirect.scatter.add.f32 [tilespmem:s15], [sflag:$0x2], $0x10, s29, s22, $0xb8;
	[tilespmem:$0xA840] =	vst v63  }
0x82: {  	_ = 	snop  }
0x83: {  	[spmem:s4] =	stream.indirect.scatter.add.f32 [tilespmem:s17], [sflag:$0x2], $0x20, s14, s22, $0xb8;
	[tilespmem:$0xA840] =	vst v63  }
0x84: {  	s29 =	simm.s32 $0x1480  }
0x85: {  	[spmem:s4] =	stream.indirect.scatter.add.f32 [tilespmem:s17], [sflag:$0x2], $0x20, s29, s22, $0xb8;
	[tilespmem:$0xA840] =	vst v63  }
0x86: {  	_ = 	snop  }
0x87: {  	[spmem:s4] =	stream.indirect.scatter.add.f32 [tilespmem:s17], [sflag:$0x2], $0x20, s30, s22, $0xb8;
	[tilespmem:$0xA840] =	vst v63  }
0x88: {  	_ = 	snop  }
0x89: {  	[spmem:s4] =	stream.indirect.scatter.add.f32 [tilespmem:s17], [sflag:$0x2], $0x20, s31, s22, $0xb8;
	[tilespmem:$0xA840] =	vst v63  }
0x8a: {  	_ = 	snop  }
0x8b: {  	[spmem:s4] =	stream.indirect.scatter.add.f32 [tilespmem:s17], [sflag:$0x2], $0x20, s1, s22, $0xb8;
	[tilespmem:$0xA840] =	vst v63  }
0x8c: {  	_ = 	snop  }
0x8d: {  	[spmem:s4] =	stream.indirect.scatter.add.f32 [tilespmem:s17], [sflag:$0x2], $0x20, s0, s22, $0xb8;
	[tilespmem:$0xA840] =	vst v63  }
0x8e: {  	_ = 	snop  }
0x8f: {  	[spmem:s4] =	stream.indirect.scatter.add.f32 [tilespmem:s17], [sflag:$0x2], $0x20, s2, s22, $0xb8;
	[tilespmem:$0xA840] =	vst v63  }
0x90: {  	_ = 	snop  }
0x91: {  	[spmem:s4] =	stream.indirect.scatter.add.f32 [tilespmem:s17], [sflag:$0x2], $0x20, s23, s22, $0xb8;
	[tilespmem:$0xA840] =	vst v63  }
0x92: {  	_ = 	snop  }
0x93: {  	[spmem:s4] =	stream.indirect.scatter.add.f32 [tilespmem:s17], [sflag:$0x2], $0x20, s24, s22, $0xb8;
	[tilespmem:$0xA840] =	vst v63  }
0x94: {  	_ = 	snop  }
0x95: {  	[spmem:s4] =	stream.indirect.scatter.add.f32 [tilespmem:s17], [sflag:$0x2], $0x20, s25, s22, $0xb8;
	[tilespmem:$0xA840] =	vst v63  }
0x96: {  	_ =	swait.ge [sflag:s26], $0x800  }
0x97: {  	s29 =	simm.s32 $0x27;
	[sflag:s26] =	ssyncset.done $0x0  }
.LBB2_2:
0x98: {  	p0 =	sne.s32 s29, $0x1;
	s29 =	sadd.s32 $0xFFFFFFFF, s29;
	[sflag:s26] =	ssyncadd.s32 $0xFFFFF800  }
.Ltmp0:
0x99: {  	(pc) =	sbr.rel @p0 .LBB2_2-.Ltmp0, $3  }
0x9a: {  	_ =	sdelay $0x1  }
0x9b: {  	_ =	swait.ge [sflag:s26], $0x800  }
0x9c: {  	[sflag:s26] =	ssyncset.done $0x0  }
0x9d: {  	[sflag:s26] =	ssyncadd.s32 $0xFFFFF800  }
0x9e: {  	_ =	swait.ge [sflag:s26], $0x1000  }
0x9f: {  	[sflag:s26] =	ssyncset.done $0x0  }
0xa0: {  	[sflag:s26] =	ssyncadd.s32 $0xFFFFF000  }
0xa1: {  	_ =	swait.ge [sflag:s26], $0x1000  }
0xa2: {  	[sflag:s26] =	ssyncset.done $0x0  }
0xa3: {  	[sflag:s26] =	ssyncadd.s32 $0xFFFFF000  }
0xa4: {  	_ =	swait.ge [sflag:s26], $0x1000  }
0xa5: {  	[sflag:s26] =	ssyncset.done $0x0  }
0xa6: {  	[sflag:s26] =	ssyncadd.s32 $0xFFFFF000  }
0xa7: {  	_ =	swait.ge [sflag:s26], $0x1000  }
0xa8: {  	[sflag:s26] =	ssyncset.done $0x0  }
0xa9: {  	[sflag:s26] =	ssyncadd.s32 $0xFFFFF000  }
0xaa: {  	_ =	swait.ge [sflag:s26], $0x1000  }
0xab: {  	[sflag:s26] =	ssyncset.done $0x0  }
0xac: {  	[sflag:s26] =	ssyncadd.s32 $0xFFFFF000  }
0xad: {  	_ =	swait.ge [sflag:s26], $0x1000  }
0xae: {  	[sflag:s26] =	ssyncset.done $0x0  }
0xaf: {  	[sflag:s26] =	ssyncadd.s32 $0xFFFFF000  }
0xb0: {  	_ =	swait.ge [sflag:s26], $0x1000  }
0xb1: {  	[sflag:s26] =	ssyncset.done $0x0  }
0xb2: {  	[sflag:s26] =	ssyncadd.s32 $0xFFFFF000  }
0xb3: {  	_ =	swait.ge [sflag:s26], $0x1000  }
0xb4: {  	[sflag:s26] =	ssyncset.done $0x0  }
0xb5: {  	[sflag:s26] =	ssyncadd.s32 $0xFFFFF000  }
0xb6: {  	_ =	swait.ge [sflag:s26], $0x1000  }
0xb7: {  	[sflag:s26] =	ssyncset.done $0x0  }
0xb8: {  	[sflag:s26] =	ssyncadd.s32 $0xFFFFF000  }
0xb9: {  	_ =	swait.ge [sflag:s26], $0x1000  }
0xba: {  	[sflag:s26] =	ssyncset.done $0x0  }
0xbb: {  	[sflag:s26] =	ssyncadd.s32 $0xFFFFF000  }
0xbc: {  	[bflag:$0x0] =	sbarrier.arrive $0xFFFF  }
0xbd: {  	[hbm:s11], [sflag:s18] =	dma.local [spmem:s19], $0x4F8  }
0xbe: {  	s28 =	sadd.s32 $0x1, s28;
	_ =	swait.ge [sflag:s16], $0x4F8  }
0xbf: {  	p0 =	sne.s32 s28, s13;
	[sflag:s16] =	ssyncset.done $0x0  }
.Ltmp1:
0xc0: {  	[sflag:s16] =	ssyncadd.s32 $0xFFFFFB08;
	(pc) =	sbr.rel @p0 .LBB2_1-.Ltmp1, $4  }
0xc1: {  	[hbm:s12], [sflag:s18] =	dma.local [spmem:s20], $0x9F0  }
0xc2: {  	_ =	swait.ge [sflag:s16], $0x9F0  }
0xc3: {  	[sflag:s16] =	ssyncset.done $0x0  }
0xc4: {  	[sflag:s16] =	ssyncadd.s32 $0xFFFFF610  }
0xc5: {  	_ =	sfence.sel $0x180000  }
0xc6: {  	[bflag:$0x0] =	sbarrier.arrive $0xFFFF  }
0xc7: {  	_ =	strace $0x9000004A  }
0xc8: {  	s0 =	stileid.u32;
	[bflag:$0x2] =	sbarrier.arrive $0xFFFF  }
0xc9: {  	p0 =	sne.s32 s0, $0x0;
	s0 =	rddreg [dreg:$0x4]  }
0xca: {  	s0 =	sadd.s32 @!p0 $0x100000, s0  }
0xcb: {  	[sflag:s0] =	ssyncadd.tile.s32 @!p0 $0x1;
	_ =	shalt  }
.Lfunc_end2:
_tile_overlayer_lowered:
.L_overlay_start_2:
0xcc: {  	(tag) =	ssettag $0x2  }
0xcd: {  	s0 =	rddreg [dreg:$0x0];
	s2 =	stileid.u32  }
0xce: {  	s1 =	rddreg [dreg:$0x1];
	p0 =	sne.s32 s2, $0x0  }
0xcf: {  	s3 =	rddreg [dreg:$0x2];
	[bflag:$0x3] =	sbarrier.arrive $0xFFFF;
	s2 =	simm.s32 @!p0 $0x1C03  }
0xd0: {  	[timem:s3], [sflag:s2] =	dma.local @!p0 [hbm:s0], s1  }
0xd1: {  	s0 =	simm.s32 @!p0 $0x3  }
0xd2: {  	_ =	swait.ge @!p0 [sflag:s0], s1  }
0xd3: {  	s1 =	ssub.s32 @!p0 $0x0, s1;
	[sflag:s0] =	ssyncset.done @!p0 $0x0  }
0xd4: {  	[sflag:s0] =	ssyncadd.s32 @!p0 s1  }
0xd5: {  	[bflag:$0x3] =	sbarrier.arrive $0xFFFF  }
0xd6: {  	_ =	shalt  }

// kernel: kernel.25.cloned.1.call-start
scs
__scs_entry_jumppad:
0x0: {  	(pc) =	sbr.rel $0x88, $3  }
0x1: {  	(tag) =	ssettag $0x0;
	lr =	simm.s32 $0x1  }
0x2: {  	[smem:$0x3F80] =	sst lr;
	_ =	strace $0xD0000000  }
0x3: {  	_ = 	snop  }
0x4: {  	_ = 	snop  }
0x5: {  	_ = 	snop  }
0x6: {  	_ = 	snop  }
0x7: {  	_ = 	snop  }
__scs_overlays_trampoline_lowered:
0x8: {  	[smem:$0x3F8F] =	sst s0  }
0x9: {  	[smem:$0x3F90] =	sst s1  }
0xa: {  	[smem:$0x3F91] =	sst s2  }
0xb: {  	[smem:$0x3F92] =	sst s3  }
0xc: {  	[smem:$0x3F93] =	sst s4  }
0xd: {  	[smem:$0x3F94] =	sst s5  }
0xe: {  	[smem:$0x3F95] =	sst s6  }
0xf: {  	[smem:$0x3F96] =	sst s7  }
0x10: {  	[smem:$0x3F97] =	sst s8  }
0x11: {  	[smem:$0x3F98] =	sst s9;
	s0 =	simm.s32 @!p0 $0x0  }
0x12: {  	s1 =	sld [smem:$0x3F7E];
	s0 =	simm.s32 @p0 $0x1  }
0x13: {  	[smem:$0x3F99] =	sst s0;
	s0 =	simm.s32 @!p1 $0x0  }
0x14: {  	s2 =	sld [smem:$0x3F7D];
	s0 =	simm.s32 @p1 $0x1  }
0x15: {  	[smem:$0x3F9A] =	sst s0;
	s0 =	simm.s32 @!p2 $0x0  }
0x16: {  	s3 =	sld [smem:$0x3FDB];
	s0 =	simm.s32 @p2 $0x1  }
0x17: {  	s4 =	simm.s32 $0x1BF5;
	[smem:$0x3F9C] =	sst s0  }
0x18: {  	s0 =	sld [smem:$0x3F7F];
	_ =	swait.ge [sflag:s4], $0x0  }
0x19: {  	s7 =	sld [smem:$0x3F80]  }
0x1a: {  	s8 =	sadd.s32 $0xFFFFE003, lr  }
0x1b: {  	s9 =	sadd.s32 $0xFFFFFEF7, lr;
	s5 =	simm.s32 $0xFFFFFFFF;
	p2 =	slt.u32 s8, $0xFFFFF086  }
0x1c: {  	p1 =	slt.u32 s9, $0xF7A;
	s5 =	simm.s32 @!p2 $0x0  }
0x1d: {  	s5 =	simm.s32 @p1 $0x1;
	p0 =	seq.s32 s7, s2  }
0x1e: {  	s7 =	smul.u32 @!p0 $0xF7A, s2;
	p2 =	seq.s32 @!p0 s5, $0x0  }
0x1f: {  	s9 =	smul.u32 $0xF7A, s1;
	s8 =	simm.s32 @!p0 $0x1BF5;
	p2 =	por !p2, p0  }
0x20: {  	[sflag:s8] =	ssyncset.s32 @!p0 $0xFFFFF086;
	s6 =	sadd.s32 @!p0 s3, s7;
	s7 =	simm.s32 @!p0 $0x108  }
0x21: {  	s3 =	sadd.s32 s3, s9;
	s6 =	sadd.s32 @!p0 $0x88, s6;
	s7 =	simm.s32 @p2 $0x1082  }
0x22: {  	[simem:s7], [sflag:s8] =	dma.local @!p0 [hbm:s6], $0xF7A  }
0x23: {  	s9 =	sor.u32 $0xD0000000, s2;
	s6 =	simm.s32 $0x108;
	_ =	swait.ge @!p0 [sflag:s8], $0x0  }
0x24: {  	s3 =	sadd.s32 $0x88, s3;
	s6 =	simm.s32 @!p1 $0x1082;
	[sflag:s4] =	ssyncset.s32 $0xFFFFF086  }
0x25: {  	[simem:s6], [sflag:s4] =	dma.local [hbm:s3], $0xF7A  }
0x26: {  	[smem:$0x3F80] =	sst s1;
	(tag) =	ssettag s2;
	_ =	strace s9  }
0x27: {  	s1 =	sld [smem:$0x3F90]  }
0x28: {  	s2 =	sld [smem:$0x3F91]  }
0x29: {  	s4 =	sld [smem:$0x3F93]  }
0x2a: {  	p0 =	seq.s32 s5, $0x0;
	s5 =	sld [smem:$0x3F94]  }
0x2b: {  	s6 =	sld [smem:$0x3F95]  }
0x2c: {  	s7 =	sld [smem:$0x3F96]  }
0x2d: {  	s3 =	simm.s32 $0x108;
	s8 =	sld [smem:$0x3F97]  }
0x2e: {  	s3 =	simm.s32 @!p0 $0x1082;
	s9 =	sld [smem:$0x3F98]  }
0x2f: {  	lr =	sadd.s32 s0, s3;
	s0 =	sld [smem:$0x3F8F]  }
0x30: {  	s3 =	sld [smem:$0x3F92]  }
0x31: {  	[smem:$0x3F9B] =	sst s10  }
0x32: {  	s10 =	sld [smem:$0x3F99];
	_ =	sdelay $0x3  }
0x33: {  	p0 =	seq.s32 s10, $0x1;
	s10 =	sld [smem:$0x3F9B];
	_ =	sdelay $0x3  }
0x34: {  	[smem:$0x3F9B] =	sst s10  }
0x35: {  	s10 =	sld [smem:$0x3F9A];
	_ =	sdelay $0x3  }
0x36: {  	p1 =	seq.s32 s10, $0x1;
	s10 =	sld [smem:$0x3F9B];
	_ =	sdelay $0x3  }
0x37: {  	[smem:$0x3F9B] =	sst s10  }
0x38: {  	s10 =	sld [smem:$0x3F9C]  }
0x39: {  	_ = 	snop;
	(pc) =	sbr.ind lr, $3  }
0x3a: {  	_ = 	snop  }
0x3b: {  	_ = 	snop  }
0x3c: {  	p2 =	seq.s32 s10, $0x1;
	s10 =	sld [smem:$0x3F9B]  }
0x3d: {  	_ =	shalt  }
0x3e: {  	_ =	shalt  }
0x3f: {  	_ =	shalt  }
0x40: {  	_ =	shalt  }
0x41: {  	_ =	shalt  }
0x42: {  	_ =	shalt  }
0x43: {  	_ =	shalt  }
0x44: {  	_ =	shalt  }
0x45: {  	_ =	shalt  }
0x46: {  	_ =	shalt  }
0x47: {  	_ =	shalt  }
0x48: {  	_ =	shalt  }
0x49: {  	_ =	shalt  }
0x4a: {  	_ =	shalt  }
0x4b: {  	_ =	shalt  }
0x4c: {  	_ =	shalt  }
0x4d: {  	_ =	shalt  }
0x4e: {  	_ =	shalt  }
0x4f: {  	_ =	shalt  }
0x50: {  	_ =	shalt  }
0x51: {  	_ =	shalt  }
0x52: {  	_ =	shalt  }
0x53: {  	_ =	shalt  }
0x54: {  	_ =	shalt  }
0x55: {  	_ =	shalt  }
0x56: {  	_ =	shalt  }
0x57: {  	_ =	shalt  }
0x58: {  	_ =	shalt  }
0x59: {  	_ =	shalt  }
0x5a: {  	_ =	shalt  }
0x5b: {  	_ =	shalt  }
0x5c: {  	_ =	shalt  }
0x5d: {  	_ =	shalt  }
0x5e: {  	_ =	shalt  }
0x5f: {  	_ =	shalt  }
0x60: {  	_ =	shalt  }
0x61: {  	_ =	shalt  }
0x62: {  	_ =	shalt  }
0x63: {  	_ =	shalt  }
0x64: {  	_ =	shalt  }
0x65: {  	_ =	shalt  }
0x66: {  	_ =	shalt  }
0x67: {  	_ =	shalt  }
0x68: {  	_ =	shalt  }
0x69: {  	_ =	shalt  }
0x6a: {  	_ =	shalt  }
0x6b: {  	_ =	shalt  }
0x6c: {  	_ =	shalt  }
0x6d: {  	_ =	shalt  }
0x6e: {  	_ =	shalt  }
0x6f: {  	_ =	shalt  }
0x70: {  	_ =	shalt  }
0x71: {  	_ =	shalt  }
0x72: {  	_ =	shalt  }
0x73: {  	_ =	shalt  }
0x74: {  	_ =	shalt  }
0x75: {  	_ =	shalt  }
0x76: {  	_ =	shalt  }
0x77: {  	_ =	shalt  }
0x78: {  	_ =	shalt  }
0x79: {  	_ =	shalt  }
0x7a: {  	_ =	shalt  }
0x7b: {  	_ =	shalt  }
0x7c: {  	_ =	shalt  }
0x7d: {  	_ =	shalt  }
0x7e: {  	_ =	shalt  }
0x7f: {  	_ =	shalt  }
0x80: {  	_ =	shalt  }
0x81: {  	_ =	shalt  }
0x82: {  	_ =	shalt  }
0x83: {  	_ =	shalt  }
0x84: {  	_ =	shalt  }
0x85: {  	_ =	shalt  }
0x86: {  	_ =	shalt  }
0x87: {  	_ =	shalt  }
.Lfunc_end0:
.L_simem_size_0:
called_computation.1_lowered:
.L_overlay_start_0:
0x88: {  	s2 =	sld [smem:$0x3FD9]  }
0x89: {  	s3 =	sld [smem:$0x3FFE];
	_ =	sdelay $0x1  }
0x8a: {  	s1 =	srdreg.scid  }
0x8b: {  	s0 =	sand.u32 $0x1, s1  }
0x8c: {  	s16 =	sshll.u32 s0, $0xA;
	s2 =	sadd.s32 s3, s2  }
0x8d: {  	s2 =	sadd.s32 s2, s16  }
0x8e: {  	[smem:$0x3FA7] =	sst s2  }
0x8f: {  	_ = 	snop  }
0x90: {  	(tm) =	ssettm $0x1  }
0x91: {  	s17 =	sld [smem:$0x3FFB];
	_ =	sdelay $0x3  }
0x92: {  	_ =	strace s17  }
0x93: {  	s2 =	sld [smem:$0x3FFC];
	_ =	sdelay $0x3  }
0x94: {  	_ =	strace s2  }
0x95: {  	s2 =	sld [smem:$0x3FFD];
	_ =	sdelay $0x3  }
0x96: {  	_ =	strace s2  }
0x97: {  	_ =	strace $0x8FFFFFFF  }
0x98: {  	s18 =	sld [smem:$0x3FDB];
	_ =	sdelay $0x1  }
0x99: {  	s19 =	simm.s32 $_scs_section_size  }
0x9a: {  	s4 =	simm.s32 $_size__tile_overlayer_lowered;
	s5 =	simm.s32 $_tile_overlayer_lowered  }
0x9b: {  	s22 =	simm.s32 $0x1BFF;
	s21 =	sshll.u32 s5, $0x1;
	s2 =	sadd.s32 s19, s18  }
0x9c: {  	s6 =	simm.s32 $0x0;
	s20 =	sshll.u32 s4, $0x1;
	s4 =	sadd.s32 s21, s2  }
0x9d: {  	[timem:s6], [sflag:s22] =	dma.local [hbm:s4], s20  }
0x9e: {  	_ =	swait.ge [sflag:s22], s20  }
0x9f: {  	s3 =	ssub.s32 $0x0, s20;
	[sflag:s22] =	ssyncset.done $0x0  }
0xa0: {  	[sflag:s22] =	ssyncadd.s32 s3;
	_ =	sdelay $0x1  }
0xa1: {  	s23 =	simm.s32 $0x1B8B  }
0xa2: {  	_ =	swait.ge [sflag:s23], $0x1  }
0xa3: {  	[sflag:s23] =	ssyncset.done $0x0  }
0xa4: {  	s25 =	simm.s32 $0x1B8E;
	s24 =	sld [smem:$0x3FFE];
	[sflag:s23] =	ssyncadd.s32 $0xFFFFFFFF  }
0xa5: {  	s26 =	simm.s32 $execute0_lowered;
	[smem:$0x3FD2] =	sst s25  }
0xa6: {  	s4 =	sshll.u32 s26, $0x1;
	_ =	strace $0x80000046;
	[dreg:$0x1] =	wrdreg $0xFFFFFFFF  }
0xa7: {  	s28 =	simm.s32 $_size_execute0_lowered;
	s2 =	sadd.s32 s2, s4;
	[dreg:$0x0] =	wrdreg $0x0  }
0xa8: {  	s4 =	sshll.u32 s28, $0x1;
	[dreg:$0x2] =	wrdreg s2  }
0xa9: {  	[dreg:$0x3] =	wrdreg s4  }
0xaa: {  	[dreg:$0x4] =	wrdreg $0xC0  }
0xab: {  	_ =	task [dreg:s6], $0x5FFFF  }
0xac: {  	[dreg:$0x1] =	wrdreg $0xFFFFFFFF  }
0xad: {  	[dreg:$0x0] =	wrdreg $0x60  }
0xae: {  	[dreg:$0x2] =	wrdreg s24  }
0xaf: {  	[dreg:$0x3] =	wrdreg $0x154000  }
0xb0: {  	[dreg:$0x4] =	wrdreg $0xA  }
0xb1: {  	_ =	task.clear_ibuf [dreg:s6], $0x5FFFF;
	_ =	strace $0x90000046  }
0xb2: {  	s29 =	simm.s32 $0xA;
	_ =	strace $0x80000048  }
0xb3: {  	_ =	swait.ge [sflag:s29], $0x1  }
0xb4: {  	[sflag:s29] =	ssyncadd.s32 $0xFFFFFFFF  }
0xb5: {  	_ =	strace $0x90000048  }
0xb6: {  	_ =	sfence  }
0xb7: {  	s30 =	sld [smem:$0x0];
	_ =	sdelay $0x2  }
0xb8: {  	s31 =	sshll.u32 s1, $0xD;
	s1 =	sshrl.u32 s1, $0x2  }
0xb9: {  	s3 =	sand.u32 $0x4000, s31;
	s1 =	sadd.s32 s1, s30  }
0xba: {  	s0 =	sor.u32 s3, s0;
	s1 =	sshll.u32 s1, $0x11  }
0xbb: {  	s0 =	sor.u32 s1, s0  }
0xbc: {  	s0 =	sadd.s32 $0x8F2B, s0  }
0xbd: {  	[sflag:s0] =	ssyncadd.remote.s32 $0x1  }
0xbe: {  	_ =	sfence.sel $0xFFFF  }
0xbf: {  	[dreg:$0x0] =	wrdreg $0xFFFFFFFF;
	(pc) =	sbr.abs _section_cstart, $3  }
0xc0: {  	[dreg:$0x1] =	wrdreg $0xFFFFFFFF  }
0xc1: {  	_ =	task.clear_ibuf [dreg:s6], $0x2FFFF;
	_ =	strace $0x9FFFFFFF  }
0xc2: {  	(tm) =	ssettm $0x7FFFFFFF  }
0xc3: {  	_ =	shalt  }
tec
execute0_lowered:
.L_overlay_start_1:
0x0: {  	(tag) =	ssettag $0x1  }
0x1: {  	s4 =	rddreg [dreg:$0x0]  }
0x2: {  	s2 =	rddreg [dreg:$0x1]  }
0x3: {  	s0 =	rddreg [dreg:$0x2];
	s1 =	stileid.u32  }
0x4: {  	s5 =	srdreg.scid;
	s3 =	simm.s32 $0x0;
	s13 =	simm.s32 $0x1400  }
0x5: {  	s14 =	simm.s32 $0x0;
	s5 =	sand.u32 $0x1, s5;
	s6 =	sshll.u32 s1, $0x1  }
0x6: {  	[smem:$0x7FF] =	sst s3;
	s7 =	smul.u32 $0x2780, s1;
	s6 =	sor.u32 s5, s6  }
0x7: {  	s31 =	sshll.u32 s1, $0x6;
	_ =	strace $0x80000047;
	s8 =	smul.u32 $0x280, s6  }
0x8: {  	s5 =	ssub.s32 $0x2, s5;
	s9 =	sshrl.u32 s7, $0x3;
	s6 =	smul.u32 $0x2800, s6  }
0x9: {  	s10 =	sshrl.u32 s5, $0x1;
	s12 =	sadd.s32 s7, s2;
	s9 =	sadd.s32 s9, s4  }
0xa: {  	s10 =	ssub.s32 s5, s10;
	s8 =	sadd.s32 s8, s4;
	s11 =	sadd.s32 s6, s4  }
0xb: {  	s5 =	sadd.s32 $0xB000, s9;
	s6 =	sor.u32 $0x1C02, s31;
	s9 =	sshrl.u32 s12, $0x3  }
0xc: {  	s12 =	simm.s32 $0x80;
	s4 =	sadd.s32 $0x10000, s8;
	s7 =	sadd.s32 $0x15000, s11  }
0xd: {  	s8 =	smax.u32 s10, $0x1;
	s10 =	simm.s32 $0x2;
	s11 =	simm.s32 $0x1  }
.LBB2_1:
0xe: {  	[tilespmem:s3], [sflag:$0x1] =	stream.linear.gather [hbm4b:s4+s3], $0x1400, $0x38;
	[tilespmem:$0x17B80] =	vst v63  }
0xf: {  	[spmem:s9], [sflag:s6] =	dma.local [hbm:s5], $0x4F0  }
0x10: {  	_ =	swait.ge [sflag:s10], $0x4F0  }
0x11: {  	[sflag:s10] =	ssyncset.done $0x0  }
0x12: {  	[sflag:s10] =	ssyncadd.s32 $0xFFFFFB10  }
0x13: {  	[bflag:$0x0] =	sbarrier.arrive $0xFFFF  }
0x14: {  	_ =	swait.ge [sflag:s11], $0x1400  }
0x15: {  	[sflag:s11] =	ssyncset.done $0x0  }
0x16: {  	s15 =	simm.s32 $0x1400;
	s16 =	simm.s32 $0x0;
	[sflag:s11] =	ssyncadd.s32 $0xFFFFEC00  }
.LBB2_2:
0x17: {  	p0 =	sne.s32 s16, $0x4E00  }
.Ltmp0:
0x18: {  	_ = 	snop;
	(pc) =	sbr.rel @p0 .LBB2_2-.Ltmp0, $4  }
0x19: {  	_ = 	snop  }
0x1a: {  	s17 =	sshra.s32 s16, $0x2  }
0x1b: {  	[tilespmem:s15], [sflag:$0x1] =	stream.indirect.gather [spmem:s2], $0x10, s17, s12, $0xb8;
	[tilespmem:$0x17B80] =	vst v63  }
0x1c: {  	s16 =	sadd.s32 $0x200, s16;
	s15 =	sadd.s32 $0x800, s15  }
0x1d: {  	_ =	swait.ge [sflag:s11], $0x800  }
0x1e: {  	s15 =	simm.s32 $0x27;
	[sflag:s11] =	ssyncset.done $0x0  }
.LBB2_4:
0x1f: {  	p0 =	sne.s32 s15, $0x1;
	s15 =	sadd.s32 $0xFFFFFFFF, s15;
	[sflag:s11] =	ssyncadd.s32 $0xFFFFF800  }
.Ltmp1:
0x20: {  	(pc) =	sbr.rel @p0 .LBB2_4-.Ltmp1, $3  }
0x21: {  	_ =	sdelay $0x1  }
0x22: {  	_ =	swait.ge [sflag:s11], $0x800  }
0x23: {  	[sflag:s11] =	ssyncset.done $0x0  }
0x24: {  	s14 =	sadd.s32 $0x1, s14  }
0x25: {  	p0 =	sne.s32 s14, s8  }
.Ltmp2:
0x26: {  	[sflag:s11] =	ssyncadd.s32 $0xFFFFF800;
	(pc) =	sbr.rel @p0 .LBB2_1-.Ltmp2, $4  }
0x27: {  	[hbm4b:s7+s3] =	stream.linear.scatter [tilespmem:s13], [sflag:$0x2], $0x14000, $0x38;
	[tilespmem:$0x17B80] =	vst v63  }
0x28: {  	_ =	swait.ge [sflag:s10], $0x14000  }
0x29: {  	[sflag:s10] =	ssyncset.done $0x0  }
0x2a: {  	[sflag:s10] =	ssyncadd.s32 $0xFFFEC000  }
0x2b: {  	_ =	sfence.sel $0x180000  }
0x2c: {  	[bflag:$0x0] =	sbarrier.arrive $0xFFFF  }
0x2d: {  	p0 =	sne.s32 s1, $0x0;
	_ =	strace $0x90000047  }
0x2e: {  	s0 =	sadd.s32 @!p0 $0x100000, s0;
	[bflag:$0x2] =	sbarrier.arrive $0xFFFF  }
0x2f: {  	[sflag:s0] =	ssyncadd.tile.s32 @!p0 $0x1;
	_ =	shalt  }
.Lfunc_end2:
_tile_overlayer_lowered:
.L_overlay_start_2:
0x30: {  	(tag) =	ssettag $0x2  }
0x31: {  	s0 =	rddreg [dreg:$0x0];
	s2 =	stileid.u32  }
0x32: {  	s1 =	rddreg [dreg:$0x1];
	p0 =	sne.s32 s2, $0x0  }
0x33: {  	s3 =	rddreg [dreg:$0x2];
	[bflag:$0x3] =	sbarrier.arrive $0xFFFF;
	s2 =	simm.s32 @!p0 $0x1C02  }
0x34: {  	[timem:s3], [sflag:s2] =	dma.local @!p0 [hbm:s0], s1  }
0x35: {  	s0 =	simm.s32 @!p0 $0x2  }
0x36: {  	_ =	swait.ge @!p0 [sflag:s0], s1  }
0x37: {  	s1 =	ssub.s32 @!p0 $0x0, s1;
	[sflag:s0] =	ssyncset.done @!p0 $0x0  }
0x38: {  	[sflag:s0] =	ssyncadd.s32 @!p0 s1  }
0x39: {  	[bflag:$0x3] =	sbarrier.arrive $0xFFFF  }
0x3a: {  	_ =	shalt  }

// kernel: kernel.28.cloned.1.call-start
scs
__scs_entry_jumppad:
0x0: {  	(pc) =	sbr.rel $0x88, $3  }
0x1: {  	(tag) =	ssettag $0x0;
	lr =	simm.s32 $0x1  }
0x2: {  	[smem:$0x3F80] =	sst lr;
	_ =	strace $0xD0000000  }
0x3: {  	_ = 	snop  }
0x4: {  	_ = 	snop  }
0x5: {  	_ = 	snop  }
0x6: {  	_ = 	snop  }
0x7: {  	_ = 	snop  }
__scs_overlays_trampoline_lowered:
0x8: {  	[smem:$0x3F8F] =	sst s0  }
0x9: {  	[smem:$0x3F90] =	sst s1  }
0xa: {  	[smem:$0x3F91] =	sst s2  }
0xb: {  	[smem:$0x3F92] =	sst s3  }
0xc: {  	[smem:$0x3F93] =	sst s4  }
0xd: {  	[smem:$0x3F94] =	sst s5  }
0xe: {  	[smem:$0x3F95] =	sst s6  }
0xf: {  	[smem:$0x3F96] =	sst s7  }
0x10: {  	[smem:$0x3F97] =	sst s8  }
0x11: {  	[smem:$0x3F98] =	sst s9;
	s0 =	simm.s32 @!p0 $0x0  }
0x12: {  	s1 =	sld [smem:$0x3F7E];
	s0 =	simm.s32 @p0 $0x1  }
0x13: {  	[smem:$0x3F99] =	sst s0;
	s0 =	simm.s32 @!p1 $0x0  }
0x14: {  	s2 =	sld [smem:$0x3F7D];
	s0 =	simm.s32 @p1 $0x1  }
0x15: {  	[smem:$0x3F9A] =	sst s0;
	s0 =	simm.s32 @!p2 $0x0  }
0x16: {  	s3 =	sld [smem:$0x3FDB];
	s0 =	simm.s32 @p2 $0x1  }
0x17: {  	s4 =	simm.s32 $0x1BF5;
	[smem:$0x3F9C] =	sst s0  }
0x18: {  	s0 =	sld [smem:$0x3F7F];
	_ =	swait.ge [sflag:s4], $0x0  }
0x19: {  	s7 =	sld [smem:$0x3F80]  }
0x1a: {  	s8 =	sadd.s32 $0xFFFFE003, lr  }
0x1b: {  	s9 =	sadd.s32 $0xFFFFFEF7, lr;
	s5 =	simm.s32 $0xFFFFFFFF;
	p2 =	slt.u32 s8, $0xFFFFF086  }
0x1c: {  	p1 =	slt.u32 s9, $0xF7A;
	s5 =	simm.s32 @!p2 $0x0  }
0x1d: {  	s5 =	simm.s32 @p1 $0x1;
	p0 =	seq.s32 s7, s2  }
0x1e: {  	s7 =	smul.u32 @!p0 $0xF7A, s2;
	p2 =	seq.s32 @!p0 s5, $0x0  }
0x1f: {  	s9 =	smul.u32 $0xF7A, s1;
	s8 =	simm.s32 @!p0 $0x1BF5;
	p2 =	por !p2, p0  }
0x20: {  	[sflag:s8] =	ssyncset.s32 @!p0 $0xFFFFF086;
	s6 =	sadd.s32 @!p0 s3, s7;
	s7 =	simm.s32 @!p0 $0x108  }
0x21: {  	s3 =	sadd.s32 s3, s9;
	s6 =	sadd.s32 @!p0 $0x88, s6;
	s7 =	simm.s32 @p2 $0x1082  }
0x22: {  	[simem:s7], [sflag:s8] =	dma.local @!p0 [hbm:s6], $0xF7A  }
0x23: {  	s9 =	sor.u32 $0xD0000000, s2;
	s6 =	simm.s32 $0x108;
	_ =	swait.ge @!p0 [sflag:s8], $0x0  }
0x24: {  	s3 =	sadd.s32 $0x88, s3;
	s6 =	simm.s32 @!p1 $0x1082;
	[sflag:s4] =	ssyncset.s32 $0xFFFFF086  }
0x25: {  	[simem:s6], [sflag:s4] =	dma.local [hbm:s3], $0xF7A  }
0x26: {  	[smem:$0x3F80] =	sst s1;
	(tag) =	ssettag s2;
	_ =	strace s9  }
0x27: {  	s1 =	sld [smem:$0x3F90]  }
0x28: {  	s2 =	sld [smem:$0x3F91]  }
0x29: {  	s4 =	sld [smem:$0x3F93]  }
0x2a: {  	p0 =	seq.s32 s5, $0x0;
	s5 =	sld [smem:$0x3F94]  }
0x2b: {  	s6 =	sld [smem:$0x3F95]  }
0x2c: {  	s7 =	sld [smem:$0x3F96]  }
0x2d: {  	s3 =	simm.s32 $0x108;
	s8 =	sld [smem:$0x3F97]  }
0x2e: {  	s3 =	simm.s32 @!p0 $0x1082;
	s9 =	sld [smem:$0x3F98]  }
0x2f: {  	lr =	sadd.s32 s0, s3;
	s0 =	sld [smem:$0x3F8F]  }
0x30: {  	s3 =	sld [smem:$0x3F92]  }
0x31: {  	[smem:$0x3F9B] =	sst s10  }
0x32: {  	s10 =	sld [smem:$0x3F99];
	_ =	sdelay $0x3  }
0x33: {  	p0 =	seq.s32 s10, $0x1;
	s10 =	sld [smem:$0x3F9B];
	_ =	sdelay $0x3  }
0x34: {  	[smem:$0x3F9B] =	sst s10  }
0x35: {  	s10 =	sld [smem:$0x3F9A];
	_ =	sdelay $0x3  }
0x36: {  	p1 =	seq.s32 s10, $0x1;
	s10 =	sld [smem:$0x3F9B];
	_ =	sdelay $0x3  }
0x37: {  	[smem:$0x3F9B] =	sst s10  }
0x38: {  	s10 =	sld [smem:$0x3F9C]  }
0x39: {  	_ = 	snop;
	(pc) =	sbr.ind lr, $3  }
0x3a: {  	_ = 	snop  }
0x3b: {  	_ = 	snop  }
0x3c: {  	p2 =	seq.s32 s10, $0x1;
	s10 =	sld [smem:$0x3F9B]  }
0x3d: {  	_ =	shalt  }
0x3e: {  	_ =	shalt  }
0x3f: {  	_ =	shalt  }
0x40: {  	_ =	shalt  }
0x41: {  	_ =	shalt  }
0x42: {  	_ =	shalt  }
0x43: {  	_ =	shalt  }
0x44: {  	_ =	shalt  }
0x45: {  	_ =	shalt  }
0x46: {  	_ =	shalt  }
0x47: {  	_ =	shalt  }
0x48: {  	_ =	shalt  }
0x49: {  	_ =	shalt  }
0x4a: {  	_ =	shalt  }
0x4b: {  	_ =	shalt  }
0x4c: {  	_ =	shalt  }
0x4d: {  	_ =	shalt  }
0x4e: {  	_ =	shalt  }
0x4f: {  	_ =	shalt  }
0x50: {  	_ =	shalt  }
0x51: {  	_ =	shalt  }
0x52: {  	_ =	shalt  }
0x53: {  	_ =	shalt  }
0x54: {  	_ =	shalt  }
0x55: {  	_ =	shalt  }
0x56: {  	_ =	shalt  }
0x57: {  	_ =	shalt  }
0x58: {  	_ =	shalt  }
0x59: {  	_ =	shalt  }
0x5a: {  	_ =	shalt  }
0x5b: {  	_ =	shalt  }
0x5c: {  	_ =	shalt  }
0x5d: {  	_ =	shalt  }
0x5e: {  	_ =	shalt  }
0x5f: {  	_ =	shalt  }
0x60: {  	_ =	shalt  }
0x61: {  	_ =	shalt  }
0x62: {  	_ =	shalt  }
0x63: {  	_ =	shalt  }
0x64: {  	_ =	shalt  }
0x65: {  	_ =	shalt  }
0x66: {  	_ =	shalt  }
0x67: {  	_ =	shalt  }
0x68: {  	_ =	shalt  }
0x69: {  	_ =	shalt  }
0x6a: {  	_ =	shalt  }
0x6b: {  	_ =	shalt  }
0x6c: {  	_ =	shalt  }
0x6d: {  	_ =	shalt  }
0x6e: {  	_ =	shalt  }
0x6f: {  	_ =	shalt  }
0x70: {  	_ =	shalt  }
0x71: {  	_ =	shalt  }
0x72: {  	_ =	shalt  }
0x73: {  	_ =	shalt  }
0x74: {  	_ =	shalt  }
0x75: {  	_ =	shalt  }
0x76: {  	_ =	shalt  }
0x77: {  	_ =	shalt  }
0x78: {  	_ =	shalt  }
0x79: {  	_ =	shalt  }
0x7a: {  	_ =	shalt  }
0x7b: {  	_ =	shalt  }
0x7c: {  	_ =	shalt  }
0x7d: {  	_ =	shalt  }
0x7e: {  	_ =	shalt  }
0x7f: {  	_ =	shalt  }
0x80: {  	_ =	shalt  }
0x81: {  	_ =	shalt  }
0x82: {  	_ =	shalt  }
0x83: {  	_ =	shalt  }
0x84: {  	_ =	shalt  }
0x85: {  	_ =	shalt  }
0x86: {  	_ =	shalt  }
0x87: {  	_ =	shalt  }
.Lfunc_end0:
.L_simem_size_0:
called_computation.2_lowered:
.L_overlay_start_0:
0x88: {  	s2 =	sld [smem:$0x3FD9]  }
0x89: {  	s3 =	sld [smem:$0x3FFE];
	_ =	sdelay $0x1  }
0x8a: {  	s1 =	srdreg.scid  }
0x8b: {  	s0 =	sand.u32 $0x1, s1  }
0x8c: {  	s17 =	sshll.u32 s0, $0xA;
	s2 =	sadd.s32 s3, s2  }
0x8d: {  	s2 =	sadd.s32 s2, s17  }
0x8e: {  	[smem:$0x3FA7] =	sst s2  }
0x8f: {  	_ = 	snop  }
0x90: {  	(tm) =	ssettm $0x1  }
0x91: {  	s18 =	sld [smem:$0x3FFB];
	_ =	sdelay $0x3  }
0x92: {  	_ =	strace s18  }
0x93: {  	s2 =	sld [smem:$0x3FFC];
	_ =	sdelay $0x3  }
0x94: {  	_ =	strace s2  }
0x95: {  	s2 =	sld [smem:$0x3FFD];
	_ =	sdelay $0x3  }
0x96: {  	_ =	strace s2  }
0x97: {  	_ =	strace $0x8FFFFFFF  }
0x98: {  	s19 =	sld [smem:$0x3FDB];
	_ =	sdelay $0x1  }
0x99: {  	s20 =	simm.s32 $_scs_section_size  }
0x9a: {  	s4 =	simm.s32 $_size__tile_overlayer_lowered;
	s5 =	simm.s32 $_tile_overlayer_lowered  }
0x9b: {  	s6 =	simm.s32 $0x1BFF;
	s21 =	sshll.u32 s5, $0x1;
	s3 =	sadd.s32 s20, s19  }
0x9c: {  	s22 =	simm.s32 $0x0;
	s4 =	sshll.u32 s4, $0x1;
	s5 =	sadd.s32 s21, s3  }
0x9d: {  	[timem:s22], [sflag:s6] =	dma.local [hbm:s5], s4  }
0x9e: {  	_ =	swait.ge [sflag:s6], s4  }
0x9f: {  	s4 =	ssub.s32 $0x0, s4;
	[sflag:s6] =	ssyncset.done $0x0  }
0xa0: {  	[sflag:s6] =	ssyncadd.s32 s4;
	_ =	sdelay $0x1  }
0xa1: {  	s23 =	simm.s32 $0x1B8B  }
0xa2: {  	_ =	swait.ge [sflag:s23], $0x1  }
0xa3: {  	[sflag:s23] =	ssyncset.done $0x0  }
0xa4: {  	[sflag:s23] =	ssyncadd.s32 $0xFFFFFFFF  }
0xa5: {  	s4 =	sld [smem:$0x0]  }
0xa6: {  	s5 =	sand.u32 $0xFFFFFFFE, s1  }
0xa7: {  	p0 =	sne.s32 s1, s5  }
0xa8: {  	s5 =	sshll.u32 @p0 s5, $0xE  }
0xa9: {  	s5 =	sadd.s32 @p0 $0x11B8D, s5;
	s6 =	sshll.u32 @p0 s4, $0x11  }
0xaa: {  	s5 =	sor.u32 @p0 s6, s5  }
0xab: {  	[sflag:s5] =	ssyncadd.remote.s32 @p0 $0x1;
	_ =	sdelay $0x1  }
0xac: {  	s5 =	simm.s32 @p0 $0x1B8D  }
0xad: {  	_ =	swait.eq @p0 [sflag:s5], $0x1  }
0xae: {  	[sflag:s5] =	ssyncadd.s32 @p0 $0xFFFFFFFF  }
0xaf: {  	s6 =	sshll.u32 @!p0 s1, $0xE  }
0xb0: {  	s6 =	sor.u32 @!p0 $0x4000, s6;
	s5 =	simm.s32 @!p0 $0x1B8D  }
0xb1: {  	s4 =	sshll.u32 @!p0 s4, $0x11;
	s6 =	sadd.s32 @!p0 $0x11B8D, s6;
	_ =	swait.eq @!p0 [sflag:s5], $0x1  }
0xb2: {  	s4 =	sor.u32 @!p0 s4, s6;
	[sflag:s5] =	ssyncadd.s32 @!p0 $0xFFFFFFFF  }
0xb3: {  	s25 =	simm.s32 $0x1B8E;
	s24 =	sld [smem:$0x3FFE];
	[sflag:s4] =	ssyncadd.remote.s32 @!p0 $0x1  }
0xb4: {  	s26 =	simm.s32 $execute0_lowered;
	[smem:$0x3FD2] =	sst s25  }
0xb5: {  	s5 =	sshll.u32 s26, $0x1;
	_ =	strace $0x8000004C;
	[dreg:$0x1] =	wrdreg $0xFFFFFFFF  }
0xb6: {  	s28 =	simm.s32 $_size_execute0_lowered;
	s3 =	sadd.s32 s3, s5;
	[dreg:$0x0] =	wrdreg $0x0  }
0xb7: {  	s5 =	sshll.u32 s28, $0x1;
	[dreg:$0x2] =	wrdreg s3  }
0xb8: {  	[dreg:$0x3] =	wrdreg s5  }
0xb9: {  	[dreg:$0x4] =	wrdreg $0xC0  }
0xba: {  	_ =	task [dreg:s22], $0x5FFFF  }
0xbb: {  	[dreg:$0x1] =	wrdreg $0xFFFFFFFF  }
0xbc: {  	[dreg:$0x0] =	wrdreg $0x60  }
0xbd: {  	[dreg:$0x2] =	wrdreg s24  }
0xbe: {  	[dreg:$0x3] =	wrdreg $0x154000  }
0xbf: {  	[dreg:$0x4] =	wrdreg $0xA  }
0xc0: {  	_ =	task.clear_ibuf [dreg:s22], $0x5FFFF;
	_ =	strace $0x9000004C  }
0xc1: {  	s29 =	simm.s32 $0xA;
	_ =	strace $0x8000004E  }
0xc2: {  	_ =	swait.ge [sflag:s29], $0x1  }
0xc3: {  	[sflag:s29] =	ssyncadd.s32 $0xFFFFFFFF  }
0xc4: {  	_ =	strace $0x9000004E  }
0xc5: {  	_ =	sfence  }
0xc6: {  	s30 =	sld [smem:$0x0];
	_ =	sdelay $0x2  }
0xc7: {  	s31 =	sshll.u32 s1, $0xD;
	s1 =	sshrl.u32 s1, $0x2  }
0xc8: {  	s4 =	sand.u32 $0x4000, s31;
	s1 =	sadd.s32 s1, s30  }
0xc9: {  	s0 =	sor.u32 s4, s0;
	s1 =	sshll.u32 s1, $0x11  }
0xca: {  	s0 =	sor.u32 s1, s0  }
0xcb: {  	s0 =	sadd.s32 $0x8F2B, s0  }
0xcc: {  	[sflag:s0] =	ssyncadd.remote.s32 $0x1  }
0xcd: {  	_ =	sfence.sel $0xFFFF  }
0xce: {  	[dreg:$0x0] =	wrdreg $0xFFFFFFFF;
	(pc) =	sbr.abs _section_cstart, $3  }
0xcf: {  	[dreg:$0x1] =	wrdreg $0xFFFFFFFF  }
0xd0: {  	_ =	task.clear_ibuf [dreg:s22], $0x2FFFF;
	_ =	strace $0x9FFFFFFF  }
0xd1: {  	(tm) =	ssettm $0x7FFFFFFF  }
tec
execute0_lowered:
.L_overlay_start_1:
0x0: {  	(tag) =	ssettag $0x1  }
0x1: {  	s1 =	srdreg.scid  }
0x2: {  	s0 =	stileid.u32;
	s5 =	rddreg [dreg:$0x0]  }
0x3: {  	s2 =	rddreg [dreg:$0x1];
	s3 =	simm.s32 $0x0;
	s13 =	simm.s32 $0x80  }
0x4: {  	s4 =	sand.u32 $0x1, s1;
	s29 =	sshll.u32 s0, $0x1;
	s8 =	smul.u32 $0x27C0, s0  }
0x5: {  	s14 =	simm.s32 $0x2;
	s1 =	sor.u32 s4, s29;
	s9 =	smul.u32 $0x27C00, s4  }
0x6: {  	s15 =	simm.s32 $0x0;
	[smem:$0x7FF] =	sst s3;
	s6 =	smul.u32 $0x2800, s1  }
0x7: {  	s31 =	sshll.u32 s0, $0x6;
	s4 =	ssub.s32 $0x2, s4;
	s7 =	smul.u32 $0x280, s1  }
0x8: {  	s1 =	rddreg [dreg:$0x2];
	_ =	strace $0x8000004D;
	s10 =	sshrl.u32 s8, $0x3  }
0x9: {  	s30 =	sshrl.u32 s4, $0x1;
	s12 =	sadd.s32 s8, s2;
	s9 =	sadd.s32 s8, s9  }
0xa: {  	s10 =	sadd.s32 s10, s5;
	s11 =	ssub.s32 s4, s30;
	s9 =	sshrl.u32 s9, $0x3  }
0xb: {  	s6 =	sadd.s32 s6, s5;
	s7 =	sadd.s32 s7, s5;
	s9 =	sadd.s32 s9, s5  }
0xc: {  	s4 =	sadd.s32 $0x65000, s7;
	s5 =	sadd.s32 $0x15000, s6;
	s6 =	sadd.s32 $0x6B400, s10  }
0xd: {  	s7 =	sor.u32 $0x1C03, s31;
	s10 =	sshrl.u32 s12, $0x3;
	s12 =	simm.s32 $0x1  }
0xe: {  	s8 =	sadd.s32 $0x98400, s9;
	s9 =	smax.u32 s11, $0x1;
	s11 =	simm.s32 $0x3  }
.LBB2_1:
0xf: {  	[tilespmem:s3], [sflag:$0x1] =	stream.linear.gather [hbm4b:s4+s3], $0x1400, $0x38;
	[tilespmem:$0x17BC0] =	vst v63  }
0x10: {  	s16 =	simm.s32 $0x1400  }
0x11: {  	[tilespmem:s16], [sflag:$0x1] =	stream.linear.gather [hbm4b:s5+s3], $0x14000, $0x38;
	[tilespmem:$0x17BC0] =	vst v63  }
0x12: {  	[spmem:s10], [sflag:s7] =	dma.local [hbm:s6], $0x4F8  }
0x13: {  	_ =	swait.ge [sflag:s11], $0x4F8  }
0x14: {  	[sflag:s11] =	ssyncset.done $0x0  }
0x15: {  	[sflag:s11] =	ssyncadd.s32 $0xFFFFFB08  }
0x16: {  	[bflag:$0x0] =	sbarrier.arrive $0xFFFF  }
0x17: {  	_ =	swait.ge [sflag:s12], $0x1400  }
0x18: {  	[sflag:s12] =	ssyncset.done $0x0  }
0x19: {  	[sflag:s12] =	ssyncadd.s32 $0xFFFFEC00  }
0x1a: {  	_ =	swait.ge [sflag:s12], $0x14000  }
0x1b: {  	[sflag:s12] =	ssyncset.done $0x0  }
0x1c: {  	s17 =	simm.s32 $0x0;
	[sflag:s12] =	ssyncadd.s32 $0xFFFEC000  }
.LBB2_2:
0x1d: {  	p0 =	sne.s32 s17, $0x4E00  }
.Ltmp0:
0x1e: {  	_ = 	snop;
	(pc) =	sbr.rel @p0 .LBB2_2-.Ltmp0, $4  }
0x1f: {  	_ = 	snop  }
0x20: {  	s18 =	sshra.s32 s17, $0x2  }
0x21: {  	[spmem:s2] =	stream.indirect.scatter.add.f32 [tilespmem:s16], [sflag:$0x2], $0x10, s18, s13, $0xb8;
	[tilespmem:$0x17BC0] =	vst v63  }
0x22: {  	s17 =	sadd.s32 $0x200, s17;
	s16 =	sadd.s32 $0x800, s16  }
0x23: {  	_ =	swait.ge [sflag:s14], $0x800  }
0x24: {  	s16 =	simm.s32 $0x27;
	[sflag:s14] =	ssyncset.done $0x0  }
.LBB2_4:
0x25: {  	p0 =	sne.s32 s16, $0x1;
	s16 =	sadd.s32 $0xFFFFFFFF, s16;
	[sflag:s14] =	ssyncadd.s32 $0xFFFFF800  }
.Ltmp1:
0x26: {  	(pc) =	sbr.rel @p0 .LBB2_4-.Ltmp1, $3  }
0x27: {  	_ =	sdelay $0x1  }
0x28: {  	_ =	swait.ge [sflag:s14], $0x800  }
0x29: {  	[sflag:s14] =	ssyncset.done $0x0  }
0x2a: {  	s15 =	sadd.s32 $0x1, s15  }
0x2b: {  	[sflag:s14] =	ssyncadd.s32 $0xFFFFF800;
	p0 =	sne.s32 s15, s9  }
.Ltmp2:
0x2c: {  	[bflag:$0x0] =	sbarrier.arrive $0xFFFF;
	(pc) =	sbr.rel @p0 .LBB2_1-.Ltmp2, $4  }
0x2d: {  	[hbm:s8], [sflag:s7] =	dma.local [spmem:s10], $0x4F8  }
0x2e: {  	_ =	swait.ge [sflag:s11], $0x4F8  }
0x2f: {  	[sflag:s11] =	ssyncset.done $0x0  }
0x30: {  	[sflag:s11] =	ssyncadd.s32 $0xFFFFFB08  }
0x31: {  	_ =	sfence.sel $0x180000  }
0x32: {  	[bflag:$0x0] =	sbarrier.arrive $0xFFFF  }
0x33: {  	p0 =	sne.s32 s0, $0x0;
	_ =	strace $0x9000004D  }
0x34: {  	s0 =	sadd.s32 @!p0 $0x100000, s1;
	[bflag:$0x2] =	sbarrier.arrive $0xFFFF  }
0x35: {  	[sflag:s0] =	ssyncadd.tile.s32 @!p0 $0x1;
	_ =	shalt  }
.Lfunc_end2:
_tile_overlayer_lowered:
.L_overlay_start_2:
0x36: {  	(tag) =	ssettag $0x2  }
0x37: {  	s0 =	rddreg [dreg:$0x0];
	s2 =	stileid.u32  }
0x38: {  	s1 =	rddreg [dreg:$0x1];
	p0 =	sne.s32 s2, $0x0  }
0x39: {  	s3 =	rddreg [dreg:$0x2];
	[bflag:$0x3] =	sbarrier.arrive $0xFFFF;
	s2 =	simm.s32 @!p0 $0x1C03  }
0x3a: {  	[timem:s3], [sflag:s2] =	dma.local @!p0 [hbm:s0], s1  }
0x3b: {  	s0 =	simm.s32 @!p0 $0x3  }
0x3c: {  	_ =	swait.ge @!p0 [sflag:s0], s1  }
0x3d: {  	s1 =	ssub.s32 @!p0 $0x0, s1;
	[sflag:s0] =	ssyncset.done @!p0 $0x0  }
0x3e: {  	[sflag:s0] =	ssyncadd.s32 @!p0 s1  }
0x3f: {  	[bflag:$0x3] =	sbarrier.arrive $0xFFFF  }
0x40: {  	_ =	shalt  }

// kernel: kernel.31.cloned.1.call-start
scs
__scs_entry_jumppad:
0x0: {  	(pc) =	sbr.rel $0x88, $3  }
0x1: {  	(tag) =	ssettag $0x0;
	lr =	simm.s32 $0x1  }
0x2: {  	[smem:$0x3F80] =	sst lr;
	_ =	strace $0xD0000000  }
0x3: {  	_ = 	snop  }
0x4: {  	_ = 	snop  }
0x5: {  	_ = 	snop  }
0x6: {  	_ = 	snop  }
0x7: {  	_ = 	snop  }
__scs_overlays_trampoline_lowered:
0x8: {  	[smem:$0x3F8F] =	sst s0  }
0x9: {  	[smem:$0x3F90] =	sst s1  }
0xa: {  	[smem:$0x3F91] =	sst s2  }
0xb: {  	[smem:$0x3F92] =	sst s3  }
0xc: {  	[smem:$0x3F93] =	sst s4  }
0xd: {  	[smem:$0x3F94] =	sst s5  }
0xe: {  	[smem:$0x3F95] =	sst s6  }
0xf: {  	[smem:$0x3F96] =	sst s7  }
0x10: {  	[smem:$0x3F97] =	sst s8  }
0x11: {  	[smem:$0x3F98] =	sst s9;
	s0 =	simm.s32 @!p0 $0x0  }
0x12: {  	s1 =	sld [smem:$0x3F7E];
	s0 =	simm.s32 @p0 $0x1  }
0x13: {  	[smem:$0x3F99] =	sst s0;
	s0 =	simm.s32 @!p1 $0x0  }
0x14: {  	s2 =	sld [smem:$0x3F7D];
	s0 =	simm.s32 @p1 $0x1  }
0x15: {  	[smem:$0x3F9A] =	sst s0;
	s0 =	simm.s32 @!p2 $0x0  }
0x16: {  	s3 =	sld [smem:$0x3FDB];
	s0 =	simm.s32 @p2 $0x1  }
0x17: {  	s4 =	simm.s32 $0x1BF5;
	[smem:$0x3F9C] =	sst s0  }
0x18: {  	s0 =	sld [smem:$0x3F7F];
	_ =	swait.ge [sflag:s4], $0x0  }
0x19: {  	s7 =	sld [smem:$0x3F80]  }
0x1a: {  	s8 =	sadd.s32 $0xFFFFE003, lr  }
0x1b: {  	s9 =	sadd.s32 $0xFFFFFEF7, lr;
	s5 =	simm.s32 $0xFFFFFFFF;
	p2 =	slt.u32 s8, $0xFFFFF086  }
0x1c: {  	p1 =	slt.u32 s9, $0xF7A;
	s5 =	simm.s32 @!p2 $0x0  }
0x1d: {  	s5 =	simm.s32 @p1 $0x1;
	p0 =	seq.s32 s7, s2  }
0x1e: {  	s7 =	smul.u32 @!p0 $0xF7A, s2;
	p2 =	seq.s32 @!p0 s5, $0x0  }
0x1f: {  	s9 =	smul.u32 $0xF7A, s1;
	s8 =	simm.s32 @!p0 $0x1BF5;
	p2 =	por !p2, p0  }
0x20: {  	[sflag:s8] =	ssyncset.s32 @!p0 $0xFFFFF086;
	s6 =	sadd.s32 @!p0 s3, s7;
	s7 =	simm.s32 @!p0 $0x108  }
0x21: {  	s3 =	sadd.s32 s3, s9;
	s6 =	sadd.s32 @!p0 $0x88, s6;
	s7 =	simm.s32 @p2 $0x1082  }
0x22: {  	[simem:s7], [sflag:s8] =	dma.local @!p0 [hbm:s6], $0xF7A  }
0x23: {  	s9 =	sor.u32 $0xD0000000, s2;
	s6 =	simm.s32 $0x108;
	_ =	swait.ge @!p0 [sflag:s8], $0x0  }
0x24: {  	s3 =	sadd.s32 $0x88, s3;
	s6 =	simm.s32 @!p1 $0x1082;
	[sflag:s4] =	ssyncset.s32 $0xFFFFF086  }
0x25: {  	[simem:s6], [sflag:s4] =	dma.local [hbm:s3], $0xF7A  }
0x26: {  	[smem:$0x3F80] =	sst s1;
	(tag) =	ssettag s2;
	_ =	strace s9  }
0x27: {  	s1 =	sld [smem:$0x3F90]  }
0x28: {  	s2 =	sld [smem:$0x3F91]  }
0x29: {  	s4 =	sld [smem:$0x3F93]  }
0x2a: {  	p0 =	seq.s32 s5, $0x0;
	s5 =	sld [smem:$0x3F94]  }
0x2b: {  	s6 =	sld [smem:$0x3F95]  }
0x2c: {  	s7 =	sld [smem:$0x3F96]  }
0x2d: {  	s3 =	simm.s32 $0x108;
	s8 =	sld [smem:$0x3F97]  }
0x2e: {  	s3 =	simm.s32 @!p0 $0x1082;
	s9 =	sld [smem:$0x3F98]  }
0x2f: {  	lr =	sadd.s32 s0, s3;
	s0 =	sld [smem:$0x3F8F]  }
0x30: {  	s3 =	sld [smem:$0x3F92]  }
0x31: {  	[smem:$0x3F9B] =	sst s10  }
0x32: {  	s10 =	sld [smem:$0x3F99];
	_ =	sdelay $0x3  }
0x33: {  	p0 =	seq.s32 s10, $0x1;
	s10 =	sld [smem:$0x3F9B];
	_ =	sdelay $0x3  }
0x34: {  	[smem:$0x3F9B] =	sst s10  }
0x35: {  	s10 =	sld [smem:$0x3F9A];
	_ =	sdelay $0x3  }
0x36: {  	p1 =	seq.s32 s10, $0x1;
	s10 =	sld [smem:$0x3F9B];
	_ =	sdelay $0x3  }
0x37: {  	[smem:$0x3F9B] =	sst s10  }
0x38: {  	s10 =	sld [smem:$0x3F9C]  }
0x39: {  	_ = 	snop;
	(pc) =	sbr.ind lr, $3  }
0x3a: {  	_ = 	snop  }
0x3b: {  	_ = 	snop  }
0x3c: {  	p2 =	seq.s32 s10, $0x1;
	s10 =	sld [smem:$0x3F9B]  }
0x3d: {  	_ =	shalt  }
0x3e: {  	_ =	shalt  }
0x3f: {  	_ =	shalt  }
0x40: {  	_ =	shalt  }
0x41: {  	_ =	shalt  }
0x42: {  	_ =	shalt  }
0x43: {  	_ =	shalt  }
0x44: {  	_ =	shalt  }
0x45: {  	_ =	shalt  }
0x46: {  	_ =	shalt  }
0x47: {  	_ =	shalt  }
0x48: {  	_ =	shalt  }
0x49: {  	_ =	shalt  }
0x4a: {  	_ =	shalt  }
0x4b: {  	_ =	shalt  }
0x4c: {  	_ =	shalt  }
0x4d: {  	_ =	shalt  }
0x4e: {  	_ =	shalt  }
0x4f: {  	_ =	shalt  }
0x50: {  	_ =	shalt  }
0x51: {  	_ =	shalt  }
0x52: {  	_ =	shalt  }
0x53: {  	_ =	shalt  }
0x54: {  	_ =	shalt  }
0x55: {  	_ =	shalt  }
0x56: {  	_ =	shalt  }
0x57: {  	_ =	shalt  }
0x58: {  	_ =	shalt  }
0x59: {  	_ =	shalt  }
0x5a: {  	_ =	shalt  }
0x5b: {  	_ =	shalt  }
0x5c: {  	_ =	shalt  }
0x5d: {  	_ =	shalt  }
0x5e: {  	_ =	shalt  }
0x5f: {  	_ =	shalt  }
0x60: {  	_ =	shalt  }
0x61: {  	_ =	shalt  }
0x62: {  	_ =	shalt  }
0x63: {  	_ =	shalt  }
0x64: {  	_ =	shalt  }
0x65: {  	_ =	shalt  }
0x66: {  	_ =	shalt  }
0x67: {  	_ =	shalt  }
0x68: {  	_ =	shalt  }
0x69: {  	_ =	shalt  }
0x6a: {  	_ =	shalt  }
0x6b: {  	_ =	shalt  }
0x6c: {  	_ =	shalt  }
0x6d: {  	_ =	shalt  }
0x6e: {  	_ =	shalt  }
0x6f: {  	_ =	shalt  }
0x70: {  	_ =	shalt  }
0x71: {  	_ =	shalt  }
0x72: {  	_ =	shalt  }
0x73: {  	_ =	shalt  }
0x74: {  	_ =	shalt  }
0x75: {  	_ =	shalt  }
0x76: {  	_ =	shalt  }
0x77: {  	_ =	shalt  }
0x78: {  	_ =	shalt  }
0x79: {  	_ =	shalt  }
0x7a: {  	_ =	shalt  }
0x7b: {  	_ =	shalt  }
0x7c: {  	_ =	shalt  }
0x7d: {  	_ =	shalt  }
0x7e: {  	_ =	shalt  }
0x7f: {  	_ =	shalt  }
0x80: {  	_ =	shalt  }
0x81: {  	_ =	shalt  }
0x82: {  	_ =	shalt  }
0x83: {  	_ =	shalt  }
0x84: {  	_ =	shalt  }
0x85: {  	_ =	shalt  }
0x86: {  	_ =	shalt  }
0x87: {  	_ =	shalt  }
.Lfunc_end0:
.L_simem_size_0:
called_computation.3_lowered:
.L_overlay_start_0:
0x88: {  	s2 =	sld [smem:$0x3FD9]  }
0x89: {  	s3 =	sld [smem:$0x3FFE];
	_ =	sdelay $0x1  }
0x8a: {  	s1 =	srdreg.scid  }
0x8b: {  	s0 =	sand.u32 $0x1, s1  }
0x8c: {  	s16 =	sshll.u32 s0, $0xA;
	s2 =	sadd.s32 s3, s2  }
0x8d: {  	s2 =	sadd.s32 s2, s16  }
0x8e: {  	[smem:$0x3FA7] =	sst s2  }
0x8f: {  	_ = 	snop  }
0x90: {  	(tm) =	ssettm $0x1  }
0x91: {  	s17 =	sld [smem:$0x3FFB];
	_ =	sdelay $0x3  }
0x92: {  	_ =	strace s17  }
0x93: {  	s2 =	sld [smem:$0x3FFC];
	_ =	sdelay $0x3  }
0x94: {  	_ =	strace s2  }
0x95: {  	s2 =	sld [smem:$0x3FFD];
	_ =	sdelay $0x3  }
0x96: {  	_ =	strace s2  }
0x97: {  	_ =	strace $0x8FFFFFFF  }
0x98: {  	s18 =	sld [smem:$0x3FDB];
	_ =	sdelay $0x1  }
0x99: {  	s19 =	simm.s32 $_scs_section_size  }
0x9a: {  	s4 =	simm.s32 $_size__tile_overlayer_lowered;
	s5 =	simm.s32 $_tile_overlayer_lowered  }
0x9b: {  	s22 =	simm.s32 $0x1BFF;
	s21 =	sshll.u32 s5, $0x1;
	s2 =	sadd.s32 s19, s18  }
0x9c: {  	s6 =	simm.s32 $0x0;
	s20 =	sshll.u32 s4, $0x1;
	s4 =	sadd.s32 s21, s2  }
0x9d: {  	[timem:s6], [sflag:s22] =	dma.local [hbm:s4], s20  }
0x9e: {  	_ =	swait.ge [sflag:s22], s20  }
0x9f: {  	s3 =	ssub.s32 $0x0, s20;
	[sflag:s22] =	ssyncset.done $0x0  }
0xa0: {  	[sflag:s22] =	ssyncadd.s32 s3;
	_ =	sdelay $0x1  }
0xa1: {  	s23 =	simm.s32 $0x1B8B  }
0xa2: {  	_ =	swait.ge [sflag:s23], $0x1  }
0xa3: {  	[sflag:s23] =	ssyncset.done $0x0  }
0xa4: {  	s25 =	simm.s32 $0x1B8E;
	s24 =	sld [smem:$0x3FFE];
	[sflag:s23] =	ssyncadd.s32 $0xFFFFFFFF  }
0xa5: {  	s26 =	simm.s32 $execute0_lowered;
	[smem:$0x3FD2] =	sst s25  }
0xa6: {  	s4 =	sshll.u32 s26, $0x1;
	_ =	strace $0x8000004F;
	[dreg:$0x1] =	wrdreg $0xFFFFFFFF  }
0xa7: {  	s28 =	simm.s32 $_size_execute0_lowered;
	s2 =	sadd.s32 s2, s4;
	[dreg:$0x0] =	wrdreg $0x0  }
0xa8: {  	s4 =	sshll.u32 s28, $0x1;
	[dreg:$0x2] =	wrdreg s2  }
0xa9: {  	[dreg:$0x3] =	wrdreg s4  }
0xaa: {  	[dreg:$0x4] =	wrdreg $0xC0  }
0xab: {  	_ =	task [dreg:s6], $0x5FFFF  }
0xac: {  	[dreg:$0x1] =	wrdreg $0xFFFFFFFF  }
0xad: {  	[dreg:$0x0] =	wrdreg $0x60  }
0xae: {  	[dreg:$0x2] =	wrdreg s24  }
0xaf: {  	[dreg:$0x3] =	wrdreg $0x154000  }
0xb0: {  	[dreg:$0x4] =	wrdreg $0x9  }
0xb1: {  	_ =	task.clear_ibuf [dreg:s6], $0x5FFFF;
	_ =	strace $0x9000004F  }
0xb2: {  	s29 =	simm.s32 $0x9;
	_ =	strace $0x80000051  }
0xb3: {  	_ =	swait.ge [sflag:s29], $0x1  }
0xb4: {  	[sflag:s29] =	ssyncadd.s32 $0xFFFFFFFF  }
0xb5: {  	_ =	strace $0x90000051  }
0xb6: {  	_ =	sfence  }
0xb7: {  	s30 =	sld [smem:$0x0];
	_ =	sdelay $0x2  }
0xb8: {  	s31 =	sshll.u32 s1, $0xD;
	s1 =	sshrl.u32 s1, $0x2  }
0xb9: {  	s3 =	sand.u32 $0x4000, s31;
	s1 =	sadd.s32 s1, s30  }
0xba: {  	s0 =	sor.u32 s3, s0;
	s1 =	sshll.u32 s1, $0x11  }
0xbb: {  	s0 =	sor.u32 s1, s0  }
0xbc: {  	s0 =	sadd.s32 $0x8F2B, s0  }
0xbd: {  	[sflag:s0] =	ssyncadd.remote.s32 $0x1  }
0xbe: {  	_ =	sfence.sel $0xFFFF  }
0xbf: {  	[dreg:$0x0] =	wrdreg $0xFFFFFFFF;
	(pc) =	sbr.abs _section_cstart, $3  }
0xc0: {  	[dreg:$0x1] =	wrdreg $0xFFFFFFFF  }
0xc1: {  	_ =	task.clear_ibuf [dreg:s6], $0x2FFFF;
	_ =	strace $0x9FFFFFFF  }
0xc2: {  	(tm) =	ssettm $0x7FFFFFFF  }
0xc3: {  	_ =	shalt  }
tec
execute0_lowered:
.L_overlay_start_1:
0x0: {  	(tag) =	ssettag $0x1  }
0x1: {  	s4 =	rddreg [dreg:$0x0]  }
0x2: {  	s2 =	rddreg [dreg:$0x1]  }
0x3: {  	s0 =	rddreg [dreg:$0x2];
	s1 =	stileid.u32  }
0x4: {  	s5 =	srdreg.scid;
	s3 =	simm.s32 $0x0;
	s13 =	simm.s32 $0x1400  }
0x5: {  	s14 =	simm.s32 $0x0;
	s5 =	sand.u32 $0x1, s5;
	s6 =	sshll.u32 s1, $0x1  }
0x6: {  	[smem:$0x7FF] =	sst s3;
	s7 =	smul.u32 $0x2780, s1;
	s6 =	sor.u32 s5, s6  }
0x7: {  	s31 =	sshll.u32 s1, $0x6;
	_ =	strace $0x80000050;
	s8 =	smul.u32 $0x280, s6  }
0x8: {  	s5 =	ssub.s32 $0x2, s5;
	s9 =	sshrl.u32 s7, $0x3;
	s6 =	smul.u32 $0x2800, s6  }
0x9: {  	s10 =	sshrl.u32 s5, $0x1;
	s12 =	sadd.s32 s7, s2;
	s9 =	sadd.s32 s9, s4  }
0xa: {  	s10 =	ssub.s32 s5, s10;
	s8 =	sadd.s32 s8, s4;
	s11 =	sadd.s32 s6, s4  }
0xb: {  	s5 =	sadd.s32 $0xB000, s9;
	s6 =	sor.u32 $0x1C02, s31;
	s9 =	sshrl.u32 s12, $0x3  }
0xc: {  	s12 =	simm.s32 $0x80;
	s4 =	sadd.s32 $0x10000, s8;
	s7 =	sadd.s32 $0x15000, s11  }
0xd: {  	s8 =	smax.u32 s10, $0x1;
	s10 =	simm.s32 $0x2;
	s11 =	simm.s32 $0x1  }
.LBB2_1:
0xe: {  	[tilespmem:s3], [sflag:$0x1] =	stream.linear.gather [hbm4b:s4+s3], $0x1400, $0x38;
	[tilespmem:$0x17B80] =	vst v63  }
0xf: {  	[spmem:s9], [sflag:s6] =	dma.local [hbm:s5], $0x4F0  }
0x10: {  	_ =	swait.ge [sflag:s10], $0x4F0  }
0x11: {  	[sflag:s10] =	ssyncset.done $0x0  }
0x12: {  	[sflag:s10] =	ssyncadd.s32 $0xFFFFFB10  }
0x13: {  	[bflag:$0x0] =	sbarrier.arrive $0xFFFF  }
0x14: {  	_ =	swait.ge [sflag:s11], $0x1400  }
0x15: {  	[sflag:s11] =	ssyncset.done $0x0  }
0x16: {  	s15 =	simm.s32 $0x1400;
	s16 =	simm.s32 $0x0;
	[sflag:s11] =	ssyncadd.s32 $0xFFFFEC00  }
.LBB2_2:
0x17: {  	p0 =	sne.s32 s16, $0x4E00  }
.Ltmp0:
0x18: {  	_ = 	snop;
	(pc) =	sbr.rel @p0 .LBB2_2-.Ltmp0, $4  }
0x19: {  	_ = 	snop  }
0x1a: {  	s17 =	sshra.s32 s16, $0x2  }
0x1b: {  	[tilespmem:s15], [sflag:$0x1] =	stream.indirect.gather [spmem:s2], $0x10, s17, s12, $0xb8;
	[tilespmem:$0x17B80] =	vst v63  }
0x1c: {  	s16 =	sadd.s32 $0x200, s16;
	s15 =	sadd.s32 $0x800, s15  }
0x1d: {  	_ =	swait.ge [sflag:s11], $0x800  }
0x1e: {  	s15 =	simm.s32 $0x27;
	[sflag:s11] =	ssyncset.done $0x0  }
.LBB2_4:
0x1f: {  	p0 =	sne.s32 s15, $0x1;
	s15 =	sadd.s32 $0xFFFFFFFF, s15;
	[sflag:s11] =	ssyncadd.s32 $0xFFFFF800  }
.Ltmp1:
0x20: {  	(pc) =	sbr.rel @p0 .LBB2_4-.Ltmp1, $3  }
0x21: {  	_ =	sdelay $0x1  }
0x22: {  	_ =	swait.ge [sflag:s11], $0x800  }
0x23: {  	[sflag:s11] =	ssyncset.done $0x0  }
0x24: {  	s14 =	sadd.s32 $0x1, s14  }
0x25: {  	p0 =	sne.s32 s14, s8  }
.Ltmp2:
0x26: {  	[sflag:s11] =	ssyncadd.s32 $0xFFFFF800;
	(pc) =	sbr.rel @p0 .LBB2_1-.Ltmp2, $4  }
0x27: {  	[hbm4b:s7+s3] =	stream.linear.scatter [tilespmem:s13], [sflag:$0x2], $0x14000, $0x38;
	[tilespmem:$0x17B80] =	vst v63  }
0x28: {  	_ =	swait.ge [sflag:s10], $0x14000  }
0x29: {  	[sflag:s10] =	ssyncset.done $0x0  }
0x2a: {  	[sflag:s10] =	ssyncadd.s32 $0xFFFEC000  }
0x2b: {  	_ =	sfence.sel $0x180000  }
0x2c: {  	[bflag:$0x0] =	sbarrier.arrive $0xFFFF  }
0x2d: {  	p0 =	sne.s32 s1, $0x0;
	_ =	strace $0x90000050  }
0x2e: {  	s0 =	sadd.s32 @!p0 $0x100000, s0;
	[bflag:$0x2] =	sbarrier.arrive $0xFFFF  }
0x2f: {  	[sflag:s0] =	ssyncadd.tile.s32 @!p0 $0x1;
	_ =	shalt  }
.Lfunc_end2:
_tile_overlayer_lowered:
.L_overlay_start_2:
0x30: {  	(tag) =	ssettag $0x2  }
0x31: {  	s0 =	rddreg [dreg:$0x0];
	s2 =	stileid.u32  }
0x32: {  	s1 =	rddreg [dreg:$0x1];
	p0 =	sne.s32 s2, $0x0  }
0x33: {  	s3 =	rddreg [dreg:$0x2];
	[bflag:$0x3] =	sbarrier.arrive $0xFFFF;
	s2 =	simm.s32 @!p0 $0x1C02  }
0x34: {  	[timem:s3], [sflag:s2] =	dma.local @!p0 [hbm:s0], s1  }
0x35: {  	s0 =	simm.s32 @!p0 $0x2  }
0x36: {  	_ =	swait.ge @!p0 [sflag:s0], s1  }
0x37: {  	s1 =	ssub.s32 @!p0 $0x0, s1;
	[sflag:s0] =	ssyncset.done @!p0 $0x0  }
0x38: {  	[sflag:s0] =	ssyncadd.s32 @!p0 s1  }
0x39: {  	[bflag:$0x3] =	sbarrier.arrive $0xFFFF  }
0x3a: {  	_ =	shalt  }

// kernel: kernel.34.cloned.1.call-start
scs
__scs_entry_jumppad:
0x0: {  	(pc) =	sbr.rel $0x88, $3  }
0x1: {  	(tag) =	ssettag $0x0;
	lr =	simm.s32 $0x1  }
0x2: {  	[smem:$0x3F80] =	sst lr;
	_ =	strace $0xD0000000  }
0x3: {  	_ = 	snop  }
0x4: {  	_ = 	snop  }
0x5: {  	_ = 	snop  }
0x6: {  	_ = 	snop  }
0x7: {  	_ = 	snop  }
__scs_overlays_trampoline_lowered:
0x8: {  	[smem:$0x3F8F] =	sst s0  }
0x9: {  	[smem:$0x3F90] =	sst s1  }
0xa: {  	[smem:$0x3F91] =	sst s2  }
0xb: {  	[smem:$0x3F92] =	sst s3  }
0xc: {  	[smem:$0x3F93] =	sst s4  }
0xd: {  	[smem:$0x3F94] =	sst s5  }
0xe: {  	[smem:$0x3F95] =	sst s6  }
0xf: {  	[smem:$0x3F96] =	sst s7  }
0x10: {  	[smem:$0x3F97] =	sst s8  }
0x11: {  	[smem:$0x3F98] =	sst s9;
	s0 =	simm.s32 @!p0 $0x0  }
0x12: {  	s1 =	sld [smem:$0x3F7E];
	s0 =	simm.s32 @p0 $0x1  }
0x13: {  	[smem:$0x3F99] =	sst s0;
	s0 =	simm.s32 @!p1 $0x0  }
0x14: {  	s2 =	sld [smem:$0x3F7D];
	s0 =	simm.s32 @p1 $0x1  }
0x15: {  	[smem:$0x3F9A] =	sst s0;
	s0 =	simm.s32 @!p2 $0x0  }
0x16: {  	s3 =	sld [smem:$0x3FDB];
	s0 =	simm.s32 @p2 $0x1  }
0x17: {  	s4 =	simm.s32 $0x1BF5;
	[smem:$0x3F9C] =	sst s0  }
0x18: {  	s0 =	sld [smem:$0x3F7F];
	_ =	swait.ge [sflag:s4], $0x0  }
0x19: {  	s7 =	sld [smem:$0x3F80]  }
0x1a: {  	s8 =	sadd.s32 $0xFFFFE003, lr  }
0x1b: {  	s9 =	sadd.s32 $0xFFFFFEF7, lr;
	s5 =	simm.s32 $0xFFFFFFFF;
	p2 =	slt.u32 s8, $0xFFFFF086  }
0x1c: {  	p1 =	slt.u32 s9, $0xF7A;
	s5 =	simm.s32 @!p2 $0x0  }
0x1d: {  	s5 =	simm.s32 @p1 $0x1;
	p0 =	seq.s32 s7, s2  }
0x1e: {  	s7 =	smul.u32 @!p0 $0xF7A, s2;
	p2 =	seq.s32 @!p0 s5, $0x0  }
0x1f: {  	s9 =	smul.u32 $0xF7A, s1;
	s8 =	simm.s32 @!p0 $0x1BF5;
	p2 =	por !p2, p0  }
0x20: {  	[sflag:s8] =	ssyncset.s32 @!p0 $0xFFFFF086;
	s6 =	sadd.s32 @!p0 s3, s7;
	s7 =	simm.s32 @!p0 $0x108  }
0x21: {  	s3 =	sadd.s32 s3, s9;
	s6 =	sadd.s32 @!p0 $0x88, s6;
	s7 =	simm.s32 @p2 $0x1082  }
0x22: {  	[simem:s7], [sflag:s8] =	dma.local @!p0 [hbm:s6], $0xF7A  }
0x23: {  	s9 =	sor.u32 $0xD0000000, s2;
	s6 =	simm.s32 $0x108;
	_ =	swait.ge @!p0 [sflag:s8], $0x0  }
0x24: {  	s3 =	sadd.s32 $0x88, s3;
	s6 =	simm.s32 @!p1 $0x1082;
	[sflag:s4] =	ssyncset.s32 $0xFFFFF086  }
0x25: {  	[simem:s6], [sflag:s4] =	dma.local [hbm:s3], $0xF7A  }
0x26: {  	[smem:$0x3F80] =	sst s1;
	(tag) =	ssettag s2;
	_ =	strace s9  }
0x27: {  	s1 =	sld [smem:$0x3F90]  }
0x28: {  	s2 =	sld [smem:$0x3F91]  }
0x29: {  	s4 =	sld [smem:$0x3F93]  }
0x2a: {  	p0 =	seq.s32 s5, $0x0;
	s5 =	sld [smem:$0x3F94]  }
0x2b: {  	s6 =	sld [smem:$0x3F95]  }
0x2c: {  	s7 =	sld [smem:$0x3F96]  }
0x2d: {  	s3 =	simm.s32 $0x108;
	s8 =	sld [smem:$0x3F97]  }
0x2e: {  	s3 =	simm.s32 @!p0 $0x1082;
	s9 =	sld [smem:$0x3F98]  }
0x2f: {  	lr =	sadd.s32 s0, s3;
	s0 =	sld [smem:$0x3F8F]  }
0x30: {  	s3 =	sld [smem:$0x3F92]  }
0x31: {  	[smem:$0x3F9B] =	sst s10  }
0x32: {  	s10 =	sld [smem:$0x3F99];
	_ =	sdelay $0x3  }
0x33: {  	p0 =	seq.s32 s10, $0x1;
	s10 =	sld [smem:$0x3F9B];
	_ =	sdelay $0x3  }
0x34: {  	[smem:$0x3F9B] =	sst s10  }
0x35: {  	s10 =	sld [smem:$0x3F9A];
	_ =	sdelay $0x3  }
0x36: {  	p1 =	seq.s32 s10, $0x1;
	s10 =	sld [smem:$0x3F9B];
	_ =	sdelay $0x3  }
0x37: {  	[smem:$0x3F9B] =	sst s10  }
0x38: {  	s10 =	sld [smem:$0x3F9C]  }
0x39: {  	_ = 	snop;
	(pc) =	sbr.ind lr, $3  }
0x3a: {  	_ = 	snop  }
0x3b: {  	_ = 	snop  }
0x3c: {  	p2 =	seq.s32 s10, $0x1;
	s10 =	sld [smem:$0x3F9B]  }
0x3d: {  	_ =	shalt  }
0x3e: {  	_ =	shalt  }
0x3f: {  	_ =	shalt  }
0x40: {  	_ =	shalt  }
0x41: {  	_ =	shalt  }
0x42: {  	_ =	shalt  }
0x43: {  	_ =	shalt  }
0x44: {  	_ =	shalt  }
0x45: {  	_ =	shalt  }
0x46: {  	_ =	shalt  }
0x47: {  	_ =	shalt  }
0x48: {  	_ =	shalt  }
0x49: {  	_ =	shalt  }
0x4a: {  	_ =	shalt  }
0x4b: {  	_ =	shalt  }
0x4c: {  	_ =	shalt  }
0x4d: {  	_ =	shalt  }
0x4e: {  	_ =	shalt  }
0x4f: {  	_ =	shalt  }
0x50: {  	_ =	shalt  }
0x51: {  	_ =	shalt  }
0x52: {  	_ =	shalt  }
0x53: {  	_ =	shalt  }
0x54: {  	_ =	shalt  }
0x55: {  	_ =	shalt  }
0x56: {  	_ =	shalt  }
0x57: {  	_ =	shalt  }
0x58: {  	_ =	shalt  }
0x59: {  	_ =	shalt  }
0x5a: {  	_ =	shalt  }
0x5b: {  	_ =	shalt  }
0x5c: {  	_ =	shalt  }
0x5d: {  	_ =	shalt  }
0x5e: {  	_ =	shalt  }
0x5f: {  	_ =	shalt  }
0x60: {  	_ =	shalt  }
0x61: {  	_ =	shalt  }
0x62: {  	_ =	shalt  }
0x63: {  	_ =	shalt  }
0x64: {  	_ =	shalt  }
0x65: {  	_ =	shalt  }
0x66: {  	_ =	shalt  }
0x67: {  	_ =	shalt  }
0x68: {  	_ =	shalt  }
0x69: {  	_ =	shalt  }
0x6a: {  	_ =	shalt  }
0x6b: {  	_ =	shalt  }
0x6c: {  	_ =	shalt  }
0x6d: {  	_ =	shalt  }
0x6e: {  	_ =	shalt  }
0x6f: {  	_ =	shalt  }
0x70: {  	_ =	shalt  }
0x71: {  	_ =	shalt  }
0x72: {  	_ =	shalt  }
0x73: {  	_ =	shalt  }
0x74: {  	_ =	shalt  }
0x75: {  	_ =	shalt  }
0x76: {  	_ =	shalt  }
0x77: {  	_ =	shalt  }
0x78: {  	_ =	shalt  }
0x79: {  	_ =	shalt  }
0x7a: {  	_ =	shalt  }
0x7b: {  	_ =	shalt  }
0x7c: {  	_ =	shalt  }
0x7d: {  	_ =	shalt  }
0x7e: {  	_ =	shalt  }
0x7f: {  	_ =	shalt  }
0x80: {  	_ =	shalt  }
0x81: {  	_ =	shalt  }
0x82: {  	_ =	shalt  }
0x83: {  	_ =	shalt  }
0x84: {  	_ =	shalt  }
0x85: {  	_ =	shalt  }
0x86: {  	_ =	shalt  }
0x87: {  	_ =	shalt  }
.Lfunc_end0:
.L_simem_size_0:
called_computation.4_lowered:
.L_overlay_start_0:
0x88: {  	s2 =	sld [smem:$0x3FD9]  }
0x89: {  	s3 =	sld [smem:$0x3FFE];
	_ =	sdelay $0x1  }
0x8a: {  	s1 =	srdreg.scid  }
0x8b: {  	s0 =	sand.u32 $0x1, s1  }
0x8c: {  	s16 =	sshll.u32 s0, $0xA;
	s2 =	sadd.s32 s3, s2  }
0x8d: {  	s2 =	sadd.s32 s2, s16  }
0x8e: {  	[smem:$0x3FA7] =	sst s2  }
0x8f: {  	_ = 	snop  }
0x90: {  	(tm) =	ssettm $0x1  }
0x91: {  	s17 =	sld [smem:$0x3FFB];
	_ =	sdelay $0x3  }
0x92: {  	_ =	strace s17  }
0x93: {  	s2 =	sld [smem:$0x3FFC];
	_ =	sdelay $0x3  }
0x94: {  	_ =	strace s2  }
0x95: {  	s2 =	sld [smem:$0x3FFD];
	_ =	sdelay $0x3  }
0x96: {  	_ =	strace s2  }
0x97: {  	_ =	strace $0x8FFFFFFF  }
0x98: {  	s18 =	sld [smem:$0x3FDB];
	_ =	sdelay $0x1  }
0x99: {  	s19 =	simm.s32 $_scs_section_size  }
0x9a: {  	s4 =	simm.s32 $_size__tile_overlayer_lowered;
	s5 =	simm.s32 $_tile_overlayer_lowered  }
0x9b: {  	s22 =	simm.s32 $0x1BFF;
	s21 =	sshll.u32 s5, $0x1;
	s2 =	sadd.s32 s19, s18  }
0x9c: {  	s6 =	simm.s32 $0x0;
	s20 =	sshll.u32 s4, $0x1;
	s4 =	sadd.s32 s21, s2  }
0x9d: {  	[timem:s6], [sflag:s22] =	dma.local [hbm:s4], s20  }
0x9e: {  	_ =	swait.ge [sflag:s22], s20  }
0x9f: {  	s3 =	ssub.s32 $0x0, s20;
	[sflag:s22] =	ssyncset.done $0x0  }
0xa0: {  	[sflag:s22] =	ssyncadd.s32 s3;
	_ =	sdelay $0x1  }
0xa1: {  	s23 =	simm.s32 $0x1B8B  }
0xa2: {  	_ =	swait.ge [sflag:s23], $0x1  }
0xa3: {  	[sflag:s23] =	ssyncset.done $0x0  }
0xa4: {  	s25 =	simm.s32 $0x1B8E;
	s24 =	sld [smem:$0x3FFE];
	[sflag:s23] =	ssyncadd.s32 $0xFFFFFFFF  }
0xa5: {  	s26 =	simm.s32 $execute0_lowered;
	[smem:$0x3FD2] =	sst s25  }
0xa6: {  	s4 =	sshll.u32 s26, $0x1;
	_ =	strace $0x80000052;
	[dreg:$0x1] =	wrdreg $0xFFFFFFFF  }
0xa7: {  	s28 =	simm.s32 $_size_execute0_lowered;
	s2 =	sadd.s32 s2, s4;
	[dreg:$0x0] =	wrdreg $0x0  }
0xa8: {  	s4 =	sshll.u32 s28, $0x1;
	[dreg:$0x2] =	wrdreg s2  }
0xa9: {  	[dreg:$0x3] =	wrdreg s4  }
0xaa: {  	[dreg:$0x4] =	wrdreg $0xC0  }
0xab: {  	_ =	task [dreg:s6], $0x5FFFF  }
0xac: {  	[dreg:$0x1] =	wrdreg $0xFFFFFFFF  }
0xad: {  	[dreg:$0x0] =	wrdreg $0x60  }
0xae: {  	[dreg:$0x2] =	wrdreg s24  }
0xaf: {  	[dreg:$0x3] =	wrdreg $0x154000  }
0xb0: {  	[dreg:$0x4] =	wrdreg $0x9  }
0xb1: {  	_ =	task.clear_ibuf [dreg:s6], $0x5FFFF;
	_ =	strace $0x90000052  }
0xb2: {  	s29 =	simm.s32 $0x9;
	_ =	strace $0x80000054  }
0xb3: {  	_ =	swait.ge [sflag:s29], $0x1  }
0xb4: {  	[sflag:s29] =	ssyncadd.s32 $0xFFFFFFFF  }
0xb5: {  	_ =	strace $0x90000054  }
0xb6: {  	_ =	sfence  }
0xb7: {  	s30 =	sld [smem:$0x0];
	_ =	sdelay $0x2  }
0xb8: {  	s31 =	sshll.u32 s1, $0xD;
	s1 =	sshrl.u32 s1, $0x2  }
0xb9: {  	s3 =	sand.u32 $0x4000, s31;
	s1 =	sadd.s32 s1, s30  }
0xba: {  	s0 =	sor.u32 s3, s0;
	s1 =	sshll.u32 s1, $0x11  }
0xbb: {  	s0 =	sor.u32 s1, s0  }
0xbc: {  	s0 =	sadd.s32 $0x8F2B, s0  }
0xbd: {  	[sflag:s0] =	ssyncadd.remote.s32 $0x1  }
0xbe: {  	_ =	sfence.sel $0xFFFF  }
0xbf: {  	[dreg:$0x0] =	wrdreg $0xFFFFFFFF;
	(pc) =	sbr.abs _section_cstart, $3  }
0xc0: {  	[dreg:$0x1] =	wrdreg $0xFFFFFFFF  }
0xc1: {  	_ =	task.clear_ibuf [dreg:s6], $0x2FFFF;
	_ =	strace $0x9FFFFFFF  }
0xc2: {  	(tm) =	ssettm $0x7FFFFFFF  }
0xc3: {  	_ =	shalt  }
tec
execute0_lowered:
.L_overlay_start_1:
0x0: {  	(tag) =	ssettag $0x1  }
0x1: {  	s1 =	srdreg.scid  }
0x2: {  	s0 =	stileid.u32;
	s5 =	rddreg [dreg:$0x0]  }
0x3: {  	s2 =	rddreg [dreg:$0x1];
	s3 =	simm.s32 $0x0;
	s13 =	simm.s32 $0x80  }
0x4: {  	s4 =	sand.u32 $0x1, s1;
	s29 =	sshll.u32 s0, $0x1;
	s8 =	smul.u32 $0x27C0, s0  }
0x5: {  	s14 =	simm.s32 $0x2;
	s1 =	sor.u32 s4, s29;
	s9 =	smul.u32 $0x27C00, s4  }
0x6: {  	s15 =	simm.s32 $0x0;
	[smem:$0x7FF] =	sst s3;
	s6 =	smul.u32 $0x2800, s1  }
0x7: {  	s31 =	sshll.u32 s0, $0x6;
	s4 =	ssub.s32 $0x2, s4;
	s7 =	smul.u32 $0x280, s1  }
0x8: {  	s1 =	rddreg [dreg:$0x2];
	_ =	strace $0x80000053;
	s10 =	sshrl.u32 s8, $0x3  }
0x9: {  	s30 =	sshrl.u32 s4, $0x1;
	s12 =	sadd.s32 s8, s2;
	s9 =	sadd.s32 s8, s9  }
0xa: {  	s10 =	sadd.s32 s10, s5;
	s11 =	ssub.s32 s4, s30;
	s9 =	sshrl.u32 s9, $0x3  }
0xb: {  	s6 =	sadd.s32 s6, s5;
	s7 =	sadd.s32 s7, s5;
	s9 =	sadd.s32 s9, s5  }
0xc: {  	s4 =	sadd.s32 $0x65000, s7;
	s5 =	sadd.s32 $0x10000, s6;
	s6 =	sadd.s32 $0x6B400, s10  }
0xd: {  	s7 =	sor.u32 $0x1C03, s31;
	s10 =	sshrl.u32 s12, $0x3;
	s12 =	simm.s32 $0x1  }
0xe: {  	s8 =	sadd.s32 $0x98400, s9;
	s9 =	smax.u32 s11, $0x1;
	s11 =	simm.s32 $0x3  }
.LBB2_1:
0xf: {  	[tilespmem:s3], [sflag:$0x1] =	stream.linear.gather [hbm4b:s4+s3], $0x1400, $0x38;
	[tilespmem:$0x17BC0] =	vst v63  }
0x10: {  	s16 =	simm.s32 $0x1400  }
0x11: {  	[tilespmem:s16], [sflag:$0x1] =	stream.linear.gather [hbm4b:s5+s3], $0x14000, $0x38;
	[tilespmem:$0x17BC0] =	vst v63  }
0x12: {  	[spmem:s10], [sflag:s7] =	dma.local [hbm:s6], $0x4F8  }
0x13: {  	_ =	swait.ge [sflag:s11], $0x4F8  }
0x14: {  	[sflag:s11] =	ssyncset.done $0x0  }
0x15: {  	[sflag:s11] =	ssyncadd.s32 $0xFFFFFB08  }
0x16: {  	[bflag:$0x0] =	sbarrier.arrive $0xFFFF  }
0x17: {  	_ =	swait.ge [sflag:s12], $0x1400  }
0x18: {  	[sflag:s12] =	ssyncset.done $0x0  }
0x19: {  	[sflag:s12] =	ssyncadd.s32 $0xFFFFEC00  }
0x1a: {  	_ =	swait.ge [sflag:s12], $0x14000  }
0x1b: {  	[sflag:s12] =	ssyncset.done $0x0  }
0x1c: {  	s17 =	simm.s32 $0x0;
	[sflag:s12] =	ssyncadd.s32 $0xFFFEC000  }
.LBB2_2:
0x1d: {  	p0 =	sne.s32 s17, $0x4E00  }
.Ltmp0:
0x1e: {  	_ = 	snop;
	(pc) =	sbr.rel @p0 .LBB2_2-.Ltmp0, $4  }
0x1f: {  	_ = 	snop  }
0x20: {  	s18 =	sshra.s32 s17, $0x2  }
0x21: {  	[spmem:s2] =	stream.indirect.scatter.add.f32 [tilespmem:s16], [sflag:$0x2], $0x10, s18, s13, $0xb8;
	[tilespmem:$0x17BC0] =	vst v63  }
0x22: {  	s17 =	sadd.s32 $0x200, s17;
	s16 =	sadd.s32 $0x800, s16  }
0x23: {  	_ =	swait.ge [sflag:s14], $0x800  }
0x24: {  	s16 =	simm.s32 $0x27;
	[sflag:s14] =	ssyncset.done $0x0  }
.LBB2_4:
0x25: {  	p0 =	sne.s32 s16, $0x1;
	s16 =	sadd.s32 $0xFFFFFFFF, s16;
	[sflag:s14] =	ssyncadd.s32 $0xFFFFF800  }
.Ltmp1:
0x26: {  	(pc) =	sbr.rel @p0 .LBB2_4-.Ltmp1, $3  }
0x27: {  	_ =	sdelay $0x1  }
0x28: {  	_ =	swait.ge [sflag:s14], $0x800  }
0x29: {  	[sflag:s14] =	ssyncset.done $0x0  }
0x2a: {  	s15 =	sadd.s32 $0x1, s15  }
0x2b: {  	[sflag:s14] =	ssyncadd.s32 $0xFFFFF800;
	p0 =	sne.s32 s15, s9  }
.Ltmp2:
0x2c: {  	[bflag:$0x0] =	sbarrier.arrive $0xFFFF;
	(pc) =	sbr.rel @p0 .LBB2_1-.Ltmp2, $4  }
0x2d: {  	[hbm:s8], [sflag:s7] =	dma.local [spmem:s10], $0x4F8  }
0x2e: {  	_ =	swait.ge [sflag:s11], $0x4F8  }
0x2f: {  	[sflag:s11] =	ssyncset.done $0x0  }
0x30: {  	[sflag:s11] =	ssyncadd.s32 $0xFFFFFB08  }
0x31: {  	_ =	sfence.sel $0x180000  }
0x32: {  	[bflag:$0x0] =	sbarrier.arrive $0xFFFF  }
0x33: {  	p0 =	sne.s32 s0, $0x0;
	_ =	strace $0x90000053  }
0x34: {  	s0 =	sadd.s32 @!p0 $0x100000, s1;
	[bflag:$0x2] =	sbarrier.arrive $0xFFFF  }
0x35: {  	[sflag:s0] =	ssyncadd.tile.s32 @!p0 $0x1;
	_ =	shalt  }
.Lfunc_end2:
_tile_overlayer_lowered:
.L_overlay_start_2:
0x36: {  	(tag) =	ssettag $0x2  }
0x37: {  	s0 =	rddreg [dreg:$0x0];
	s2 =	stileid.u32  }
0x38: {  	s1 =	rddreg [dreg:$0x1];
	p0 =	sne.s32 s2, $0x0  }
0x39: {  	s3 =	rddreg [dreg:$0x2];
	[bflag:$0x3] =	sbarrier.arrive $0xFFFF;
	s2 =	simm.s32 @!p0 $0x1C03  }
0x3a: {  	[timem:s3], [sflag:s2] =	dma.local @!p0 [hbm:s0], s1  }
0x3b: {  	s0 =	simm.s32 @!p0 $0x3  }
0x3c: {  	_ =	swait.ge @!p0 [sflag:s0], s1  }
0x3d: {  	s1 =	ssub.s32 @!p0 $0x0, s1;
	[sflag:s0] =	ssyncset.done @!p0 $0x0  }
0x3e: {  	[sflag:s0] =	ssyncadd.s32 @!p0 s1  }
0x3f: {  	[bflag:$0x3] =	sbarrier.arrive $0xFFFF  }
0x40: {  	_ =	shalt  }

// kernel: kernel.37.cloned.1.call-start
scs
__scs_entry_jumppad:
0x0: {  	(pc) =	sbr.rel $0x88, $3  }
0x1: {  	(tag) =	ssettag $0x0;
	lr =	simm.s32 $0x1  }
0x2: {  	[smem:$0x3F80] =	sst lr;
	_ =	strace $0xD0000000  }
0x3: {  	_ = 	snop  }
0x4: {  	_ = 	snop  }
0x5: {  	_ = 	snop  }
0x6: {  	_ = 	snop  }
0x7: {  	_ = 	snop  }
__scs_overlays_trampoline_lowered:
0x8: {  	[smem:$0x3F8F] =	sst s0  }
0x9: {  	[smem:$0x3F90] =	sst s1  }
0xa: {  	[smem:$0x3F91] =	sst s2  }
0xb: {  	[smem:$0x3F92] =	sst s3  }
0xc: {  	[smem:$0x3F93] =	sst s4  }
0xd: {  	[smem:$0x3F94] =	sst s5  }
0xe: {  	[smem:$0x3F95] =	sst s6  }
0xf: {  	[smem:$0x3F96] =	sst s7  }
0x10: {  	[smem:$0x3F97] =	sst s8  }
0x11: {  	[smem:$0x3F98] =	sst s9;
	s0 =	simm.s32 @!p0 $0x0  }
0x12: {  	s1 =	sld [smem:$0x3F7E];
	s0 =	simm.s32 @p0 $0x1  }
0x13: {  	[smem:$0x3F99] =	sst s0;
	s0 =	simm.s32 @!p1 $0x0  }
0x14: {  	s2 =	sld [smem:$0x3F7D];
	s0 =	simm.s32 @p1 $0x1  }
0x15: {  	[smem:$0x3F9A] =	sst s0;
	s0 =	simm.s32 @!p2 $0x0  }
0x16: {  	s3 =	sld [smem:$0x3FDB];
	s0 =	simm.s32 @p2 $0x1  }
0x17: {  	s4 =	simm.s32 $0x1BF5;
	[smem:$0x3F9C] =	sst s0  }
0x18: {  	s0 =	sld [smem:$0x3F7F];
	_ =	swait.ge [sflag:s4], $0x0  }
0x19: {  	s7 =	sld [smem:$0x3F80]  }
0x1a: {  	s8 =	sadd.s32 $0xFFFFE003, lr  }
0x1b: {  	s9 =	sadd.s32 $0xFFFFFEF7, lr;
	s5 =	simm.s32 $0xFFFFFFFF;
	p2 =	slt.u32 s8, $0xFFFFF086  }
0x1c: {  	p1 =	slt.u32 s9, $0xF7A;
	s5 =	simm.s32 @!p2 $0x0  }
0x1d: {  	s5 =	simm.s32 @p1 $0x1;
	p0 =	seq.s32 s7, s2  }
0x1e: {  	s7 =	smul.u32 @!p0 $0xF7A, s2;
	p2 =	seq.s32 @!p0 s5, $0x0  }
0x1f: {  	s9 =	smul.u32 $0xF7A, s1;
	s8 =	simm.s32 @!p0 $0x1BF5;
	p2 =	por !p2, p0  }
0x20: {  	[sflag:s8] =	ssyncset.s32 @!p0 $0xFFFFF086;
	s6 =	sadd.s32 @!p0 s3, s7;
	s7 =	simm.s32 @!p0 $0x108  }
0x21: {  	s3 =	sadd.s32 s3, s9;
	s6 =	sadd.s32 @!p0 $0x88, s6;
	s7 =	simm.s32 @p2 $0x1082  }
0x22: {  	[simem:s7], [sflag:s8] =	dma.local @!p0 [hbm:s6], $0xF7A  }
0x23: {  	s9 =	sor.u32 $0xD0000000, s2;
	s6 =	simm.s32 $0x108;
	_ =	swait.ge @!p0 [sflag:s8], $0x0  }
0x24: {  	s3 =	sadd.s32 $0x88, s3;
	s6 =	simm.s32 @!p1 $0x1082;
	[sflag:s4] =	ssyncset.s32 $0xFFFFF086  }
0x25: {  	[simem:s6], [sflag:s4] =	dma.local [hbm:s3], $0xF7A  }
0x26: {  	[smem:$0x3F80] =	sst s1;
	(tag) =	ssettag s2;
	_ =	strace s9  }
0x27: {  	s1 =	sld [smem:$0x3F90]  }
0x28: {  	s2 =	sld [smem:$0x3F91]  }
0x29: {  	s4 =	sld [smem:$0x3F93]  }
0x2a: {  	p0 =	seq.s32 s5, $0x0;
	s5 =	sld [smem:$0x3F94]  }
0x2b: {  	s6 =	sld [smem:$0x3F95]  }
0x2c: {  	s7 =	sld [smem:$0x3F96]  }
0x2d: {  	s3 =	simm.s32 $0x108;
	s8 =	sld [smem:$0x3F97]  }
0x2e: {  	s3 =	simm.s32 @!p0 $0x1082;
	s9 =	sld [smem:$0x3F98]  }
0x2f: {  	lr =	sadd.s32 s0, s3;
	s0 =	sld [smem:$0x3F8F]  }
0x30: {  	s3 =	sld [smem:$0x3F92]  }
0x31: {  	[smem:$0x3F9B] =	sst s10  }
0x32: {  	s10 =	sld [smem:$0x3F99];
	_ =	sdelay $0x3  }
0x33: {  	p0 =	seq.s32 s10, $0x1;
	s10 =	sld [smem:$0x3F9B];
	_ =	sdelay $0x3  }
0x34: {  	[smem:$0x3F9B] =	sst s10  }
0x35: {  	s10 =	sld [smem:$0x3F9A];
	_ =	sdelay $0x3  }
0x36: {  	p1 =	seq.s32 s10, $0x1;
	s10 =	sld [smem:$0x3F9B];
	_ =	sdelay $0x3  }
0x37: {  	[smem:$0x3F9B] =	sst s10  }
0x38: {  	s10 =	sld [smem:$0x3F9C]  }
0x39: {  	_ = 	snop;
	(pc) =	sbr.ind lr, $3  }
0x3a: {  	_ = 	snop  }
0x3b: {  	_ = 	snop  }
0x3c: {  	p2 =	seq.s32 s10, $0x1;
	s10 =	sld [smem:$0x3F9B]  }
0x3d: {  	_ =	shalt  }
0x3e: {  	_ =	shalt  }
0x3f: {  	_ =	shalt  }
0x40: {  	_ =	shalt  }
0x41: {  	_ =	shalt  }
0x42: {  	_ =	shalt  }
0x43: {  	_ =	shalt  }
0x44: {  	_ =	shalt  }
0x45: {  	_ =	shalt  }
0x46: {  	_ =	shalt  }
0x47: {  	_ =	shalt  }
0x48: {  	_ =	shalt  }
0x49: {  	_ =	shalt  }
0x4a: {  	_ =	shalt  }
0x4b: {  	_ =	shalt  }
0x4c: {  	_ =	shalt  }
0x4d: {  	_ =	shalt  }
0x4e: {  	_ =	shalt  }
0x4f: {  	_ =	shalt  }
0x50: {  	_ =	shalt  }
0x51: {  	_ =	shalt  }
0x52: {  	_ =	shalt  }
0x53: {  	_ =	shalt  }
0x54: {  	_ =	shalt  }
0x55: {  	_ =	shalt  }
0x56: {  	_ =	shalt  }
0x57: {  	_ =	shalt  }
0x58: {  	_ =	shalt  }
0x59: {  	_ =	shalt  }
0x5a: {  	_ =	shalt  }
0x5b: {  	_ =	shalt  }
0x5c: {  	_ =	shalt  }
0x5d: {  	_ =	shalt  }
0x5e: {  	_ =	shalt  }
0x5f: {  	_ =	shalt  }
0x60: {  	_ =	shalt  }
0x61: {  	_ =	shalt  }
0x62: {  	_ =	shalt  }
0x63: {  	_ =	shalt  }
0x64: {  	_ =	shalt  }
0x65: {  	_ =	shalt  }
0x66: {  	_ =	shalt  }
0x67: {  	_ =	shalt  }
0x68: {  	_ =	shalt  }
0x69: {  	_ =	shalt  }
0x6a: {  	_ =	shalt  }
0x6b: {  	_ =	shalt  }
0x6c: {  	_ =	shalt  }
0x6d: {  	_ =	shalt  }
0x6e: {  	_ =	shalt  }
0x6f: {  	_ =	shalt  }
0x70: {  	_ =	shalt  }
0x71: {  	_ =	shalt  }
0x72: {  	_ =	shalt  }
0x73: {  	_ =	shalt  }
0x74: {  	_ =	shalt  }
0x75: {  	_ =	shalt  }
0x76: {  	_ =	shalt  }
0x77: {  	_ =	shalt  }
0x78: {  	_ =	shalt  }
0x79: {  	_ =	shalt  }
0x7a: {  	_ =	shalt  }
0x7b: {  	_ =	shalt  }
0x7c: {  	_ =	shalt  }
0x7d: {  	_ =	shalt  }
0x7e: {  	_ =	shalt  }
0x7f: {  	_ =	shalt  }
0x80: {  	_ =	shalt  }
0x81: {  	_ =	shalt  }
0x82: {  	_ =	shalt  }
0x83: {  	_ =	shalt  }
0x84: {  	_ =	shalt  }
0x85: {  	_ =	shalt  }
0x86: {  	_ =	shalt  }
0x87: {  	_ =	shalt  }
.Lfunc_end0:
.L_simem_size_0:
called_computation.5_lowered:
.L_overlay_start_0:
0x88: {  	s2 =	sld [smem:$0x3FD9]  }
0x89: {  	s3 =	sld [smem:$0x3FFE];
	_ =	sdelay $0x1  }
0x8a: {  	s1 =	srdreg.scid  }
0x8b: {  	s0 =	sand.u32 $0x1, s1  }
0x8c: {  	s16 =	sshll.u32 s0, $0xA;
	s2 =	sadd.s32 s3, s2  }
0x8d: {  	s2 =	sadd.s32 s2, s16  }
0x8e: {  	[smem:$0x3FA7] =	sst s2  }
0x8f: {  	_ = 	snop  }
0x90: {  	(tm) =	ssettm $0x1  }
0x91: {  	s17 =	sld [smem:$0x3FFB];
	_ =	sdelay $0x3  }
0x92: {  	_ =	strace s17  }
0x93: {  	s2 =	sld [smem:$0x3FFC];
	_ =	sdelay $0x3  }
0x94: {  	_ =	strace s2  }
0x95: {  	s2 =	sld [smem:$0x3FFD];
	_ =	sdelay $0x3  }
0x96: {  	_ =	strace s2  }
0x97: {  	_ =	strace $0x8FFFFFFF  }
0x98: {  	s18 =	sld [smem:$0x3FDB];
	_ =	sdelay $0x1  }
0x99: {  	s19 =	simm.s32 $_scs_section_size  }
0x9a: {  	s4 =	simm.s32 $_size__tile_overlayer_lowered;
	s5 =	simm.s32 $_tile_overlayer_lowered  }
0x9b: {  	s22 =	simm.s32 $0x1BFF;
	s21 =	sshll.u32 s5, $0x1;
	s2 =	sadd.s32 s19, s18  }
0x9c: {  	s6 =	simm.s32 $0x0;
	s20 =	sshll.u32 s4, $0x1;
	s4 =	sadd.s32 s21, s2  }
0x9d: {  	[timem:s6], [sflag:s22] =	dma.local [hbm:s4], s20  }
0x9e: {  	_ =	swait.ge [sflag:s22], s20  }
0x9f: {  	s3 =	ssub.s32 $0x0, s20;
	[sflag:s22] =	ssyncset.done $0x0  }
0xa0: {  	[sflag:s22] =	ssyncadd.s32 s3;
	_ =	sdelay $0x1  }
0xa1: {  	s23 =	simm.s32 $0x1B8B  }
0xa2: {  	_ =	swait.ge [sflag:s23], $0x1  }
0xa3: {  	[sflag:s23] =	ssyncset.done $0x0  }
0xa4: {  	s25 =	simm.s32 $0x1B8E;
	s24 =	sld [smem:$0x3FFE];
	[sflag:s23] =	ssyncadd.s32 $0xFFFFFFFF  }
0xa5: {  	s26 =	simm.s32 $execute0_lowered;
	[smem:$0x3FD2] =	sst s25  }
0xa6: {  	s4 =	sshll.u32 s26, $0x1;
	_ =	strace $0x80000055;
	[dreg:$0x1] =	wrdreg $0xFFFFFFFF  }
0xa7: {  	s28 =	simm.s32 $_size_execute0_lowered;
	s2 =	sadd.s32 s2, s4;
	[dreg:$0x0] =	wrdreg $0x0  }
0xa8: {  	s4 =	sshll.u32 s28, $0x1;
	[dreg:$0x2] =	wrdreg s2  }
0xa9: {  	[dreg:$0x3] =	wrdreg s4  }
0xaa: {  	[dreg:$0x4] =	wrdreg $0xC0  }
0xab: {  	_ =	task [dreg:s6], $0x5FFFF  }
0xac: {  	[dreg:$0x1] =	wrdreg $0xFFFFFFFF  }
0xad: {  	[dreg:$0x0] =	wrdreg $0x60  }
0xae: {  	[dreg:$0x2] =	wrdreg s24  }
0xaf: {  	[dreg:$0x3] =	wrdreg $0xA5000  }
0xb0: {  	[dreg:$0x4] =	wrdreg $0x9  }
0xb1: {  	_ =	task.clear_ibuf [dreg:s6], $0x5FFFF;
	_ =	strace $0x90000055  }
0xb2: {  	s29 =	simm.s32 $0x9;
	_ =	strace $0x80000057  }
0xb3: {  	_ =	swait.ge [sflag:s29], $0x1  }
0xb4: {  	[sflag:s29] =	ssyncadd.s32 $0xFFFFFFFF  }
0xb5: {  	_ =	strace $0x90000057  }
0xb6: {  	_ =	sfence  }
0xb7: {  	s30 =	sld [smem:$0x0];
	_ =	sdelay $0x2  }
0xb8: {  	s31 =	sshll.u32 s1, $0xD;
	s1 =	sshrl.u32 s1, $0x2  }
0xb9: {  	s3 =	sand.u32 $0x4000, s31;
	s1 =	sadd.s32 s1, s30  }
0xba: {  	s0 =	sor.u32 s3, s0;
	s1 =	sshll.u32 s1, $0x11  }
0xbb: {  	s0 =	sor.u32 s1, s0  }
0xbc: {  	s0 =	sadd.s32 $0x8F2B, s0  }
0xbd: {  	[sflag:s0] =	ssyncadd.remote.s32 $0x1  }
0xbe: {  	_ =	sfence.sel $0xFFFF  }
0xbf: {  	[dreg:$0x0] =	wrdreg $0xFFFFFFFF;
	(pc) =	sbr.abs _section_cstart, $3  }
0xc0: {  	[dreg:$0x1] =	wrdreg $0xFFFFFFFF  }
0xc1: {  	_ =	task.clear_ibuf [dreg:s6], $0x2FFFF;
	_ =	strace $0x9FFFFFFF  }
0xc2: {  	(tm) =	ssettm $0x7FFFFFFF  }
0xc3: {  	_ =	shalt  }
tec
execute0_lowered:
.L_overlay_start_1:
0x0: {  	(tag) =	ssettag $0x1  }
0x1: {  	s0 =	stileid.u32;
	s30 =	rddreg [dreg:$0x0]  }
0x2: {  	s1 =	srdreg.scid;
	s2 =	rddreg [dreg:$0x1];
	s3 =	simm.s32 $0x0  }
0x3: {  	s31 =	sand.u32 $0x1, s1;
	s25 =	sshll.u32 s0, $0x1;
	s5 =	smul.u32 $0x4F00, s0  }
0x4: {  	[smem:$0x7FF] =	sst s3;
	s1 =	sor.u32 s31, s25  }
0x5: {  	s26 =	sshll.u32 s0, $0x6;
	s4 =	smul.u32 $0xA0, s1;
	s6 =	sshrl.u32 s5, $0x3  }
0x6: {  	_ =	strace $0x80000056;
	s7 =	sadd.s32 s5, s2;
	s6 =	sadd.s32 s6, s30  }
0x7: {  	s8 =	sshrl.u32 s7, $0x3;
	s7 =	simm.s32 $0x2;
	s4 =	sadd.s32 s4, s30  }
0x8: {  	s5 =	sadd.s32 $0x7A600, s6;
	s6 =	sor.u32 $0x1C02, s26;
	s4 =	sadd.s32 $0x60000, s4  }
0x9: {  	[tilespmem:s3], [sflag:$0x1] =	stream.linear.gather [hbm4b:s4+s3], $0x500, $0x38;
	[tilespmem:$0xF400] =	vst v63  }
0xa: {  	[spmem:s8], [sflag:s6] =	dma.local [hbm:s5], $0x9E0  }
0xb: {  	_ =	swait.ge [sflag:s7], $0x9E0  }
0xc: {  	[sflag:s7] =	ssyncset.done $0x0  }
0xd: {  	[sflag:s7] =	ssyncadd.s32 $0xFFFFF620  }
0xe: {  	s9 =	simm.s32 $0x1;
	[bflag:$0x0] =	sbarrier.arrive $0xFFFF  }
0xf: {  	_ =	swait.ge [sflag:s9], $0x500  }
0x10: {  	[sflag:s9] =	ssyncset.done $0x0  }
0x11: {  	s10 =	simm.s32 $0x80;
	s11 =	simm.s32 $0x500;
	[sflag:s9] =	ssyncadd.s32 $0xFFFFFB00  }
0x12: {  	[tilespmem:s11], [sflag:$0x1] =	stream.indirect.gather [spmem:s2], $0x20, s3, s10, $0xb8;
	[tilespmem:$0xF400] =	vst v63  }
0x13: {  	s12 =	simm.s32 $0x1500  }
0x14: {  	[tilespmem:s12], [sflag:$0x1] =	stream.indirect.gather [spmem:s2], $0x20, s10, s10, $0xb8;
	[tilespmem:$0xF400] =	vst v63  }
0x15: {  	s13 =	simm.s32 $0x100;
	s14 =	simm.s32 $0x2500  }
0x16: {  	[tilespmem:s14], [sflag:$0x1] =	stream.indirect.gather [spmem:s2], $0x20, s13, s10, $0xb8;
	[tilespmem:$0xF400] =	vst v63  }
0x17: {  	s15 =	simm.s32 $0x180;
	s16 =	simm.s32 $0x3500  }
0x18: {  	[tilespmem:s16], [sflag:$0x1] =	stream.indirect.gather [spmem:s2], $0x20, s15, s10, $0xb8;
	[tilespmem:$0xF400] =	vst v63  }
0x19: {  	s17 =	simm.s32 $0x200;
	s18 =	simm.s32 $0x4500  }
0x1a: {  	[tilespmem:s18], [sflag:$0x1] =	stream.indirect.gather [spmem:s2], $0x20, s17, s10, $0xb8;
	[tilespmem:$0xF400] =	vst v63  }
0x1b: {  	s19 =	simm.s32 $0x280;
	s20 =	simm.s32 $0x5500  }
0x1c: {  	[tilespmem:s20], [sflag:$0x1] =	stream.indirect.gather [spmem:s2], $0x20, s19, s10, $0xb8;
	[tilespmem:$0xF400] =	vst v63  }
0x1d: {  	s21 =	simm.s32 $0x300;
	s22 =	simm.s32 $0x6500  }
0x1e: {  	[tilespmem:s22], [sflag:$0x1] =	stream.indirect.gather [spmem:s2], $0x20, s21, s10, $0xb8;
	[tilespmem:$0xF400] =	vst v63  }
0x1f: {  	s23 =	simm.s32 $0x380;
	s24 =	simm.s32 $0x7500  }
0x20: {  	[tilespmem:s24], [sflag:$0x1] =	stream.indirect.gather [spmem:s2], $0x20, s23, s10, $0xb8;
	[tilespmem:$0xF400] =	vst v63  }
0x21: {  	s25 =	simm.s32 $0x400;
	s26 =	simm.s32 $0x8500  }
0x22: {  	[tilespmem:s26], [sflag:$0x1] =	stream.indirect.gather [spmem:s2], $0x20, s25, s10, $0xb8;
	[tilespmem:$0xF400] =	vst v63  }
0x23: {  	s28 =	simm.s32 $0x480;
	s29 =	simm.s32 $0x9500  }
0x24: {  	[tilespmem:s29], [sflag:$0x1] =	stream.indirect.gather [spmem:s2], $0x20, s28, s10, $0xb8;
	[tilespmem:$0xF400] =	vst v63  }
0x25: {  	_ =	swait.ge [sflag:s9], $0x1000  }
0x26: {  	[sflag:s9] =	ssyncset.done $0x0  }
0x27: {  	[sflag:s9] =	ssyncadd.s32 $0xFFFFF000  }
0x28: {  	_ =	swait.ge [sflag:s9], $0x1000  }
0x29: {  	[sflag:s9] =	ssyncset.done $0x0  }
0x2a: {  	[sflag:s9] =	ssyncadd.s32 $0xFFFFF000  }
0x2b: {  	_ =	swait.ge [sflag:s9], $0x1000  }
0x2c: {  	[sflag:s9] =	ssyncset.done $0x0  }
0x2d: {  	[sflag:s9] =	ssyncadd.s32 $0xFFFFF000  }
0x2e: {  	_ =	swait.ge [sflag:s9], $0x1000  }
0x2f: {  	[sflag:s9] =	ssyncset.done $0x0  }
0x30: {  	[sflag:s9] =	ssyncadd.s32 $0xFFFFF000  }
0x31: {  	_ =	swait.ge [sflag:s9], $0x1000  }
0x32: {  	[sflag:s9] =	ssyncset.done $0x0  }
0x33: {  	[sflag:s9] =	ssyncadd.s32 $0xFFFFF000  }
0x34: {  	_ =	swait.ge [sflag:s9], $0x1000  }
0x35: {  	[sflag:s9] =	ssyncset.done $0x0  }
0x36: {  	[sflag:s9] =	ssyncadd.s32 $0xFFFFF000  }
0x37: {  	_ =	swait.ge [sflag:s9], $0x1000  }
0x38: {  	[sflag:s9] =	ssyncset.done $0x0  }
0x39: {  	[sflag:s9] =	ssyncadd.s32 $0xFFFFF000  }
0x3a: {  	_ =	swait.ge [sflag:s9], $0x1000  }
0x3b: {  	[sflag:s9] =	ssyncset.done $0x0  }
0x3c: {  	s31 =	ssub.s32 $0x2, s31;
	[sflag:s9] =	ssyncadd.s32 $0xFFFFF000  }
0x3d: {  	s0 =	sshrl.u32 s31, $0x1;
	_ =	swait.ge [sflag:s9], $0x1000  }
0x3e: {  	s0 =	ssub.s32 s31, s0;
	[sflag:s9] =	ssyncset.done $0x0  }
0x3f: {  	s1 =	smul.u32 $0x1400, s1;
	s0 =	smax.u32 s0, $0x1;
	[sflag:s9] =	ssyncadd.s32 $0xFFFFF000  }
0x40: {  	p0 =	sne.s32 s0, $0x1;
	_ =	swait.ge [sflag:s9], $0x1000  }
.Ltmp0:
0x41: {  	s1 =	sadd.s32 s1, s30;
	[sflag:s9] =	ssyncset.done $0x0;
	(pc) =	sbr.rel @!p0 .LBB2_2-.Ltmp0, $4  }
0x42: {  	s30 =	sadd.s32 $0xB000, s1;
	[sflag:s9] =	ssyncadd.s32 $0xFFFFF000  }
0x43: {  	[hbm4b:s30+s3] =	stream.linear.scatter [tilespmem:s11], [sflag:$0x2], $0xA000, $0x38;
	[tilespmem:$0xF400] =	vst v63  }
0x44: {  	_ =	swait.ge [sflag:s7], $0xA000  }
0x45: {  	s31 =	sadd.s32 $0xFFFFFFFF, s0;
	[sflag:s7] =	ssyncset.done $0x0  }
.LBB2_1:
0x46: {  	p0 =	sne.s32 s31, $0x1;
	s31 =	sadd.s32 $0xFFFFFFFF, s31;
	[sflag:s7] =	ssyncadd.s32 $0xFFFF6000  }
0x47: {  	[tilespmem:s3], [sflag:$0x1] =	stream.linear.gather [hbm4b:s4+s3], $0x500, $0x38;
	[tilespmem:$0xF400] =	vst v63  }
0x48: {  	[spmem:s8], [sflag:s6] =	dma.local [hbm:s5], $0x9E0  }
0x49: {  	_ =	swait.ge [sflag:s7], $0x9E0  }
0x4a: {  	[sflag:s7] =	ssyncset.done $0x0  }
0x4b: {  	[sflag:s7] =	ssyncadd.s32 $0xFFFFF620  }
0x4c: {  	[bflag:$0x0] =	sbarrier.arrive $0xFFFF  }
0x4d: {  	_ =	swait.ge [sflag:s9], $0x500  }
0x4e: {  	[sflag:s9] =	ssyncset.done $0x0  }
0x4f: {  	[sflag:s9] =	ssyncadd.s32 $0xFFFFFB00  }
0x50: {  	[tilespmem:s11], [sflag:$0x1] =	stream.indirect.gather [spmem:s2], $0x20, s3, s10, $0xb8;
	[tilespmem:$0xF400] =	vst v63  }
0x51: {  	_ = 	snop  }
0x52: {  	[tilespmem:s12], [sflag:$0x1] =	stream.indirect.gather [spmem:s2], $0x20, s10, s10, $0xb8;
	[tilespmem:$0xF400] =	vst v63  }
0x53: {  	_ = 	snop  }
0x54: {  	[tilespmem:s14], [sflag:$0x1] =	stream.indirect.gather [spmem:s2], $0x20, s13, s10, $0xb8;
	[tilespmem:$0xF400] =	vst v63  }
0x55: {  	_ = 	snop  }
0x56: {  	[tilespmem:s16], [sflag:$0x1] =	stream.indirect.gather [spmem:s2], $0x20, s15, s10, $0xb8;
	[tilespmem:$0xF400] =	vst v63  }
0x57: {  	_ = 	snop  }
0x58: {  	[tilespmem:s18], [sflag:$0x1] =	stream.indirect.gather [spmem:s2], $0x20, s17, s10, $0xb8;
	[tilespmem:$0xF400] =	vst v63  }
0x59: {  	_ = 	snop  }
0x5a: {  	[tilespmem:s20], [sflag:$0x1] =	stream.indirect.gather [spmem:s2], $0x20, s19, s10, $0xb8;
	[tilespmem:$0xF400] =	vst v63  }
0x5b: {  	_ = 	snop  }
0x5c: {  	[tilespmem:s22], [sflag:$0x1] =	stream.indirect.gather [spmem:s2], $0x20, s21, s10, $0xb8;
	[tilespmem:$0xF400] =	vst v63  }
0x5d: {  	_ = 	snop  }
0x5e: {  	[tilespmem:s24], [sflag:$0x1] =	stream.indirect.gather [spmem:s2], $0x20, s23, s10, $0xb8;
	[tilespmem:$0xF400] =	vst v63  }
0x5f: {  	_ = 	snop  }
0x60: {  	[tilespmem:s26], [sflag:$0x1] =	stream.indirect.gather [spmem:s2], $0x20, s25, s10, $0xb8;
	[tilespmem:$0xF400] =	vst v63  }
0x61: {  	_ = 	snop  }
0x62: {  	[tilespmem:s29], [sflag:$0x1] =	stream.indirect.gather [spmem:s2], $0x20, s28, s10, $0xb8;
	[tilespmem:$0xF400] =	vst v63  }
0x63: {  	_ =	swait.ge [sflag:s9], $0x1000  }
0x64: {  	[sflag:s9] =	ssyncset.done $0x0  }
0x65: {  	[sflag:s9] =	ssyncadd.s32 $0xFFFFF000  }
0x66: {  	_ =	swait.ge [sflag:s9], $0x1000  }
0x67: {  	[sflag:s9] =	ssyncset.done $0x0  }
0x68: {  	[sflag:s9] =	ssyncadd.s32 $0xFFFFF000  }
0x69: {  	_ =	swait.ge [sflag:s9], $0x1000  }
0x6a: {  	[sflag:s9] =	ssyncset.done $0x0  }
0x6b: {  	[sflag:s9] =	ssyncadd.s32 $0xFFFFF000  }
0x6c: {  	_ =	swait.ge [sflag:s9], $0x1000  }
0x6d: {  	[sflag:s9] =	ssyncset.done $0x0  }
0x6e: {  	[sflag:s9] =	ssyncadd.s32 $0xFFFFF000  }
0x6f: {  	_ =	swait.ge [sflag:s9], $0x1000  }
0x70: {  	[sflag:s9] =	ssyncset.done $0x0  }
0x71: {  	[sflag:s9] =	ssyncadd.s32 $0xFFFFF000  }
0x72: {  	_ =	swait.ge [sflag:s9], $0x1000  }
0x73: {  	[sflag:s9] =	ssyncset.done $0x0  }
0x74: {  	[sflag:s9] =	ssyncadd.s32 $0xFFFFF000  }
0x75: {  	_ =	swait.ge [sflag:s9], $0x1000  }
0x76: {  	[sflag:s9] =	ssyncset.done $0x0  }
0x77: {  	[sflag:s9] =	ssyncadd.s32 $0xFFFFF000  }
0x78: {  	_ =	swait.ge [sflag:s9], $0x1000  }
0x79: {  	[sflag:s9] =	ssyncset.done $0x0  }
0x7a: {  	[sflag:s9] =	ssyncadd.s32 $0xFFFFF000  }
0x7b: {  	_ =	swait.ge [sflag:s9], $0x1000  }
0x7c: {  	[sflag:s9] =	ssyncset.done $0x0  }
0x7d: {  	[sflag:s9] =	ssyncadd.s32 $0xFFFFF000  }
0x7e: {  	_ =	swait.ge [sflag:s9], $0x1000  }
.Ltmp1:
0x7f: {  	[sflag:s9] =	ssyncset.done $0x0;
	(pc) =	sbr.rel @p0 .LBB2_1-.Ltmp1, $4  }
0x80: {  	[sflag:s9] =	ssyncadd.s32 $0xFFFFF000  }
0x81: {  	[hbm4b:s30+s3] =	stream.linear.scatter [tilespmem:s11], [sflag:$0x2], $0xA000, $0x38;
	[tilespmem:$0xF400] =	vst v63  }
0x82: {  	_ =	swait.ge [sflag:s7], $0xA000  }
0x83: {  	[sflag:s7] =	ssyncset.done $0x0  }
.LBB2_2:
0x84: {  	[sflag:s7] =	ssyncadd.s32 $0xFFFF6000  }
0x85: {  	_ =	sfence.sel $0x180000  }
0x86: {  	[bflag:$0x0] =	sbarrier.arrive $0xFFFF  }
0x87: {  	_ =	strace $0x90000056  }
0x88: {  	s0 =	stileid.u32;
	[bflag:$0x2] =	sbarrier.arrive $0xFFFF  }
0x89: {  	p0 =	sne.s32 s0, $0x0;
	s0 =	rddreg [dreg:$0x2]  }
0x8a: {  	s0 =	sadd.s32 @!p0 $0x100000, s0  }
0x8b: {  	[sflag:s0] =	ssyncadd.tile.s32 @!p0 $0x1;
	_ =	shalt  }
.Lfunc_end2:
_tile_overlayer_lowered:
.L_overlay_start_2:
0x8c: {  	(tag) =	ssettag $0x2  }
0x8d: {  	s0 =	rddreg [dreg:$0x0];
	s2 =	stileid.u32  }
0x8e: {  	s1 =	rddreg [dreg:$0x1];
	p0 =	sne.s32 s2, $0x0  }
0x8f: {  	s3 =	rddreg [dreg:$0x2];
	[bflag:$0x3] =	sbarrier.arrive $0xFFFF;
	s2 =	simm.s32 @!p0 $0x1C02  }
0x90: {  	[timem:s3], [sflag:s2] =	dma.local @!p0 [hbm:s0], s1  }
0x91: {  	s0 =	simm.s32 @!p0 $0x2  }
0x92: {  	_ =	swait.ge @!p0 [sflag:s0], s1  }
0x93: {  	s1 =	ssub.s32 @!p0 $0x0, s1;
	[sflag:s0] =	ssyncset.done @!p0 $0x0  }
0x94: {  	[sflag:s0] =	ssyncadd.s32 @!p0 s1  }
0x95: {  	[bflag:$0x3] =	sbarrier.arrive $0xFFFF  }
0x96: {  	_ =	shalt  }

// kernel: kernel.40.cloned.1.call-start
scs
__scs_entry_jumppad:
0x0: {  	(pc) =	sbr.rel $0x88, $3  }
0x1: {  	(tag) =	ssettag $0x0;
	lr =	simm.s32 $0x1  }
0x2: {  	[smem:$0x3F80] =	sst lr;
	_ =	strace $0xD0000000  }
0x3: {  	_ = 	snop  }
0x4: {  	_ = 	snop  }
0x5: {  	_ = 	snop  }
0x6: {  	_ = 	snop  }
0x7: {  	_ = 	snop  }
__scs_overlays_trampoline_lowered:
0x8: {  	[smem:$0x3F8F] =	sst s0  }
0x9: {  	[smem:$0x3F90] =	sst s1  }
0xa: {  	[smem:$0x3F91] =	sst s2  }
0xb: {  	[smem:$0x3F92] =	sst s3  }
0xc: {  	[smem:$0x3F93] =	sst s4  }
0xd: {  	[smem:$0x3F94] =	sst s5  }
0xe: {  	[smem:$0x3F95] =	sst s6  }
0xf: {  	[smem:$0x3F96] =	sst s7  }
0x10: {  	[smem:$0x3F97] =	sst s8  }
0x11: {  	[smem:$0x3F98] =	sst s9;
	s0 =	simm.s32 @!p0 $0x0  }
0x12: {  	s1 =	sld [smem:$0x3F7E];
	s0 =	simm.s32 @p0 $0x1  }
0x13: {  	[smem:$0x3F99] =	sst s0;
	s0 =	simm.s32 @!p1 $0x0  }
0x14: {  	s2 =	sld [smem:$0x3F7D];
	s0 =	simm.s32 @p1 $0x1  }
0x15: {  	[smem:$0x3F9A] =	sst s0;
	s0 =	simm.s32 @!p2 $0x0  }
0x16: {  	s3 =	sld [smem:$0x3FDB];
	s0 =	simm.s32 @p2 $0x1  }
0x17: {  	s4 =	simm.s32 $0x1BF5;
	[smem:$0x3F9C] =	sst s0  }
0x18: {  	s0 =	sld [smem:$0x3F7F];
	_ =	swait.ge [sflag:s4], $0x0  }
0x19: {  	s7 =	sld [smem:$0x3F80]  }
0x1a: {  	s8 =	sadd.s32 $0xFFFFE003, lr  }
0x1b: {  	s9 =	sadd.s32 $0xFFFFFEF7, lr;
	s5 =	simm.s32 $0xFFFFFFFF;
	p2 =	slt.u32 s8, $0xFFFFF086  }
0x1c: {  	p1 =	slt.u32 s9, $0xF7A;
	s5 =	simm.s32 @!p2 $0x0  }
0x1d: {  	s5 =	simm.s32 @p1 $0x1;
	p0 =	seq.s32 s7, s2  }
0x1e: {  	s7 =	smul.u32 @!p0 $0xF7A, s2;
	p2 =	seq.s32 @!p0 s5, $0x0  }
0x1f: {  	s9 =	smul.u32 $0xF7A, s1;
	s8 =	simm.s32 @!p0 $0x1BF5;
	p2 =	por !p2, p0  }
0x20: {  	[sflag:s8] =	ssyncset.s32 @!p0 $0xFFFFF086;
	s6 =	sadd.s32 @!p0 s3, s7;
	s7 =	simm.s32 @!p0 $0x108  }
0x21: {  	s3 =	sadd.s32 s3, s9;
	s6 =	sadd.s32 @!p0 $0x88, s6;
	s7 =	simm.s32 @p2 $0x1082  }
0x22: {  	[simem:s7], [sflag:s8] =	dma.local @!p0 [hbm:s6], $0xF7A  }
0x23: {  	s9 =	sor.u32 $0xD0000000, s2;
	s6 =	simm.s32 $0x108;
	_ =	swait.ge @!p0 [sflag:s8], $0x0  }
0x24: {  	s3 =	sadd.s32 $0x88, s3;
	s6 =	simm.s32 @!p1 $0x1082;
	[sflag:s4] =	ssyncset.s32 $0xFFFFF086  }
0x25: {  	[simem:s6], [sflag:s4] =	dma.local [hbm:s3], $0xF7A  }
0x26: {  	[smem:$0x3F80] =	sst s1;
	(tag) =	ssettag s2;
	_ =	strace s9  }
0x27: {  	s1 =	sld [smem:$0x3F90]  }
0x28: {  	s2 =	sld [smem:$0x3F91]  }
0x29: {  	s4 =	sld [smem:$0x3F93]  }
0x2a: {  	p0 =	seq.s32 s5, $0x0;
	s5 =	sld [smem:$0x3F94]  }
0x2b: {  	s6 =	sld [smem:$0x3F95]  }
0x2c: {  	s7 =	sld [smem:$0x3F96]  }
0x2d: {  	s3 =	simm.s32 $0x108;
	s8 =	sld [smem:$0x3F97]  }
0x2e: {  	s3 =	simm.s32 @!p0 $0x1082;
	s9 =	sld [smem:$0x3F98]  }
0x2f: {  	lr =	sadd.s32 s0, s3;
	s0 =	sld [smem:$0x3F8F]  }
0x30: {  	s3 =	sld [smem:$0x3F92]  }
0x31: {  	[smem:$0x3F9B] =	sst s10  }
0x32: {  	s10 =	sld [smem:$0x3F99];
	_ =	sdelay $0x3  }
0x33: {  	p0 =	seq.s32 s10, $0x1;
	s10 =	sld [smem:$0x3F9B];
	_ =	sdelay $0x3  }
0x34: {  	[smem:$0x3F9B] =	sst s10  }
0x35: {  	s10 =	sld [smem:$0x3F9A];
	_ =	sdelay $0x3  }
0x36: {  	p1 =	seq.s32 s10, $0x1;
	s10 =	sld [smem:$0x3F9B];
	_ =	sdelay $0x3  }
0x37: {  	[smem:$0x3F9B] =	sst s10  }
0x38: {  	s10 =	sld [smem:$0x3F9C]  }
0x39: {  	_ = 	snop;
	(pc) =	sbr.ind lr, $3  }
0x3a: {  	_ = 	snop  }
0x3b: {  	_ = 	snop  }
0x3c: {  	p2 =	seq.s32 s10, $0x1;
	s10 =	sld [smem:$0x3F9B]  }
0x3d: {  	_ =	shalt  }
0x3e: {  	_ =	shalt  }
0x3f: {  	_ =	shalt  }
0x40: {  	_ =	shalt  }
0x41: {  	_ =	shalt  }
0x42: {  	_ =	shalt  }
0x43: {  	_ =	shalt  }
0x44: {  	_ =	shalt  }
0x45: {  	_ =	shalt  }
0x46: {  	_ =	shalt  }
0x47: {  	_ =	shalt  }
0x48: {  	_ =	shalt  }
0x49: {  	_ =	shalt  }
0x4a: {  	_ =	shalt  }
0x4b: {  	_ =	shalt  }
0x4c: {  	_ =	shalt  }
0x4d: {  	_ =	shalt  }
0x4e: {  	_ =	shalt  }
0x4f: {  	_ =	shalt  }
0x50: {  	_ =	shalt  }
0x51: {  	_ =	shalt  }
0x52: {  	_ =	shalt  }
0x53: {  	_ =	shalt  }
0x54: {  	_ =	shalt  }
0x55: {  	_ =	shalt  }
0x56: {  	_ =	shalt  }
0x57: {  	_ =	shalt  }
0x58: {  	_ =	shalt  }
0x59: {  	_ =	shalt  }
0x5a: {  	_ =	shalt  }
0x5b: {  	_ =	shalt  }
0x5c: {  	_ =	shalt  }
0x5d: {  	_ =	shalt  }
0x5e: {  	_ =	shalt  }
0x5f: {  	_ =	shalt  }
0x60: {  	_ =	shalt  }
0x61: {  	_ =	shalt  }
0x62: {  	_ =	shalt  }
0x63: {  	_ =	shalt  }
0x64: {  	_ =	shalt  }
0x65: {  	_ =	shalt  }
0x66: {  	_ =	shalt  }
0x67: {  	_ =	shalt  }
0x68: {  	_ =	shalt  }
0x69: {  	_ =	shalt  }
0x6a: {  	_ =	shalt  }
0x6b: {  	_ =	shalt  }
0x6c: {  	_ =	shalt  }
0x6d: {  	_ =	shalt  }
0x6e: {  	_ =	shalt  }
0x6f: {  	_ =	shalt  }
0x70: {  	_ =	shalt  }
0x71: {  	_ =	shalt  }
0x72: {  	_ =	shalt  }
0x73: {  	_ =	shalt  }
0x74: {  	_ =	shalt  }
0x75: {  	_ =	shalt  }
0x76: {  	_ =	shalt  }
0x77: {  	_ =	shalt  }
0x78: {  	_ =	shalt  }
0x79: {  	_ =	shalt  }
0x7a: {  	_ =	shalt  }
0x7b: {  	_ =	shalt  }
0x7c: {  	_ =	shalt  }
0x7d: {  	_ =	shalt  }
0x7e: {  	_ =	shalt  }
0x7f: {  	_ =	shalt  }
0x80: {  	_ =	shalt  }
0x81: {  	_ =	shalt  }
0x82: {  	_ =	shalt  }
0x83: {  	_ =	shalt  }
0x84: {  	_ =	shalt  }
0x85: {  	_ =	shalt  }
0x86: {  	_ =	shalt  }
0x87: {  	_ =	shalt  }
.Lfunc_end0:
.L_simem_size_0:
called_computation.6_lowered:
.L_overlay_start_0:
0x88: {  	s2 =	sld [smem:$0x3FD9]  }
0x89: {  	s3 =	sld [smem:$0x3FFE];
	_ =	sdelay $0x1  }
0x8a: {  	s1 =	srdreg.scid  }
0x8b: {  	s0 =	sand.u32 $0x1, s1  }
0x8c: {  	s16 =	sshll.u32 s0, $0xA;
	s2 =	sadd.s32 s3, s2  }
0x8d: {  	s2 =	sadd.s32 s2, s16  }
0x8e: {  	[smem:$0x3FA7] =	sst s2  }
0x8f: {  	_ = 	snop  }
0x90: {  	(tm) =	ssettm $0x1  }
0x91: {  	s17 =	sld [smem:$0x3FFB];
	_ =	sdelay $0x3  }
0x92: {  	_ =	strace s17  }
0x93: {  	s2 =	sld [smem:$0x3FFC];
	_ =	sdelay $0x3  }
0x94: {  	_ =	strace s2  }
0x95: {  	s2 =	sld [smem:$0x3FFD];
	_ =	sdelay $0x3  }
0x96: {  	_ =	strace s2  }
0x97: {  	_ =	strace $0x8FFFFFFF  }
0x98: {  	s18 =	sld [smem:$0x3FDB];
	_ =	sdelay $0x1  }
0x99: {  	s19 =	simm.s32 $_scs_section_size  }
0x9a: {  	s4 =	simm.s32 $_size__tile_overlayer_lowered;
	s5 =	simm.s32 $_tile_overlayer_lowered  }
0x9b: {  	s22 =	simm.s32 $0x1BFF;
	s21 =	sshll.u32 s5, $0x1;
	s2 =	sadd.s32 s19, s18  }
0x9c: {  	s6 =	simm.s32 $0x0;
	s20 =	sshll.u32 s4, $0x1;
	s4 =	sadd.s32 s21, s2  }
0x9d: {  	[timem:s6], [sflag:s22] =	dma.local [hbm:s4], s20  }
0x9e: {  	_ =	swait.ge [sflag:s22], s20  }
0x9f: {  	s3 =	ssub.s32 $0x0, s20;
	[sflag:s22] =	ssyncset.done $0x0  }
0xa0: {  	[sflag:s22] =	ssyncadd.s32 s3;
	_ =	sdelay $0x1  }
0xa1: {  	s23 =	simm.s32 $0x1B8B  }
0xa2: {  	_ =	swait.ge [sflag:s23], $0x1  }
0xa3: {  	[sflag:s23] =	ssyncset.done $0x0  }
0xa4: {  	s25 =	simm.s32 $0x1B8E;
	s24 =	sld [smem:$0x3FFE];
	[sflag:s23] =	ssyncadd.s32 $0xFFFFFFFF  }
0xa5: {  	s26 =	simm.s32 $execute0_lowered;
	[smem:$0x3FD2] =	sst s25  }
0xa6: {  	s4 =	sshll.u32 s26, $0x1;
	_ =	strace $0x80000058;
	[dreg:$0x1] =	wrdreg $0xFFFFFFFF  }
0xa7: {  	s28 =	simm.s32 $_size_execute0_lowered;
	s2 =	sadd.s32 s2, s4;
	[dreg:$0x0] =	wrdreg $0x0  }
0xa8: {  	s4 =	sshll.u32 s28, $0x1;
	[dreg:$0x2] =	wrdreg s2  }
0xa9: {  	[dreg:$0x3] =	wrdreg s4  }
0xaa: {  	[dreg:$0x4] =	wrdreg $0xC0  }
0xab: {  	_ =	task [dreg:s6], $0x5FFFF  }
0xac: {  	[dreg:$0x1] =	wrdreg $0xFFFFFFFF  }
0xad: {  	[dreg:$0x0] =	wrdreg $0x60  }
0xae: {  	[dreg:$0x2] =	wrdreg s24  }
0xaf: {  	[dreg:$0x3] =	wrdreg $0xA5000  }
0xb0: {  	[dreg:$0x4] =	wrdreg $0x9  }
0xb1: {  	_ =	task.clear_ibuf [dreg:s6], $0x5FFFF;
	_ =	strace $0x90000058  }
0xb2: {  	s29 =	simm.s32 $0x9;
	_ =	strace $0x8000005A  }
0xb3: {  	_ =	swait.ge [sflag:s29], $0x1  }
0xb4: {  	[sflag:s29] =	ssyncadd.s32 $0xFFFFFFFF  }
0xb5: {  	_ =	strace $0x9000005A  }
0xb6: {  	_ =	sfence  }
0xb7: {  	s30 =	sld [smem:$0x0];
	_ =	sdelay $0x2  }
0xb8: {  	s31 =	sshll.u32 s1, $0xD;
	s1 =	sshrl.u32 s1, $0x2  }
0xb9: {  	s3 =	sand.u32 $0x4000, s31;
	s1 =	sadd.s32 s1, s30  }
0xba: {  	s0 =	sor.u32 s3, s0;
	s1 =	sshll.u32 s1, $0x11  }
0xbb: {  	s0 =	sor.u32 s1, s0  }
0xbc: {  	s0 =	sadd.s32 $0x8F2B, s0  }
0xbd: {  	[sflag:s0] =	ssyncadd.remote.s32 $0x1  }
0xbe: {  	_ =	sfence.sel $0xFFFF  }
0xbf: {  	[dreg:$0x0] =	wrdreg $0xFFFFFFFF;
	(pc) =	sbr.abs _section_cstart, $3  }
0xc0: {  	[dreg:$0x1] =	wrdreg $0xFFFFFFFF  }
0xc1: {  	_ =	task.clear_ibuf [dreg:s6], $0x2FFFF;
	_ =	strace $0x9FFFFFFF  }
0xc2: {  	(tm) =	ssettm $0x7FFFFFFF  }
0xc3: {  	_ =	shalt  }
tec
execute0_lowered:
.L_overlay_start_1:
0x0: {  	(tag) =	ssettag $0x1  }
0x1: {  	s0 =	srdreg.scid;
	s2 =	rddreg [dreg:$0x0]  }
0x2: {  	s9 =	stileid.u32;
	s6 =	rddreg [dreg:$0x1]  }
0x3: {  	s7 =	simm.s32 $0x0;
	s10 =	simm.s32 $0x500;
	s11 =	simm.s32 $0x1  }
0x4: {  	s12 =	simm.s32 $0x1500;
	s13 =	simm.s32 $0x100;
	s15 =	simm.s32 $0x2500  }
0x5: {  	s16 =	simm.s32 $0x180;
	s18 =	simm.s32 $0x3500;
	s19 =	simm.s32 $0x200  }
0x6: {  	s20 =	simm.s32 $0x4500;
	s21 =	simm.s32 $0x280;
	s22 =	simm.s32 $0x5500  }
0x7: {  	s23 =	simm.s32 $0x300;
	p0 =	por $0x0, $0x0;
	s28 =	simm.s32 $0x400  }
0x8: {  	s29 =	simm.s32 $0x8500;
	s30 =	simm.s32 $0x480;
	s31 =	simm.s32 $0x9500  }
0x9: {  	s0 =	sand.u32 $0x1, s0;
	s1 =	sshll.u32 s9, $0x1;
	s4 =	smul.u32 $0x4F80, s9  }
0xa: {  	[smem:$0x7FF] =	sst s7;
	s1 =	sor.u32 s0, s1;
	s5 =	smul.u32 $0x4F800, s0  }
0xb: {  	s26 =	sshll.u32 s9, $0x6;
	s9 =	simm.s32 $0x80;
	s3 =	smul.u32 $0x1400, s1  }
0xc: {  	_ =	strace $0x80000059;
	s0 =	ssub.s32 $0x2, s0;
	s1 =	smul.u32 $0xA0, s1  }
0xd: {  	s8 =	sshrl.u32 s4, $0x3;
	s24 =	sshrl.u32 s0, $0x1;
	s25 =	sadd.s32 s4, s6  }
0xe: {  	s5 =	sadd.s32 s4, s5;
	s8 =	sadd.s32 s8, s2;
	s0 =	ssub.s32 s0, s24  }
0xf: {  	s4 =	simm.s32 $0x3;
	s24 =	simm.s32 $0x6500;
	s0 =	smax.u32 s0, $0x1  }
0x10: {  	s3 =	sadd.s32 s3, s2;
	s1 =	sadd.s32 s1, s2;
	p1 =	sne.s32 s0, $0x1  }
.Ltmp0:
0x11: {  	s5 =	sshrl.u32 s5, $0x3;
	s17 =	sadd.s32 $0x70600, s8;
	(pc) =	sbr.rel @!p1 .LBB2_3-.Ltmp0, $4  }
0x12: {  	s8 =	simm.s32 $0x2;
	s5 =	sadd.s32 s5, s2;
	s1 =	sadd.s32 $0x6A000, s1  }
0x13: {  	s14 =	sadd.s32 $0xB000, s3;
	s2 =	sor.u32 $0x1C03, s26;
	s26 =	simm.s32 $0x7500  }
0x14: {  	[dreg:$0x3] =	wrdreg s1;
	s3 =	sadd.s32 $0x33000, s5;
	s5 =	sshrl.u32 s25, $0x3  }
0x15: {  	s25 =	simm.s32 $0x380;
	s1 =	sadd.s32 $0xFFFFFFFF, s0;
	s0 =	rddreg [dreg:$0x3]  }
0x16: {  	[tilespmem:s7], [sflag:$0x1] =	stream.linear.gather [hbm4b:s0+s7], $0x500, $0x38;
	[tilespmem:$0xF480] =	vst v63  }
0x17: {  	_ = 	snop  }
0x18: {  	[tilespmem:s10], [sflag:$0x1] =	stream.linear.gather [hbm4b:s14+s7], $0xA000, $0x38;
	[tilespmem:$0xF480] =	vst v63  }
0x19: {  	[spmem:s5], [sflag:s2] =	dma.local [hbm:s17], $0x9F0  }
0x1a: {  	_ =	swait.ge [sflag:s4], $0x9F0  }
0x1b: {  	[sflag:s4] =	ssyncset.done $0x0  }
0x1c: {  	[sflag:s4] =	ssyncadd.s32 $0xFFFFF610  }
0x1d: {  	[bflag:$0x0] =	sbarrier.arrive $0xFFFF  }
0x1e: {  	_ =	swait.ge [sflag:s11], $0x500  }
0x1f: {  	[sflag:s11] =	ssyncset.done $0x0  }
0x20: {  	[sflag:s11] =	ssyncadd.s32 $0xFFFFFB00  }
0x21: {  	_ =	swait.ge [sflag:s11], $0xA000  }
0x22: {  	[sflag:s11] =	ssyncset.done $0x0  }
0x23: {  	[sflag:s11] =	ssyncadd.s32 $0xFFFF6000  }
0x24: {  	[spmem:s6] =	stream.indirect.scatter.add.f32 [tilespmem:s10], [sflag:$0x2], $0x20, s7, s9, $0xb8;
	[tilespmem:$0xF480] =	vst v63  }
0x25: {  	_ = 	snop  }
0x26: {  	[spmem:s6] =	stream.indirect.scatter.add.f32 [tilespmem:s12], [sflag:$0x2], $0x20, s9, s9, $0xb8;
	[tilespmem:$0xF480] =	vst v63  }
0x27: {  	_ = 	snop  }
0x28: {  	[spmem:s6] =	stream.indirect.scatter.add.f32 [tilespmem:s15], [sflag:$0x2], $0x20, s13, s9, $0xb8;
	[tilespmem:$0xF480] =	vst v63  }
0x29: {  	_ = 	snop  }
0x2a: {  	[spmem:s6] =	stream.indirect.scatter.add.f32 [tilespmem:s18], [sflag:$0x2], $0x20, s16, s9, $0xb8;
	[tilespmem:$0xF480] =	vst v63  }
0x2b: {  	_ = 	snop  }
0x2c: {  	[spmem:s6] =	stream.indirect.scatter.add.f32 [tilespmem:s20], [sflag:$0x2], $0x20, s19, s9, $0xb8;
	[tilespmem:$0xF480] =	vst v63  }
0x2d: {  	_ = 	snop  }
0x2e: {  	[spmem:s6] =	stream.indirect.scatter.add.f32 [tilespmem:s22], [sflag:$0x2], $0x20, s21, s9, $0xb8;
	[tilespmem:$0xF480] =	vst v63  }
0x2f: {  	_ = 	snop  }
0x30: {  	[spmem:s6] =	stream.indirect.scatter.add.f32 [tilespmem:s24], [sflag:$0x2], $0x20, s23, s9, $0xb8;
	[tilespmem:$0xF480] =	vst v63  }
0x31: {  	_ = 	snop  }
0x32: {  	[spmem:s6] =	stream.indirect.scatter.add.f32 [tilespmem:s26], [sflag:$0x2], $0x20, s25, s9, $0xb8;
	[tilespmem:$0xF480] =	vst v63  }
0x33: {  	_ = 	snop  }
0x34: {  	[spmem:s6] =	stream.indirect.scatter.add.f32 [tilespmem:s29], [sflag:$0x2], $0x20, s28, s9, $0xb8;
	[tilespmem:$0xF480] =	vst v63  }
0x35: {  	_ = 	snop  }
0x36: {  	[spmem:s6] =	stream.indirect.scatter.add.f32 [tilespmem:s31], [sflag:$0x2], $0x20, s30, s9, $0xb8;
	[tilespmem:$0xF480] =	vst v63  }
0x37: {  	_ =	swait.ge [sflag:s8], $0x1000  }
0x38: {  	[sflag:s8] =	ssyncset.done $0x0  }
0x39: {  	[sflag:s8] =	ssyncadd.s32 $0xFFFFF000  }
0x3a: {  	_ =	swait.ge [sflag:s8], $0x1000  }
0x3b: {  	[sflag:s8] =	ssyncset.done $0x0  }
0x3c: {  	[sflag:s8] =	ssyncadd.s32 $0xFFFFF000  }
0x3d: {  	_ =	swait.ge [sflag:s8], $0x1000  }
0x3e: {  	[sflag:s8] =	ssyncset.done $0x0  }
0x3f: {  	[sflag:s8] =	ssyncadd.s32 $0xFFFFF000  }
0x40: {  	_ =	swait.ge [sflag:s8], $0x1000  }
0x41: {  	[sflag:s8] =	ssyncset.done $0x0  }
0x42: {  	[sflag:s8] =	ssyncadd.s32 $0xFFFFF000  }
0x43: {  	_ =	swait.ge [sflag:s8], $0x1000  }
0x44: {  	[sflag:s8] =	ssyncset.done $0x0  }
0x45: {  	[sflag:s8] =	ssyncadd.s32 $0xFFFFF000  }
0x46: {  	_ =	swait.ge [sflag:s8], $0x1000  }
0x47: {  	[sflag:s8] =	ssyncset.done $0x0  }
0x48: {  	[sflag:s8] =	ssyncadd.s32 $0xFFFFF000  }
0x49: {  	_ =	swait.ge [sflag:s8], $0x1000  }
0x4a: {  	[sflag:s8] =	ssyncset.done $0x0  }
0x4b: {  	[sflag:s8] =	ssyncadd.s32 $0xFFFFF000  }
0x4c: {  	_ =	swait.ge [sflag:s8], $0x1000  }
0x4d: {  	[sflag:s8] =	ssyncset.done $0x0  }
0x4e: {  	[sflag:s8] =	ssyncadd.s32 $0xFFFFF000  }
0x4f: {  	_ =	swait.ge [sflag:s8], $0x1000  }
0x50: {  	[sflag:s8] =	ssyncset.done $0x0  }
0x51: {  	[sflag:s8] =	ssyncadd.s32 $0xFFFFF000  }
0x52: {  	_ =	swait.ge [sflag:s8], $0x1000  }
0x53: {  	p1 =	sne.s32 s1, $0x1;
	[sflag:s8] =	ssyncset.done $0x0  }
.Ltmp1:
0x54: {  	[sflag:s8] =	ssyncadd.s32 $0xFFFFF000;
	(pc) =	sbr.rel @!p1 .LBB2_3-.Ltmp1, $4  }
0x55: {  	[bflag:$0x0] =	sbarrier.arrive $0xFFFF  }
0x56: {  	[hbm:s3], [sflag:s2] =	dma.local [spmem:s5], $0x9F0  }
0x57: {  	s1 =	sadd.s32 $0xFFFFFFFF, s1;
	_ =	swait.ge [sflag:s4], $0x9F0  }
0x58: {  	p0 =	por $0x1, $0x1;
	s0 =	rddreg [dreg:$0x3];
	[sflag:s4] =	ssyncset.done $0x0  }
.LBB2_2:
0x59: {  	[sflag:s4] =	ssyncadd.s32 $0xFFFFF610  }
0x5a: {  	[tilespmem:s7], [sflag:$0x1] =	stream.linear.gather [hbm4b:s0+s7], $0x500, $0x38;
	[tilespmem:$0xF480] =	vst v63  }
0x5b: {  	_ = 	snop  }
0x5c: {  	[tilespmem:s10], [sflag:$0x1] =	stream.linear.gather [hbm4b:s14+s7], $0xA000, $0x38;
	[tilespmem:$0xF480] =	vst v63  }
0x5d: {  	[spmem:s5], [sflag:s2] =	dma.local [hbm:s17], $0x9F0  }
0x5e: {  	_ =	swait.ge [sflag:s4], $0x9F0  }
0x5f: {  	[sflag:s4] =	ssyncset.done $0x0  }
0x60: {  	[sflag:s4] =	ssyncadd.s32 $0xFFFFF610  }
0x61: {  	[bflag:$0x0] =	sbarrier.arrive $0xFFFF  }
0x62: {  	_ =	swait.ge [sflag:s11], $0x500  }
0x63: {  	[sflag:s11] =	ssyncset.done $0x0  }
0x64: {  	[sflag:s11] =	ssyncadd.s32 $0xFFFFFB00  }
0x65: {  	_ =	swait.ge [sflag:s11], $0xA000  }
0x66: {  	[sflag:s11] =	ssyncset.done $0x0  }
0x67: {  	[sflag:s11] =	ssyncadd.s32 $0xFFFF6000  }
0x68: {  	[spmem:s6] =	stream.indirect.scatter.add.f32 [tilespmem:s10], [sflag:$0x2], $0x20, s7, s9, $0xb8;
	[tilespmem:$0xF480] =	vst v63  }
0x69: {  	_ = 	snop  }
0x6a: {  	[spmem:s6] =	stream.indirect.scatter.add.f32 [tilespmem:s12], [sflag:$0x2], $0x20, s9, s9, $0xb8;
	[tilespmem:$0xF480] =	vst v63  }
0x6b: {  	_ = 	snop  }
0x6c: {  	[spmem:s6] =	stream.indirect.scatter.add.f32 [tilespmem:s15], [sflag:$0x2], $0x20, s13, s9, $0xb8;
	[tilespmem:$0xF480] =	vst v63  }
0x6d: {  	_ = 	snop  }
0x6e: {  	[spmem:s6] =	stream.indirect.scatter.add.f32 [tilespmem:s18], [sflag:$0x2], $0x20, s16, s9, $0xb8;
	[tilespmem:$0xF480] =	vst v63  }
0x6f: {  	_ = 	snop  }
0x70: {  	[spmem:s6] =	stream.indirect.scatter.add.f32 [tilespmem:s20], [sflag:$0x2], $0x20, s19, s9, $0xb8;
	[tilespmem:$0xF480] =	vst v63  }
0x71: {  	_ = 	snop  }
0x72: {  	[spmem:s6] =	stream.indirect.scatter.add.f32 [tilespmem:s22], [sflag:$0x2], $0x20, s21, s9, $0xb8;
	[tilespmem:$0xF480] =	vst v63  }
0x73: {  	_ = 	snop  }
0x74: {  	[spmem:s6] =	stream.indirect.scatter.add.f32 [tilespmem:s24], [sflag:$0x2], $0x20, s23, s9, $0xb8;
	[tilespmem:$0xF480] =	vst v63  }
0x75: {  	_ = 	snop  }
0x76: {  	[spmem:s6] =	stream.indirect.scatter.add.f32 [tilespmem:s26], [sflag:$0x2], $0x20, s25, s9, $0xb8;
	[tilespmem:$0xF480] =	vst v63  }
0x77: {  	_ = 	snop  }
0x78: {  	[spmem:s6] =	stream.indirect.scatter.add.f32 [tilespmem:s29], [sflag:$0x2], $0x20, s28, s9, $0xb8;
	[tilespmem:$0xF480] =	vst v63  }
0x79: {  	_ = 	snop  }
0x7a: {  	[spmem:s6] =	stream.indirect.scatter.add.f32 [tilespmem:s31], [sflag:$0x2], $0x20, s30, s9, $0xb8;
	[tilespmem:$0xF480] =	vst v63  }
0x7b: {  	_ =	swait.ge [sflag:s8], $0x1000  }
0x7c: {  	[sflag:s8] =	ssyncset.done $0x0  }
0x7d: {  	[sflag:s8] =	ssyncadd.s32 $0xFFFFF000  }
0x7e: {  	_ =	swait.ge [sflag:s8], $0x1000  }
0x7f: {  	[sflag:s8] =	ssyncset.done $0x0  }
0x80: {  	[sflag:s8] =	ssyncadd.s32 $0xFFFFF000  }
0x81: {  	_ =	swait.ge [sflag:s8], $0x1000  }
0x82: {  	[sflag:s8] =	ssyncset.done $0x0  }
0x83: {  	[sflag:s8] =	ssyncadd.s32 $0xFFFFF000  }
0x84: {  	_ =	swait.ge [sflag:s8], $0x1000  }
0x85: {  	[sflag:s8] =	ssyncset.done $0x0  }
0x86: {  	[sflag:s8] =	ssyncadd.s32 $0xFFFFF000  }
0x87: {  	_ =	swait.ge [sflag:s8], $0x1000  }
0x88: {  	[sflag:s8] =	ssyncset.done $0x0  }
0x89: {  	[sflag:s8] =	ssyncadd.s32 $0xFFFFF000  }
0x8a: {  	_ =	swait.ge [sflag:s8], $0x1000  }
0x8b: {  	[sflag:s8] =	ssyncset.done $0x0  }
0x8c: {  	[sflag:s8] =	ssyncadd.s32 $0xFFFFF000  }
0x8d: {  	_ =	swait.ge [sflag:s8], $0x1000  }
0x8e: {  	[sflag:s8] =	ssyncset.done $0x0  }
0x8f: {  	[sflag:s8] =	ssyncadd.s32 $0xFFFFF000  }
0x90: {  	_ =	swait.ge [sflag:s8], $0x1000  }
0x91: {  	[sflag:s8] =	ssyncset.done $0x0  }
0x92: {  	[sflag:s8] =	ssyncadd.s32 $0xFFFFF000  }
0x93: {  	_ =	swait.ge [sflag:s8], $0x1000  }
0x94: {  	[sflag:s8] =	ssyncset.done $0x0  }
0x95: {  	[sflag:s8] =	ssyncadd.s32 $0xFFFFF000  }
0x96: {  	_ =	swait.ge [sflag:s8], $0x1000  }
0x97: {  	p1 =	sne.s32 s1, $0x1;
	[sflag:s8] =	ssyncset.done $0x0  }
.Ltmp2:
0x98: {  	[sflag:s8] =	ssyncadd.s32 $0xFFFFF000;
	(pc) =	sbr.rel @p1 .LBB2_2-.Ltmp2, $4  }
0x99: {  	[bflag:$0x0] =	sbarrier.arrive $0xFFFF  }
0x9a: {  	[hbm:s3], [sflag:s2] =	dma.local [spmem:s5], $0x9F0  }
0x9b: {  	_ =	swait.ge [sflag:s4], $0x9F0  }
0x9c: {  	s1 =	sadd.s32 $0xFFFFFFFF, s1;
	s0 =	rddreg [dreg:$0x3];
	[sflag:s4] =	ssyncset.done $0x0  }
.LBB2_3:
0x9d: {  	[sflag:s4] =	ssyncadd.s32 @p0 $0xFFFFF610  }
0x9e: {  	[tilespmem:s7], [sflag:$0x1] =	stream.linear.gather [hbm4b:s0+s7], $0x500, $0x38;
	[tilespmem:$0xF480] =	vst v63  }
0x9f: {  	_ = 	snop  }
0xa0: {  	[tilespmem:s10], [sflag:$0x1] =	stream.linear.gather [hbm4b:s14+s7], $0xA000, $0x38;
	[tilespmem:$0xF480] =	vst v63  }
0xa1: {  	[spmem:s5], [sflag:s2] =	dma.local [hbm:s17], $0x9F0  }
0xa2: {  	_ =	swait.ge [sflag:s4], $0x9F0  }
0xa3: {  	[sflag:s4] =	ssyncset.done $0x0  }
0xa4: {  	[sflag:s4] =	ssyncadd.s32 $0xFFFFF610  }
0xa5: {  	[bflag:$0x0] =	sbarrier.arrive $0xFFFF  }
0xa6: {  	_ =	swait.ge [sflag:s11], $0x500  }
0xa7: {  	[sflag:s11] =	ssyncset.done $0x0  }
0xa8: {  	[sflag:s11] =	ssyncadd.s32 $0xFFFFFB00  }
0xa9: {  	_ =	swait.ge [sflag:s11], $0xA000  }
0xaa: {  	[sflag:s11] =	ssyncset.done $0x0  }
0xab: {  	[sflag:s11] =	ssyncadd.s32 $0xFFFF6000  }
0xac: {  	[spmem:s6] =	stream.indirect.scatter.add.f32 [tilespmem:s10], [sflag:$0x2], $0x20, s7, s9, $0xb8;
	[tilespmem:$0xF480] =	vst v63  }
0xad: {  	_ = 	snop  }
0xae: {  	[spmem:s6] =	stream.indirect.scatter.add.f32 [tilespmem:s12], [sflag:$0x2], $0x20, s9, s9, $0xb8;
	[tilespmem:$0xF480] =	vst v63  }
0xaf: {  	_ = 	snop  }
0xb0: {  	[spmem:s6] =	stream.indirect.scatter.add.f32 [tilespmem:s15], [sflag:$0x2], $0x20, s13, s9, $0xb8;
	[tilespmem:$0xF480] =	vst v63  }
0xb1: {  	_ = 	snop  }
0xb2: {  	[spmem:s6] =	stream.indirect.scatter.add.f32 [tilespmem:s18], [sflag:$0x2], $0x20, s16, s9, $0xb8;
	[tilespmem:$0xF480] =	vst v63  }
0xb3: {  	_ = 	snop  }
0xb4: {  	[spmem:s6] =	stream.indirect.scatter.add.f32 [tilespmem:s20], [sflag:$0x2], $0x20, s19, s9, $0xb8;
	[tilespmem:$0xF480] =	vst v63  }
0xb5: {  	_ = 	snop  }
0xb6: {  	[spmem:s6] =	stream.indirect.scatter.add.f32 [tilespmem:s22], [sflag:$0x2], $0x20, s21, s9, $0xb8;
	[tilespmem:$0xF480] =	vst v63  }
0xb7: {  	_ = 	snop  }
0xb8: {  	[spmem:s6] =	stream.indirect.scatter.add.f32 [tilespmem:s24], [sflag:$0x2], $0x20, s23, s9, $0xb8;
	[tilespmem:$0xF480] =	vst v63  }
0xb9: {  	_ = 	snop  }
0xba: {  	[spmem:s6] =	stream.indirect.scatter.add.f32 [tilespmem:s26], [sflag:$0x2], $0x20, s25, s9, $0xb8;
	[tilespmem:$0xF480] =	vst v63  }
0xbb: {  	_ = 	snop  }
0xbc: {  	[spmem:s6] =	stream.indirect.scatter.add.f32 [tilespmem:s29], [sflag:$0x2], $0x20, s28, s9, $0xb8;
	[tilespmem:$0xF480] =	vst v63  }
0xbd: {  	_ = 	snop  }
0xbe: {  	[spmem:s6] =	stream.indirect.scatter.add.f32 [tilespmem:s31], [sflag:$0x2], $0x20, s30, s9, $0xb8;
	[tilespmem:$0xF480] =	vst v63  }
0xbf: {  	_ =	swait.ge [sflag:s8], $0x1000  }
0xc0: {  	[sflag:s8] =	ssyncset.done $0x0  }
0xc1: {  	[sflag:s8] =	ssyncadd.s32 $0xFFFFF000  }
0xc2: {  	_ =	swait.ge [sflag:s8], $0x1000  }
0xc3: {  	[sflag:s8] =	ssyncset.done $0x0  }
0xc4: {  	[sflag:s8] =	ssyncadd.s32 $0xFFFFF000  }
0xc5: {  	_ =	swait.ge [sflag:s8], $0x1000  }
0xc6: {  	[sflag:s8] =	ssyncset.done $0x0  }
0xc7: {  	[sflag:s8] =	ssyncadd.s32 $0xFFFFF000  }
0xc8: {  	_ =	swait.ge [sflag:s8], $0x1000  }
0xc9: {  	[sflag:s8] =	ssyncset.done $0x0  }
0xca: {  	[sflag:s8] =	ssyncadd.s32 $0xFFFFF000  }
0xcb: {  	_ =	swait.ge [sflag:s8], $0x1000  }
0xcc: {  	[sflag:s8] =	ssyncset.done $0x0  }
0xcd: {  	[sflag:s8] =	ssyncadd.s32 $0xFFFFF000  }
0xce: {  	_ =	swait.ge [sflag:s8], $0x1000  }
0xcf: {  	[sflag:s8] =	ssyncset.done $0x0  }
0xd0: {  	[sflag:s8] =	ssyncadd.s32 $0xFFFFF000  }
0xd1: {  	_ =	swait.ge [sflag:s8], $0x1000  }
0xd2: {  	[sflag:s8] =	ssyncset.done $0x0  }
0xd3: {  	[sflag:s8] =	ssyncadd.s32 $0xFFFFF000  }
0xd4: {  	_ =	swait.ge [sflag:s8], $0x1000  }
0xd5: {  	[sflag:s8] =	ssyncset.done $0x0  }
0xd6: {  	[sflag:s8] =	ssyncadd.s32 $0xFFFFF000  }
0xd7: {  	_ =	swait.ge [sflag:s8], $0x1000  }
0xd8: {  	[sflag:s8] =	ssyncset.done $0x0  }
0xd9: {  	[sflag:s8] =	ssyncadd.s32 $0xFFFFF000  }
0xda: {  	_ =	swait.ge [sflag:s8], $0x1000  }
0xdb: {  	[sflag:s8] =	ssyncset.done $0x0  }
0xdc: {  	[sflag:s8] =	ssyncadd.s32 $0xFFFFF000  }
0xdd: {  	[bflag:$0x0] =	sbarrier.arrive $0xFFFF  }
0xde: {  	[hbm:s3], [sflag:s2] =	dma.local [spmem:s5], $0x9F0  }
0xdf: {  	_ =	swait.ge [sflag:s4], $0x9F0  }
0xe0: {  	[sflag:s4] =	ssyncset.done $0x0  }
0xe1: {  	[sflag:s4] =	ssyncadd.s32 $0xFFFFF610  }
0xe2: {  	_ =	sfence.sel $0x180000  }
0xe3: {  	[bflag:$0x0] =	sbarrier.arrive $0xFFFF  }
0xe4: {  	_ =	strace $0x90000059  }
0xe5: {  	s31 =	stileid.u32;
	[bflag:$0x2] =	sbarrier.arrive $0xFFFF  }
0xe6: {  	p0 =	sne.s32 s31, $0x0;
	s0 =	rddreg [dreg:$0x2]  }
0xe7: {  	s0 =	sadd.s32 @!p0 $0x100000, s0  }
0xe8: {  	[sflag:s0] =	ssyncadd.tile.s32 @!p0 $0x1;
	_ =	shalt  }
.Lfunc_end2:
_tile_overlayer_lowered:
.L_overlay_start_2:
0xe9: {  	(tag) =	ssettag $0x2  }
0xea: {  	s0 =	rddreg [dreg:$0x0];
	s2 =	stileid.u32  }
0xeb: {  	s1 =	rddreg [dreg:$0x1];
	p0 =	sne.s32 s2, $0x0  }
0xec: {  	s3 =	rddreg [dreg:$0x2];
	[bflag:$0x3] =	sbarrier.arrive $0xFFFF;
	s2 =	simm.s32 @!p0 $0x1C03  }
0xed: {  	[timem:s3], [sflag:s2] =	dma.local @!p0 [hbm:s0], s1  }
0xee: {  	s0 =	simm.s32 @!p0 $0x3  }
0xef: {  	_ =	swait.ge @!p0 [sflag:s0], s1  }
0xf0: {  	s1 =	ssub.s32 @!p0 $0x0, s1;
	[sflag:s0] =	ssyncset.done @!p0 $0x0  }
0xf1: {  	[sflag:s0] =	ssyncadd.s32 @!p0 s1  }
0xf2: {  	[bflag:$0x3] =	sbarrier.arrive $0xFFFF  }
0xf3: {  	_ =	shalt  }

// kernel: kernel.43.cloned.1.call-start
scs
__scs_entry_jumppad:
0x0: {  	(pc) =	sbr.rel $0x88, $3  }
0x1: {  	(tag) =	ssettag $0x0;
	lr =	simm.s32 $0x1  }
0x2: {  	[smem:$0x3F80] =	sst lr;
	_ =	strace $0xD0000000  }
0x3: {  	_ = 	snop  }
0x4: {  	_ = 	snop  }
0x5: {  	_ = 	snop  }
0x6: {  	_ = 	snop  }
0x7: {  	_ = 	snop  }
__scs_overlays_trampoline_lowered:
0x8: {  	[smem:$0x3F8F] =	sst s0  }
0x9: {  	[smem:$0x3F90] =	sst s1  }
0xa: {  	[smem:$0x3F91] =	sst s2  }
0xb: {  	[smem:$0x3F92] =	sst s3  }
0xc: {  	[smem:$0x3F93] =	sst s4  }
0xd: {  	[smem:$0x3F94] =	sst s5  }
0xe: {  	[smem:$0x3F95] =	sst s6  }
0xf: {  	[smem:$0x3F96] =	sst s7  }
0x10: {  	[smem:$0x3F97] =	sst s8  }
0x11: {  	[smem:$0x3F98] =	sst s9;
	s0 =	simm.s32 @!p0 $0x0  }
0x12: {  	s1 =	sld [smem:$0x3F7E];
	s0 =	simm.s32 @p0 $0x1  }
0x13: {  	[smem:$0x3F99] =	sst s0;
	s0 =	simm.s32 @!p1 $0x0  }
0x14: {  	s2 =	sld [smem:$0x3F7D];
	s0 =	simm.s32 @p1 $0x1  }
0x15: {  	[smem:$0x3F9A] =	sst s0;
	s0 =	simm.s32 @!p2 $0x0  }
0x16: {  	s3 =	sld [smem:$0x3FDB];
	s0 =	simm.s32 @p2 $0x1  }
0x17: {  	s4 =	simm.s32 $0x1BF5;
	[smem:$0x3F9C] =	sst s0  }
0x18: {  	s0 =	sld [smem:$0x3F7F];
	_ =	swait.ge [sflag:s4], $0x0  }
0x19: {  	s7 =	sld [smem:$0x3F80]  }
0x1a: {  	s8 =	sadd.s32 $0xFFFFE003, lr  }
0x1b: {  	s9 =	sadd.s32 $0xFFFFFEF7, lr;
	s5 =	simm.s32 $0xFFFFFFFF;
	p2 =	slt.u32 s8, $0xFFFFF086  }
0x1c: {  	p1 =	slt.u32 s9, $0xF7A;
	s5 =	simm.s32 @!p2 $0x0  }
0x1d: {  	s5 =	simm.s32 @p1 $0x1;
	p0 =	seq.s32 s7, s2  }
0x1e: {  	s7 =	smul.u32 @!p0 $0xF7A, s2;
	p2 =	seq.s32 @!p0 s5, $0x0  }
0x1f: {  	s9 =	smul.u32 $0xF7A, s1;
	s8 =	simm.s32 @!p0 $0x1BF5;
	p2 =	por !p2, p0  }
0x20: {  	[sflag:s8] =	ssyncset.s32 @!p0 $0xFFFFF086;
	s6 =	sadd.s32 @!p0 s3, s7;
	s7 =	simm.s32 @!p0 $0x108  }
0x21: {  	s3 =	sadd.s32 s3, s9;
	s6 =	sadd.s32 @!p0 $0x88, s6;
	s7 =	simm.s32 @p2 $0x1082  }
0x22: {  	[simem:s7], [sflag:s8] =	dma.local @!p0 [hbm:s6], $0xF7A  }
0x23: {  	s9 =	sor.u32 $0xD0000000, s2;
	s6 =	simm.s32 $0x108;
	_ =	swait.ge @!p0 [sflag:s8], $0x0  }
0x24: {  	s3 =	sadd.s32 $0x88, s3;
	s6 =	simm.s32 @!p1 $0x1082;
	[sflag:s4] =	ssyncset.s32 $0xFFFFF086  }
0x25: {  	[simem:s6], [sflag:s4] =	dma.local [hbm:s3], $0xF7A  }
0x26: {  	[smem:$0x3F80] =	sst s1;
	(tag) =	ssettag s2;
	_ =	strace s9  }
0x27: {  	s1 =	sld [smem:$0x3F90]  }
0x28: {  	s2 =	sld [smem:$0x3F91]  }
0x29: {  	s4 =	sld [smem:$0x3F93]  }
0x2a: {  	p0 =	seq.s32 s5, $0x0;
	s5 =	sld [smem:$0x3F94]  }
0x2b: {  	s6 =	sld [smem:$0x3F95]  }
0x2c: {  	s7 =	sld [smem:$0x3F96]  }
0x2d: {  	s3 =	simm.s32 $0x108;
	s8 =	sld [smem:$0x3F97]  }
0x2e: {  	s3 =	simm.s32 @!p0 $0x1082;
	s9 =	sld [smem:$0x3F98]  }
0x2f: {  	lr =	sadd.s32 s0, s3;
	s0 =	sld [smem:$0x3F8F]  }
0x30: {  	s3 =	sld [smem:$0x3F92]  }
0x31: {  	[smem:$0x3F9B] =	sst s10  }
0x32: {  	s10 =	sld [smem:$0x3F99];
	_ =	sdelay $0x3  }
0x33: {  	p0 =	seq.s32 s10, $0x1;
	s10 =	sld [smem:$0x3F9B];
	_ =	sdelay $0x3  }
0x34: {  	[smem:$0x3F9B] =	sst s10  }
0x35: {  	s10 =	sld [smem:$0x3F9A];
	_ =	sdelay $0x3  }
0x36: {  	p1 =	seq.s32 s10, $0x1;
	s10 =	sld [smem:$0x3F9B];
	_ =	sdelay $0x3  }
0x37: {  	[smem:$0x3F9B] =	sst s10  }
0x38: {  	s10 =	sld [smem:$0x3F9C]  }
0x39: {  	_ = 	snop;
	(pc) =	sbr.ind lr, $3  }
0x3a: {  	_ = 	snop  }
0x3b: {  	_ = 	snop  }
0x3c: {  	p2 =	seq.s32 s10, $0x1;
	s10 =	sld [smem:$0x3F9B]  }
0x3d: {  	_ =	shalt  }
0x3e: {  	_ =	shalt  }
0x3f: {  	_ =	shalt  }
0x40: {  	_ =	shalt  }
0x41: {  	_ =	shalt  }
0x42: {  	_ =	shalt  }
0x43: {  	_ =	shalt  }
0x44: {  	_ =	shalt  }
0x45: {  	_ =	shalt  }
0x46: {  	_ =	shalt  }
0x47: {  	_ =	shalt  }
0x48: {  	_ =	shalt  }
0x49: {  	_ =	shalt  }
0x4a: {  	_ =	shalt  }
0x4b: {  	_ =	shalt  }
0x4c: {  	_ =	shalt  }
0x4d: {  	_ =	shalt  }
0x4e: {  	_ =	shalt  }
0x4f: {  	_ =	shalt  }
0x50: {  	_ =	shalt  }
0x51: {  	_ =	shalt  }
0x52: {  	_ =	shalt  }
0x53: {  	_ =	shalt  }
0x54: {  	_ =	shalt  }
0x55: {  	_ =	shalt  }
0x56: {  	_ =	shalt  }
0x57: {  	_ =	shalt  }
0x58: {  	_ =	shalt  }
0x59: {  	_ =	shalt  }
0x5a: {  	_ =	shalt  }
0x5b: {  	_ =	shalt  }
0x5c: {  	_ =	shalt  }
0x5d: {  	_ =	shalt  }
0x5e: {  	_ =	shalt  }
0x5f: {  	_ =	shalt  }
0x60: {  	_ =	shalt  }
0x61: {  	_ =	shalt  }
0x62: {  	_ =	shalt  }
0x63: {  	_ =	shalt  }
0x64: {  	_ =	shalt  }
0x65: {  	_ =	shalt  }
0x66: {  	_ =	shalt  }
0x67: {  	_ =	shalt  }
0x68: {  	_ =	shalt  }
0x69: {  	_ =	shalt  }
0x6a: {  	_ =	shalt  }
0x6b: {  	_ =	shalt  }
0x6c: {  	_ =	shalt  }
0x6d: {  	_ =	shalt  }
0x6e: {  	_ =	shalt  }
0x6f: {  	_ =	shalt  }
0x70: {  	_ =	shalt  }
0x71: {  	_ =	shalt  }
0x72: {  	_ =	shalt  }
0x73: {  	_ =	shalt  }
0x74: {  	_ =	shalt  }
0x75: {  	_ =	shalt  }
0x76: {  	_ =	shalt  }
0x77: {  	_ =	shalt  }
0x78: {  	_ =	shalt  }
0x79: {  	_ =	shalt  }
0x7a: {  	_ =	shalt  }
0x7b: {  	_ =	shalt  }
0x7c: {  	_ =	shalt  }
0x7d: {  	_ =	shalt  }
0x7e: {  	_ =	shalt  }
0x7f: {  	_ =	shalt  }
0x80: {  	_ =	shalt  }
0x81: {  	_ =	shalt  }
0x82: {  	_ =	shalt  }
0x83: {  	_ =	shalt  }
0x84: {  	_ =	shalt  }
0x85: {  	_ =	shalt  }
0x86: {  	_ =	shalt  }
0x87: {  	_ =	shalt  }
.Lfunc_end0:
.L_simem_size_0:
called_computation.7_lowered:
.L_overlay_start_0:
0x88: {  	s2 =	sld [smem:$0x3FD9]  }
0x89: {  	s3 =	sld [smem:$0x3FFE];
	_ =	sdelay $0x1  }
0x8a: {  	s1 =	srdreg.scid  }
0x8b: {  	s0 =	sand.u32 $0x1, s1  }
0x8c: {  	s16 =	sshll.u32 s0, $0xA;
	s2 =	sadd.s32 s3, s2  }
0x8d: {  	s2 =	sadd.s32 s2, s16  }
0x8e: {  	[smem:$0x3FA7] =	sst s2  }
0x8f: {  	_ = 	snop  }
0x90: {  	(tm) =	ssettm $0x1  }
0x91: {  	s17 =	sld [smem:$0x3FFB];
	_ =	sdelay $0x3  }
0x92: {  	_ =	strace s17  }
0x93: {  	s2 =	sld [smem:$0x3FFC];
	_ =	sdelay $0x3  }
0x94: {  	_ =	strace s2  }
0x95: {  	s2 =	sld [smem:$0x3FFD];
	_ =	sdelay $0x3  }
0x96: {  	_ =	strace s2  }
0x97: {  	_ =	strace $0x8FFFFFFF  }
0x98: {  	s18 =	sld [smem:$0x3FDB];
	_ =	sdelay $0x1  }
0x99: {  	s19 =	simm.s32 $_scs_section_size  }
0x9a: {  	s4 =	simm.s32 $_size__tile_overlayer_lowered;
	s5 =	simm.s32 $_tile_overlayer_lowered  }
0x9b: {  	s22 =	simm.s32 $0x1BFF;
	s21 =	sshll.u32 s5, $0x1;
	s2 =	sadd.s32 s19, s18  }
0x9c: {  	s6 =	simm.s32 $0x0;
	s20 =	sshll.u32 s4, $0x1;
	s4 =	sadd.s32 s21, s2  }
0x9d: {  	[timem:s6], [sflag:s22] =	dma.local [hbm:s4], s20  }
0x9e: {  	_ =	swait.ge [sflag:s22], s20  }
0x9f: {  	s3 =	ssub.s32 $0x0, s20;
	[sflag:s22] =	ssyncset.done $0x0  }
0xa0: {  	[sflag:s22] =	ssyncadd.s32 s3;
	_ =	sdelay $0x1  }
0xa1: {  	s23 =	simm.s32 $0x1B8B  }
0xa2: {  	_ =	swait.ge [sflag:s23], $0x1  }
0xa3: {  	[sflag:s23] =	ssyncset.done $0x0  }
0xa4: {  	s25 =	simm.s32 $0x1B8E;
	s24 =	sld [smem:$0x3FFE];
	[sflag:s23] =	ssyncadd.s32 $0xFFFFFFFF  }
0xa5: {  	s26 =	simm.s32 $execute0_lowered;
	[smem:$0x3FD2] =	sst s25  }
0xa6: {  	s4 =	sshll.u32 s26, $0x1;
	_ =	strace $0x8000005B;
	[dreg:$0x1] =	wrdreg $0xFFFFFFFF  }
0xa7: {  	s28 =	simm.s32 $_size_execute0_lowered;
	s2 =	sadd.s32 s2, s4;
	[dreg:$0x0] =	wrdreg $0x0  }
0xa8: {  	s4 =	sshll.u32 s28, $0x1;
	[dreg:$0x2] =	wrdreg s2  }
0xa9: {  	[dreg:$0x3] =	wrdreg s4  }
0xaa: {  	[dreg:$0x4] =	wrdreg $0xC0  }
0xab: {  	_ =	task [dreg:s6], $0x5FFFF  }
0xac: {  	[dreg:$0x1] =	wrdreg $0xFFFFFFFF  }
0xad: {  	[dreg:$0x0] =	wrdreg $0x60  }
0xae: {  	[dreg:$0x2] =	wrdreg s24  }
0xaf: {  	[dreg:$0x3] =	wrdreg $0xA5000  }
0xb0: {  	[dreg:$0x4] =	wrdreg $0x9  }
0xb1: {  	_ =	task.clear_ibuf [dreg:s6], $0x5FFFF;
	_ =	strace $0x9000005B  }
0xb2: {  	s29 =	simm.s32 $0x9;
	_ =	strace $0x8000005D  }
0xb3: {  	_ =	swait.ge [sflag:s29], $0x1  }
0xb4: {  	[sflag:s29] =	ssyncadd.s32 $0xFFFFFFFF  }
0xb5: {  	_ =	strace $0x9000005D  }
0xb6: {  	_ =	sfence  }
0xb7: {  	s30 =	sld [smem:$0x0];
	_ =	sdelay $0x2  }
0xb8: {  	s31 =	sshll.u32 s1, $0xD;
	s1 =	sshrl.u32 s1, $0x2  }
0xb9: {  	s3 =	sand.u32 $0x4000, s31;
	s1 =	sadd.s32 s1, s30  }
0xba: {  	s0 =	sor.u32 s3, s0;
	s1 =	sshll.u32 s1, $0x11  }
0xbb: {  	s0 =	sor.u32 s1, s0  }
0xbc: {  	s0 =	sadd.s32 $0x8F2B, s0  }
0xbd: {  	[sflag:s0] =	ssyncadd.remote.s32 $0x1  }
0xbe: {  	_ =	sfence.sel $0xFFFF  }
0xbf: {  	[dreg:$0x0] =	wrdreg $0xFFFFFFFF;
	(pc) =	sbr.abs _section_cstart, $3  }
0xc0: {  	[dreg:$0x1] =	wrdreg $0xFFFFFFFF  }
0xc1: {  	_ =	task.clear_ibuf [dreg:s6], $0x2FFFF;
	_ =	strace $0x9FFFFFFF  }
0xc2: {  	(tm) =	ssettm $0x7FFFFFFF  }
0xc3: {  	_ =	shalt  }
tec
execute0_lowered:
.L_overlay_start_1:
0x0: {  	(tag) =	ssettag $0x1  }
0x1: {  	s0 =	stileid.u32;
	s30 =	rddreg [dreg:$0x0]  }
0x2: {  	s1 =	srdreg.scid;
	s2 =	rddreg [dreg:$0x1];
	s3 =	simm.s32 $0x0  }
0x3: {  	s31 =	sand.u32 $0x1, s1;
	s25 =	sshll.u32 s0, $0x1;
	s5 =	smul.u32 $0x4F00, s0  }
0x4: {  	[smem:$0x7FF] =	sst s3;
	s1 =	sor.u32 s31, s25  }
0x5: {  	s26 =	sshll.u32 s0, $0x6;
	s4 =	smul.u32 $0xA0, s1;
	s6 =	sshrl.u32 s5, $0x3  }
0x6: {  	_ =	strace $0x8000005C;
	s7 =	sadd.s32 s5, s2;
	s6 =	sadd.s32 s6, s30  }
0x7: {  	s8 =	sshrl.u32 s7, $0x3;
	s7 =	simm.s32 $0x2;
	s4 =	sadd.s32 s4, s30  }
0x8: {  	s5 =	sadd.s32 $0xB000, s6;
	s6 =	sor.u32 $0x1C02, s26;
	s4 =	sadd.s32 $0x60000, s4  }
0x9: {  	[tilespmem:s3], [sflag:$0x1] =	stream.linear.gather [hbm4b:s4+s3], $0x500, $0x38;
	[tilespmem:$0xF400] =	vst v63  }
0xa: {  	[spmem:s8], [sflag:s6] =	dma.local [hbm:s5], $0x9E0  }
0xb: {  	_ =	swait.ge [sflag:s7], $0x9E0  }
0xc: {  	[sflag:s7] =	ssyncset.done $0x0  }
0xd: {  	[sflag:s7] =	ssyncadd.s32 $0xFFFFF620  }
0xe: {  	s9 =	simm.s32 $0x1;
	[bflag:$0x0] =	sbarrier.arrive $0xFFFF  }
0xf: {  	_ =	swait.ge [sflag:s9], $0x500  }
0x10: {  	[sflag:s9] =	ssyncset.done $0x0  }
0x11: {  	s10 =	simm.s32 $0x80;
	s11 =	simm.s32 $0x500;
	[sflag:s9] =	ssyncadd.s32 $0xFFFFFB00  }
0x12: {  	[tilespmem:s11], [sflag:$0x1] =	stream.indirect.gather [spmem:s2], $0x20, s3, s10, $0xb8;
	[tilespmem:$0xF400] =	vst v63  }
0x13: {  	s12 =	simm.s32 $0x1500  }
0x14: {  	[tilespmem:s12], [sflag:$0x1] =	stream.indirect.gather [spmem:s2], $0x20, s10, s10, $0xb8;
	[tilespmem:$0xF400] =	vst v63  }
0x15: {  	s13 =	simm.s32 $0x100;
	s14 =	simm.s32 $0x2500  }
0x16: {  	[tilespmem:s14], [sflag:$0x1] =	stream.indirect.gather [spmem:s2], $0x20, s13, s10, $0xb8;
	[tilespmem:$0xF400] =	vst v63  }
0x17: {  	s15 =	simm.s32 $0x180;
	s16 =	simm.s32 $0x3500  }
0x18: {  	[tilespmem:s16], [sflag:$0x1] =	stream.indirect.gather [spmem:s2], $0x20, s15, s10, $0xb8;
	[tilespmem:$0xF400] =	vst v63  }
0x19: {  	s17 =	simm.s32 $0x200;
	s18 =	simm.s32 $0x4500  }
0x1a: {  	[tilespmem:s18], [sflag:$0x1] =	stream.indirect.gather [spmem:s2], $0x20, s17, s10, $0xb8;
	[tilespmem:$0xF400] =	vst v63  }
0x1b: {  	s19 =	simm.s32 $0x280;
	s20 =	simm.s32 $0x5500  }
0x1c: {  	[tilespmem:s20], [sflag:$0x1] =	stream.indirect.gather [spmem:s2], $0x20, s19, s10, $0xb8;
	[tilespmem:$0xF400] =	vst v63  }
0x1d: {  	s21 =	simm.s32 $0x300;
	s22 =	simm.s32 $0x6500  }
0x1e: {  	[tilespmem:s22], [sflag:$0x1] =	stream.indirect.gather [spmem:s2], $0x20, s21, s10, $0xb8;
	[tilespmem:$0xF400] =	vst v63  }
0x1f: {  	s23 =	simm.s32 $0x380;
	s24 =	simm.s32 $0x7500  }
0x20: {  	[tilespmem:s24], [sflag:$0x1] =	stream.indirect.gather [spmem:s2], $0x20, s23, s10, $0xb8;
	[tilespmem:$0xF400] =	vst v63  }
0x21: {  	s25 =	simm.s32 $0x400;
	s26 =	simm.s32 $0x8500  }
0x22: {  	[tilespmem:s26], [sflag:$0x1] =	stream.indirect.gather [spmem:s2], $0x20, s25, s10, $0xb8;
	[tilespmem:$0xF400] =	vst v63  }
0x23: {  	s28 =	simm.s32 $0x480;
	s29 =	simm.s32 $0x9500  }
0x24: {  	[tilespmem:s29], [sflag:$0x1] =	stream.indirect.gather [spmem:s2], $0x20, s28, s10, $0xb8;
	[tilespmem:$0xF400] =	vst v63  }
0x25: {  	_ =	swait.ge [sflag:s9], $0x1000  }
0x26: {  	[sflag:s9] =	ssyncset.done $0x0  }
0x27: {  	[sflag:s9] =	ssyncadd.s32 $0xFFFFF000  }
0x28: {  	_ =	swait.ge [sflag:s9], $0x1000  }
0x29: {  	[sflag:s9] =	ssyncset.done $0x0  }
0x2a: {  	[sflag:s9] =	ssyncadd.s32 $0xFFFFF000  }
0x2b: {  	_ =	swait.ge [sflag:s9], $0x1000  }
0x2c: {  	[sflag:s9] =	ssyncset.done $0x0  }
0x2d: {  	[sflag:s9] =	ssyncadd.s32 $0xFFFFF000  }
0x2e: {  	_ =	swait.ge [sflag:s9], $0x1000  }
0x2f: {  	[sflag:s9] =	ssyncset.done $0x0  }
0x30: {  	[sflag:s9] =	ssyncadd.s32 $0xFFFFF000  }
0x31: {  	_ =	swait.ge [sflag:s9], $0x1000  }
0x32: {  	[sflag:s9] =	ssyncset.done $0x0  }
0x33: {  	[sflag:s9] =	ssyncadd.s32 $0xFFFFF000  }
0x34: {  	_ =	swait.ge [sflag:s9], $0x1000  }
0x35: {  	[sflag:s9] =	ssyncset.done $0x0  }
0x36: {  	[sflag:s9] =	ssyncadd.s32 $0xFFFFF000  }
0x37: {  	_ =	swait.ge [sflag:s9], $0x1000  }
0x38: {  	[sflag:s9] =	ssyncset.done $0x0  }
0x39: {  	[sflag:s9] =	ssyncadd.s32 $0xFFFFF000  }
0x3a: {  	_ =	swait.ge [sflag:s9], $0x1000  }
0x3b: {  	[sflag:s9] =	ssyncset.done $0x0  }
0x3c: {  	s31 =	ssub.s32 $0x2, s31;
	[sflag:s9] =	ssyncadd.s32 $0xFFFFF000  }
0x3d: {  	s0 =	sshrl.u32 s31, $0x1;
	_ =	swait.ge [sflag:s9], $0x1000  }
0x3e: {  	s0 =	ssub.s32 s31, s0;
	[sflag:s9] =	ssyncset.done $0x0  }
0x3f: {  	s1 =	smul.u32 $0x1400, s1;
	s0 =	smax.u32 s0, $0x1;
	[sflag:s9] =	ssyncadd.s32 $0xFFFFF000  }
0x40: {  	p0 =	sne.s32 s0, $0x1;
	_ =	swait.ge [sflag:s9], $0x1000  }
.Ltmp0:
0x41: {  	s1 =	sadd.s32 s1, s30;
	[sflag:s9] =	ssyncset.done $0x0;
	(pc) =	sbr.rel @!p0 .LBB2_2-.Ltmp0, $4  }
0x42: {  	s30 =	sadd.s32 $0x14E00, s1;
	[sflag:s9] =	ssyncadd.s32 $0xFFFFF000  }
0x43: {  	[hbm4b:s30+s3] =	stream.linear.scatter [tilespmem:s11], [sflag:$0x2], $0xA000, $0x38;
	[tilespmem:$0xF400] =	vst v63  }
0x44: {  	_ =	swait.ge [sflag:s7], $0xA000  }
0x45: {  	s31 =	sadd.s32 $0xFFFFFFFF, s0;
	[sflag:s7] =	ssyncset.done $0x0  }
.LBB2_1:
0x46: {  	p0 =	sne.s32 s31, $0x1;
	s31 =	sadd.s32 $0xFFFFFFFF, s31;
	[sflag:s7] =	ssyncadd.s32 $0xFFFF6000  }
0x47: {  	[tilespmem:s3], [sflag:$0x1] =	stream.linear.gather [hbm4b:s4+s3], $0x500, $0x38;
	[tilespmem:$0xF400] =	vst v63  }
0x48: {  	[spmem:s8], [sflag:s6] =	dma.local [hbm:s5], $0x9E0  }
0x49: {  	_ =	swait.ge [sflag:s7], $0x9E0  }
0x4a: {  	[sflag:s7] =	ssyncset.done $0x0  }
0x4b: {  	[sflag:s7] =	ssyncadd.s32 $0xFFFFF620  }
0x4c: {  	[bflag:$0x0] =	sbarrier.arrive $0xFFFF  }
0x4d: {  	_ =	swait.ge [sflag:s9], $0x500  }
0x4e: {  	[sflag:s9] =	ssyncset.done $0x0  }
0x4f: {  	[sflag:s9] =	ssyncadd.s32 $0xFFFFFB00  }
0x50: {  	[tilespmem:s11], [sflag:$0x1] =	stream.indirect.gather [spmem:s2], $0x20, s3, s10, $0xb8;
	[tilespmem:$0xF400] =	vst v63  }
0x51: {  	_ = 	snop  }
0x52: {  	[tilespmem:s12], [sflag:$0x1] =	stream.indirect.gather [spmem:s2], $0x20, s10, s10, $0xb8;
	[tilespmem:$0xF400] =	vst v63  }
0x53: {  	_ = 	snop  }
0x54: {  	[tilespmem:s14], [sflag:$0x1] =	stream.indirect.gather [spmem:s2], $0x20, s13, s10, $0xb8;
	[tilespmem:$0xF400] =	vst v63  }
0x55: {  	_ = 	snop  }
0x56: {  	[tilespmem:s16], [sflag:$0x1] =	stream.indirect.gather [spmem:s2], $0x20, s15, s10, $0xb8;
	[tilespmem:$0xF400] =	vst v63  }
0x57: {  	_ = 	snop  }
0x58: {  	[tilespmem:s18], [sflag:$0x1] =	stream.indirect.gather [spmem:s2], $0x20, s17, s10, $0xb8;
	[tilespmem:$0xF400] =	vst v63  }
0x59: {  	_ = 	snop  }
0x5a: {  	[tilespmem:s20], [sflag:$0x1] =	stream.indirect.gather [spmem:s2], $0x20, s19, s10, $0xb8;
	[tilespmem:$0xF400] =	vst v63  }
0x5b: {  	_ = 	snop  }
0x5c: {  	[tilespmem:s22], [sflag:$0x1] =	stream.indirect.gather [spmem:s2], $0x20, s21, s10, $0xb8;
	[tilespmem:$0xF400] =	vst v63  }
0x5d: {  	_ = 	snop  }
0x5e: {  	[tilespmem:s24], [sflag:$0x1] =	stream.indirect.gather [spmem:s2], $0x20, s23, s10, $0xb8;
	[tilespmem:$0xF400] =	vst v63  }
0x5f: {  	_ = 	snop  }
0x60: {  	[tilespmem:s26], [sflag:$0x1] =	stream.indirect.gather [spmem:s2], $0x20, s25, s10, $0xb8;
	[tilespmem:$0xF400] =	vst v63  }
0x61: {  	_ = 	snop  }
0x62: {  	[tilespmem:s29], [sflag:$0x1] =	stream.indirect.gather [spmem:s2], $0x20, s28, s10, $0xb8;
	[tilespmem:$0xF400] =	vst v63  }
0x63: {  	_ =	swait.ge [sflag:s9], $0x1000  }
0x64: {  	[sflag:s9] =	ssyncset.done $0x0  }
0x65: {  	[sflag:s9] =	ssyncadd.s32 $0xFFFFF000  }
0x66: {  	_ =	swait.ge [sflag:s9], $0x1000  }
0x67: {  	[sflag:s9] =	ssyncset.done $0x0  }
0x68: {  	[sflag:s9] =	ssyncadd.s32 $0xFFFFF000  }
0x69: {  	_ =	swait.ge [sflag:s9], $0x1000  }
0x6a: {  	[sflag:s9] =	ssyncset.done $0x0  }
0x6b: {  	[sflag:s9] =	ssyncadd.s32 $0xFFFFF000  }
0x6c: {  	_ =	swait.ge [sflag:s9], $0x1000  }
0x6d: {  	[sflag:s9] =	ssyncset.done $0x0  }
0x6e: {  	[sflag:s9] =	ssyncadd.s32 $0xFFFFF000  }
0x6f: {  	_ =	swait.ge [sflag:s9], $0x1000  }
0x70: {  	[sflag:s9] =	ssyncset.done $0x0  }
0x71: {  	[sflag:s9] =	ssyncadd.s32 $0xFFFFF000  }
0x72: {  	_ =	swait.ge [sflag:s9], $0x1000  }
0x73: {  	[sflag:s9] =	ssyncset.done $0x0  }
0x74: {  	[sflag:s9] =	ssyncadd.s32 $0xFFFFF000  }
0x75: {  	_ =	swait.ge [sflag:s9], $0x1000  }
0x76: {  	[sflag:s9] =	ssyncset.done $0x0  }
0x77: {  	[sflag:s9] =	ssyncadd.s32 $0xFFFFF000  }
0x78: {  	_ =	swait.ge [sflag:s9], $0x1000  }
0x79: {  	[sflag:s9] =	ssyncset.done $0x0  }
0x7a: {  	[sflag:s9] =	ssyncadd.s32 $0xFFFFF000  }
0x7b: {  	_ =	swait.ge [sflag:s9], $0x1000  }
0x7c: {  	[sflag:s9] =	ssyncset.done $0x0  }
0x7d: {  	[sflag:s9] =	ssyncadd.s32 $0xFFFFF000  }
0x7e: {  	_ =	swait.ge [sflag:s9], $0x1000  }
.Ltmp1:
0x7f: {  	[sflag:s9] =	ssyncset.done $0x0;
	(pc) =	sbr.rel @p0 .LBB2_1-.Ltmp1, $4  }
0x80: {  	[sflag:s9] =	ssyncadd.s32 $0xFFFFF000  }
0x81: {  	[hbm4b:s30+s3] =	stream.linear.scatter [tilespmem:s11], [sflag:$0x2], $0xA000, $0x38;
	[tilespmem:$0xF400] =	vst v63  }
0x82: {  	_ =	swait.ge [sflag:s7], $0xA000  }
0x83: {  	[sflag:s7] =	ssyncset.done $0x0  }
.LBB2_2:
0x84: {  	[sflag:s7] =	ssyncadd.s32 $0xFFFF6000  }
0x85: {  	_ =	sfence.sel $0x180000  }
0x86: {  	[bflag:$0x0] =	sbarrier.arrive $0xFFFF  }
0x87: {  	_ =	strace $0x9000005C  }
0x88: {  	s0 =	stileid.u32;
	[bflag:$0x2] =	sbarrier.arrive $0xFFFF  }
0x89: {  	p0 =	sne.s32 s0, $0x0;
	s0 =	rddreg [dreg:$0x2]  }
0x8a: {  	s0 =	sadd.s32 @!p0 $0x100000, s0  }
0x8b: {  	[sflag:s0] =	ssyncadd.tile.s32 @!p0 $0x1;
	_ =	shalt  }
.Lfunc_end2:
_tile_overlayer_lowered:
.L_overlay_start_2:
0x8c: {  	(tag) =	ssettag $0x2  }
0x8d: {  	s0 =	rddreg [dreg:$0x0];
	s2 =	stileid.u32  }
0x8e: {  	s1 =	rddreg [dreg:$0x1];
	p0 =	sne.s32 s2, $0x0  }
0x8f: {  	s3 =	rddreg [dreg:$0x2];
	[bflag:$0x3] =	sbarrier.arrive $0xFFFF;
	s2 =	simm.s32 @!p0 $0x1C02  }
0x90: {  	[timem:s3], [sflag:s2] =	dma.local @!p0 [hbm:s0], s1  }
0x91: {  	s0 =	simm.s32 @!p0 $0x2  }
0x92: {  	_ =	swait.ge @!p0 [sflag:s0], s1  }
0x93: {  	s1 =	ssub.s32 @!p0 $0x0, s1;
	[sflag:s0] =	ssyncset.done @!p0 $0x0  }
0x94: {  	[sflag:s0] =	ssyncadd.s32 @!p0 s1  }
0x95: {  	[bflag:$0x3] =	sbarrier.arrive $0xFFFF  }
0x96: {  	_ =	shalt  }

// kernel: kernel.46.cloned.1.call-start
scs
__scs_entry_jumppad:
0x0: {  	(pc) =	sbr.rel $0x88, $3  }
0x1: {  	(tag) =	ssettag $0x0;
	lr =	simm.s32 $0x1  }
0x2: {  	[smem:$0x3F80] =	sst lr;
	_ =	strace $0xD0000000  }
0x3: {  	_ = 	snop  }
0x4: {  	_ = 	snop  }
0x5: {  	_ = 	snop  }
0x6: {  	_ = 	snop  }
0x7: {  	_ = 	snop  }
__scs_overlays_trampoline_lowered:
0x8: {  	[smem:$0x3F8F] =	sst s0  }
0x9: {  	[smem:$0x3F90] =	sst s1  }
0xa: {  	[smem:$0x3F91] =	sst s2  }
0xb: {  	[smem:$0x3F92] =	sst s3  }
0xc: {  	[smem:$0x3F93] =	sst s4  }
0xd: {  	[smem:$0x3F94] =	sst s5  }
0xe: {  	[smem:$0x3F95] =	sst s6  }
0xf: {  	[smem:$0x3F96] =	sst s7  }
0x10: {  	[smem:$0x3F97] =	sst s8  }
0x11: {  	[smem:$0x3F98] =	sst s9;
	s0 =	simm.s32 @!p0 $0x0  }
0x12: {  	s1 =	sld [smem:$0x3F7E];
	s0 =	simm.s32 @p0 $0x1  }
0x13: {  	[smem:$0x3F99] =	sst s0;
	s0 =	simm.s32 @!p1 $0x0  }
0x14: {  	s2 =	sld [smem:$0x3F7D];
	s0 =	simm.s32 @p1 $0x1  }
0x15: {  	[smem:$0x3F9A] =	sst s0;
	s0 =	simm.s32 @!p2 $0x0  }
0x16: {  	s3 =	sld [smem:$0x3FDB];
	s0 =	simm.s32 @p2 $0x1  }
0x17: {  	s4 =	simm.s32 $0x1BF5;
	[smem:$0x3F9C] =	sst s0  }
0x18: {  	s0 =	sld [smem:$0x3F7F];
	_ =	swait.ge [sflag:s4], $0x0  }
0x19: {  	s7 =	sld [smem:$0x3F80]  }
0x1a: {  	s8 =	sadd.s32 $0xFFFFE003, lr  }
0x1b: {  	s9 =	sadd.s32 $0xFFFFFEF7, lr;
	s5 =	simm.s32 $0xFFFFFFFF;
	p2 =	slt.u32 s8, $0xFFFFF086  }
0x1c: {  	p1 =	slt.u32 s9, $0xF7A;
	s5 =	simm.s32 @!p2 $0x0  }
0x1d: {  	s5 =	simm.s32 @p1 $0x1;
	p0 =	seq.s32 s7, s2  }
0x1e: {  	s7 =	smul.u32 @!p0 $0xF7A, s2;
	p2 =	seq.s32 @!p0 s5, $0x0  }
0x1f: {  	s9 =	smul.u32 $0xF7A, s1;
	s8 =	simm.s32 @!p0 $0x1BF5;
	p2 =	por !p2, p0  }
0x20: {  	[sflag:s8] =	ssyncset.s32 @!p0 $0xFFFFF086;
	s6 =	sadd.s32 @!p0 s3, s7;
	s7 =	simm.s32 @!p0 $0x108  }
0x21: {  	s3 =	sadd.s32 s3, s9;
	s6 =	sadd.s32 @!p0 $0x88, s6;
	s7 =	simm.s32 @p2 $0x1082  }
0x22: {  	[simem:s7], [sflag:s8] =	dma.local @!p0 [hbm:s6], $0xF7A  }
0x23: {  	s9 =	sor.u32 $0xD0000000, s2;
	s6 =	simm.s32 $0x108;
	_ =	swait.ge @!p0 [sflag:s8], $0x0  }
0x24: {  	s3 =	sadd.s32 $0x88, s3;
	s6 =	simm.s32 @!p1 $0x1082;
	[sflag:s4] =	ssyncset.s32 $0xFFFFF086  }
0x25: {  	[simem:s6], [sflag:s4] =	dma.local [hbm:s3], $0xF7A  }
0x26: {  	[smem:$0x3F80] =	sst s1;
	(tag) =	ssettag s2;
	_ =	strace s9  }
0x27: {  	s1 =	sld [smem:$0x3F90]  }
0x28: {  	s2 =	sld [smem:$0x3F91]  }
0x29: {  	s4 =	sld [smem:$0x3F93]  }
0x2a: {  	p0 =	seq.s32 s5, $0x0;
	s5 =	sld [smem:$0x3F94]  }
0x2b: {  	s6 =	sld [smem:$0x3F95]  }
0x2c: {  	s7 =	sld [smem:$0x3F96]  }
0x2d: {  	s3 =	simm.s32 $0x108;
	s8 =	sld [smem:$0x3F97]  }
0x2e: {  	s3 =	simm.s32 @!p0 $0x1082;
	s9 =	sld [smem:$0x3F98]  }
0x2f: {  	lr =	sadd.s32 s0, s3;
	s0 =	sld [smem:$0x3F8F]  }
0x30: {  	s3 =	sld [smem:$0x3F92]  }
0x31: {  	[smem:$0x3F9B] =	sst s10  }
0x32: {  	s10 =	sld [smem:$0x3F99];
	_ =	sdelay $0x3  }
0x33: {  	p0 =	seq.s32 s10, $0x1;
	s10 =	sld [smem:$0x3F9B];
	_ =	sdelay $0x3  }
0x34: {  	[smem:$0x3F9B] =	sst s10  }
0x35: {  	s10 =	sld [smem:$0x3F9A];
	_ =	sdelay $0x3  }
0x36: {  	p1 =	seq.s32 s10, $0x1;
	s10 =	sld [smem:$0x3F9B];
	_ =	sdelay $0x3  }
0x37: {  	[smem:$0x3F9B] =	sst s10  }
0x38: {  	s10 =	sld [smem:$0x3F9C]  }
0x39: {  	_ = 	snop;
	(pc) =	sbr.ind lr, $3  }
0x3a: {  	_ = 	snop  }
0x3b: {  	_ = 	snop  }
0x3c: {  	p2 =	seq.s32 s10, $0x1;
	s10 =	sld [smem:$0x3F9B]  }
0x3d: {  	_ =	shalt  }
0x3e: {  	_ =	shalt  }
0x3f: {  	_ =	shalt  }
0x40: {  	_ =	shalt  }
0x41: {  	_ =	shalt  }
0x42: {  	_ =	shalt  }
0x43: {  	_ =	shalt  }
0x44: {  	_ =	shalt  }
0x45: {  	_ =	shalt  }
0x46: {  	_ =	shalt  }
0x47: {  	_ =	shalt  }
0x48: {  	_ =	shalt  }
0x49: {  	_ =	shalt  }
0x4a: {  	_ =	shalt  }
0x4b: {  	_ =	shalt  }
0x4c: {  	_ =	shalt  }
0x4d: {  	_ =	shalt  }
0x4e: {  	_ =	shalt  }
0x4f: {  	_ =	shalt  }
0x50: {  	_ =	shalt  }
0x51: {  	_ =	shalt  }
0x52: {  	_ =	shalt  }
0x53: {  	_ =	shalt  }
0x54: {  	_ =	shalt  }
0x55: {  	_ =	shalt  }
0x56: {  	_ =	shalt  }
0x57: {  	_ =	shalt  }
0x58: {  	_ =	shalt  }
0x59: {  	_ =	shalt  }
0x5a: {  	_ =	shalt  }
0x5b: {  	_ =	shalt  }
0x5c: {  	_ =	shalt  }
0x5d: {  	_ =	shalt  }
0x5e: {  	_ =	shalt  }
0x5f: {  	_ =	shalt  }
0x60: {  	_ =	shalt  }
0x61: {  	_ =	shalt  }
0x62: {  	_ =	shalt  }
0x63: {  	_ =	shalt  }
0x64: {  	_ =	shalt  }
0x65: {  	_ =	shalt  }
0x66: {  	_ =	shalt  }
0x67: {  	_ =	shalt  }
0x68: {  	_ =	shalt  }
0x69: {  	_ =	shalt  }
0x6a: {  	_ =	shalt  }
0x6b: {  	_ =	shalt  }
0x6c: {  	_ =	shalt  }
0x6d: {  	_ =	shalt  }
0x6e: {  	_ =	shalt  }
0x6f: {  	_ =	shalt  }
0x70: {  	_ =	shalt  }
0x71: {  	_ =	shalt  }
0x72: {  	_ =	shalt  }
0x73: {  	_ =	shalt  }
0x74: {  	_ =	shalt  }
0x75: {  	_ =	shalt  }
0x76: {  	_ =	shalt  }
0x77: {  	_ =	shalt  }
0x78: {  	_ =	shalt  }
0x79: {  	_ =	shalt  }
0x7a: {  	_ =	shalt  }
0x7b: {  	_ =	shalt  }
0x7c: {  	_ =	shalt  }
0x7d: {  	_ =	shalt  }
0x7e: {  	_ =	shalt  }
0x7f: {  	_ =	shalt  }
0x80: {  	_ =	shalt  }
0x81: {  	_ =	shalt  }
0x82: {  	_ =	shalt  }
0x83: {  	_ =	shalt  }
0x84: {  	_ =	shalt  }
0x85: {  	_ =	shalt  }
0x86: {  	_ =	shalt  }
0x87: {  	_ =	shalt  }
.Lfunc_end0:
.L_simem_size_0:
called_computation.8_lowered:
.L_overlay_start_0:
0x88: {  	s2 =	sld [smem:$0x3FD9]  }
0x89: {  	s3 =	sld [smem:$0x3FFE];
	_ =	sdelay $0x1  }
0x8a: {  	s1 =	srdreg.scid  }
0x8b: {  	s0 =	sand.u32 $0x1, s1  }
0x8c: {  	s16 =	sshll.u32 s0, $0xA;
	s2 =	sadd.s32 s3, s2  }
0x8d: {  	s2 =	sadd.s32 s2, s16  }
0x8e: {  	[smem:$0x3FA7] =	sst s2  }
0x8f: {  	_ = 	snop  }
0x90: {  	(tm) =	ssettm $0x1  }
0x91: {  	s17 =	sld [smem:$0x3FFB];
	_ =	sdelay $0x3  }
0x92: {  	_ =	strace s17  }
0x93: {  	s2 =	sld [smem:$0x3FFC];
	_ =	sdelay $0x3  }
0x94: {  	_ =	strace s2  }
0x95: {  	s2 =	sld [smem:$0x3FFD];
	_ =	sdelay $0x3  }
0x96: {  	_ =	strace s2  }
0x97: {  	_ =	strace $0x8FFFFFFF  }
0x98: {  	s18 =	sld [smem:$0x3FDB];
	_ =	sdelay $0x1  }
0x99: {  	s19 =	simm.s32 $_scs_section_size  }
0x9a: {  	s4 =	simm.s32 $_size__tile_overlayer_lowered;
	s5 =	simm.s32 $_tile_overlayer_lowered  }
0x9b: {  	s22 =	simm.s32 $0x1BFF;
	s21 =	sshll.u32 s5, $0x1;
	s2 =	sadd.s32 s19, s18  }
0x9c: {  	s6 =	simm.s32 $0x0;
	s20 =	sshll.u32 s4, $0x1;
	s4 =	sadd.s32 s21, s2  }
0x9d: {  	[timem:s6], [sflag:s22] =	dma.local [hbm:s4], s20  }
0x9e: {  	_ =	swait.ge [sflag:s22], s20  }
0x9f: {  	s3 =	ssub.s32 $0x0, s20;
	[sflag:s22] =	ssyncset.done $0x0  }
0xa0: {  	[sflag:s22] =	ssyncadd.s32 s3;
	_ =	sdelay $0x1  }
0xa1: {  	s23 =	simm.s32 $0x1B8B  }
0xa2: {  	_ =	swait.ge [sflag:s23], $0x1  }
0xa3: {  	[sflag:s23] =	ssyncset.done $0x0  }
0xa4: {  	s25 =	simm.s32 $0x1B8E;
	s24 =	sld [smem:$0x3FFE];
	[sflag:s23] =	ssyncadd.s32 $0xFFFFFFFF  }
0xa5: {  	s26 =	simm.s32 $execute0_lowered;
	[smem:$0x3FD2] =	sst s25  }
0xa6: {  	s4 =	sshll.u32 s26, $0x1;
	_ =	strace $0x8000005E;
	[dreg:$0x1] =	wrdreg $0xFFFFFFFF  }
0xa7: {  	s28 =	simm.s32 $_size_execute0_lowered;
	s2 =	sadd.s32 s2, s4;
	[dreg:$0x0] =	wrdreg $0x0  }
0xa8: {  	s4 =	sshll.u32 s28, $0x1;
	[dreg:$0x2] =	wrdreg s2  }
0xa9: {  	[dreg:$0x3] =	wrdreg s4  }
0xaa: {  	[dreg:$0x4] =	wrdreg $0xC0  }
0xab: {  	_ =	task [dreg:s6], $0x5FFFF  }
0xac: {  	[dreg:$0x1] =	wrdreg $0xFFFFFFFF  }
0xad: {  	[dreg:$0x0] =	wrdreg $0x60  }
0xae: {  	[dreg:$0x2] =	wrdreg s24  }
0xaf: {  	[dreg:$0x3] =	wrdreg $0xA5000  }
0xb0: {  	[dreg:$0x4] =	wrdreg $0x9  }
0xb1: {  	_ =	task.clear_ibuf [dreg:s6], $0x5FFFF;
	_ =	strace $0x9000005E  }
0xb2: {  	s29 =	simm.s32 $0x9;
	_ =	strace $0x80000060  }
0xb3: {  	_ =	swait.ge [sflag:s29], $0x1  }
0xb4: {  	[sflag:s29] =	ssyncadd.s32 $0xFFFFFFFF  }
0xb5: {  	_ =	strace $0x90000060  }
0xb6: {  	_ =	sfence  }
0xb7: {  	s30 =	sld [smem:$0x0];
	_ =	sdelay $0x2  }
0xb8: {  	s31 =	sshll.u32 s1, $0xD;
	s1 =	sshrl.u32 s1, $0x2  }
0xb9: {  	s3 =	sand.u32 $0x4000, s31;
	s1 =	sadd.s32 s1, s30  }
0xba: {  	s0 =	sor.u32 s3, s0;
	s1 =	sshll.u32 s1, $0x11  }
0xbb: {  	s0 =	sor.u32 s1, s0  }
0xbc: {  	s0 =	sadd.s32 $0x8F2B, s0  }
0xbd: {  	[sflag:s0] =	ssyncadd.remote.s32 $0x1  }
0xbe: {  	_ =	sfence.sel $0xFFFF  }
0xbf: {  	[dreg:$0x0] =	wrdreg $0xFFFFFFFF;
	(pc) =	sbr.abs _section_cstart, $3  }
0xc0: {  	[dreg:$0x1] =	wrdreg $0xFFFFFFFF  }
0xc1: {  	_ =	task.clear_ibuf [dreg:s6], $0x2FFFF;
	_ =	strace $0x9FFFFFFF  }
0xc2: {  	(tm) =	ssettm $0x7FFFFFFF  }
0xc3: {  	_ =	shalt  }
tec
execute0_lowered:
.L_overlay_start_1:
0x0: {  	(tag) =	ssettag $0x1  }
0x1: {  	s0 =	srdreg.scid;
	s2 =	rddreg [dreg:$0x0]  }
0x2: {  	s9 =	stileid.u32;
	s6 =	rddreg [dreg:$0x1]  }
0x3: {  	s7 =	simm.s32 $0x0;
	s10 =	simm.s32 $0x500;
	s11 =	simm.s32 $0x1  }
0x4: {  	s12 =	simm.s32 $0x1500;
	s13 =	simm.s32 $0x100;
	s15 =	simm.s32 $0x2500  }
0x5: {  	s16 =	simm.s32 $0x180;
	s18 =	simm.s32 $0x3500;
	s19 =	simm.s32 $0x200  }
0x6: {  	s20 =	simm.s32 $0x4500;
	s21 =	simm.s32 $0x280;
	s22 =	simm.s32 $0x5500  }
0x7: {  	s23 =	simm.s32 $0x300;
	p0 =	por $0x0, $0x0;
	s28 =	simm.s32 $0x400  }
0x8: {  	s29 =	simm.s32 $0x8500;
	s30 =	simm.s32 $0x480;
	s31 =	simm.s32 $0x9500  }
0x9: {  	s0 =	sand.u32 $0x1, s0;
	s1 =	sshll.u32 s9, $0x1;
	s4 =	smul.u32 $0x4F80, s9  }
0xa: {  	[smem:$0x7FF] =	sst s7;
	s1 =	sor.u32 s0, s1;
	s5 =	smul.u32 $0x4F800, s0  }
0xb: {  	s26 =	sshll.u32 s9, $0x6;
	s9 =	simm.s32 $0x80;
	s3 =	smul.u32 $0x1400, s1  }
0xc: {  	_ =	strace $0x8000005F;
	s0 =	ssub.s32 $0x2, s0;
	s1 =	smul.u32 $0xA0, s1  }
0xd: {  	s8 =	sshrl.u32 s4, $0x3;
	s24 =	sshrl.u32 s0, $0x1;
	s25 =	sadd.s32 s4, s6  }
0xe: {  	s5 =	sadd.s32 s4, s5;
	s8 =	sadd.s32 s8, s2;
	s0 =	ssub.s32 s0, s24  }
0xf: {  	s4 =	simm.s32 $0x3;
	s24 =	simm.s32 $0x6500;
	s0 =	smax.u32 s0, $0x1  }
0x10: {  	s3 =	sadd.s32 s3, s2;
	s1 =	sadd.s32 s1, s2;
	p1 =	sne.s32 s0, $0x1  }
.Ltmp0:
0x11: {  	s5 =	sshrl.u32 s5, $0x3;
	s17 =	sadd.s32 $0x70600, s8;
	(pc) =	sbr.rel @!p1 .LBB2_3-.Ltmp0, $4  }
0x12: {  	s8 =	simm.s32 $0x2;
	s5 =	sadd.s32 s5, s2;
	s1 =	sadd.s32 $0x6A000, s1  }
0x13: {  	s14 =	sadd.s32 $0x14E00, s3;
	s2 =	sor.u32 $0x1C03, s26;
	s26 =	simm.s32 $0x7500  }
0x14: {  	[dreg:$0x3] =	wrdreg s1;
	s3 =	sadd.s32 $0x3CE00, s5;
	s5 =	sshrl.u32 s25, $0x3  }
0x15: {  	s25 =	simm.s32 $0x380;
	s1 =	sadd.s32 $0xFFFFFFFF, s0;
	s0 =	rddreg [dreg:$0x3]  }
0x16: {  	[tilespmem:s7], [sflag:$0x1] =	stream.linear.gather [hbm4b:s0+s7], $0x500, $0x38;
	[tilespmem:$0xF480] =	vst v63  }
0x17: {  	_ = 	snop  }
0x18: {  	[tilespmem:s10], [sflag:$0x1] =	stream.linear.gather [hbm4b:s14+s7], $0xA000, $0x38;
	[tilespmem:$0xF480] =	vst v63  }
0x19: {  	[spmem:s5], [sflag:s2] =	dma.local [hbm:s17], $0x9F0  }
0x1a: {  	_ =	swait.ge [sflag:s4], $0x9F0  }
0x1b: {  	[sflag:s4] =	ssyncset.done $0x0  }
0x1c: {  	[sflag:s4] =	ssyncadd.s32 $0xFFFFF610  }
0x1d: {  	[bflag:$0x0] =	sbarrier.arrive $0xFFFF  }
0x1e: {  	_ =	swait.ge [sflag:s11], $0x500  }
0x1f: {  	[sflag:s11] =	ssyncset.done $0x0  }
0x20: {  	[sflag:s11] =	ssyncadd.s32 $0xFFFFFB00  }
0x21: {  	_ =	swait.ge [sflag:s11], $0xA000  }
0x22: {  	[sflag:s11] =	ssyncset.done $0x0  }
0x23: {  	[sflag:s11] =	ssyncadd.s32 $0xFFFF6000  }
0x24: {  	[spmem:s6] =	stream.indirect.scatter.add.f32 [tilespmem:s10], [sflag:$0x2], $0x20, s7, s9, $0xb8;
	[tilespmem:$0xF480] =	vst v63  }
0x25: {  	_ = 	snop  }
0x26: {  	[spmem:s6] =	stream.indirect.scatter.add.f32 [tilespmem:s12], [sflag:$0x2], $0x20, s9, s9, $0xb8;
	[tilespmem:$0xF480] =	vst v63  }
0x27: {  	_ = 	snop  }
0x28: {  	[spmem:s6] =	stream.indirect.scatter.add.f32 [tilespmem:s15], [sflag:$0x2], $0x20, s13, s9, $0xb8;
	[tilespmem:$0xF480] =	vst v63  }
0x29: {  	_ = 	snop  }
0x2a: {  	[spmem:s6] =	stream.indirect.scatter.add.f32 [tilespmem:s18], [sflag:$0x2], $0x20, s16, s9, $0xb8;
	[tilespmem:$0xF480] =	vst v63  }
0x2b: {  	_ = 	snop  }
0x2c: {  	[spmem:s6] =	stream.indirect.scatter.add.f32 [tilespmem:s20], [sflag:$0x2], $0x20, s19, s9, $0xb8;
	[tilespmem:$0xF480] =	vst v63  }
0x2d: {  	_ = 	snop  }
0x2e: {  	[spmem:s6] =	stream.indirect.scatter.add.f32 [tilespmem:s22], [sflag:$0x2], $0x20, s21, s9, $0xb8;
	[tilespmem:$0xF480] =	vst v63  }
0x2f: {  	_ = 	snop  }
0x30: {  	[spmem:s6] =	stream.indirect.scatter.add.f32 [tilespmem:s24], [sflag:$0x2], $0x20, s23, s9, $0xb8;
	[tilespmem:$0xF480] =	vst v63  }
0x31: {  	_ = 	snop  }
0x32: {  	[spmem:s6] =	stream.indirect.scatter.add.f32 [tilespmem:s26], [sflag:$0x2], $0x20, s25, s9, $0xb8;
	[tilespmem:$0xF480] =	vst v63  }
0x33: {  	_ = 	snop  }
0x34: {  	[spmem:s6] =	stream.indirect.scatter.add.f32 [tilespmem:s29], [sflag:$0x2], $0x20, s28, s9, $0xb8;
	[tilespmem:$0xF480] =	vst v63  }
0x35: {  	_ = 	snop  }
0x36: {  	[spmem:s6] =	stream.indirect.scatter.add.f32 [tilespmem:s31], [sflag:$0x2], $0x20, s30, s9, $0xb8;
	[tilespmem:$0xF480] =	vst v63  }
0x37: {  	_ =	swait.ge [sflag:s8], $0x1000  }
0x38: {  	[sflag:s8] =	ssyncset.done $0x0  }
0x39: {  	[sflag:s8] =	ssyncadd.s32 $0xFFFFF000  }
0x3a: {  	_ =	swait.ge [sflag:s8], $0x1000  }
0x3b: {  	[sflag:s8] =	ssyncset.done $0x0  }
0x3c: {  	[sflag:s8] =	ssyncadd.s32 $0xFFFFF000  }
0x3d: {  	_ =	swait.ge [sflag:s8], $0x1000  }
0x3e: {  	[sflag:s8] =	ssyncset.done $0x0  }
0x3f: {  	[sflag:s8] =	ssyncadd.s32 $0xFFFFF000  }
0x40: {  	_ =	swait.ge [sflag:s8], $0x1000  }
0x41: {  	[sflag:s8] =	ssyncset.done $0x0  }
0x42: {  	[sflag:s8] =	ssyncadd.s32 $0xFFFFF000  }
0x43: {  	_ =	swait.ge [sflag:s8], $0x1000  }
0x44: {  	[sflag:s8] =	ssyncset.done $0x0  }
0x45: {  	[sflag:s8] =	ssyncadd.s32 $0xFFFFF000  }
0x46: {  	_ =	swait.ge [sflag:s8], $0x1000  }
0x47: {  	[sflag:s8] =	ssyncset.done $0x0  }
0x48: {  	[sflag:s8] =	ssyncadd.s32 $0xFFFFF000  }
0x49: {  	_ =	swait.ge [sflag:s8], $0x1000  }
0x4a: {  	[sflag:s8] =	ssyncset.done $0x0  }
0x4b: {  	[sflag:s8] =	ssyncadd.s32 $0xFFFFF000  }
0x4c: {  	_ =	swait.ge [sflag:s8], $0x1000  }
0x4d: {  	[sflag:s8] =	ssyncset.done $0x0  }
0x4e: {  	[sflag:s8] =	ssyncadd.s32 $0xFFFFF000  }
0x4f: {  	_ =	swait.ge [sflag:s8], $0x1000  }
0x50: {  	[sflag:s8] =	ssyncset.done $0x0  }
0x51: {  	[sflag:s8] =	ssyncadd.s32 $0xFFFFF000  }
0x52: {  	_ =	swait.ge [sflag:s8], $0x1000  }
0x53: {  	p1 =	sne.s32 s1, $0x1;
	[sflag:s8] =	ssyncset.done $0x0  }
.Ltmp1:
0x54: {  	[sflag:s8] =	ssyncadd.s32 $0xFFFFF000;
	(pc) =	sbr.rel @!p1 .LBB2_3-.Ltmp1, $4  }
0x55: {  	[bflag:$0x0] =	sbarrier.arrive $0xFFFF  }
0x56: {  	[hbm:s3], [sflag:s2] =	dma.local [spmem:s5], $0x9F0  }
0x57: {  	s1 =	sadd.s32 $0xFFFFFFFF, s1;
	_ =	swait.ge [sflag:s4], $0x9F0  }
0x58: {  	p0 =	por $0x1, $0x1;
	s0 =	rddreg [dreg:$0x3];
	[sflag:s4] =	ssyncset.done $0x0  }
.LBB2_2:
0x59: {  	[sflag:s4] =	ssyncadd.s32 $0xFFFFF610  }
0x5a: {  	[tilespmem:s7], [sflag:$0x1] =	stream.linear.gather [hbm4b:s0+s7], $0x500, $0x38;
	[tilespmem:$0xF480] =	vst v63  }
0x5b: {  	_ = 	snop  }
0x5c: {  	[tilespmem:s10], [sflag:$0x1] =	stream.linear.gather [hbm4b:s14+s7], $0xA000, $0x38;
	[tilespmem:$0xF480] =	vst v63  }
0x5d: {  	[spmem:s5], [sflag:s2] =	dma.local [hbm:s17], $0x9F0  }
0x5e: {  	_ =	swait.ge [sflag:s4], $0x9F0  }
0x5f: {  	[sflag:s4] =	ssyncset.done $0x0  }
0x60: {  	[sflag:s4] =	ssyncadd.s32 $0xFFFFF610  }
0x61: {  	[bflag:$0x0] =	sbarrier.arrive $0xFFFF  }
0x62: {  	_ =	swait.ge [sflag:s11], $0x500  }
0x63: {  	[sflag:s11] =	ssyncset.done $0x0  }
0x64: {  	[sflag:s11] =	ssyncadd.s32 $0xFFFFFB00  }
0x65: {  	_ =	swait.ge [sflag:s11], $0xA000  }
0x66: {  	[sflag:s11] =	ssyncset.done $0x0  }
0x67: {  	[sflag:s11] =	ssyncadd.s32 $0xFFFF6000  }
0x68: {  	[spmem:s6] =	stream.indirect.scatter.add.f32 [tilespmem:s10], [sflag:$0x2], $0x20, s7, s9, $0xb8;
	[tilespmem:$0xF480] =	vst v63  }
0x69: {  	_ = 	snop  }
0x6a: {  	[spmem:s6] =	stream.indirect.scatter.add.f32 [tilespmem:s12], [sflag:$0x2], $0x20, s9, s9, $0xb8;
	[tilespmem:$0xF480] =	vst v63  }
0x6b: {  	_ = 	snop  }
0x6c: {  	[spmem:s6] =	stream.indirect.scatter.add.f32 [tilespmem:s15], [sflag:$0x2], $0x20, s13, s9, $0xb8;
	[tilespmem:$0xF480] =	vst v63  }
0x6d: {  	_ = 	snop  }
0x6e: {  	[spmem:s6] =	stream.indirect.scatter.add.f32 [tilespmem:s18], [sflag:$0x2], $0x20, s16, s9, $0xb8;
	[tilespmem:$0xF480] =	vst v63  }
0x6f: {  	_ = 	snop  }
0x70: {  	[spmem:s6] =	stream.indirect.scatter.add.f32 [tilespmem:s20], [sflag:$0x2], $0x20, s19, s9, $0xb8;
	[tilespmem:$0xF480] =	vst v63  }
0x71: {  	_ = 	snop  }
0x72: {  	[spmem:s6] =	stream.indirect.scatter.add.f32 [tilespmem:s22], [sflag:$0x2], $0x20, s21, s9, $0xb8;
	[tilespmem:$0xF480] =	vst v63  }
0x73: {  	_ = 	snop  }
0x74: {  	[spmem:s6] =	stream.indirect.scatter.add.f32 [tilespmem:s24], [sflag:$0x2], $0x20, s23, s9, $0xb8;
	[tilespmem:$0xF480] =	vst v63  }
0x75: {  	_ = 	snop  }
0x76: {  	[spmem:s6] =	stream.indirect.scatter.add.f32 [tilespmem:s26], [sflag:$0x2], $0x20, s25, s9, $0xb8;
	[tilespmem:$0xF480] =	vst v63  }
0x77: {  	_ = 	snop  }
0x78: {  	[spmem:s6] =	stream.indirect.scatter.add.f32 [tilespmem:s29], [sflag:$0x2], $0x20, s28, s9, $0xb8;
	[tilespmem:$0xF480] =	vst v63  }
0x79: {  	_ = 	snop  }
0x7a: {  	[spmem:s6] =	stream.indirect.scatter.add.f32 [tilespmem:s31], [sflag:$0x2], $0x20, s30, s9, $0xb8;
	[tilespmem:$0xF480] =	vst v63  }
0x7b: {  	_ =	swait.ge [sflag:s8], $0x1000  }
0x7c: {  	[sflag:s8] =	ssyncset.done $0x0  }
0x7d: {  	[sflag:s8] =	ssyncadd.s32 $0xFFFFF000  }
0x7e: {  	_ =	swait.ge [sflag:s8], $0x1000  }
0x7f: {  	[sflag:s8] =	ssyncset.done $0x0  }
0x80: {  	[sflag:s8] =	ssyncadd.s32 $0xFFFFF000  }
0x81: {  	_ =	swait.ge [sflag:s8], $0x1000  }
0x82: {  	[sflag:s8] =	ssyncset.done $0x0  }
0x83: {  	[sflag:s8] =	ssyncadd.s32 $0xFFFFF000  }
0x84: {  	_ =	swait.ge [sflag:s8], $0x1000  }
0x85: {  	[sflag:s8] =	ssyncset.done $0x0  }
0x86: {  	[sflag:s8] =	ssyncadd.s32 $0xFFFFF000  }
0x87: {  	_ =	swait.ge [sflag:s8], $0x1000  }
0x88: {  	[sflag:s8] =	ssyncset.done $0x0  }
0x89: {  	[sflag:s8] =	ssyncadd.s32 $0xFFFFF000  }
0x8a: {  	_ =	swait.ge [sflag:s8], $0x1000  }
0x8b: {  	[sflag:s8] =	ssyncset.done $0x0  }
0x8c: {  	[sflag:s8] =	ssyncadd.s32 $0xFFFFF000  }
0x8d: {  	_ =	swait.ge [sflag:s8], $0x1000  }
0x8e: {  	[sflag:s8] =	ssyncset.done $0x0  }
0x8f: {  	[sflag:s8] =	ssyncadd.s32 $0xFFFFF000  }
0x90: {  	_ =	swait.ge [sflag:s8], $0x1000  }
0x91: {  	[sflag:s8] =	ssyncset.done $0x0  }
0x92: {  	[sflag:s8] =	ssyncadd.s32 $0xFFFFF000  }
0x93: {  	_ =	swait.ge [sflag:s8], $0x1000  }
0x94: {  	[sflag:s8] =	ssyncset.done $0x0  }
0x95: {  	[sflag:s8] =	ssyncadd.s32 $0xFFFFF000  }
0x96: {  	_ =	swait.ge [sflag:s8], $0x1000  }
0x97: {  	p1 =	sne.s32 s1, $0x1;
	[sflag:s8] =	ssyncset.done $0x0  }
.Ltmp2:
0x98: {  	[sflag:s8] =	ssyncadd.s32 $0xFFFFF000;
	(pc) =	sbr.rel @p1 .LBB2_2-.Ltmp2, $4  }
0x99: {  	[bflag:$0x0] =	sbarrier.arrive $0xFFFF  }
0x9a: {  	[hbm:s3], [sflag:s2] =	dma.local [spmem:s5], $0x9F0  }
0x9b: {  	_ =	swait.ge [sflag:s4], $0x9F0  }
0x9c: {  	s1 =	sadd.s32 $0xFFFFFFFF, s1;
	s0 =	rddreg [dreg:$0x3];
	[sflag:s4] =	ssyncset.done $0x0  }
.LBB2_3:
0x9d: {  	[sflag:s4] =	ssyncadd.s32 @p0 $0xFFFFF610  }
0x9e: {  	[tilespmem:s7], [sflag:$0x1] =	stream.linear.gather [hbm4b:s0+s7], $0x500, $0x38;
	[tilespmem:$0xF480] =	vst v63  }
0x9f: {  	_ = 	snop  }
0xa0: {  	[tilespmem:s10], [sflag:$0x1] =	stream.linear.gather [hbm4b:s14+s7], $0xA000, $0x38;
	[tilespmem:$0xF480] =	vst v63  }
0xa1: {  	[spmem:s5], [sflag:s2] =	dma.local [hbm:s17], $0x9F0  }
0xa2: {  	_ =	swait.ge [sflag:s4], $0x9F0  }
0xa3: {  	[sflag:s4] =	ssyncset.done $0x0  }
0xa4: {  	[sflag:s4] =	ssyncadd.s32 $0xFFFFF610  }
0xa5: {  	[bflag:$0x0] =	sbarrier.arrive $0xFFFF  }
0xa6: {  	_ =	swait.ge [sflag:s11], $0x500  }
0xa7: {  	[sflag:s11] =	ssyncset.done $0x0  }
0xa8: {  	[sflag:s11] =	ssyncadd.s32 $0xFFFFFB00  }
0xa9: {  	_ =	swait.ge [sflag:s11], $0xA000  }
0xaa: {  	[sflag:s11] =	ssyncset.done $0x0  }
0xab: {  	[sflag:s11] =	ssyncadd.s32 $0xFFFF6000  }
0xac: {  	[spmem:s6] =	stream.indirect.scatter.add.f32 [tilespmem:s10], [sflag:$0x2], $0x20, s7, s9, $0xb8;
	[tilespmem:$0xF480] =	vst v63  }
0xad: {  	_ = 	snop  }
0xae: {  	[spmem:s6] =	stream.indirect.scatter.add.f32 [tilespmem:s12], [sflag:$0x2], $0x20, s9, s9, $0xb8;
	[tilespmem:$0xF480] =	vst v63  }
0xaf: {  	_ = 	snop  }
0xb0: {  	[spmem:s6] =	stream.indirect.scatter.add.f32 [tilespmem:s15], [sflag:$0x2], $0x20, s13, s9, $0xb8;
	[tilespmem:$0xF480] =	vst v63  }
0xb1: {  	_ = 	snop  }
0xb2: {  	[spmem:s6] =	stream.indirect.scatter.add.f32 [tilespmem:s18], [sflag:$0x2], $0x20, s16, s9, $0xb8;
	[tilespmem:$0xF480] =	vst v63  }
0xb3: {  	_ = 	snop  }
0xb4: {  	[spmem:s6] =	stream.indirect.scatter.add.f32 [tilespmem:s20], [sflag:$0x2], $0x20, s19, s9, $0xb8;
	[tilespmem:$0xF480] =	vst v63  }
0xb5: {  	_ = 	snop  }
0xb6: {  	[spmem:s6] =	stream.indirect.scatter.add.f32 [tilespmem:s22], [sflag:$0x2], $0x20, s21, s9, $0xb8;
	[tilespmem:$0xF480] =	vst v63  }
0xb7: {  	_ = 	snop  }
0xb8: {  	[spmem:s6] =	stream.indirect.scatter.add.f32 [tilespmem:s24], [sflag:$0x2], $0x20, s23, s9, $0xb8;
	[tilespmem:$0xF480] =	vst v63  }
0xb9: {  	_ = 	snop  }
0xba: {  	[spmem:s6] =	stream.indirect.scatter.add.f32 [tilespmem:s26], [sflag:$0x2], $0x20, s25, s9, $0xb8;
	[tilespmem:$0xF480] =	vst v63  }
0xbb: {  	_ = 	snop  }
0xbc: {  	[spmem:s6] =	stream.indirect.scatter.add.f32 [tilespmem:s29], [sflag:$0x2], $0x20, s28, s9, $0xb8;
	[tilespmem:$0xF480] =	vst v63  }
0xbd: {  	_ = 	snop  }
0xbe: {  	[spmem:s6] =	stream.indirect.scatter.add.f32 [tilespmem:s31], [sflag:$0x2], $0x20, s30, s9, $0xb8;
	[tilespmem:$0xF480] =	vst v63  }
0xbf: {  	_ =	swait.ge [sflag:s8], $0x1000  }
0xc0: {  	[sflag:s8] =	ssyncset.done $0x0  }
0xc1: {  	[sflag:s8] =	ssyncadd.s32 $0xFFFFF000  }
0xc2: {  	_ =	swait.ge [sflag:s8], $0x1000  }
0xc3: {  	[sflag:s8] =	ssyncset.done $0x0  }
0xc4: {  	[sflag:s8] =	ssyncadd.s32 $0xFFFFF000  }
0xc5: {  	_ =	swait.ge [sflag:s8], $0x1000  }
0xc6: {  	[sflag:s8] =	ssyncset.done $0x0  }
0xc7: {  	[sflag:s8] =	ssyncadd.s32 $0xFFFFF000  }
0xc8: {  	_ =	swait.ge [sflag:s8], $0x1000  }
0xc9: {  	[sflag:s8] =	ssyncset.done $0x0  }
0xca: {  	[sflag:s8] =	ssyncadd.s32 $0xFFFFF000  }
0xcb: {  	_ =	swait.ge [sflag:s8], $0x1000  }
0xcc: {  	[sflag:s8] =	ssyncset.done $0x0  }
0xcd: {  	[sflag:s8] =	ssyncadd.s32 $0xFFFFF000  }
0xce: {  	_ =	swait.ge [sflag:s8], $0x1000  }
0xcf: {  	[sflag:s8] =	ssyncset.done $0x0  }
0xd0: {  	[sflag:s8] =	ssyncadd.s32 $0xFFFFF000  }
0xd1: {  	_ =	swait.ge [sflag:s8], $0x1000  }
0xd2: {  	[sflag:s8] =	ssyncset.done $0x0  }
0xd3: {  	[sflag:s8] =	ssyncadd.s32 $0xFFFFF000  }
0xd4: {  	_ =	swait.ge [sflag:s8], $0x1000  }
0xd5: {  	[sflag:s8] =	ssyncset.done $0x0  }
0xd6: {  	[sflag:s8] =	ssyncadd.s32 $0xFFFFF000  }
0xd7: {  	_ =	swait.ge [sflag:s8], $0x1000  }
0xd8: {  	[sflag:s8] =	ssyncset.done $0x0  }
0xd9: {  	[sflag:s8] =	ssyncadd.s32 $0xFFFFF000  }
0xda: {  	_ =	swait.ge [sflag:s8], $0x1000  }
0xdb: {  	[sflag:s8] =	ssyncset.done $0x0  }
0xdc: {  	[sflag:s8] =	ssyncadd.s32 $0xFFFFF000  }
0xdd: {  	[bflag:$0x0] =	sbarrier.arrive $0xFFFF  }
0xde: {  	[hbm:s3], [sflag:s2] =	dma.local [spmem:s5], $0x9F0  }
0xdf: {  	_ =	swait.ge [sflag:s4], $0x9F0  }
0xe0: {  	[sflag:s4] =	ssyncset.done $0x0  }
0xe1: {  	[sflag:s4] =	ssyncadd.s32 $0xFFFFF610  }
0xe2: {  	_ =	sfence.sel $0x180000  }
0xe3: {  	[bflag:$0x0] =	sbarrier.arrive $0xFFFF  }
0xe4: {  	_ =	strace $0x9000005F  }
0xe5: {  	s31 =	stileid.u32;
	[bflag:$0x2] =	sbarrier.arrive $0xFFFF  }
0xe6: {  	p0 =	sne.s32 s31, $0x0;
	s0 =	rddreg [dreg:$0x2]  }
0xe7: {  	s0 =	sadd.s32 @!p0 $0x100000, s0  }
0xe8: {  	[sflag:s0] =	ssyncadd.tile.s32 @!p0 $0x1;
	_ =	shalt  }
.Lfunc_end2:
_tile_overlayer_lowered:
.L_overlay_start_2:
0xe9: {  	(tag) =	ssettag $0x2  }
0xea: {  	s0 =	rddreg [dreg:$0x0];
	s2 =	stileid.u32  }
0xeb: {  	s1 =	rddreg [dreg:$0x1];
	p0 =	sne.s32 s2, $0x0  }
0xec: {  	s3 =	rddreg [dreg:$0x2];
	[bflag:$0x3] =	sbarrier.arrive $0xFFFF;
	s2 =	simm.s32 @!p0 $0x1C03  }
0xed: {  	[timem:s3], [sflag:s2] =	dma.local @!p0 [hbm:s0], s1  }
0xee: {  	s0 =	simm.s32 @!p0 $0x3  }
0xef: {  	_ =	swait.ge @!p0 [sflag:s0], s1  }
0xf0: {  	s1 =	ssub.s32 @!p0 $0x0, s1;
	[sflag:s0] =	ssyncset.done @!p0 $0x0  }
0xf1: {  	[sflag:s0] =	ssyncadd.s32 @!p0 s1  }
0xf2: {  	[bflag:$0x3] =	sbarrier.arrive $0xFFFF  }
0xf3: {  	_ =	shalt  }

// kernel: kernel.49.cloned.1.call-start
scs
__scs_entry_jumppad:
0x0: {  	(pc) =	sbr.rel $0x88, $3  }
0x1: {  	(tag) =	ssettag $0x0;
	lr =	simm.s32 $0x1  }
0x2: {  	[smem:$0x3F80] =	sst lr;
	_ =	strace $0xD0000000  }
0x3: {  	_ = 	snop  }
0x4: {  	_ = 	snop  }
0x5: {  	_ = 	snop  }
0x6: {  	_ = 	snop  }
0x7: {  	_ = 	snop  }
__scs_overlays_trampoline_lowered:
0x8: {  	[smem:$0x3F8F] =	sst s0  }
0x9: {  	[smem:$0x3F90] =	sst s1  }
0xa: {  	[smem:$0x3F91] =	sst s2  }
0xb: {  	[smem:$0x3F92] =	sst s3  }
0xc: {  	[smem:$0x3F93] =	sst s4  }
0xd: {  	[smem:$0x3F94] =	sst s5  }
0xe: {  	[smem:$0x3F95] =	sst s6  }
0xf: {  	[smem:$0x3F96] =	sst s7  }
0x10: {  	[smem:$0x3F97] =	sst s8  }
0x11: {  	[smem:$0x3F98] =	sst s9;
	s0 =	simm.s32 @!p0 $0x0  }
0x12: {  	s1 =	sld [smem:$0x3F7E];
	s0 =	simm.s32 @p0 $0x1  }
0x13: {  	[smem:$0x3F99] =	sst s0;
	s0 =	simm.s32 @!p1 $0x0  }
0x14: {  	s2 =	sld [smem:$0x3F7D];
	s0 =	simm.s32 @p1 $0x1  }
0x15: {  	[smem:$0x3F9A] =	sst s0;
	s0 =	simm.s32 @!p2 $0x0  }
0x16: {  	s3 =	sld [smem:$0x3FDB];
	s0 =	simm.s32 @p2 $0x1  }
0x17: {  	s4 =	simm.s32 $0x1BF5;
	[smem:$0x3F9C] =	sst s0  }
0x18: {  	s0 =	sld [smem:$0x3F7F];
	_ =	swait.ge [sflag:s4], $0x0  }
0x19: {  	s7 =	sld [smem:$0x3F80]  }
0x1a: {  	s8 =	sadd.s32 $0xFFFFE003, lr  }
0x1b: {  	s9 =	sadd.s32 $0xFFFFFEF7, lr;
	s5 =	simm.s32 $0xFFFFFFFF;
	p2 =	slt.u32 s8, $0xFFFFF086  }
0x1c: {  	p1 =	slt.u32 s9, $0xF7A;
	s5 =	simm.s32 @!p2 $0x0  }
0x1d: {  	s5 =	simm.s32 @p1 $0x1;
	p0 =	seq.s32 s7, s2  }
0x1e: {  	s7 =	smul.u32 @!p0 $0xF7A, s2;
	p2 =	seq.s32 @!p0 s5, $0x0  }
0x1f: {  	s9 =	smul.u32 $0xF7A, s1;
	s8 =	simm.s32 @!p0 $0x1BF5;
	p2 =	por !p2, p0  }
0x20: {  	[sflag:s8] =	ssyncset.s32 @!p0 $0xFFFFF086;
	s6 =	sadd.s32 @!p0 s3, s7;
	s7 =	simm.s32 @!p0 $0x108  }
0x21: {  	s3 =	sadd.s32 s3, s9;
	s6 =	sadd.s32 @!p0 $0x88, s6;
	s7 =	simm.s32 @p2 $0x1082  }
0x22: {  	[simem:s7], [sflag:s8] =	dma.local @!p0 [hbm:s6], $0xF7A  }
0x23: {  	s9 =	sor.u32 $0xD0000000, s2;
	s6 =	simm.s32 $0x108;
	_ =	swait.ge @!p0 [sflag:s8], $0x0  }
0x24: {  	s3 =	sadd.s32 $0x88, s3;
	s6 =	simm.s32 @!p1 $0x1082;
	[sflag:s4] =	ssyncset.s32 $0xFFFFF086  }
0x25: {  	[simem:s6], [sflag:s4] =	dma.local [hbm:s3], $0xF7A  }
0x26: {  	[smem:$0x3F80] =	sst s1;
	(tag) =	ssettag s2;
	_ =	strace s9  }
0x27: {  	s1 =	sld [smem:$0x3F90]  }
0x28: {  	s2 =	sld [smem:$0x3F91]  }
0x29: {  	s4 =	sld [smem:$0x3F93]  }
0x2a: {  	p0 =	seq.s32 s5, $0x0;
	s5 =	sld [smem:$0x3F94]  }
0x2b: {  	s6 =	sld [smem:$0x3F95]  }
0x2c: {  	s7 =	sld [smem:$0x3F96]  }
0x2d: {  	s3 =	simm.s32 $0x108;
	s8 =	sld [smem:$0x3F97]  }
0x2e: {  	s3 =	simm.s32 @!p0 $0x1082;
	s9 =	sld [smem:$0x3F98]  }
0x2f: {  	lr =	sadd.s32 s0, s3;
	s0 =	sld [smem:$0x3F8F]  }
0x30: {  	s3 =	sld [smem:$0x3F92]  }
0x31: {  	[smem:$0x3F9B] =	sst s10  }
0x32: {  	s10 =	sld [smem:$0x3F99];
	_ =	sdelay $0x3  }
0x33: {  	p0 =	seq.s32 s10, $0x1;
	s10 =	sld [smem:$0x3F9B];
	_ =	sdelay $0x3  }
0x34: {  	[smem:$0x3F9B] =	sst s10  }
0x35: {  	s10 =	sld [smem:$0x3F9A];
	_ =	sdelay $0x3  }
0x36: {  	p1 =	seq.s32 s10, $0x1;
	s10 =	sld [smem:$0x3F9B];
	_ =	sdelay $0x3  }
0x37: {  	[smem:$0x3F9B] =	sst s10  }
0x38: {  	s10 =	sld [smem:$0x3F9C]  }
0x39: {  	_ = 	snop;
	(pc) =	sbr.ind lr, $3  }
0x3a: {  	_ = 	snop  }
0x3b: {  	_ = 	snop  }
0x3c: {  	p2 =	seq.s32 s10, $0x1;
	s10 =	sld [smem:$0x3F9B]  }
0x3d: {  	_ =	shalt  }
0x3e: {  	_ =	shalt  }
0x3f: {  	_ =	shalt  }
0x40: {  	_ =	shalt  }
0x41: {  	_ =	shalt  }
0x42: {  	_ =	shalt  }
0x43: {  	_ =	shalt  }
0x44: {  	_ =	shalt  }
0x45: {  	_ =	shalt  }
0x46: {  	_ =	shalt  }
0x47: {  	_ =	shalt  }
0x48: {  	_ =	shalt  }
0x49: {  	_ =	shalt  }
0x4a: {  	_ =	shalt  }
0x4b: {  	_ =	shalt  }
0x4c: {  	_ =	shalt  }
0x4d: {  	_ =	shalt  }
0x4e: {  	_ =	shalt  }
0x4f: {  	_ =	shalt  }
0x50: {  	_ =	shalt  }
0x51: {  	_ =	shalt  }
0x52: {  	_ =	shalt  }
0x53: {  	_ =	shalt  }
0x54: {  	_ =	shalt  }
0x55: {  	_ =	shalt  }
0x56: {  	_ =	shalt  }
0x57: {  	_ =	shalt  }
0x58: {  	_ =	shalt  }
0x59: {  	_ =	shalt  }
0x5a: {  	_ =	shalt  }
0x5b: {  	_ =	shalt  }
0x5c: {  	_ =	shalt  }
0x5d: {  	_ =	shalt  }
0x5e: {  	_ =	shalt  }
0x5f: {  	_ =	shalt  }
0x60: {  	_ =	shalt  }
0x61: {  	_ =	shalt  }
0x62: {  	_ =	shalt  }
0x63: {  	_ =	shalt  }
0x64: {  	_ =	shalt  }
0x65: {  	_ =	shalt  }
0x66: {  	_ =	shalt  }
0x67: {  	_ =	shalt  }
0x68: {  	_ =	shalt  }
0x69: {  	_ =	shalt  }
0x6a: {  	_ =	shalt  }
0x6b: {  	_ =	shalt  }
0x6c: {  	_ =	shalt  }
0x6d: {  	_ =	shalt  }
0x6e: {  	_ =	shalt  }
0x6f: {  	_ =	shalt  }
0x70: {  	_ =	shalt  }
0x71: {  	_ =	shalt  }
0x72: {  	_ =	shalt  }
0x73: {  	_ =	shalt  }
0x74: {  	_ =	shalt  }
0x75: {  	_ =	shalt  }
0x76: {  	_ =	shalt  }
0x77: {  	_ =	shalt  }
0x78: {  	_ =	shalt  }
0x79: {  	_ =	shalt  }
0x7a: {  	_ =	shalt  }
0x7b: {  	_ =	shalt  }
0x7c: {  	_ =	shalt  }
0x7d: {  	_ =	shalt  }
0x7e: {  	_ =	shalt  }
0x7f: {  	_ =	shalt  }
0x80: {  	_ =	shalt  }
0x81: {  	_ =	shalt  }
0x82: {  	_ =	shalt  }
0x83: {  	_ =	shalt  }
0x84: {  	_ =	shalt  }
0x85: {  	_ =	shalt  }
0x86: {  	_ =	shalt  }
0x87: {  	_ =	shalt  }
.Lfunc_end0:
.L_simem_size_0:
called_computation.9_lowered:
.L_overlay_start_0:
0x88: {  	s2 =	sld [smem:$0x3FD9]  }
0x89: {  	s3 =	sld [smem:$0x3FFE];
	_ =	sdelay $0x1  }
0x8a: {  	s1 =	srdreg.scid  }
0x8b: {  	s0 =	sand.u32 $0x1, s1  }
0x8c: {  	s16 =	sshll.u32 s0, $0xA;
	s2 =	sadd.s32 s3, s2  }
0x8d: {  	s2 =	sadd.s32 s2, s16  }
0x8e: {  	[smem:$0x3FA7] =	sst s2  }
0x8f: {  	_ = 	snop  }
0x90: {  	(tm) =	ssettm $0x1  }
0x91: {  	s17 =	sld [smem:$0x3FFB];
	_ =	sdelay $0x3  }
0x92: {  	_ =	strace s17  }
0x93: {  	s2 =	sld [smem:$0x3FFC];
	_ =	sdelay $0x3  }
0x94: {  	_ =	strace s2  }
0x95: {  	s2 =	sld [smem:$0x3FFD];
	_ =	sdelay $0x3  }
0x96: {  	_ =	strace s2  }
0x97: {  	_ =	strace $0x8FFFFFFF  }
0x98: {  	s18 =	sld [smem:$0x3FDB];
	_ =	sdelay $0x1  }
0x99: {  	s19 =	simm.s32 $_scs_section_size  }
0x9a: {  	s4 =	simm.s32 $_size__tile_overlayer_lowered;
	s5 =	simm.s32 $_tile_overlayer_lowered  }
0x9b: {  	s22 =	simm.s32 $0x1BFF;
	s21 =	sshll.u32 s5, $0x1;
	s2 =	sadd.s32 s19, s18  }
0x9c: {  	s6 =	simm.s32 $0x0;
	s20 =	sshll.u32 s4, $0x1;
	s4 =	sadd.s32 s21, s2  }
0x9d: {  	[timem:s6], [sflag:s22] =	dma.local [hbm:s4], s20  }
0x9e: {  	_ =	swait.ge [sflag:s22], s20  }
0x9f: {  	s3 =	ssub.s32 $0x0, s20;
	[sflag:s22] =	ssyncset.done $0x0  }
0xa0: {  	[sflag:s22] =	ssyncadd.s32 s3;
	_ =	sdelay $0x1  }
0xa1: {  	s23 =	simm.s32 $0x1B8B  }
0xa2: {  	_ =	swait.ge [sflag:s23], $0x1  }
0xa3: {  	[sflag:s23] =	ssyncset.done $0x0  }
0xa4: {  	s25 =	simm.s32 $0x1B8E;
	s24 =	sld [smem:$0x3FFE];
	[sflag:s23] =	ssyncadd.s32 $0xFFFFFFFF  }
0xa5: {  	s26 =	simm.s32 $execute0_lowered;
	[smem:$0x3FD2] =	sst s25  }
0xa6: {  	s4 =	sshll.u32 s26, $0x1;
	_ =	strace $0x80000061;
	[dreg:$0x1] =	wrdreg $0xFFFFFFFF  }
0xa7: {  	s28 =	simm.s32 $_size_execute0_lowered;
	s2 =	sadd.s32 s2, s4;
	[dreg:$0x0] =	wrdreg $0x0  }
0xa8: {  	s4 =	sshll.u32 s28, $0x1;
	[dreg:$0x2] =	wrdreg s2  }
0xa9: {  	[dreg:$0x3] =	wrdreg s4  }
0xaa: {  	[dreg:$0x4] =	wrdreg $0xC0  }
0xab: {  	_ =	task [dreg:s6], $0x5FFFF  }
0xac: {  	[dreg:$0x1] =	wrdreg $0xFFFFFFFF  }
0xad: {  	[dreg:$0x0] =	wrdreg $0x60  }
0xae: {  	[dreg:$0x2] =	wrdreg s24  }
0xaf: {  	[dreg:$0x3] =	wrdreg $0xA5000  }
0xb0: {  	[dreg:$0x4] =	wrdreg $0x9  }
0xb1: {  	_ =	task.clear_ibuf [dreg:s6], $0x5FFFF;
	_ =	strace $0x90000061  }
0xb2: {  	s29 =	simm.s32 $0x9;
	_ =	strace $0x80000063  }
0xb3: {  	_ =	swait.ge [sflag:s29], $0x1  }
0xb4: {  	[sflag:s29] =	ssyncadd.s32 $0xFFFFFFFF  }
0xb5: {  	_ =	strace $0x90000063  }
0xb6: {  	_ =	sfence  }
0xb7: {  	s30 =	sld [smem:$0x0];
	_ =	sdelay $0x2  }
0xb8: {  	s31 =	sshll.u32 s1, $0xD;
	s1 =	sshrl.u32 s1, $0x2  }
0xb9: {  	s3 =	sand.u32 $0x4000, s31;
	s1 =	sadd.s32 s1, s30  }
0xba: {  	s0 =	sor.u32 s3, s0;
	s1 =	sshll.u32 s1, $0x11  }
0xbb: {  	s0 =	sor.u32 s1, s0  }
0xbc: {  	s0 =	sadd.s32 $0x8F2B, s0  }
0xbd: {  	[sflag:s0] =	ssyncadd.remote.s32 $0x1  }
0xbe: {  	_ =	sfence.sel $0xFFFF  }
0xbf: {  	[dreg:$0x0] =	wrdreg $0xFFFFFFFF;
	(pc) =	sbr.abs _section_cstart, $3  }
0xc0: {  	[dreg:$0x1] =	wrdreg $0xFFFFFFFF  }
0xc1: {  	_ =	task.clear_ibuf [dreg:s6], $0x2FFFF;
	_ =	strace $0x9FFFFFFF  }
0xc2: {  	(tm) =	ssettm $0x7FFFFFFF  }
0xc3: {  	_ =	shalt  }
tec
execute0_lowered:
.L_overlay_start_1:
0x0: {  	(tag) =	ssettag $0x1  }
0x1: {  	s0 =	stileid.u32;
	s30 =	rddreg [dreg:$0x0]  }
0x2: {  	s1 =	srdreg.scid;
	s2 =	rddreg [dreg:$0x1];
	s3 =	simm.s32 $0x0  }
0x3: {  	s31 =	sand.u32 $0x1, s1;
	s25 =	sshll.u32 s0, $0x1;
	s5 =	smul.u32 $0x4F00, s0  }
0x4: {  	[smem:$0x7FF] =	sst s3;
	s1 =	sor.u32 s31, s25  }
0x5: {  	s26 =	sshll.u32 s0, $0x6;
	s4 =	smul.u32 $0xA0, s1;
	s6 =	sshrl.u32 s5, $0x3  }
0x6: {  	_ =	strace $0x80000062;
	s7 =	sadd.s32 s5, s2;
	s6 =	sadd.s32 s6, s30  }
0x7: {  	s8 =	sshrl.u32 s7, $0x3;
	s7 =	simm.s32 $0x2;
	s4 =	sadd.s32 s4, s30  }
0x8: {  	s5 =	sadd.s32 $0xB000, s6;
	s6 =	sor.u32 $0x1C02, s26;
	s4 =	sadd.s32 $0x60000, s4  }
0x9: {  	[tilespmem:s3], [sflag:$0x1] =	stream.linear.gather [hbm4b:s4+s3], $0x500, $0x38;
	[tilespmem:$0xF400] =	vst v63  }
0xa: {  	[spmem:s8], [sflag:s6] =	dma.local [hbm:s5], $0x9E0  }
0xb: {  	_ =	swait.ge [sflag:s7], $0x9E0  }
0xc: {  	[sflag:s7] =	ssyncset.done $0x0  }
0xd: {  	[sflag:s7] =	ssyncadd.s32 $0xFFFFF620  }
0xe: {  	s9 =	simm.s32 $0x1;
	[bflag:$0x0] =	sbarrier.arrive $0xFFFF  }
0xf: {  	_ =	swait.ge [sflag:s9], $0x500  }
0x10: {  	[sflag:s9] =	ssyncset.done $0x0  }
0x11: {  	s10 =	simm.s32 $0x80;
	s11 =	simm.s32 $0x500;
	[sflag:s9] =	ssyncadd.s32 $0xFFFFFB00  }
0x12: {  	[tilespmem:s11], [sflag:$0x1] =	stream.indirect.gather [spmem:s2], $0x20, s3, s10, $0xb8;
	[tilespmem:$0xF400] =	vst v63  }
0x13: {  	s12 =	simm.s32 $0x1500  }
0x14: {  	[tilespmem:s12], [sflag:$0x1] =	stream.indirect.gather [spmem:s2], $0x20, s10, s10, $0xb8;
	[tilespmem:$0xF400] =	vst v63  }
0x15: {  	s13 =	simm.s32 $0x100;
	s14 =	simm.s32 $0x2500  }
0x16: {  	[tilespmem:s14], [sflag:$0x1] =	stream.indirect.gather [spmem:s2], $0x20, s13, s10, $0xb8;
	[tilespmem:$0xF400] =	vst v63  }
0x17: {  	s15 =	simm.s32 $0x180;
	s16 =	simm.s32 $0x3500  }
0x18: {  	[tilespmem:s16], [sflag:$0x1] =	stream.indirect.gather [spmem:s2], $0x20, s15, s10, $0xb8;
	[tilespmem:$0xF400] =	vst v63  }
0x19: {  	s17 =	simm.s32 $0x200;
	s18 =	simm.s32 $0x4500  }
0x1a: {  	[tilespmem:s18], [sflag:$0x1] =	stream.indirect.gather [spmem:s2], $0x20, s17, s10, $0xb8;
	[tilespmem:$0xF400] =	vst v63  }
0x1b: {  	s19 =	simm.s32 $0x280;
	s20 =	simm.s32 $0x5500  }
0x1c: {  	[tilespmem:s20], [sflag:$0x1] =	stream.indirect.gather [spmem:s2], $0x20, s19, s10, $0xb8;
	[tilespmem:$0xF400] =	vst v63  }
0x1d: {  	s21 =	simm.s32 $0x300;
	s22 =	simm.s32 $0x6500  }
0x1e: {  	[tilespmem:s22], [sflag:$0x1] =	stream.indirect.gather [spmem:s2], $0x20, s21, s10, $0xb8;
	[tilespmem:$0xF400] =	vst v63  }
0x1f: {  	s23 =	simm.s32 $0x380;
	s24 =	simm.s32 $0x7500  }
0x20: {  	[tilespmem:s24], [sflag:$0x1] =	stream.indirect.gather [spmem:s2], $0x20, s23, s10, $0xb8;
	[tilespmem:$0xF400] =	vst v63  }
0x21: {  	s25 =	simm.s32 $0x400;
	s26 =	simm.s32 $0x8500  }
0x22: {  	[tilespmem:s26], [sflag:$0x1] =	stream.indirect.gather [spmem:s2], $0x20, s25, s10, $0xb8;
	[tilespmem:$0xF400] =	vst v63  }
0x23: {  	s28 =	simm.s32 $0x480;
	s29 =	simm.s32 $0x9500  }
0x24: {  	[tilespmem:s29], [sflag:$0x1] =	stream.indirect.gather [spmem:s2], $0x20, s28, s10, $0xb8;
	[tilespmem:$0xF400] =	vst v63  }
0x25: {  	_ =	swait.ge [sflag:s9], $0x1000  }
0x26: {  	[sflag:s9] =	ssyncset.done $0x0  }
0x27: {  	[sflag:s9] =	ssyncadd.s32 $0xFFFFF000  }
0x28: {  	_ =	swait.ge [sflag:s9], $0x1000  }
0x29: {  	[sflag:s9] =	ssyncset.done $0x0  }
0x2a: {  	[sflag:s9] =	ssyncadd.s32 $0xFFFFF000  }
0x2b: {  	_ =	swait.ge [sflag:s9], $0x1000  }
0x2c: {  	[sflag:s9] =	ssyncset.done $0x0  }
0x2d: {  	[sflag:s9] =	ssyncadd.s32 $0xFFFFF000  }
0x2e: {  	_ =	swait.ge [sflag:s9], $0x1000  }
0x2f: {  	[sflag:s9] =	ssyncset.done $0x0  }
0x30: {  	[sflag:s9] =	ssyncadd.s32 $0xFFFFF000  }
0x31: {  	_ =	swait.ge [sflag:s9], $0x1000  }
0x32: {  	[sflag:s9] =	ssyncset.done $0x0  }
0x33: {  	[sflag:s9] =	ssyncadd.s32 $0xFFFFF000  }
0x34: {  	_ =	swait.ge [sflag:s9], $0x1000  }
0x35: {  	[sflag:s9] =	ssyncset.done $0x0  }
0x36: {  	[sflag:s9] =	ssyncadd.s32 $0xFFFFF000  }
0x37: {  	_ =	swait.ge [sflag:s9], $0x1000  }
0x38: {  	[sflag:s9] =	ssyncset.done $0x0  }
0x39: {  	[sflag:s9] =	ssyncadd.s32 $0xFFFFF000  }
0x3a: {  	_ =	swait.ge [sflag:s9], $0x1000  }
0x3b: {  	[sflag:s9] =	ssyncset.done $0x0  }
0x3c: {  	s31 =	ssub.s32 $0x2, s31;
	[sflag:s9] =	ssyncadd.s32 $0xFFFFF000  }
0x3d: {  	s0 =	sshrl.u32 s31, $0x1;
	_ =	swait.ge [sflag:s9], $0x1000  }
0x3e: {  	s0 =	ssub.s32 s31, s0;
	[sflag:s9] =	ssyncset.done $0x0  }
0x3f: {  	s1 =	smul.u32 $0x1400, s1;
	s0 =	smax.u32 s0, $0x1;
	[sflag:s9] =	ssyncadd.s32 $0xFFFFF000  }
0x40: {  	p0 =	sne.s32 s0, $0x1;
	_ =	swait.ge [sflag:s9], $0x1000  }
.Ltmp0:
0x41: {  	s1 =	sadd.s32 s1, s30;
	[sflag:s9] =	ssyncset.done $0x0;
	(pc) =	sbr.rel @!p0 .LBB2_2-.Ltmp0, $4  }
0x42: {  	s30 =	sadd.s32 $0x14E00, s1;
	[sflag:s9] =	ssyncadd.s32 $0xFFFFF000  }
0x43: {  	[hbm4b:s30+s3] =	stream.linear.scatter [tilespmem:s11], [sflag:$0x2], $0xA000, $0x38;
	[tilespmem:$0xF400] =	vst v63  }
0x44: {  	_ =	swait.ge [sflag:s7], $0xA000  }
0x45: {  	s31 =	sadd.s32 $0xFFFFFFFF, s0;
	[sflag:s7] =	ssyncset.done $0x0  }
.LBB2_1:
0x46: {  	p0 =	sne.s32 s31, $0x1;
	s31 =	sadd.s32 $0xFFFFFFFF, s31;
	[sflag:s7] =	ssyncadd.s32 $0xFFFF6000  }
0x47: {  	[tilespmem:s3], [sflag:$0x1] =	stream.linear.gather [hbm4b:s4+s3], $0x500, $0x38;
	[tilespmem:$0xF400] =	vst v63  }
0x48: {  	[spmem:s8], [sflag:s6] =	dma.local [hbm:s5], $0x9E0  }
0x49: {  	_ =	swait.ge [sflag:s7], $0x9E0  }
0x4a: {  	[sflag:s7] =	ssyncset.done $0x0  }
0x4b: {  	[sflag:s7] =	ssyncadd.s32 $0xFFFFF620  }
0x4c: {  	[bflag:$0x0] =	sbarrier.arrive $0xFFFF  }
0x4d: {  	_ =	swait.ge [sflag:s9], $0x500  }
0x4e: {  	[sflag:s9] =	ssyncset.done $0x0  }
0x4f: {  	[sflag:s9] =	ssyncadd.s32 $0xFFFFFB00  }
0x50: {  	[tilespmem:s11], [sflag:$0x1] =	stream.indirect.gather [spmem:s2], $0x20, s3, s10, $0xb8;
	[tilespmem:$0xF400] =	vst v63  }
0x51: {  	_ = 	snop  }
0x52: {  	[tilespmem:s12], [sflag:$0x1] =	stream.indirect.gather [spmem:s2], $0x20, s10, s10, $0xb8;
	[tilespmem:$0xF400] =	vst v63  }
0x53: {  	_ = 	snop  }
0x54: {  	[tilespmem:s14], [sflag:$0x1] =	stream.indirect.gather [spmem:s2], $0x20, s13, s10, $0xb8;
	[tilespmem:$0xF400] =	vst v63  }
0x55: {  	_ = 	snop  }
0x56: {  	[tilespmem:s16], [sflag:$0x1] =	stream.indirect.gather [spmem:s2], $0x20, s15, s10, $0xb8;
	[tilespmem:$0xF400] =	vst v63  }
0x57: {  	_ = 	snop  }
0x58: {  	[tilespmem:s18], [sflag:$0x1] =	stream.indirect.gather [spmem:s2], $0x20, s17, s10, $0xb8;
	[tilespmem:$0xF400] =	vst v63  }
0x59: {  	_ = 	snop  }
0x5a: {  	[tilespmem:s20], [sflag:$0x1] =	stream.indirect.gather [spmem:s2], $0x20, s19, s10, $0xb8;
	[tilespmem:$0xF400] =	vst v63  }
0x5b: {  	_ = 	snop  }
0x5c: {  	[tilespmem:s22], [sflag:$0x1] =	stream.indirect.gather [spmem:s2], $0x20, s21, s10, $0xb8;
	[tilespmem:$0xF400] =	vst v63  }
0x5d: {  	_ = 	snop  }
0x5e: {  	[tilespmem:s24], [sflag:$0x1] =	stream.indirect.gather [spmem:s2], $0x20, s23, s10, $0xb8;
	[tilespmem:$0xF400] =	vst v63  }
0x5f: {  	_ = 	snop  }
0x60: {  	[tilespmem:s26], [sflag:$0x1] =	stream.indirect.gather [spmem:s2], $0x20, s25, s10, $0xb8;
	[tilespmem:$0xF400] =	vst v63  }
0x61: {  	_ = 	snop  }
0x62: {  	[tilespmem:s29], [sflag:$0x1] =	stream.indirect.gather [spmem:s2], $0x20, s28, s10, $0xb8;
	[tilespmem:$0xF400] =	vst v63  }
0x63: {  	_ =	swait.ge [sflag:s9], $0x1000  }
0x64: {  	[sflag:s9] =	ssyncset.done $0x0  }
0x65: {  	[sflag:s9] =	ssyncadd.s32 $0xFFFFF000  }
0x66: {  	_ =	swait.ge [sflag:s9], $0x1000  }
0x67: {  	[sflag:s9] =	ssyncset.done $0x0  }
0x68: {  	[sflag:s9] =	ssyncadd.s32 $0xFFFFF000  }
0x69: {  	_ =	swait.ge [sflag:s9], $0x1000  }
0x6a: {  	[sflag:s9] =	ssyncset.done $0x0  }
0x6b: {  	[sflag:s9] =	ssyncadd.s32 $0xFFFFF000  }
0x6c: {  	_ =	swait.ge [sflag:s9], $0x1000  }
0x6d: {  	[sflag:s9] =	ssyncset.done $0x0  }
0x6e: {  	[sflag:s9] =	ssyncadd.s32 $0xFFFFF000  }
0x6f: {  	_ =	swait.ge [sflag:s9], $0x1000  }
0x70: {  	[sflag:s9] =	ssyncset.done $0x0  }
0x71: {  	[sflag:s9] =	ssyncadd.s32 $0xFFFFF000  }
0x72: {  	_ =	swait.ge [sflag:s9], $0x1000  }
0x73: {  	[sflag:s9] =	ssyncset.done $0x0  }
0x74: {  	[sflag:s9] =	ssyncadd.s32 $0xFFFFF000  }
0x75: {  	_ =	swait.ge [sflag:s9], $0x1000  }
0x76: {  	[sflag:s9] =	ssyncset.done $0x0  }
0x77: {  	[sflag:s9] =	ssyncadd.s32 $0xFFFFF000  }
0x78: {  	_ =	swait.ge [sflag:s9], $0x1000  }
0x79: {  	[sflag:s9] =	ssyncset.done $0x0  }
0x7a: {  	[sflag:s9] =	ssyncadd.s32 $0xFFFFF000  }
0x7b: {  	_ =	swait.ge [sflag:s9], $0x1000  }
0x7c: {  	[sflag:s9] =	ssyncset.done $0x0  }
0x7d: {  	[sflag:s9] =	ssyncadd.s32 $0xFFFFF000  }
0x7e: {  	_ =	swait.ge [sflag:s9], $0x1000  }
.Ltmp1:
0x7f: {  	[sflag:s9] =	ssyncset.done $0x0;
	(pc) =	sbr.rel @p0 .LBB2_1-.Ltmp1, $4  }
0x80: {  	[sflag:s9] =	ssyncadd.s32 $0xFFFFF000  }
0x81: {  	[hbm4b:s30+s3] =	stream.linear.scatter [tilespmem:s11], [sflag:$0x2], $0xA000, $0x38;
	[tilespmem:$0xF400] =	vst v63  }
0x82: {  	_ =	swait.ge [sflag:s7], $0xA000  }
0x83: {  	[sflag:s7] =	ssyncset.done $0x0  }
.LBB2_2:
0x84: {  	[sflag:s7] =	ssyncadd.s32 $0xFFFF6000  }
0x85: {  	_ =	sfence.sel $0x180000  }
0x86: {  	[bflag:$0x0] =	sbarrier.arrive $0xFFFF  }
0x87: {  	_ =	strace $0x90000062  }
0x88: {  	s0 =	stileid.u32;
	[bflag:$0x2] =	sbarrier.arrive $0xFFFF  }
0x89: {  	p0 =	sne.s32 s0, $0x0;
	s0 =	rddreg [dreg:$0x2]  }
0x8a: {  	s0 =	sadd.s32 @!p0 $0x100000, s0  }
0x8b: {  	[sflag:s0] =	ssyncadd.tile.s32 @!p0 $0x1;
	_ =	shalt  }
.Lfunc_end2:
_tile_overlayer_lowered:
.L_overlay_start_2:
0x8c: {  	(tag) =	ssettag $0x2  }
0x8d: {  	s0 =	rddreg [dreg:$0x0];
	s2 =	stileid.u32  }
0x8e: {  	s1 =	rddreg [dreg:$0x1];
	p0 =	sne.s32 s2, $0x0  }
0x8f: {  	s3 =	rddreg [dreg:$0x2];
	[bflag:$0x3] =	sbarrier.arrive $0xFFFF;
	s2 =	simm.s32 @!p0 $0x1C02  }
0x90: {  	[timem:s3], [sflag:s2] =	dma.local @!p0 [hbm:s0], s1  }
0x91: {  	s0 =	simm.s32 @!p0 $0x2  }
0x92: {  	_ =	swait.ge @!p0 [sflag:s0], s1  }
0x93: {  	s1 =	ssub.s32 @!p0 $0x0, s1;
	[sflag:s0] =	ssyncset.done @!p0 $0x0  }
0x94: {  	[sflag:s0] =	ssyncadd.s32 @!p0 s1  }
0x95: {  	[bflag:$0x3] =	sbarrier.arrive $0xFFFF  }
0x96: {  	_ =	shalt  }

</sc_bundles>
